<compile_context>
chip_gen: v7x
topology: tpu7x:2x2x1
jax: 0.10.2.dev20260603
libtpu: 0.0.44.dev20260713+nightly
codegen_flags: <defaults>
</compile_context>

<pallas_src>
import jax
import jax.numpy as jnp
from jax import lax
from jax.experimental import pallas as pl
from jax.experimental.pallas import tpu as pltpu
from jax.experimental.pallas import tpu_sc as plsc

NNZ_T = 1638400
KDIM = 16
NROWS = 16384

NC = 2
NS = 16
NW = NC * NS
CHUNK = NNZ_T // NW
TILE = 1024
NTILES = CHUNK // TILE
SUB = 128
NSUB = TILE // SUB
RPS = NROWS // NS


def _sc_body(vals_hbm, fidx_hbm, rids_hbm, w_hbm, part_hbm,
             fidx_a, fidx_b, vals_a, vals_b, rids_a, rids_b,
             rows_a, rows_b, wbuf_a, acc, gsem_a, gsem_b):
    c = lax.axis_index("c")
    s = lax.axis_index("s")
    wid = c * NS + s
    base = wid * CHUNK

    zero16 = jnp.zeros((16,), jnp.float32)

    def zrow(i, _):
        wbuf_a[i, pl.ds(0, KDIM)] = zero16
        wbuf_a[i, pl.ds(KDIM, KDIM)] = zero16
        return 0
    lax.fori_loop(0, TILE, zrow, 0)
    pltpu.sync_copy(wbuf_a, acc.at[pl.ds(s * RPS, RPS)])
    plsc.subcore_barrier()

    def stage(t, fidx_v, vals_v, rids_v, rows_v, gsem):
        off = pl.multiple_of(base + t * TILE, TILE)
        pltpu.sync_copy(fidx_hbm.at[pl.ds(off, TILE)], fidx_v)
        for j in range(NSUB):
            pltpu.async_copy(
                w_hbm.at[fidx_v.at[pl.ds(j * SUB, SUB)]],
                rows_v.at[pl.ds(j * SUB, SUB)], gsem)
        pltpu.sync_copy(vals_hbm.at[pl.ds(off, TILE)], vals_v)
        pltpu.sync_copy(rids_hbm.at[pl.ds(off, TILE)], rids_v)

    def drain(rows_v, gsem):
        pltpu.make_async_copy(w_hbm.at[pl.ds(0, TILE)], rows_v, gsem).wait()

    def work(vals_v, rids_v, rows_v):
        wbuf_v = wbuf_a
        def comp(i):
            b = i * 16
            vv = vals_v[pl.ds(b, 16)]
            for l in range(16):
                wv = rows_v[b + l] * vv[l]
                wbuf_v[b + l, pl.ds(0, KDIM)] = wv
                wbuf_v[b + l, pl.ds(KDIM, KDIM)] = wv * wv
        plsc.parallel_loop(0, TILE // 16, 1, unroll=4)(comp)
        for j in range(NSUB):
            pltpu.sync_copy(wbuf_v.at[pl.ds(j * SUB, SUB)],
                            acc.at[rids_v.at[pl.ds(j * SUB, SUB)]], add=True)

    stage(0, fidx_a, vals_a, rids_a, rows_a, gsem_a)

    def loop_body(u, _):
        t0 = u * 2
        stage(t0 + 1, fidx_b, vals_b, rids_b, rows_b, gsem_b)
        drain(rows_a, gsem_a)
        work(vals_a, rids_a, rows_a)
        t2 = jnp.minimum(t0 + 2, NTILES - 1)
        stage(t2, fidx_a, vals_a, rids_a, rows_a, gsem_a)
        drain(rows_b, gsem_b)
        work(vals_b, rids_b, rows_b)
        return 0
    lax.fori_loop(0, NTILES // 2, loop_body, 0)
    drain(rows_a, gsem_a)

    plsc.subcore_barrier()
    pltpu.sync_copy(acc.at[pl.ds(s * RPS, RPS)],
                    part_hbm.at[c, pl.ds(s * RPS, RPS)])


def _combine_body(p_ref, o_ref):
    p = p_ref[...]
    seg = p[0, :, :KDIM] + p[1, :, :KDIM]
    sq = p[0, :, KDIM:] + p[1, :, KDIM:]
    o_ref[...] = (jnp.sum(seg * seg, axis=1) - jnp.sum(sq, axis=1))[:, None]


@jax.jit
def _impl(values, feat_idx, row_ids, weight):
    mesh = plsc.VectorSubcoreMesh(
        core_axis_name="c", subcore_axis_name="s",
        num_cores=NC, num_subcores=NS)
    sc_call = pl.kernel(
        _sc_body,
        out_type=jax.ShapeDtypeStruct((NC, NROWS, 2 * KDIM), jnp.float32),
        mesh=mesh,
        compiler_params=pltpu.CompilerParams(use_tc_tiling_on_sc=False),
        scratch_types=[
            pltpu.VMEM((TILE,), jnp.int32),
            pltpu.VMEM((TILE,), jnp.int32),
            pltpu.VMEM((TILE,), jnp.float32),
            pltpu.VMEM((TILE,), jnp.float32),
            pltpu.VMEM((TILE,), jnp.int32),
            pltpu.VMEM((TILE,), jnp.int32),
            pltpu.VMEM((TILE, KDIM), jnp.float32),
            pltpu.VMEM((TILE, KDIM), jnp.float32),
            pltpu.VMEM((TILE, 2 * KDIM), jnp.float32),
            pltpu.VMEM_SHARED((NROWS, 2 * KDIM), jnp.float32),
            pltpu.SemaphoreType.DMA,
            pltpu.SemaphoreType.DMA,
        ],
    )
    partials = sc_call(values, feat_idx, row_ids, weight)
    out = pl.pallas_call(
        _combine_body,
        out_shape=jax.ShapeDtypeStruct((NROWS, 1), jnp.float32),
    )(partials)
    return out


def kernel(values, feat_idx, row_ids, weight):
    return _impl(values, feat_idx, row_ids, weight)

# --- scband reference (transcript-rebuilt; emitter-appended) ---
"""Pipeline reference for scband-factorization-machine-24404004176267 (READ-ONLY COPY).

The authoritative reference and input builder live on the scoring server;
editing this copy changes nothing except your own understanding.
"""

import jax, jax.numpy as jnp
import numpy as np

NNZ = 1638400
VOCAB = 1000000
K = 16
BATCH = 16384


def setup_inputs(seed: int = 0) -> dict:
    key = jax.random.key(seed)
    k1, k2, k3, k4 = jax.random.split(key, 4)
    values = jax.random.normal(k1, (NNZ,), dtype=jnp.float32)
    feat_idx = jax.random.randint(k2, (NNZ,), 0, VOCAB, dtype=jnp.int32)
    row_ids = jnp.sort(jax.random.randint(k3, (NNZ,), 0, BATCH, dtype=jnp.int32))
    # learned FM latent-factor table (original default is zeros_initializer;
    # use small random values so the output is nontrivial)
    weight = jax.random.normal(k4, (VOCAB, K), dtype=jnp.float32) * 0.01
    return {"values": values, "feat_idx": feat_idx, "row_ids": row_ids, "weight": weight}


def reference(values, feat_idx, row_ids, weight):
    # tf.nn.embedding_lookup(weight, feat_idx)
    emb = jnp.take(weight, feat_idx, axis=0)
    # multiply by sparse values (use_binary_values=False)
    weighted = emb * values[:, None]
    # tf.segment_sum over batch rows (row_ids sorted, like tf.segment_sum)
    seg = jax.ops.segment_sum(weighted, row_ids, num_segments=BATCH)
    # sum_i (sum_j v_j x_j)_i^2
    all_cross = jnp.sum(seg * seg, axis=1)
    # subtract self-cross term: sum_i sum_j (v_j x_j)_i^2
    sq = jax.ops.segment_sum(weighted * weighted, row_ids, num_segments=BATCH)
    self_cross = jnp.sum(sq, axis=1)
    out = all_cross - self_cross
    # activation=None (linear); reshape to [-1, 1]
    return out.reshape(-1, 1)

if __name__ == "__main__":
    import jax
    _d = setup_inputs()
    print(jax.jit(kernel)(*tuple(_d.values())))

</pallas_src>

<mosaic_0001>
#map = affine_map<(d0, d1) -> (0)>
#map1 = affine_map<(d0, d1) -> (0, 0)>
#map2 = affine_map<(d0, d1) -> (0, 0, 0)>
module attributes {stable_mosaic.version = 14 : i64} {
  func.func @_sc_body(%arg0: i32, %arg1: i32, %arg2: memref<1638400xf32, #tpu.memory_space<hbm>>, %arg3: memref<1638400xi32, #tpu.memory_space<hbm>>, %arg4: memref<1638400xi32, #tpu.memory_space<hbm>>, %arg5: memref<1000000x16xf32, #tpu.memory_space<hbm>>, %arg6: memref<2x16384x32xf32, #tpu.memory_space<hbm>>, %arg7: memref<1024xi32, #tpu.memory_space<vmem>>, %arg8: memref<1024xi32, #tpu.memory_space<vmem>>, %arg9: memref<1024xf32, #tpu.memory_space<vmem>>, %arg10: memref<1024xf32, #tpu.memory_space<vmem>>, %arg11: memref<1024xi32, #tpu.memory_space<vmem>>, %arg12: memref<1024xi32, #tpu.memory_space<vmem>>, %arg13: memref<1024x16xf32, #tpu.memory_space<vmem>>, %arg14: memref<1024x16xf32, #tpu.memory_space<vmem>>, %arg15: memref<1024x32xf32, #tpu.memory_space<vmem>>, %arg16: memref<16384x32xf32, #tpu.memory_space<vmem_shared>>, %arg17: memref<!tpu.dma_semaphore, #tpu.memory_space<semaphore_mem>>, %arg18: memref<!tpu.dma_semaphore, #tpu.memory_space<semaphore_mem>>) attributes {dimension_semantics = [#tpu.dimension_semantics<core_parallel>, #tpu.dimension_semantics<subcore_parallel>], iteration_bounds = array<i64: 2, 16>, scalar_prefetch = 0 : i64, scratch_operands = 12 : i64, tpu.core_type = #tpu.core_type<sc_vector_subcore>, window_params = [{transform_indices = #map}, {transform_indices = #map}, {transform_indices = #map}, {transform_indices = #map1}, {transform_indices = #map2}]} {
    %mul3A = arith.constant 16 : i32
    %mul3A_0 = arith.muli %arg0, %mul3A : i32
    %add3A = arith.addi %mul3A_0, %arg1 : i32
    %mul3A_1 = arith.constant 51200 : i32
    %mul3A_2 = arith.muli %add3A, %mul3A_1 : i32
    %broadcast_in_dim3A = arith.constant 0.000000e+00 : f32
    %broadcast_in_dim3A_3 = vector.broadcast %broadcast_in_dim3A : f32 to vector<16xf32>
    %scan3A = arith.constant 0 : i32
    %scan3A_4 = arith.constant 0 : i32
    %scan3A_5 = arith.constant 1024 : i32
    %scan3A_6 = arith.addi %scan3A_4, %scan3A_5 : i32
    %scan3A_7 = arith.constant 1 : i32
    %scan3A_8 = scf.for %scan3A_94 = %scan3A_4 to %scan3A_6 step %scan3A_7 iter_args(%scan3A_95 = %scan3A) -> (i32)  : i32 {
      %swap3A = arith.index_cast %scan3A_94 : i32 to index
      %swap3A_96 = arith.constant 0 : index
      %swap3A_97 = tpu.vector_load %arg15[%swap3A, %swap3A_96] {strides = array<i32>} : memref<1024x32xf32, #tpu.memory_space<vmem>>, vector<1x16xf32>,
      %swap3A_98 = vector.shape_cast %swap3A_97 : vector<1x16xf32> to vector<16xf32>
      %swap3A_99 = vector.shape_cast %broadcast_in_dim3A_3 : vector<16xf32> to vector<1x16xf32>
      tpu.vector_store %arg15[%swap3A, %swap3A_96], %swap3A_99 {strides = array<i32>} : memref<1024x32xf32, #tpu.memory_space<vmem>>, vector<1x16xf32>,
      %swap3A_100 = arith.index_cast %scan3A_94 : i32 to index
      %swap3A_101 = arith.constant 16 : index
      %swap3A_102 = tpu.vector_load %arg15[%swap3A_100, %swap3A_101] {strides = array<i32>} : memref<1024x32xf32, #tpu.memory_space<vmem>>, vector<1x16xf32>,
      %swap3A_103 = vector.shape_cast %swap3A_102 : vector<1x16xf32> to vector<16xf32>
      %swap3A_104 = vector.shape_cast %broadcast_in_dim3A_3 : vector<16xf32> to vector<1x16xf32>
      tpu.vector_store %arg15[%swap3A_100, %swap3A_101], %swap3A_104 {strides = array<i32>} : memref<1024x32xf32, #tpu.memory_space<vmem>>, vector<1x16xf32>,
      %scan3A_105 = arith.constant 0 : i32
      scf.yield %scan3A_105 : i32
    }
    %scan3A_9 = arith.constant 1024 : i32
    %mul3A_10 = arith.constant 1024 : i32
    %mul3A_11 = arith.muli %arg1, %mul3A_10 : i32
    "tpu.region"() ({
      %run_scoped3A = tpu.sem_alloc : memref<!tpu.dma_semaphore, #tpu.memory_space<semaphore_mem>>
      %dma_start3A_94 = arith.constant 0 : i32
      %dma_start3A_95 = tpu.memref_slice %arg16[%mul3A_11, %dma_start3A_94] : memref<16384x32xf32, #tpu.memory_space<vmem_shared>> -> memref<1024x32xf32, #tpu.memory_space<vmem_shared>>
      %dma_start3A_96 = arith.constant 0 : i32
      %dma_start3A_97 = tpu.memref_slice %arg16[%mul3A_11, %dma_start3A_96] : memref<16384x32xf32, #tpu.memory_space<vmem_shared>> -> memref<1024x32xf32, #tpu.memory_space<vmem_shared>>
      tpu.enqueue_dma source(%arg15 : memref<1024x32xf32, #tpu.memory_space<vmem>>) target(%dma_start3A_97 : memref<1024x32xf32, #tpu.memory_space<vmem_shared>>) target_semaphore(%run_scoped3A : memref<!tpu.dma_semaphore, #tpu.memory_space<semaphore_mem>>)
      %dma_wait3A_98 = arith.constant 0 : i32
      %dma_wait3A_99 = tpu.memref_slice %arg16[%mul3A_11, %dma_wait3A_98] : memref<16384x32xf32, #tpu.memory_space<vmem_shared>> -> memref<1024x32xf32, #tpu.memory_space<vmem_shared>>
      %dma_wait3A_100 = arith.constant 0 : i32
      %dma_wait3A_101 = tpu.memref_slice %arg16[%mul3A_11, %dma_wait3A_100] : memref<16384x32xf32, #tpu.memory_space<vmem_shared>> -> memref<1024x32xf32, #tpu.memory_space<vmem_shared>>
      tpu.wait_dma2 semaphore(%run_scoped3A : memref<!tpu.dma_semaphore, #tpu.memory_space<semaphore_mem>>) src(%arg15 : memref<1024x32xf32, #tpu.memory_space<vmem>>) dst(%dma_wait3A_101 : memref<1024x32xf32, #tpu.memory_space<vmem_shared>>)
      tpu.yield
    }) : () -> ()
    %barrier3A = arith.constant 0 : index
    tpu.barrier barrier_id(%barrier3A)
    %add3A_12 = arith.constant 0 : i32
    %add3A_13 = arith.addi %mul3A_2, %add3A_12 : i32
    %multiple_of3A = tpu.assume_multiple %add3A_13, 1024 : i32
    "tpu.region"() ({
      %run_scoped3A = tpu.sem_alloc : memref<!tpu.dma_semaphore, #tpu.memory_space<semaphore_mem>>
      %dma_start3A_94 = tpu.memref_slice %arg3[%multiple_of3A] : memref<1638400xi32, #tpu.memory_space<hbm>> -> memref<1024xi32, #tpu.memory_space<hbm>>
      %dma_start3A_95 = tpu.memref_slice %arg3[%multiple_of3A] : memref<1638400xi32, #tpu.memory_space<hbm>> -> memref<1024xi32, #tpu.memory_space<hbm>>
      tpu.enqueue_dma source(%dma_start3A_95 : memref<1024xi32, #tpu.memory_space<hbm>>) target(%arg7 : memref<1024xi32, #tpu.memory_space<vmem>>) target_semaphore(%run_scoped3A : memref<!tpu.dma_semaphore, #tpu.memory_space<semaphore_mem>>)
      %dma_wait3A_96 = tpu.memref_slice %arg3[%multiple_of3A] : memref<1638400xi32, #tpu.memory_space<hbm>> -> memref<1024xi32, #tpu.memory_space<hbm>>
      %dma_wait3A_97 = tpu.memref_slice %arg3[%multiple_of3A] : memref<1638400xi32, #tpu.memory_space<hbm>> -> memref<1024xi32, #tpu.memory_space<hbm>>
      tpu.wait_dma2 semaphore(%run_scoped3A : memref<!tpu.dma_semaphore, #tpu.memory_space<semaphore_mem>>) src(%dma_wait3A_97 : memref<1024xi32, #tpu.memory_space<hbm>>) dst(%arg7 : memref<1024xi32, #tpu.memory_space<vmem>>)
      tpu.yield
    }) : () -> ()
    %dma_start3A = arith.constant 0 : i32
    %dma_start3A_14 = arith.constant 0 : i32
    %dma_start3A_15 = tpu.memref_slice %arg13[%dma_start3A, %dma_start3A_14] : memref<1024x16xf32, #tpu.memory_space<vmem>> -> memref<128x16xf32, #tpu.memory_space<vmem>>
    %dma_start3A_16 = arith.constant 0 : i32
    %dma_start3A_17 = tpu.memref_slice %arg7[%dma_start3A_16] : memref<1024xi32, #tpu.memory_space<vmem>> -> memref<128xi32, #tpu.memory_space<vmem>>
    %dma_start3A_18 = arith.constant 0 : i32
    %dma_start3A_19 = arith.constant 0 : i32
    %dma_start3A_20 = tpu.memref_slice %arg5[%dma_start3A_18, %dma_start3A_19] : memref<1000000x16xf32, #tpu.memory_space<hbm>> -> memref<1000000x16xf32, #tpu.memory_space<hbm>>
    tpu.enqueue_indirect_dma source(%dma_start3A_20 : memref<1000000x16xf32, #tpu.memory_space<hbm>>) target(%dma_start3A_15 : memref<128x16xf32, #tpu.memory_space<vmem>>) offsets(%dma_start3A_17 : memref<128xi32, #tpu.memory_space<vmem>>) semaphore(%arg17 : memref<!tpu.dma_semaphore, #tpu.memory_space<semaphore_mem>>)
    %dma_start3A_21 = arith.constant 128 : i32
    %dma_start3A_22 = arith.constant 0 : i32
    %dma_start3A_23 = tpu.memref_slice %arg13[%dma_start3A_21, %dma_start3A_22] : memref<1024x16xf32, #tpu.memory_space<vmem>> -> memref<128x16xf32, #tpu.memory_space<vmem>>
    %dma_start3A_24 = arith.constant 128 : i32
    %dma_start3A_25 = tpu.memref_slice %arg7[%dma_start3A_24] : memref<1024xi32, #tpu.memory_space<vmem>> -> memref<128xi32, #tpu.memory_space<vmem>>
    %dma_start3A_26 = arith.constant 0 : i32
    %dma_start3A_27 = arith.constant 0 : i32
    %dma_start3A_28 = tpu.memref_slice %arg5[%dma_start3A_26, %dma_start3A_27] : memref<1000000x16xf32, #tpu.memory_space<hbm>> -> memref<1000000x16xf32, #tpu.memory_space<hbm>>
    tpu.enqueue_indirect_dma source(%dma_start3A_28 : memref<1000000x16xf32, #tpu.memory_space<hbm>>) target(%dma_start3A_23 : memref<128x16xf32, #tpu.memory_space<vmem>>) offsets(%dma_start3A_25 : memref<128xi32, #tpu.memory_space<vmem>>) semaphore(%arg17 : memref<!tpu.dma_semaphore, #tpu.memory_space<semaphore_mem>>)
    %dma_start3A_29 = arith.constant 256 : i32
    %dma_start3A_30 = arith.constant 0 : i32
    %dma_start3A_31 = tpu.memref_slice %arg13[%dma_start3A_29, %dma_start3A_30] : memref<1024x16xf32, #tpu.memory_space<vmem>> -> memref<128x16xf32, #tpu.memory_space<vmem>>
    %dma_start3A_32 = arith.constant 256 : i32
    %dma_start3A_33 = tpu.memref_slice %arg7[%dma_start3A_32] : memref<1024xi32, #tpu.memory_space<vmem>> -> memref<128xi32, #tpu.memory_space<vmem>>
    %dma_start3A_34 = arith.constant 0 : i32
    %dma_start3A_35 = arith.constant 0 : i32
    %dma_start3A_36 = tpu.memref_slice %arg5[%dma_start3A_34, %dma_start3A_35] : memref<1000000x16xf32, #tpu.memory_space<hbm>> -> memref<1000000x16xf32, #tpu.memory_space<hbm>>
    tpu.enqueue_indirect_dma source(%dma_start3A_36 : memref<1000000x16xf32, #tpu.memory_space<hbm>>) target(%dma_start3A_31 : memref<128x16xf32, #tpu.memory_space<vmem>>) offsets(%dma_start3A_33 : memref<128xi32, #tpu.memory_space<vmem>>) semaphore(%arg17 : memref<!tpu.dma_semaphore, #tpu.memory_space<semaphore_mem>>)
    %dma_start3A_37 = arith.constant 384 : i32
    %dma_start3A_38 = arith.constant 0 : i32
    %dma_start3A_39 = tpu.memref_slice %arg13[%dma_start3A_37, %dma_start3A_38] : memref<1024x16xf32, #tpu.memory_space<vmem>> -> memref<128x16xf32, #tpu.memory_space<vmem>>
    %dma_start3A_40 = arith.constant 384 : i32
    %dma_start3A_41 = tpu.memref_slice %arg7[%dma_start3A_40] : memref<1024xi32, #tpu.memory_space<vmem>> -> memref<128xi32, #tpu.memory_space<vmem>>
    %dma_start3A_42 = arith.constant 0 : i32
    %dma_start3A_43 = arith.constant 0 : i32
    %dma_start3A_44 = tpu.memref_slice %arg5[%dma_start3A_42, %dma_start3A_43] : memref<1000000x16xf32, #tpu.memory_space<hbm>> -> memref<1000000x16xf32, #tpu.memory_space<hbm>>
    tpu.enqueue_indirect_dma source(%dma_start3A_44 : memref<1000000x16xf32, #tpu.memory_space<hbm>>) target(%dma_start3A_39 : memref<128x16xf32, #tpu.memory_space<vmem>>) offsets(%dma_start3A_41 : memref<128xi32, #tpu.memory_space<vmem>>) semaphore(%arg17 : memref<!tpu.dma_semaphore, #tpu.memory_space<semaphore_mem>>)
    %dma_start3A_45 = arith.constant 512 : i32
    %dma_start3A_46 = arith.constant 0 : i32
    %dma_start3A_47 = tpu.memref_slice %arg13[%dma_start3A_45, %dma_start3A_46] : memref<1024x16xf32, #tpu.memory_space<vmem>> -> memref<128x16xf32, #tpu.memory_space<vmem>>
    %dma_start3A_48 = arith.constant 512 : i32
    %dma_start3A_49 = tpu.memref_slice %arg7[%dma_start3A_48] : memref<1024xi32, #tpu.memory_space<vmem>> -> memref<128xi32, #tpu.memory_space<vmem>>
    %dma_start3A_50 = arith.constant 0 : i32
    %dma_start3A_51 = arith.constant 0 : i32
    %dma_start3A_52 = tpu.memref_slice %arg5[%dma_start3A_50, %dma_start3A_51] : memref<1000000x16xf32, #tpu.memory_space<hbm>> -> memref<1000000x16xf32, #tpu.memory_space<hbm>>
    tpu.enqueue_indirect_dma source(%dma_start3A_52 : memref<1000000x16xf32, #tpu.memory_space<hbm>>) target(%dma_start3A_47 : memref<128x16xf32, #tpu.memory_space<vmem>>) offsets(%dma_start3A_49 : memref<128xi32, #tpu.memory_space<vmem>>) semaphore(%arg17 : memref<!tpu.dma_semaphore, #tpu.memory_space<semaphore_mem>>)
    %dma_start3A_53 = arith.constant 640 : i32
    %dma_start3A_54 = arith.constant 0 : i32
    %dma_start3A_55 = tpu.memref_slice %arg13[%dma_start3A_53, %dma_start3A_54] : memref<1024x16xf32, #tpu.memory_space<vmem>> -> memref<128x16xf32, #tpu.memory_space<vmem>>
    %dma_start3A_56 = arith.constant 640 : i32
    %dma_start3A_57 = tpu.memref_slice %arg7[%dma_start3A_56] : memref<1024xi32, #tpu.memory_space<vmem>> -> memref<128xi32, #tpu.memory_space<vmem>>
    %dma_start3A_58 = arith.constant 0 : i32
    %dma_start3A_59 = arith.constant 0 : i32
    %dma_start3A_60 = tpu.memref_slice %arg5[%dma_start3A_58, %dma_start3A_59] : memref<1000000x16xf32, #tpu.memory_space<hbm>> -> memref<1000000x16xf32, #tpu.memory_space<hbm>>
    tpu.enqueue_indirect_dma source(%dma_start3A_60 : memref<1000000x16xf32, #tpu.memory_space<hbm>>) target(%dma_start3A_55 : memref<128x16xf32, #tpu.memory_space<vmem>>) offsets(%dma_start3A_57 : memref<128xi32, #tpu.memory_space<vmem>>) semaphore(%arg17 : memref<!tpu.dma_semaphore, #tpu.memory_space<semaphore_mem>>)
    %dma_start3A_61 = arith.constant 768 : i32
    %dma_start3A_62 = arith.constant 0 : i32
    %dma_start3A_63 = tpu.memref_slice %arg13[%dma_start3A_61, %dma_start3A_62] : memref<1024x16xf32, #tpu.memory_space<vmem>> -> memref<128x16xf32, #tpu.memory_space<vmem>>
    %dma_start3A_64 = arith.constant 768 : i32
    %dma_start3A_65 = tpu.memref_slice %arg7[%dma_start3A_64] : memref<1024xi32, #tpu.memory_space<vmem>> -> memref<128xi32, #tpu.memory_space<vmem>>
    %dma_start3A_66 = arith.constant 0 : i32
    %dma_start3A_67 = arith.constant 0 : i32
    %dma_start3A_68 = tpu.memref_slice %arg5[%dma_start3A_66, %dma_start3A_67] : memref<1000000x16xf32, #tpu.memory_space<hbm>> -> memref<1000000x16xf32, #tpu.memory_space<hbm>>
    tpu.enqueue_indirect_dma source(%dma_start3A_68 : memref<1000000x16xf32, #tpu.memory_space<hbm>>) target(%dma_start3A_63 : memref<128x16xf32, #tpu.memory_space<vmem>>) offsets(%dma_start3A_65 : memref<128xi32, #tpu.memory_space<vmem>>) semaphore(%arg17 : memref<!tpu.dma_semaphore, #tpu.memory_space<semaphore_mem>>)
    %dma_start3A_69 = arith.constant 896 : i32
    %dma_start3A_70 = arith.constant 0 : i32
    %dma_start3A_71 = tpu.memref_slice %arg13[%dma_start3A_69, %dma_start3A_70] : memref<1024x16xf32, #tpu.memory_space<vmem>> -> memref<128x16xf32, #tpu.memory_space<vmem>>
    %dma_start3A_72 = arith.constant 896 : i32
    %dma_start3A_73 = tpu.memref_slice %arg7[%dma_start3A_72] : memref<1024xi32, #tpu.memory_space<vmem>> -> memref<128xi32, #tpu.memory_space<vmem>>
    %dma_start3A_74 = arith.constant 0 : i32
    %dma_start3A_75 = arith.constant 0 : i32
    %dma_start3A_76 = tpu.memref_slice %arg5[%dma_start3A_74, %dma_start3A_75] : memref<1000000x16xf32, #tpu.memory_space<hbm>> -> memref<1000000x16xf32, #tpu.memory_space<hbm>>
    tpu.enqueue_indirect_dma source(%dma_start3A_76 : memref<1000000x16xf32, #tpu.memory_space<hbm>>) target(%dma_start3A_71 : memref<128x16xf32, #tpu.memory_space<vmem>>) offsets(%dma_start3A_73 : memref<128xi32, #tpu.memory_space<vmem>>) semaphore(%arg17 : memref<!tpu.dma_semaphore, #tpu.memory_space<semaphore_mem>>)
    "tpu.region"() ({
      %run_scoped3A = tpu.sem_alloc : memref<!tpu.dma_semaphore, #tpu.memory_space<semaphore_mem>>
      %dma_start3A_94 = tpu.memref_slice %arg2[%multiple_of3A] : memref<1638400xf32, #tpu.memory_space<hbm>> -> memref<1024xf32, #tpu.memory_space<hbm>>
      %dma_start3A_95 = tpu.memref_slice %arg2[%multiple_of3A] : memref<1638400xf32, #tpu.memory_space<hbm>> -> memref<1024xf32, #tpu.memory_space<hbm>>
      tpu.enqueue_dma source(%dma_start3A_95 : memref<1024xf32, #tpu.memory_space<hbm>>) target(%arg9 : memref<1024xf32, #tpu.memory_space<vmem>>) target_semaphore(%run_scoped3A : memref<!tpu.dma_semaphore, #tpu.memory_space<semaphore_mem>>)
      %dma_wait3A_96 = tpu.memref_slice %arg2[%multiple_of3A] : memref<1638400xf32, #tpu.memory_space<hbm>> -> memref<1024xf32, #tpu.memory_space<hbm>>
      %dma_wait3A_97 = tpu.memref_slice %arg2[%multiple_of3A] : memref<1638400xf32, #tpu.memory_space<hbm>> -> memref<1024xf32, #tpu.memory_space<hbm>>
      tpu.wait_dma2 semaphore(%run_scoped3A : memref<!tpu.dma_semaphore, #tpu.memory_space<semaphore_mem>>) src(%dma_wait3A_97 : memref<1024xf32, #tpu.memory_space<hbm>>) dst(%arg9 : memref<1024xf32, #tpu.memory_space<vmem>>)
      tpu.yield
    }) : () -> ()
    "tpu.region"() ({
      %run_scoped3A = tpu.sem_alloc : memref<!tpu.dma_semaphore, #tpu.memory_space<semaphore_mem>>
      %dma_start3A_94 = tpu.memref_slice %arg4[%multiple_of3A] : memref<1638400xi32, #tpu.memory_space<hbm>> -> memref<1024xi32, #tpu.memory_space<hbm>>
      %dma_start3A_95 = tpu.memref_slice %arg4[%multiple_of3A] : memref<1638400xi32, #tpu.memory_space<hbm>> -> memref<1024xi32, #tpu.memory_space<hbm>>
      tpu.enqueue_dma source(%dma_start3A_95 : memref<1024xi32, #tpu.memory_space<hbm>>) target(%arg11 : memref<1024xi32, #tpu.memory_space<vmem>>) target_semaphore(%run_scoped3A : memref<!tpu.dma_semaphore, #tpu.memory_space<semaphore_mem>>)
      %dma_wait3A_96 = tpu.memref_slice %arg4[%multiple_of3A] : memref<1638400xi32, #tpu.memory_space<hbm>> -> memref<1024xi32, #tpu.memory_space<hbm>>
      %dma_wait3A_97 = tpu.memref_slice %arg4[%multiple_of3A] : memref<1638400xi32, #tpu.memory_space<hbm>> -> memref<1024xi32, #tpu.memory_space<hbm>>
      tpu.wait_dma2 semaphore(%run_scoped3A : memref<!tpu.dma_semaphore, #tpu.memory_space<semaphore_mem>>) src(%dma_wait3A_97 : memref<1024xi32, #tpu.memory_space<hbm>>) dst(%arg11 : memref<1024xi32, #tpu.memory_space<vmem>>)
      tpu.yield
    }) : () -> ()
    %scan3A_77 = arith.constant 0 : i32
    %scan3A_78 = arith.constant 0 : i32
    %scan3A_79 = arith.constant 25 : i32
    %scan3A_80 = arith.addi %scan3A_78, %scan3A_79 : i32
    %scan3A_81 = arith.constant 1 : i32
    %scan3A_82 = scf.for %scan3A_94 = %scan3A_78 to %scan3A_80 step %scan3A_81 iter_args(%scan3A_95 = %scan3A_77) -> (i32)  : i32 {
      %mul3A_96 = arith.constant 2 : i32
      %mul3A_97 = arith.muli %scan3A_94, %mul3A_96 : i32
      %add3A_98 = arith.constant 1 : i32
      %add3A_99 = arith.addi %mul3A_97, %add3A_98 : i32
      %mul3A_100 = arith.constant 1024 : i32
      %mul3A_101 = arith.muli %add3A_99, %mul3A_100 : i32
      %add3A_102 = arith.addi %mul3A_2, %mul3A_101 : i32
      %multiple_of3A_103 = tpu.assume_multiple %add3A_102, 1024 : i32
      "tpu.region"() ({
        %run_scoped3A = tpu.sem_alloc : memref<!tpu.dma_semaphore, #tpu.memory_space<semaphore_mem>>
        %dma_start3A_257 = tpu.memref_slice %arg3[%multiple_of3A_103] : memref<1638400xi32, #tpu.memory_space<hbm>> -> memref<1024xi32, #tpu.memory_space<hbm>>
        %dma_start3A_258 = tpu.memref_slice %arg3[%multiple_of3A_103] : memref<1638400xi32, #tpu.memory_space<hbm>> -> memref<1024xi32, #tpu.memory_space<hbm>>
        tpu.enqueue_dma source(%dma_start3A_258 : memref<1024xi32, #tpu.memory_space<hbm>>) target(%arg8 : memref<1024xi32, #tpu.memory_space<vmem>>) target_semaphore(%run_scoped3A : memref<!tpu.dma_semaphore, #tpu.memory_space<semaphore_mem>>)
        %dma_wait3A_259 = tpu.memref_slice %arg3[%multiple_of3A_103] : memref<1638400xi32, #tpu.memory_space<hbm>> -> memref<1024xi32, #tpu.memory_space<hbm>>
        %dma_wait3A_260 = tpu.memref_slice %arg3[%multiple_of3A_103] : memref<1638400xi32, #tpu.memory_space<hbm>> -> memref<1024xi32, #tpu.memory_space<hbm>>
        tpu.wait_dma2 semaphore(%run_scoped3A : memref<!tpu.dma_semaphore, #tpu.memory_space<semaphore_mem>>) src(%dma_wait3A_260 : memref<1024xi32, #tpu.memory_space<hbm>>) dst(%arg8 : memref<1024xi32, #tpu.memory_space<vmem>>)
        tpu.yield
      }) : () -> ()
      %dma_start3A_104 = arith.constant 0 : i32
      %dma_start3A_105 = arith.constant 0 : i32
      %dma_start3A_106 = tpu.memref_slice %arg14[%dma_start3A_104, %dma_start3A_105] : memref<1024x16xf32, #tpu.memory_space<vmem>> -> memref<128x16xf32, #tpu.memory_space<vmem>>
      %dma_start3A_107 = arith.constant 0 : i32
      %dma_start3A_108 = tpu.memref_slice %arg8[%dma_start3A_107] : memref<1024xi32, #tpu.memory_space<vmem>> -> memref<128xi32, #tpu.memory_space<vmem>>
      %dma_start3A_109 = arith.constant 0 : i32
      %dma_start3A_110 = arith.constant 0 : i32
      %dma_start3A_111 = tpu.memref_slice %arg5[%dma_start3A_109, %dma_start3A_110] : memref<1000000x16xf32, #tpu.memory_space<hbm>> -> memref<1000000x16xf32, #tpu.memory_space<hbm>>
      tpu.enqueue_indirect_dma source(%dma_start3A_111 : memref<1000000x16xf32, #tpu.memory_space<hbm>>) target(%dma_start3A_106 : memref<128x16xf32, #tpu.memory_space<vmem>>) offsets(%dma_start3A_108 : memref<128xi32, #tpu.memory_space<vmem>>) semaphore(%arg18 : memref<!tpu.dma_semaphore, #tpu.memory_space<semaphore_mem>>)
      %dma_start3A_112 = arith.constant 128 : i32
      %dma_start3A_113 = arith.constant 0 : i32
      %dma_start3A_114 = tpu.memref_slice %arg14[%dma_start3A_112, %dma_start3A_113] : memref<1024x16xf32, #tpu.memory_space<vmem>> -> memref<128x16xf32, #tpu.memory_space<vmem>>
      %dma_start3A_115 = arith.constant 128 : i32
      %dma_start3A_116 = tpu.memref_slice %arg8[%dma_start3A_115] : memref<1024xi32, #tpu.memory_space<vmem>> -> memref<128xi32, #tpu.memory_space<vmem>>
      %dma_start3A_117 = arith.constant 0 : i32
      %dma_start3A_118 = arith.constant 0 : i32
      %dma_start3A_119 = tpu.memref_slice %arg5[%dma_start3A_117, %dma_start3A_118] : memref<1000000x16xf32, #tpu.memory_space<hbm>> -> memref<1000000x16xf32, #tpu.memory_space<hbm>>
      tpu.enqueue_indirect_dma source(%dma_start3A_119 : memref<1000000x16xf32, #tpu.memory_space<hbm>>) target(%dma_start3A_114 : memref<128x16xf32, #tpu.memory_space<vmem>>) offsets(%dma_start3A_116 : memref<128xi32, #tpu.memory_space<vmem>>) semaphore(%arg18 : memref<!tpu.dma_semaphore, #tpu.memory_space<semaphore_mem>>)
      %dma_start3A_120 = arith.constant 256 : i32
      %dma_start3A_121 = arith.constant 0 : i32
      %dma_start3A_122 = tpu.memref_slice %arg14[%dma_start3A_120, %dma_start3A_121] : memref<1024x16xf32, #tpu.memory_space<vmem>> -> memref<128x16xf32, #tpu.memory_space<vmem>>
      %dma_start3A_123 = arith.constant 256 : i32
      %dma_start3A_124 = tpu.memref_slice %arg8[%dma_start3A_123] : memref<1024xi32, #tpu.memory_space<vmem>> -> memref<128xi32, #tpu.memory_space<vmem>>
      %dma_start3A_125 = arith.constant 0 : i32
      %dma_start3A_126 = arith.constant 0 : i32
      %dma_start3A_127 = tpu.memref_slice %arg5[%dma_start3A_125, %dma_start3A_126] : memref<1000000x16xf32, #tpu.memory_space<hbm>> -> memref<1000000x16xf32, #tpu.memory_space<hbm>>
      tpu.enqueue_indirect_dma source(%dma_start3A_127 : memref<1000000x16xf32, #tpu.memory_space<hbm>>) target(%dma_start3A_122 : memref<128x16xf32, #tpu.memory_space<vmem>>) offsets(%dma_start3A_124 : memref<128xi32, #tpu.memory_space<vmem>>) semaphore(%arg18 : memref<!tpu.dma_semaphore, #tpu.memory_space<semaphore_mem>>)
      %dma_start3A_128 = arith.constant 384 : i32
      %dma_start3A_129 = arith.constant 0 : i32
      %dma_start3A_130 = tpu.memref_slice %arg14[%dma_start3A_128, %dma_start3A_129] : memref<1024x16xf32, #tpu.memory_space<vmem>> -> memref<128x16xf32, #tpu.memory_space<vmem>>
      %dma_start3A_131 = arith.constant 384 : i32
      %dma_start3A_132 = tpu.memref_slice %arg8[%dma_start3A_131] : memref<1024xi32, #tpu.memory_space<vmem>> -> memref<128xi32, #tpu.memory_space<vmem>>
      %dma_start3A_133 = arith.constant 0 : i32
      %dma_start3A_134 = arith.constant 0 : i32
      %dma_start3A_135 = tpu.memref_slice %arg5[%dma_start3A_133, %dma_start3A_134] : memref<1000000x16xf32, #tpu.memory_space<hbm>> -> memref<1000000x16xf32, #tpu.memory_space<hbm>>
      tpu.enqueue_indirect_dma source(%dma_start3A_135 : memref<1000000x16xf32, #tpu.memory_space<hbm>>) target(%dma_start3A_130 : memref<128x16xf32, #tpu.memory_space<vmem>>) offsets(%dma_start3A_132 : memref<128xi32, #tpu.memory_space<vmem>>) semaphore(%arg18 : memref<!tpu.dma_semaphore, #tpu.memory_space<semaphore_mem>>)
      %dma_start3A_136 = arith.constant 512 : i32
      %dma_start3A_137 = arith.constant 0 : i32
      %dma_start3A_138 = tpu.memref_slice %arg14[%dma_start3A_136, %dma_start3A_137] : memref<1024x16xf32, #tpu.memory_space<vmem>> -> memref<128x16xf32, #tpu.memory_space<vmem>>
      %dma_start3A_139 = arith.constant 512 : i32
      %dma_start3A_140 = tpu.memref_slice %arg8[%dma_start3A_139] : memref<1024xi32, #tpu.memory_space<vmem>> -> memref<128xi32, #tpu.memory_space<vmem>>
      %dma_start3A_141 = arith.constant 0 : i32
      %dma_start3A_142 = arith.constant 0 : i32
      %dma_start3A_143 = tpu.memref_slice %arg5[%dma_start3A_141, %dma_start3A_142] : memref<1000000x16xf32, #tpu.memory_space<hbm>> -> memref<1000000x16xf32, #tpu.memory_space<hbm>>
      tpu.enqueue_indirect_dma source(%dma_start3A_143 : memref<1000000x16xf32, #tpu.memory_space<hbm>>) target(%dma_start3A_138 : memref<128x16xf32, #tpu.memory_space<vmem>>) offsets(%dma_start3A_140 : memref<128xi32, #tpu.memory_space<vmem>>) semaphore(%arg18 : memref<!tpu.dma_semaphore, #tpu.memory_space<semaphore_mem>>)
      %dma_start3A_144 = arith.constant 640 : i32
      %dma_start3A_145 = arith.constant 0 : i32
      %dma_start3A_146 = tpu.memref_slice %arg14[%dma_start3A_144, %dma_start3A_145] : memref<1024x16xf32, #tpu.memory_space<vmem>> -> memref<128x16xf32, #tpu.memory_space<vmem>>
      %dma_start3A_147 = arith.constant 640 : i32
      %dma_start3A_148 = tpu.memref_slice %arg8[%dma_start3A_147] : memref<1024xi32, #tpu.memory_space<vmem>> -> memref<128xi32, #tpu.memory_space<vmem>>
      %dma_start3A_149 = arith.constant 0 : i32
      %dma_start3A_150 = arith.constant 0 : i32
      %dma_start3A_151 = tpu.memref_slice %arg5[%dma_start3A_149, %dma_start3A_150] : memref<1000000x16xf32, #tpu.memory_space<hbm>> -> memref<1000000x16xf32, #tpu.memory_space<hbm>>
      tpu.enqueue_indirect_dma source(%dma_start3A_151 : memref<1000000x16xf32, #tpu.memory_space<hbm>>) target(%dma_start3A_146 : memref<128x16xf32, #tpu.memory_space<vmem>>) offsets(%dma_start3A_148 : memref<128xi32, #tpu.memory_space<vmem>>) semaphore(%arg18 : memref<!tpu.dma_semaphore, #tpu.memory_space<semaphore_mem>>)
      %dma_start3A_152 = arith.constant 768 : i32
      %dma_start3A_153 = arith.constant 0 : i32
      %dma_start3A_154 = tpu.memref_slice %arg14[%dma_start3A_152, %dma_start3A_153] : memref<1024x16xf32, #tpu.memory_space<vmem>> -> memref<128x16xf32, #tpu.memory_space<vmem>>
      %dma_start3A_155 = arith.constant 768 : i32
      %dma_start3A_156 = tpu.memref_slice %arg8[%dma_start3A_155] : memref<1024xi32, #tpu.memory_space<vmem>> -> memref<128xi32, #tpu.memory_space<vmem>>
      %dma_start3A_157 = arith.constant 0 : i32
      %dma_start3A_158 = arith.constant 0 : i32
      %dma_start3A_159 = tpu.memref_slice %arg5[%dma_start3A_157, %dma_start3A_158] : memref<1000000x16xf32, #tpu.memory_space<hbm>> -> memref<1000000x16xf32, #tpu.memory_space<hbm>>
      tpu.enqueue_indirect_dma source(%dma_start3A_159 : memref<1000000x16xf32, #tpu.memory_space<hbm>>) target(%dma_start3A_154 : memref<128x16xf32, #tpu.memory_space<vmem>>) offsets(%dma_start3A_156 : memref<128xi32, #tpu.memory_space<vmem>>) semaphore(%arg18 : memref<!tpu.dma_semaphore, #tpu.memory_space<semaphore_mem>>)
      %dma_start3A_160 = arith.constant 896 : i32
      %dma_start3A_161 = arith.constant 0 : i32
      %dma_start3A_162 = tpu.memref_slice %arg14[%dma_start3A_160, %dma_start3A_161] : memref<1024x16xf32, #tpu.memory_space<vmem>> -> memref<128x16xf32, #tpu.memory_space<vmem>>
      %dma_start3A_163 = arith.constant 896 : i32
      %dma_start3A_164 = tpu.memref_slice %arg8[%dma_start3A_163] : memref<1024xi32, #tpu.memory_space<vmem>> -> memref<128xi32, #tpu.memory_space<vmem>>
      %dma_start3A_165 = arith.constant 0 : i32
      %dma_start3A_166 = arith.constant 0 : i32
      %dma_start3A_167 = tpu.memref_slice %arg5[%dma_start3A_165, %dma_start3A_166] : memref<1000000x16xf32, #tpu.memory_space<hbm>> -> memref<1000000x16xf32, #tpu.memory_space<hbm>>
      tpu.enqueue_indirect_dma source(%dma_start3A_167 : memref<1000000x16xf32, #tpu.memory_space<hbm>>) target(%dma_start3A_162 : memref<128x16xf32, #tpu.memory_space<vmem>>) offsets(%dma_start3A_164 : memref<128xi32, #tpu.memory_space<vmem>>) semaphore(%arg18 : memref<!tpu.dma_semaphore, #tpu.memory_space<semaphore_mem>>)
      "tpu.region"() ({
        %run_scoped3A = tpu.sem_alloc : memref<!tpu.dma_semaphore, #tpu.memory_space<semaphore_mem>>
        %dma_start3A_257 = tpu.memref_slice %arg2[%multiple_of3A_103] : memref<1638400xf32, #tpu.memory_space<hbm>> -> memref<1024xf32, #tpu.memory_space<hbm>>
        %dma_start3A_258 = tpu.memref_slice %arg2[%multiple_of3A_103] : memref<1638400xf32, #tpu.memory_space<hbm>> -> memref<1024xf32, #tpu.memory_space<hbm>>
        tpu.enqueue_dma source(%dma_start3A_258 : memref<1024xf32, #tpu.memory_space<hbm>>) target(%arg10 : memref<1024xf32, #tpu.memory_space<vmem>>) target_semaphore(%run_scoped3A : memref<!tpu.dma_semaphore, #tpu.memory_space<semaphore_mem>>)
        %dma_wait3A_259 = tpu.memref_slice %arg2[%multiple_of3A_103] : memref<1638400xf32, #tpu.memory_space<hbm>> -> memref<1024xf32, #tpu.memory_space<hbm>>
        %dma_wait3A_260 = tpu.memref_slice %arg2[%multiple_of3A_103] : memref<1638400xf32, #tpu.memory_space<hbm>> -> memref<1024xf32, #tpu.memory_space<hbm>>
        tpu.wait_dma2 semaphore(%run_scoped3A : memref<!tpu.dma_semaphore, #tpu.memory_space<semaphore_mem>>) src(%dma_wait3A_260 : memref<1024xf32, #tpu.memory_space<hbm>>) dst(%arg10 : memref<1024xf32, #tpu.memory_space<vmem>>)
        tpu.yield
      }) : () -> ()
      "tpu.region"() ({
        %run_scoped3A = tpu.sem_alloc : memref<!tpu.dma_semaphore, #tpu.memory_space<semaphore_mem>>
        %dma_start3A_257 = tpu.memref_slice %arg4[%multiple_of3A_103] : memref<1638400xi32, #tpu.memory_space<hbm>> -> memref<1024xi32, #tpu.memory_space<hbm>>
        %dma_start3A_258 = tpu.memref_slice %arg4[%multiple_of3A_103] : memref<1638400xi32, #tpu.memory_space<hbm>> -> memref<1024xi32, #tpu.memory_space<hbm>>
        tpu.enqueue_dma source(%dma_start3A_258 : memref<1024xi32, #tpu.memory_space<hbm>>) target(%arg12 : memref<1024xi32, #tpu.memory_space<vmem>>) target_semaphore(%run_scoped3A : memref<!tpu.dma_semaphore, #tpu.memory_space<semaphore_mem>>)
        %dma_wait3A_259 = tpu.memref_slice %arg4[%multiple_of3A_103] : memref<1638400xi32, #tpu.memory_space<hbm>> -> memref<1024xi32, #tpu.memory_space<hbm>>
        %dma_wait3A_260 = tpu.memref_slice %arg4[%multiple_of3A_103] : memref<1638400xi32, #tpu.memory_space<hbm>> -> memref<1024xi32, #tpu.memory_space<hbm>>
        tpu.wait_dma2 semaphore(%run_scoped3A : memref<!tpu.dma_semaphore, #tpu.memory_space<semaphore_mem>>) src(%dma_wait3A_260 : memref<1024xi32, #tpu.memory_space<hbm>>) dst(%arg12 : memref<1024xi32, #tpu.memory_space<vmem>>)
        tpu.yield
      }) : () -> ()
      %dma_wait3A_168 = arith.constant 0 : i32
      %dma_wait3A_169 = arith.constant 0 : i32
      %dma_wait3A_170 = tpu.memref_slice %arg5[%dma_wait3A_168, %dma_wait3A_169] : memref<1000000x16xf32, #tpu.memory_space<hbm>> -> memref<1024x16xf32, #tpu.memory_space<hbm>>
      %dma_wait3A_171 = arith.constant 0 : i32
      %dma_wait3A_172 = arith.constant 0 : i32
      %dma_wait3A_173 = tpu.memref_slice %arg5[%dma_wait3A_171, %dma_wait3A_172] : memref<1000000x16xf32, #tpu.memory_space<hbm>> -> memref<1024x16xf32, #tpu.memory_space<hbm>>
      tpu.wait_dma2 semaphore(%arg17 : memref<!tpu.dma_semaphore, #tpu.memory_space<semaphore_mem>>) src(%dma_wait3A_173 : memref<1024x16xf32, #tpu.memory_space<hbm>>) dst(%arg13 : memref<1024x16xf32, #tpu.memory_space<vmem>>)
      %parallel_loop3A = arith.constant 0 : i32
      %parallel_loop3A_174 = arith.constant 64 : i32
      %parallel_loop3A_175 = arith.constant 1 : i32
      scf.for %parallel_loop3A_257 = %parallel_loop3A to %parallel_loop3A_174 step %parallel_loop3A_175  : i32 {
        %parallel_loop3A_258 = arith.constant 16 : i32
        %parallel_loop3A_259 = arith.muli %parallel_loop3A_257, %parallel_loop3A_258 : i32
        %parallel_loop3A_260 = arith.index_cast %parallel_loop3A_259 : i32 to index
        %parallel_loop3A_261 = tpu.vector_load %arg9[%parallel_loop3A_260] {strides = array<i32>} : memref<1024xf32, #tpu.memory_space<vmem>>, vector<16xf32>,
        %parallel_loop3A_262 = vector.shape_cast %parallel_loop3A_261 : vector<16xf32> to vector<16xf32>
        %parallel_loop3A_263 = arith.constant 0 : i32
        %parallel_loop3A_264 = arith.addi %parallel_loop3A_259, %parallel_loop3A_263 : i32
        %parallel_loop3A_265 = arith.index_cast %parallel_loop3A_264 : i32 to index
        %parallel_loop3A_266 = arith.constant 0 : index
        %parallel_loop3A_267 = tpu.vector_load %arg13[%parallel_loop3A_265, %parallel_loop3A_266] {strides = array<i32>} : memref<1024x16xf32, #tpu.memory_space<vmem>>, vector<1x16xf32>,
        %parallel_loop3A_268 = vector.shape_cast %parallel_loop3A_267 : vector<1x16xf32> to vector<16xf32>
        %parallel_loop3A_269 = vector.extract_strided_slice %parallel_loop3A_262 {offsets = [0], sizes = [1], strides = [1]} : vector<16xf32> to vector<1xf32>
        %parallel_loop3A_270 = vector.extract %parallel_loop3A_269[0] : f32 from vector<1xf32>
        %parallel_loop3A_271 = vector.broadcast %parallel_loop3A_270 : f32 to vector<16xf32>
        %parallel_loop3A_272 = arith.mulf %parallel_loop3A_268, %parallel_loop3A_271 : vector<16xf32>
        %parallel_loop3A_273 = arith.constant 0 : i32
        %parallel_loop3A_274 = arith.addi %parallel_loop3A_259, %parallel_loop3A_273 : i32
        %parallel_loop3A_275 = arith.index_cast %parallel_loop3A_274 : i32 to index
        %parallel_loop3A_276 = arith.constant 0 : index
        %parallel_loop3A_277 = tpu.vector_load %arg15[%parallel_loop3A_275, %parallel_loop3A_276] {strides = array<i32>} : memref<1024x32xf32, #tpu.memory_space<vmem>>, vector<1x16xf32>,
        %parallel_loop3A_278 = vector.shape_cast %parallel_loop3A_277 : vector<1x16xf32> to vector<16xf32>
        %parallel_loop3A_279 = vector.shape_cast %parallel_loop3A_272 : vector<16xf32> to vector<1x16xf32>
        tpu.vector_store %arg15[%parallel_loop3A_275, %parallel_loop3A_276], %parallel_loop3A_279 {strides = array<i32>} : memref<1024x32xf32, #tpu.memory_space<vmem>>, vector<1x16xf32>,
        %parallel_loop3A_280 = arith.mulf %parallel_loop3A_272, %parallel_loop3A_272 : vector<16xf32>
        %parallel_loop3A_281 = arith.constant 0 : i32
        %parallel_loop3A_282 = arith.addi %parallel_loop3A_259, %parallel_loop3A_281 : i32
        %parallel_loop3A_283 = arith.index_cast %parallel_loop3A_282 : i32 to index
        %parallel_loop3A_284 = arith.constant 16 : index
        %parallel_loop3A_285 = tpu.vector_load %arg15[%parallel_loop3A_283, %parallel_loop3A_284] {strides = array<i32>} : memref<1024x32xf32, #tpu.memory_space<vmem>>, vector<1x16xf32>,
        %parallel_loop3A_286 = vector.shape_cast %parallel_loop3A_285 : vector<1x16xf32> to vector<16xf32>
        %parallel_loop3A_287 = vector.shape_cast %parallel_loop3A_280 : vector<16xf32> to vector<1x16xf32>
        tpu.vector_store %arg15[%parallel_loop3A_283, %parallel_loop3A_284], %parallel_loop3A_287 {strides = array<i32>} : memref<1024x32xf32, #tpu.memory_space<vmem>>, vector<1x16xf32>,
        %parallel_loop3A_288 = arith.constant 1 : i32
        %parallel_loop3A_289 = arith.addi %parallel_loop3A_259, %parallel_loop3A_288 : i32
        %parallel_loop3A_290 = arith.index_cast %parallel_loop3A_289 : i32 to index
        %parallel_loop3A_291 = arith.constant 0 : index
        %parallel_loop3A_292 = tpu.vector_load %arg13[%parallel_loop3A_290, %parallel_loop3A_291] {strides = array<i32>} : memref<1024x16xf32, #tpu.memory_space<vmem>>, vector<1x16xf32>,
        %parallel_loop3A_293 = vector.shape_cast %parallel_loop3A_292 : vector<1x16xf32> to vector<16xf32>
        %parallel_loop3A_294 = vector.extract_strided_slice %parallel_loop3A_262 {offsets = [1], sizes = [1], strides = [1]} : vector<16xf32> to vector<1xf32>
        %parallel_loop3A_295 = vector.extract %parallel_loop3A_294[0] : f32 from vector<1xf32>
        %parallel_loop3A_296 = vector.broadcast %parallel_loop3A_295 : f32 to vector<16xf32>
        %parallel_loop3A_297 = arith.mulf %parallel_loop3A_293, %parallel_loop3A_296 : vector<16xf32>
        %parallel_loop3A_298 = arith.constant 1 : i32
        %parallel_loop3A_299 = arith.addi %parallel_loop3A_259, %parallel_loop3A_298 : i32
        %parallel_loop3A_300 = arith.index_cast %parallel_loop3A_299 : i32 to index
        %parallel_loop3A_301 = arith.constant 0 : index
        %parallel_loop3A_302 = tpu.vector_load %arg15[%parallel_loop3A_300, %parallel_loop3A_301] {strides = array<i32>} : memref<1024x32xf32, #tpu.memory_space<vmem>>, vector<1x16xf32>,
        %parallel_loop3A_303 = vector.shape_cast %parallel_loop3A_302 : vector<1x16xf32> to vector<16xf32>
        %parallel_loop3A_304 = vector.shape_cast %parallel_loop3A_297 : vector<16xf32> to vector<1x16xf32>
        tpu.vector_store %arg15[%parallel_loop3A_300, %parallel_loop3A_301], %parallel_loop3A_304 {strides = array<i32>} : memref<1024x32xf32, #tpu.memory_space<vmem>>, vector<1x16xf32>,
        %parallel_loop3A_305 = arith.mulf %parallel_loop3A_297, %parallel_loop3A_297 : vector<16xf32>
        %parallel_loop3A_306 = arith.constant 1 : i32
        %parallel_loop3A_307 = arith.addi %parallel_loop3A_259, %parallel_loop3A_306 : i32
        %parallel_loop3A_308 = arith.index_cast %parallel_loop3A_307 : i32 to index
        %parallel_loop3A_309 = arith.constant 16 : index
        %parallel_loop3A_310 = tpu.vector_load %arg15[%parallel_loop3A_308, %parallel_loop3A_309] {strides = array<i32>} : memref<1024x32xf32, #tpu.memory_space<vmem>>, vector<1x16xf32>,
        %parallel_loop3A_311 = vector.shape_cast %parallel_loop3A_310 : vector<1x16xf32> to vector<16xf32>
        %parallel_loop3A_312 = vector.shape_cast %parallel_loop3A_305 : vector<16xf32> to vector<1x16xf32>
        tpu.vector_store %arg15[%parallel_loop3A_308, %parallel_loop3A_309], %parallel_loop3A_312 {strides = array<i32>} : memref<1024x32xf32, #tpu.memory_space<vmem>>, vector<1x16xf32>,
        %parallel_loop3A_313 = arith.constant 2 : i32
        %parallel_loop3A_314 = arith.addi %parallel_loop3A_259, %parallel_loop3A_313 : i32
        %parallel_loop3A_315 = arith.index_cast %parallel_loop3A_314 : i32 to index
        %parallel_loop3A_316 = arith.constant 0 : index
        %parallel_loop3A_317 = tpu.vector_load %arg13[%parallel_loop3A_315, %parallel_loop3A_316] {strides = array<i32>} : memref<1024x16xf32, #tpu.memory_space<vmem>>, vector<1x16xf32>,
        %parallel_loop3A_318 = vector.shape_cast %parallel_loop3A_317 : vector<1x16xf32> to vector<16xf32>
        %parallel_loop3A_319 = vector.extract_strided_slice %parallel_loop3A_262 {offsets = [2], sizes = [1], strides = [1]} : vector<16xf32> to vector<1xf32>
        %parallel_loop3A_320 = vector.extract %parallel_loop3A_319[0] : f32 from vector<1xf32>
        %parallel_loop3A_321 = vector.broadcast %parallel_loop3A_320 : f32 to vector<16xf32>
        %parallel_loop3A_322 = arith.mulf %parallel_loop3A_318, %parallel_loop3A_321 : vector<16xf32>
        %parallel_loop3A_323 = arith.constant 2 : i32
        %parallel_loop3A_324 = arith.addi %parallel_loop3A_259, %parallel_loop3A_323 : i32
        %parallel_loop3A_325 = arith.index_cast %parallel_loop3A_324 : i32 to index
        %parallel_loop3A_326 = arith.constant 0 : index
        %parallel_loop3A_327 = tpu.vector_load %arg15[%parallel_loop3A_325, %parallel_loop3A_326] {strides = array<i32>} : memref<1024x32xf32, #tpu.memory_space<vmem>>, vector<1x16xf32>,
        %parallel_loop3A_328 = vector.shape_cast %parallel_loop3A_327 : vector<1x16xf32> to vector<16xf32>
        %parallel_loop3A_329 = vector.shape_cast %parallel_loop3A_322 : vector<16xf32> to vector<1x16xf32>
        tpu.vector_store %arg15[%parallel_loop3A_325, %parallel_loop3A_326], %parallel_loop3A_329 {strides = array<i32>} : memref<1024x32xf32, #tpu.memory_space<vmem>>, vector<1x16xf32>,
        %parallel_loop3A_330 = arith.mulf %parallel_loop3A_322, %parallel_loop3A_322 : vector<16xf32>
        %parallel_loop3A_331 = arith.constant 2 : i32
        %parallel_loop3A_332 = arith.addi %parallel_loop3A_259, %parallel_loop3A_331 : i32
        %parallel_loop3A_333 = arith.index_cast %parallel_loop3A_332 : i32 to index
        %parallel_loop3A_334 = arith.constant 16 : index
        %parallel_loop3A_335 = tpu.vector_load %arg15[%parallel_loop3A_333, %parallel_loop3A_334] {strides = array<i32>} : memref<1024x32xf32, #tpu.memory_space<vmem>>, vector<1x16xf32>,
        %parallel_loop3A_336 = vector.shape_cast %parallel_loop3A_335 : vector<1x16xf32> to vector<16xf32>
        %parallel_loop3A_337 = vector.shape_cast %parallel_loop3A_330 : vector<16xf32> to vector<1x16xf32>
        tpu.vector_store %arg15[%parallel_loop3A_333, %parallel_loop3A_334], %parallel_loop3A_337 {strides = array<i32>} : memref<1024x32xf32, #tpu.memory_space<vmem>>, vector<1x16xf32>,
        %parallel_loop3A_338 = arith.constant 3 : i32
        %parallel_loop3A_339 = arith.addi %parallel_loop3A_259, %parallel_loop3A_338 : i32
        %parallel_loop3A_340 = arith.index_cast %parallel_loop3A_339 : i32 to index
        %parallel_loop3A_341 = arith.constant 0 : index
        %parallel_loop3A_342 = tpu.vector_load %arg13[%parallel_loop3A_340, %parallel_loop3A_341] {strides = array<i32>} : memref<1024x16xf32, #tpu.memory_space<vmem>>, vector<1x16xf32>,
        %parallel_loop3A_343 = vector.shape_cast %parallel_loop3A_342 : vector<1x16xf32> to vector<16xf32>
        %parallel_loop3A_344 = vector.extract_strided_slice %parallel_loop3A_262 {offsets = [3], sizes = [1], strides = [1]} : vector<16xf32> to vector<1xf32>
        %parallel_loop3A_345 = vector.extract %parallel_loop3A_344[0] : f32 from vector<1xf32>
        %parallel_loop3A_346 = vector.broadcast %parallel_loop3A_345 : f32 to vector<16xf32>
        %parallel_loop3A_347 = arith.mulf %parallel_loop3A_343, %parallel_loop3A_346 : vector<16xf32>
        %parallel_loop3A_348 = arith.constant 3 : i32
        %parallel_loop3A_349 = arith.addi %parallel_loop3A_259, %parallel_loop3A_348 : i32
        %parallel_loop3A_350 = arith.index_cast %parallel_loop3A_349 : i32 to index
        %parallel_loop3A_351 = arith.constant 0 : index
        %parallel_loop3A_352 = tpu.vector_load %arg15[%parallel_loop3A_350, %parallel_loop3A_351] {strides = array<i32>} : memref<1024x32xf32, #tpu.memory_space<vmem>>, vector<1x16xf32>,
        %parallel_loop3A_353 = vector.shape_cast %parallel_loop3A_352 : vector<1x16xf32> to vector<16xf32>
        %parallel_loop3A_354 = vector.shape_cast %parallel_loop3A_347 : vector<16xf32> to vector<1x16xf32>
        tpu.vector_store %arg15[%parallel_loop3A_350, %parallel_loop3A_351], %parallel_loop3A_354 {strides = array<i32>} : memref<1024x32xf32, #tpu.memory_space<vmem>>, vector<1x16xf32>,
        %parallel_loop3A_355 = arith.mulf %parallel_loop3A_347, %parallel_loop3A_347 : vector<16xf32>
        %parallel_loop3A_356 = arith.constant 3 : i32
        %parallel_loop3A_357 = arith.addi %parallel_loop3A_259, %parallel_loop3A_356 : i32
        %parallel_loop3A_358 = arith.index_cast %parallel_loop3A_357 : i32 to index
        %parallel_loop3A_359 = arith.constant 16 : index
        %parallel_loop3A_360 = tpu.vector_load %arg15[%parallel_loop3A_358, %parallel_loop3A_359] {strides = array<i32>} : memref<1024x32xf32, #tpu.memory_space<vmem>>, vector<1x16xf32>,
        %parallel_loop3A_361 = vector.shape_cast %parallel_loop3A_360 : vector<1x16xf32> to vector<16xf32>
        %parallel_loop3A_362 = vector.shape_cast %parallel_loop3A_355 : vector<16xf32> to vector<1x16xf32>
        tpu.vector_store %arg15[%parallel_loop3A_358, %parallel_loop3A_359], %parallel_loop3A_362 {strides = array<i32>} : memref<1024x32xf32, #tpu.memory_space<vmem>>, vector<1x16xf32>,
        %parallel_loop3A_363 = arith.constant 4 : i32
        %parallel_loop3A_364 = arith.addi %parallel_loop3A_259, %parallel_loop3A_363 : i32
        %parallel_loop3A_365 = arith.index_cast %parallel_loop3A_364 : i32 to index
        %parallel_loop3A_366 = arith.constant 0 : index
        %parallel_loop3A_367 = tpu.vector_load %arg13[%parallel_loop3A_365, %parallel_loop3A_366] {strides = array<i32>} : memref<1024x16xf32, #tpu.memory_space<vmem>>, vector<1x16xf32>,
        %parallel_loop3A_368 = vector.shape_cast %parallel_loop3A_367 : vector<1x16xf32> to vector<16xf32>
        %parallel_loop3A_369 = vector.extract_strided_slice %parallel_loop3A_262 {offsets = [4], sizes = [1], strides = [1]} : vector<16xf32> to vector<1xf32>
        %parallel_loop3A_370 = vector.extract %parallel_loop3A_369[0] : f32 from vector<1xf32>
        %parallel_loop3A_371 = vector.broadcast %parallel_loop3A_370 : f32 to vector<16xf32>
        %parallel_loop3A_372 = arith.mulf %parallel_loop3A_368, %parallel_loop3A_371 : vector<16xf32>
        %parallel_loop3A_373 = arith.constant 4 : i32
        %parallel_loop3A_374 = arith.addi %parallel_loop3A_259, %parallel_loop3A_373 : i32
        %parallel_loop3A_375 = arith.index_cast %parallel_loop3A_374 : i32 to index
        %parallel_loop3A_376 = arith.constant 0 : index
        %parallel_loop3A_377 = tpu.vector_load %arg15[%parallel_loop3A_375, %parallel_loop3A_376] {strides = array<i32>} : memref<1024x32xf32, #tpu.memory_space<vmem>>, vector<1x16xf32>,
        %parallel_loop3A_378 = vector.shape_cast %parallel_loop3A_377 : vector<1x16xf32> to vector<16xf32>
        %parallel_loop3A_379 = vector.shape_cast %parallel_loop3A_372 : vector<16xf32> to vector<1x16xf32>
        tpu.vector_store %arg15[%parallel_loop3A_375, %parallel_loop3A_376], %parallel_loop3A_379 {strides = array<i32>} : memref<1024x32xf32, #tpu.memory_space<vmem>>, vector<1x16xf32>,
        %parallel_loop3A_380 = arith.mulf %parallel_loop3A_372, %parallel_loop3A_372 : vector<16xf32>
        %parallel_loop3A_381 = arith.constant 4 : i32
        %parallel_loop3A_382 = arith.addi %parallel_loop3A_259, %parallel_loop3A_381 : i32
        %parallel_loop3A_383 = arith.index_cast %parallel_loop3A_382 : i32 to index
        %parallel_loop3A_384 = arith.constant 16 : index
        %parallel_loop3A_385 = tpu.vector_load %arg15[%parallel_loop3A_383, %parallel_loop3A_384] {strides = array<i32>} : memref<1024x32xf32, #tpu.memory_space<vmem>>, vector<1x16xf32>,
        %parallel_loop3A_386 = vector.shape_cast %parallel_loop3A_385 : vector<1x16xf32> to vector<16xf32>
        %parallel_loop3A_387 = vector.shape_cast %parallel_loop3A_380 : vector<16xf32> to vector<1x16xf32>
        tpu.vector_store %arg15[%parallel_loop3A_383, %parallel_loop3A_384], %parallel_loop3A_387 {strides = array<i32>} : memref<1024x32xf32, #tpu.memory_space<vmem>>, vector<1x16xf32>,
        %parallel_loop3A_388 = arith.constant 5 : i32
        %parallel_loop3A_389 = arith.addi %parallel_loop3A_259, %parallel_loop3A_388 : i32
        %parallel_loop3A_390 = arith.index_cast %parallel_loop3A_389 : i32 to index
        %parallel_loop3A_391 = arith.constant 0 : index
        %parallel_loop3A_392 = tpu.vector_load %arg13[%parallel_loop3A_390, %parallel_loop3A_391] {strides = array<i32>} : memref<1024x16xf32, #tpu.memory_space<vmem>>, vector<1x16xf32>,
        %parallel_loop3A_393 = vector.shape_cast %parallel_loop3A_392 : vector<1x16xf32> to vector<16xf32>
        %parallel_loop3A_394 = vector.extract_strided_slice %parallel_loop3A_262 {offsets = [5], sizes = [1], strides = [1]} : vector<16xf32> to vector<1xf32>
        %parallel_loop3A_395 = vector.extract %parallel_loop3A_394[0] : f32 from vector<1xf32>
        %parallel_loop3A_396 = vector.broadcast %parallel_loop3A_395 : f32 to vector<16xf32>
        %parallel_loop3A_397 = arith.mulf %parallel_loop3A_393, %parallel_loop3A_396 : vector<16xf32>
        %parallel_loop3A_398 = arith.constant 5 : i32
        %parallel_loop3A_399 = arith.addi %parallel_loop3A_259, %parallel_loop3A_398 : i32
        %parallel_loop3A_400 = arith.index_cast %parallel_loop3A_399 : i32 to index
        %parallel_loop3A_401 = arith.constant 0 : index
        %parallel_loop3A_402 = tpu.vector_load %arg15[%parallel_loop3A_400, %parallel_loop3A_401] {strides = array<i32>} : memref<1024x32xf32, #tpu.memory_space<vmem>>, vector<1x16xf32>,
        %parallel_loop3A_403 = vector.shape_cast %parallel_loop3A_402 : vector<1x16xf32> to vector<16xf32>
        %parallel_loop3A_404 = vector.shape_cast %parallel_loop3A_397 : vector<16xf32> to vector<1x16xf32>
        tpu.vector_store %arg15[%parallel_loop3A_400, %parallel_loop3A_401], %parallel_loop3A_404 {strides = array<i32>} : memref<1024x32xf32, #tpu.memory_space<vmem>>, vector<1x16xf32>,
        %parallel_loop3A_405 = arith.mulf %parallel_loop3A_397, %parallel_loop3A_397 : vector<16xf32>
        %parallel_loop3A_406 = arith.constant 5 : i32
        %parallel_loop3A_407 = arith.addi %parallel_loop3A_259, %parallel_loop3A_406 : i32
        %parallel_loop3A_408 = arith.index_cast %parallel_loop3A_407 : i32 to index
        %parallel_loop3A_409 = arith.constant 16 : index
        %parallel_loop3A_410 = tpu.vector_load %arg15[%parallel_loop3A_408, %parallel_loop3A_409] {strides = array<i32>} : memref<1024x32xf32, #tpu.memory_space<vmem>>, vector<1x16xf32>,
        %parallel_loop3A_411 = vector.shape_cast %parallel_loop3A_410 : vector<1x16xf32> to vector<16xf32>
        %parallel_loop3A_412 = vector.shape_cast %parallel_loop3A_405 : vector<16xf32> to vector<1x16xf32>
        tpu.vector_store %arg15[%parallel_loop3A_408, %parallel_loop3A_409], %parallel_loop3A_412 {strides = array<i32>} : memref<1024x32xf32, #tpu.memory_space<vmem>>, vector<1x16xf32>,
        %parallel_loop3A_413 = arith.constant 6 : i32
        %parallel_loop3A_414 = arith.addi %parallel_loop3A_259, %parallel_loop3A_413 : i32
        %parallel_loop3A_415 = arith.index_cast %parallel_loop3A_414 : i32 to index
        %parallel_loop3A_416 = arith.constant 0 : index
        %parallel_loop3A_417 = tpu.vector_load %arg13[%parallel_loop3A_415, %parallel_loop3A_416] {strides = array<i32>} : memref<1024x16xf32, #tpu.memory_space<vmem>>, vector<1x16xf32>,
        %parallel_loop3A_418 = vector.shape_cast %parallel_loop3A_417 : vector<1x16xf32> to vector<16xf32>
        %parallel_loop3A_419 = vector.extract_strided_slice %parallel_loop3A_262 {offsets = [6], sizes = [1], strides = [1]} : vector<16xf32> to vector<1xf32>
        %parallel_loop3A_420 = vector.extract %parallel_loop3A_419[0] : f32 from vector<1xf32>
        %parallel_loop3A_421 = vector.broadcast %parallel_loop3A_420 : f32 to vector<16xf32>
        %parallel_loop3A_422 = arith.mulf %parallel_loop3A_418, %parallel_loop3A_421 : vector<16xf32>
        %parallel_loop3A_423 = arith.constant 6 : i32
        %parallel_loop3A_424 = arith.addi %parallel_loop3A_259, %parallel_loop3A_423 : i32
        %parallel_loop3A_425 = arith.index_cast %parallel_loop3A_424 : i32 to index
        %parallel_loop3A_426 = arith.constant 0 : index
        %parallel_loop3A_427 = tpu.vector_load %arg15[%parallel_loop3A_425, %parallel_loop3A_426] {strides = array<i32>} : memref<1024x32xf32, #tpu.memory_space<vmem>>, vector<1x16xf32>,
        %parallel_loop3A_428 = vector.shape_cast %parallel_loop3A_427 : vector<1x16xf32> to vector<16xf32>
        %parallel_loop3A_429 = vector.shape_cast %parallel_loop3A_422 : vector<16xf32> to vector<1x16xf32>
        tpu.vector_store %arg15[%parallel_loop3A_425, %parallel_loop3A_426], %parallel_loop3A_429 {strides = array<i32>} : memref<1024x32xf32, #tpu.memory_space<vmem>>, vector<1x16xf32>,
        %parallel_loop3A_430 = arith.mulf %parallel_loop3A_422, %parallel_loop3A_422 : vector<16xf32>
        %parallel_loop3A_431 = arith.constant 6 : i32
        %parallel_loop3A_432 = arith.addi %parallel_loop3A_259, %parallel_loop3A_431 : i32
        %parallel_loop3A_433 = arith.index_cast %parallel_loop3A_432 : i32 to index
        %parallel_loop3A_434 = arith.constant 16 : index
        %parallel_loop3A_435 = tpu.vector_load %arg15[%parallel_loop3A_433, %parallel_loop3A_434] {strides = array<i32>} : memref<1024x32xf32, #tpu.memory_space<vmem>>, vector<1x16xf32>,
        %parallel_loop3A_436 = vector.shape_cast %parallel_loop3A_435 : vector<1x16xf32> to vector<16xf32>
        %parallel_loop3A_437 = vector.shape_cast %parallel_loop3A_430 : vector<16xf32> to vector<1x16xf32>
        tpu.vector_store %arg15[%parallel_loop3A_433, %parallel_loop3A_434], %parallel_loop3A_437 {strides = array<i32>} : memref<1024x32xf32, #tpu.memory_space<vmem>>, vector<1x16xf32>,
        %parallel_loop3A_438 = arith.constant 7 : i32
        %parallel_loop3A_439 = arith.addi %parallel_loop3A_259, %parallel_loop3A_438 : i32
        %parallel_loop3A_440 = arith.index_cast %parallel_loop3A_439 : i32 to index
        %parallel_loop3A_441 = arith.constant 0 : index
        %parallel_loop3A_442 = tpu.vector_load %arg13[%parallel_loop3A_440, %parallel_loop3A_441] {strides = array<i32>} : memref<1024x16xf32, #tpu.memory_space<vmem>>, vector<1x16xf32>,
        %parallel_loop3A_443 = vector.shape_cast %parallel_loop3A_442 : vector<1x16xf32> to vector<16xf32>
        %parallel_loop3A_444 = vector.extract_strided_slice %parallel_loop3A_262 {offsets = [7], sizes = [1], strides = [1]} : vector<16xf32> to vector<1xf32>
        %parallel_loop3A_445 = vector.extract %parallel_loop3A_444[0] : f32 from vector<1xf32>
        %parallel_loop3A_446 = vector.broadcast %parallel_loop3A_445 : f32 to vector<16xf32>
        %parallel_loop3A_447 = arith.mulf %parallel_loop3A_443, %parallel_loop3A_446 : vector<16xf32>
        %parallel_loop3A_448 = arith.constant 7 : i32
        %parallel_loop3A_449 = arith.addi %parallel_loop3A_259, %parallel_loop3A_448 : i32
        %parallel_loop3A_450 = arith.index_cast %parallel_loop3A_449 : i32 to index
        %parallel_loop3A_451 = arith.constant 0 : index
        %parallel_loop3A_452 = tpu.vector_load %arg15[%parallel_loop3A_450, %parallel_loop3A_451] {strides = array<i32>} : memref<1024x32xf32, #tpu.memory_space<vmem>>, vector<1x16xf32>,
        %parallel_loop3A_453 = vector.shape_cast %parallel_loop3A_452 : vector<1x16xf32> to vector<16xf32>
        %parallel_loop3A_454 = vector.shape_cast %parallel_loop3A_447 : vector<16xf32> to vector<1x16xf32>
        tpu.vector_store %arg15[%parallel_loop3A_450, %parallel_loop3A_451], %parallel_loop3A_454 {strides = array<i32>} : memref<1024x32xf32, #tpu.memory_space<vmem>>, vector<1x16xf32>,
        %parallel_loop3A_455 = arith.mulf %parallel_loop3A_447, %parallel_loop3A_447 : vector<16xf32>
        %parallel_loop3A_456 = arith.constant 7 : i32
        %parallel_loop3A_457 = arith.addi %parallel_loop3A_259, %parallel_loop3A_456 : i32
        %parallel_loop3A_458 = arith.index_cast %parallel_loop3A_457 : i32 to index
        %parallel_loop3A_459 = arith.constant 16 : index
        %parallel_loop3A_460 = tpu.vector_load %arg15[%parallel_loop3A_458, %parallel_loop3A_459] {strides = array<i32>} : memref<1024x32xf32, #tpu.memory_space<vmem>>, vector<1x16xf32>,
        %parallel_loop3A_461 = vector.shape_cast %parallel_loop3A_460 : vector<1x16xf32> to vector<16xf32>
        %parallel_loop3A_462 = vector.shape_cast %parallel_loop3A_455 : vector<16xf32> to vector<1x16xf32>
        tpu.vector_store %arg15[%parallel_loop3A_458, %parallel_loop3A_459], %parallel_loop3A_462 {strides = array<i32>} : memref<1024x32xf32, #tpu.memory_space<vmem>>, vector<1x16xf32>,
        %parallel_loop3A_463 = arith.constant 8 : i32
        %parallel_loop3A_464 = arith.addi %parallel_loop3A_259, %parallel_loop3A_463 : i32
        %parallel_loop3A_465 = arith.index_cast %parallel_loop3A_464 : i32 to index
        %parallel_loop3A_466 = arith.constant 0 : index
        %parallel_loop3A_467 = tpu.vector_load %arg13[%parallel_loop3A_465, %parallel_loop3A_466] {strides = array<i32>} : memref<1024x16xf32, #tpu.memory_space<vmem>>, vector<1x16xf32>,
        %parallel_loop3A_468 = vector.shape_cast %parallel_loop3A_467 : vector<1x16xf32> to vector<16xf32>
        %parallel_loop3A_469 = vector.extract_strided_slice %parallel_loop3A_262 {offsets = [8], sizes = [1], strides = [1]} : vector<16xf32> to vector<1xf32>
        %parallel_loop3A_470 = vector.extract %parallel_loop3A_469[0] : f32 from vector<1xf32>
        %parallel_loop3A_471 = vector.broadcast %parallel_loop3A_470 : f32 to vector<16xf32>
        %parallel_loop3A_472 = arith.mulf %parallel_loop3A_468, %parallel_loop3A_471 : vector<16xf32>
        %parallel_loop3A_473 = arith.constant 8 : i32
        %parallel_loop3A_474 = arith.addi %parallel_loop3A_259, %parallel_loop3A_473 : i32
        %parallel_loop3A_475 = arith.index_cast %parallel_loop3A_474 : i32 to index
        %parallel_loop3A_476 = arith.constant 0 : index
        %parallel_loop3A_477 = tpu.vector_load %arg15[%parallel_loop3A_475, %parallel_loop3A_476] {strides = array<i32>} : memref<1024x32xf32, #tpu.memory_space<vmem>>, vector<1x16xf32>,
        %parallel_loop3A_478 = vector.shape_cast %parallel_loop3A_477 : vector<1x16xf32> to vector<16xf32>
        %parallel_loop3A_479 = vector.shape_cast %parallel_loop3A_472 : vector<16xf32> to vector<1x16xf32>
        tpu.vector_store %arg15[%parallel_loop3A_475, %parallel_loop3A_476], %parallel_loop3A_479 {strides = array<i32>} : memref<1024x32xf32, #tpu.memory_space<vmem>>, vector<1x16xf32>,
        %parallel_loop3A_480 = arith.mulf %parallel_loop3A_472, %parallel_loop3A_472 : vector<16xf32>
        %parallel_loop3A_481 = arith.constant 8 : i32
        %parallel_loop3A_482 = arith.addi %parallel_loop3A_259, %parallel_loop3A_481 : i32
        %parallel_loop3A_483 = arith.index_cast %parallel_loop3A_482 : i32 to index
        %parallel_loop3A_484 = arith.constant 16 : index
        %parallel_loop3A_485 = tpu.vector_load %arg15[%parallel_loop3A_483, %parallel_loop3A_484] {strides = array<i32>} : memref<1024x32xf32, #tpu.memory_space<vmem>>, vector<1x16xf32>,
        %parallel_loop3A_486 = vector.shape_cast %parallel_loop3A_485 : vector<1x16xf32> to vector<16xf32>
        %parallel_loop3A_487 = vector.shape_cast %parallel_loop3A_480 : vector<16xf32> to vector<1x16xf32>
        tpu.vector_store %arg15[%parallel_loop3A_483, %parallel_loop3A_484], %parallel_loop3A_487 {strides = array<i32>} : memref<1024x32xf32, #tpu.memory_space<vmem>>, vector<1x16xf32>,
        %parallel_loop3A_488 = arith.constant 9 : i32
        %parallel_loop3A_489 = arith.addi %parallel_loop3A_259, %parallel_loop3A_488 : i32
        %parallel_loop3A_490 = arith.index_cast %parallel_loop3A_489 : i32 to index
        %parallel_loop3A_491 = arith.constant 0 : index
        %parallel_loop3A_492 = tpu.vector_load %arg13[%parallel_loop3A_490, %parallel_loop3A_491] {strides = array<i32>} : memref<1024x16xf32, #tpu.memory_space<vmem>>, vector<1x16xf32>,
        %parallel_loop3A_493 = vector.shape_cast %parallel_loop3A_492 : vector<1x16xf32> to vector<16xf32>
        %parallel_loop3A_494 = vector.extract_strided_slice %parallel_loop3A_262 {offsets = [9], sizes = [1], strides = [1]} : vector<16xf32> to vector<1xf32>
        %parallel_loop3A_495 = vector.extract %parallel_loop3A_494[0] : f32 from vector<1xf32>
        %parallel_loop3A_496 = vector.broadcast %parallel_loop3A_495 : f32 to vector<16xf32>
        %parallel_loop3A_497 = arith.mulf %parallel_loop3A_493, %parallel_loop3A_496 : vector<16xf32>
        %parallel_loop3A_498 = arith.constant 9 : i32
        %parallel_loop3A_499 = arith.addi %parallel_loop3A_259, %parallel_loop3A_498 : i32
        %parallel_loop3A_500 = arith.index_cast %parallel_loop3A_499 : i32 to index
        %parallel_loop3A_501 = arith.constant 0 : index
        %parallel_loop3A_502 = tpu.vector_load %arg15[%parallel_loop3A_500, %parallel_loop3A_501] {strides = array<i32>} : memref<1024x32xf32, #tpu.memory_space<vmem>>, vector<1x16xf32>,
        %parallel_loop3A_503 = vector.shape_cast %parallel_loop3A_502 : vector<1x16xf32> to vector<16xf32>
        %parallel_loop3A_504 = vector.shape_cast %parallel_loop3A_497 : vector<16xf32> to vector<1x16xf32>
        tpu.vector_store %arg15[%parallel_loop3A_500, %parallel_loop3A_501], %parallel_loop3A_504 {strides = array<i32>} : memref<1024x32xf32, #tpu.memory_space<vmem>>, vector<1x16xf32>,
        %parallel_loop3A_505 = arith.mulf %parallel_loop3A_497, %parallel_loop3A_497 : vector<16xf32>
        %parallel_loop3A_506 = arith.constant 9 : i32
        %parallel_loop3A_507 = arith.addi %parallel_loop3A_259, %parallel_loop3A_506 : i32
        %parallel_loop3A_508 = arith.index_cast %parallel_loop3A_507 : i32 to index
        %parallel_loop3A_509 = arith.constant 16 : index
        %parallel_loop3A_510 = tpu.vector_load %arg15[%parallel_loop3A_508, %parallel_loop3A_509] {strides = array<i32>} : memref<1024x32xf32, #tpu.memory_space<vmem>>, vector<1x16xf32>,
        %parallel_loop3A_511 = vector.shape_cast %parallel_loop3A_510 : vector<1x16xf32> to vector<16xf32>
        %parallel_loop3A_512 = vector.shape_cast %parallel_loop3A_505 : vector<16xf32> to vector<1x16xf32>
        tpu.vector_store %arg15[%parallel_loop3A_508, %parallel_loop3A_509], %parallel_loop3A_512 {strides = array<i32>} : memref<1024x32xf32, #tpu.memory_space<vmem>>, vector<1x16xf32>,
        %parallel_loop3A_513 = arith.constant 10 : i32
        %parallel_loop3A_514 = arith.addi %parallel_loop3A_259, %parallel_loop3A_513 : i32
        %parallel_loop3A_515 = arith.index_cast %parallel_loop3A_514 : i32 to index
        %parallel_loop3A_516 = arith.constant 0 : index
        %parallel_loop3A_517 = tpu.vector_load %arg13[%parallel_loop3A_515, %parallel_loop3A_516] {strides = array<i32>} : memref<1024x16xf32, #tpu.memory_space<vmem>>, vector<1x16xf32>,
        %parallel_loop3A_518 = vector.shape_cast %parallel_loop3A_517 : vector<1x16xf32> to vector<16xf32>
        %parallel_loop3A_519 = vector.extract_strided_slice %parallel_loop3A_262 {offsets = [10], sizes = [1], strides = [1]} : vector<16xf32> to vector<1xf32>
        %parallel_loop3A_520 = vector.extract %parallel_loop3A_519[0] : f32 from vector<1xf32>
        %parallel_loop3A_521 = vector.broadcast %parallel_loop3A_520 : f32 to vector<16xf32>
        %parallel_loop3A_522 = arith.mulf %parallel_loop3A_518, %parallel_loop3A_521 : vector<16xf32>
        %parallel_loop3A_523 = arith.constant 10 : i32
        %parallel_loop3A_524 = arith.addi %parallel_loop3A_259, %parallel_loop3A_523 : i32
        %parallel_loop3A_525 = arith.index_cast %parallel_loop3A_524 : i32 to index
        %parallel_loop3A_526 = arith.constant 0 : index
        %parallel_loop3A_527 = tpu.vector_load %arg15[%parallel_loop3A_525, %parallel_loop3A_526] {strides = array<i32>} : memref<1024x32xf32, #tpu.memory_space<vmem>>, vector<1x16xf32>,
        %parallel_loop3A_528 = vector.shape_cast %parallel_loop3A_527 : vector<1x16xf32> to vector<16xf32>
        %parallel_loop3A_529 = vector.shape_cast %parallel_loop3A_522 : vector<16xf32> to vector<1x16xf32>
        tpu.vector_store %arg15[%parallel_loop3A_525, %parallel_loop3A_526], %parallel_loop3A_529 {strides = array<i32>} : memref<1024x32xf32, #tpu.memory_space<vmem>>, vector<1x16xf32>,
        %parallel_loop3A_530 = arith.mulf %parallel_loop3A_522, %parallel_loop3A_522 : vector<16xf32>
        %parallel_loop3A_531 = arith.constant 10 : i32
        %parallel_loop3A_532 = arith.addi %parallel_loop3A_259, %parallel_loop3A_531 : i32
        %parallel_loop3A_533 = arith.index_cast %parallel_loop3A_532 : i32 to index
        %parallel_loop3A_534 = arith.constant 16 : index
        %parallel_loop3A_535 = tpu.vector_load %arg15[%parallel_loop3A_533, %parallel_loop3A_534] {strides = array<i32>} : memref<1024x32xf32, #tpu.memory_space<vmem>>, vector<1x16xf32>,
        %parallel_loop3A_536 = vector.shape_cast %parallel_loop3A_535 : vector<1x16xf32> to vector<16xf32>
        %parallel_loop3A_537 = vector.shape_cast %parallel_loop3A_530 : vector<16xf32> to vector<1x16xf32>
        tpu.vector_store %arg15[%parallel_loop3A_533, %parallel_loop3A_534], %parallel_loop3A_537 {strides = array<i32>} : memref<1024x32xf32, #tpu.memory_space<vmem>>, vector<1x16xf32>,
        %parallel_loop3A_538 = arith.constant 11 : i32
        %parallel_loop3A_539 = arith.addi %parallel_loop3A_259, %parallel_loop3A_538 : i32
        %parallel_loop3A_540 = arith.index_cast %parallel_loop3A_539 : i32 to index
        %parallel_loop3A_541 = arith.constant 0 : index
        %parallel_loop3A_542 = tpu.vector_load %arg13[%parallel_loop3A_540, %parallel_loop3A_541] {strides = array<i32>} : memref<1024x16xf32, #tpu.memory_space<vmem>>, vector<1x16xf32>,
        %parallel_loop3A_543 = vector.shape_cast %parallel_loop3A_542 : vector<1x16xf32> to vector<16xf32>
        %parallel_loop3A_544 = vector.extract_strided_slice %parallel_loop3A_262 {offsets = [11], sizes = [1], strides = [1]} : vector<16xf32> to vector<1xf32>
        %parallel_loop3A_545 = vector.extract %parallel_loop3A_544[0] : f32 from vector<1xf32>
        %parallel_loop3A_546 = vector.broadcast %parallel_loop3A_545 : f32 to vector<16xf32>
        %parallel_loop3A_547 = arith.mulf %parallel_loop3A_543, %parallel_loop3A_546 : vector<16xf32>
        %parallel_loop3A_548 = arith.constant 11 : i32
        %parallel_loop3A_549 = arith.addi %parallel_loop3A_259, %parallel_loop3A_548 : i32
        %parallel_loop3A_550 = arith.index_cast %parallel_loop3A_549 : i32 to index
        %parallel_loop3A_551 = arith.constant 0 : index
        %parallel_loop3A_552 = tpu.vector_load %arg15[%parallel_loop3A_550, %parallel_loop3A_551] {strides = array<i32>} : memref<1024x32xf32, #tpu.memory_space<vmem>>, vector<1x16xf32>,
        %parallel_loop3A_553 = vector.shape_cast %parallel_loop3A_552 : vector<1x16xf32> to vector<16xf32>
        %parallel_loop3A_554 = vector.shape_cast %parallel_loop3A_547 : vector<16xf32> to vector<1x16xf32>
        tpu.vector_store %arg15[%parallel_loop3A_550, %parallel_loop3A_551], %parallel_loop3A_554 {strides = array<i32>} : memref<1024x32xf32, #tpu.memory_space<vmem>>, vector<1x16xf32>,
        %parallel_loop3A_555 = arith.mulf %parallel_loop3A_547, %parallel_loop3A_547 : vector<16xf32>
        %parallel_loop3A_556 = arith.constant 11 : i32
        %parallel_loop3A_557 = arith.addi %parallel_loop3A_259, %parallel_loop3A_556 : i32
        %parallel_loop3A_558 = arith.index_cast %parallel_loop3A_557 : i32 to index
        %parallel_loop3A_559 = arith.constant 16 : index
        %parallel_loop3A_560 = tpu.vector_load %arg15[%parallel_loop3A_558, %parallel_loop3A_559] {strides = array<i32>} : memref<1024x32xf32, #tpu.memory_space<vmem>>, vector<1x16xf32>,
        %parallel_loop3A_561 = vector.shape_cast %parallel_loop3A_560 : vector<1x16xf32> to vector<16xf32>
        %parallel_loop3A_562 = vector.shape_cast %parallel_loop3A_555 : vector<16xf32> to vector<1x16xf32>
        tpu.vector_store %arg15[%parallel_loop3A_558, %parallel_loop3A_559], %parallel_loop3A_562 {strides = array<i32>} : memref<1024x32xf32, #tpu.memory_space<vmem>>, vector<1x16xf32>,
        %parallel_loop3A_563 = arith.constant 12 : i32
        %parallel_loop3A_564 = arith.addi %parallel_loop3A_259, %parallel_loop3A_563 : i32
        %parallel_loop3A_565 = arith.index_cast %parallel_loop3A_564 : i32 to index
        %parallel_loop3A_566 = arith.constant 0 : index
        %parallel_loop3A_567 = tpu.vector_load %arg13[%parallel_loop3A_565, %parallel_loop3A_566] {strides = array<i32>} : memref<1024x16xf32, #tpu.memory_space<vmem>>, vector<1x16xf32>,
        %parallel_loop3A_568 = vector.shape_cast %parallel_loop3A_567 : vector<1x16xf32> to vector<16xf32>
        %parallel_loop3A_569 = vector.extract_strided_slice %parallel_loop3A_262 {offsets = [12], sizes = [1], strides = [1]} : vector<16xf32> to vector<1xf32>
        %parallel_loop3A_570 = vector.extract %parallel_loop3A_569[0] : f32 from vector<1xf32>
        %parallel_loop3A_571 = vector.broadcast %parallel_loop3A_570 : f32 to vector<16xf32>
        %parallel_loop3A_572 = arith.mulf %parallel_loop3A_568, %parallel_loop3A_571 : vector<16xf32>
        %parallel_loop3A_573 = arith.constant 12 : i32
        %parallel_loop3A_574 = arith.addi %parallel_loop3A_259, %parallel_loop3A_573 : i32
        %parallel_loop3A_575 = arith.index_cast %parallel_loop3A_574 : i32 to index
        %parallel_loop3A_576 = arith.constant 0 : index
        %parallel_loop3A_577 = tpu.vector_load %arg15[%parallel_loop3A_575, %parallel_loop3A_576] {strides = array<i32>} : memref<1024x32xf32, #tpu.memory_space<vmem>>, vector<1x16xf32>,
        %parallel_loop3A_578 = vector.shape_cast %parallel_loop3A_577 : vector<1x16xf32> to vector<16xf32>
        %parallel_loop3A_579 = vector.shape_cast %parallel_loop3A_572 : vector<16xf32> to vector<1x16xf32>
        tpu.vector_store %arg15[%parallel_loop3A_575, %parallel_loop3A_576], %parallel_loop3A_579 {strides = array<i32>} : memref<1024x32xf32, #tpu.memory_space<vmem>>, vector<1x16xf32>,
        %parallel_loop3A_580 = arith.mulf %parallel_loop3A_572, %parallel_loop3A_572 : vector<16xf32>
        %parallel_loop3A_581 = arith.constant 12 : i32
        %parallel_loop3A_582 = arith.addi %parallel_loop3A_259, %parallel_loop3A_581 : i32
        %parallel_loop3A_583 = arith.index_cast %parallel_loop3A_582 : i32 to index
        %parallel_loop3A_584 = arith.constant 16 : index
        %parallel_loop3A_585 = tpu.vector_load %arg15[%parallel_loop3A_583, %parallel_loop3A_584] {strides = array<i32>} : memref<1024x32xf32, #tpu.memory_space<vmem>>, vector<1x16xf32>,
        %parallel_loop3A_586 = vector.shape_cast %parallel_loop3A_585 : vector<1x16xf32> to vector<16xf32>
        %parallel_loop3A_587 = vector.shape_cast %parallel_loop3A_580 : vector<16xf32> to vector<1x16xf32>
        tpu.vector_store %arg15[%parallel_loop3A_583, %parallel_loop3A_584], %parallel_loop3A_587 {strides = array<i32>} : memref<1024x32xf32, #tpu.memory_space<vmem>>, vector<1x16xf32>,
        %parallel_loop3A_588 = arith.constant 13 : i32
        %parallel_loop3A_589 = arith.addi %parallel_loop3A_259, %parallel_loop3A_588 : i32
        %parallel_loop3A_590 = arith.index_cast %parallel_loop3A_589 : i32 to index
        %parallel_loop3A_591 = arith.constant 0 : index
        %parallel_loop3A_592 = tpu.vector_load %arg13[%parallel_loop3A_590, %parallel_loop3A_591] {strides = array<i32>} : memref<1024x16xf32, #tpu.memory_space<vmem>>, vector<1x16xf32>,
        %parallel_loop3A_593 = vector.shape_cast %parallel_loop3A_592 : vector<1x16xf32> to vector<16xf32>
        %parallel_loop3A_594 = vector.extract_strided_slice %parallel_loop3A_262 {offsets = [13], sizes = [1], strides = [1]} : vector<16xf32> to vector<1xf32>
        %parallel_loop3A_595 = vector.extract %parallel_loop3A_594[0] : f32 from vector<1xf32>
        %parallel_loop3A_596 = vector.broadcast %parallel_loop3A_595 : f32 to vector<16xf32>
        %parallel_loop3A_597 = arith.mulf %parallel_loop3A_593, %parallel_loop3A_596 : vector<16xf32>
        %parallel_loop3A_598 = arith.constant 13 : i32
        %parallel_loop3A_599 = arith.addi %parallel_loop3A_259, %parallel_loop3A_598 : i32
        %parallel_loop3A_600 = arith.index_cast %parallel_loop3A_599 : i32 to index
        %parallel_loop3A_601 = arith.constant 0 : index
        %parallel_loop3A_602 = tpu.vector_load %arg15[%parallel_loop3A_600, %parallel_loop3A_601] {strides = array<i32>} : memref<1024x32xf32, #tpu.memory_space<vmem>>, vector<1x16xf32>,
        %parallel_loop3A_603 = vector.shape_cast %parallel_loop3A_602 : vector<1x16xf32> to vector<16xf32>
        %parallel_loop3A_604 = vector.shape_cast %parallel_loop3A_597 : vector<16xf32> to vector<1x16xf32>
        tpu.vector_store %arg15[%parallel_loop3A_600, %parallel_loop3A_601], %parallel_loop3A_604 {strides = array<i32>} : memref<1024x32xf32, #tpu.memory_space<vmem>>, vector<1x16xf32>,
        %parallel_loop3A_605 = arith.mulf %parallel_loop3A_597, %parallel_loop3A_597 : vector<16xf32>
        %parallel_loop3A_606 = arith.constant 13 : i32
        %parallel_loop3A_607 = arith.addi %parallel_loop3A_259, %parallel_loop3A_606 : i32
        %parallel_loop3A_608 = arith.index_cast %parallel_loop3A_607 : i32 to index
        %parallel_loop3A_609 = arith.constant 16 : index
        %parallel_loop3A_610 = tpu.vector_load %arg15[%parallel_loop3A_608, %parallel_loop3A_609] {strides = array<i32>} : memref<1024x32xf32, #tpu.memory_space<vmem>>, vector<1x16xf32>,
        %parallel_loop3A_611 = vector.shape_cast %parallel_loop3A_610 : vector<1x16xf32> to vector<16xf32>
        %parallel_loop3A_612 = vector.shape_cast %parallel_loop3A_605 : vector<16xf32> to vector<1x16xf32>
        tpu.vector_store %arg15[%parallel_loop3A_608, %parallel_loop3A_609], %parallel_loop3A_612 {strides = array<i32>} : memref<1024x32xf32, #tpu.memory_space<vmem>>, vector<1x16xf32>,
        %parallel_loop3A_613 = arith.constant 14 : i32
        %parallel_loop3A_614 = arith.addi %parallel_loop3A_259, %parallel_loop3A_613 : i32
        %parallel_loop3A_615 = arith.index_cast %parallel_loop3A_614 : i32 to index
        %parallel_loop3A_616 = arith.constant 0 : index
        %parallel_loop3A_617 = tpu.vector_load %arg13[%parallel_loop3A_615, %parallel_loop3A_616] {strides = array<i32>} : memref<1024x16xf32, #tpu.memory_space<vmem>>, vector<1x16xf32>,
        %parallel_loop3A_618 = vector.shape_cast %parallel_loop3A_617 : vector<1x16xf32> to vector<16xf32>
        %parallel_loop3A_619 = vector.extract_strided_slice %parallel_loop3A_262 {offsets = [14], sizes = [1], strides = [1]} : vector<16xf32> to vector<1xf32>
        %parallel_loop3A_620 = vector.extract %parallel_loop3A_619[0] : f32 from vector<1xf32>
        %parallel_loop3A_621 = vector.broadcast %parallel_loop3A_620 : f32 to vector<16xf32>
        %parallel_loop3A_622 = arith.mulf %parallel_loop3A_618, %parallel_loop3A_621 : vector<16xf32>
        %parallel_loop3A_623 = arith.constant 14 : i32
        %parallel_loop3A_624 = arith.addi %parallel_loop3A_259, %parallel_loop3A_623 : i32
        %parallel_loop3A_625 = arith.index_cast %parallel_loop3A_624 : i32 to index
        %parallel_loop3A_626 = arith.constant 0 : index
        %parallel_loop3A_627 = tpu.vector_load %arg15[%parallel_loop3A_625, %parallel_loop3A_626] {strides = array<i32>} : memref<1024x32xf32, #tpu.memory_space<vmem>>, vector<1x16xf32>,
        %parallel_loop3A_628 = vector.shape_cast %parallel_loop3A_627 : vector<1x16xf32> to vector<16xf32>
        %parallel_loop3A_629 = vector.shape_cast %parallel_loop3A_622 : vector<16xf32> to vector<1x16xf32>
        tpu.vector_store %arg15[%parallel_loop3A_625, %parallel_loop3A_626], %parallel_loop3A_629 {strides = array<i32>} : memref<1024x32xf32, #tpu.memory_space<vmem>>, vector<1x16xf32>,
        %parallel_loop3A_630 = arith.mulf %parallel_loop3A_622, %parallel_loop3A_622 : vector<16xf32>
        %parallel_loop3A_631 = arith.constant 14 : i32
        %parallel_loop3A_632 = arith.addi %parallel_loop3A_259, %parallel_loop3A_631 : i32
        %parallel_loop3A_633 = arith.index_cast %parallel_loop3A_632 : i32 to index
        %parallel_loop3A_634 = arith.constant 16 : index
        %parallel_loop3A_635 = tpu.vector_load %arg15[%parallel_loop3A_633, %parallel_loop3A_634] {strides = array<i32>} : memref<1024x32xf32, #tpu.memory_space<vmem>>, vector<1x16xf32>,
        %parallel_loop3A_636 = vector.shape_cast %parallel_loop3A_635 : vector<1x16xf32> to vector<16xf32>
        %parallel_loop3A_637 = vector.shape_cast %parallel_loop3A_630 : vector<16xf32> to vector<1x16xf32>
        tpu.vector_store %arg15[%parallel_loop3A_633, %parallel_loop3A_634], %parallel_loop3A_637 {strides = array<i32>} : memref<1024x32xf32, #tpu.memory_space<vmem>>, vector<1x16xf32>,
        %parallel_loop3A_638 = arith.constant 15 : i32
        %parallel_loop3A_639 = arith.addi %parallel_loop3A_259, %parallel_loop3A_638 : i32
        %parallel_loop3A_640 = arith.index_cast %parallel_loop3A_639 : i32 to index
        %parallel_loop3A_641 = arith.constant 0 : index
        %parallel_loop3A_642 = tpu.vector_load %arg13[%parallel_loop3A_640, %parallel_loop3A_641] {strides = array<i32>} : memref<1024x16xf32, #tpu.memory_space<vmem>>, vector<1x16xf32>,
        %parallel_loop3A_643 = vector.shape_cast %parallel_loop3A_642 : vector<1x16xf32> to vector<16xf32>
        %parallel_loop3A_644 = vector.extract_strided_slice %parallel_loop3A_262 {offsets = [15], sizes = [1], strides = [1]} : vector<16xf32> to vector<1xf32>
        %parallel_loop3A_645 = vector.extract %parallel_loop3A_644[0] : f32 from vector<1xf32>
        %parallel_loop3A_646 = vector.broadcast %parallel_loop3A_645 : f32 to vector<16xf32>
        %parallel_loop3A_647 = arith.mulf %parallel_loop3A_643, %parallel_loop3A_646 : vector<16xf32>
        %parallel_loop3A_648 = arith.constant 15 : i32
        %parallel_loop3A_649 = arith.addi %parallel_loop3A_259, %parallel_loop3A_648 : i32
        %parallel_loop3A_650 = arith.index_cast %parallel_loop3A_649 : i32 to index
        %parallel_loop3A_651 = arith.constant 0 : index
        %parallel_loop3A_652 = tpu.vector_load %arg15[%parallel_loop3A_650, %parallel_loop3A_651] {strides = array<i32>} : memref<1024x32xf32, #tpu.memory_space<vmem>>, vector<1x16xf32>,
        %parallel_loop3A_653 = vector.shape_cast %parallel_loop3A_652 : vector<1x16xf32> to vector<16xf32>
        %parallel_loop3A_654 = vector.shape_cast %parallel_loop3A_647 : vector<16xf32> to vector<1x16xf32>
        tpu.vector_store %arg15[%parallel_loop3A_650, %parallel_loop3A_651], %parallel_loop3A_654 {strides = array<i32>} : memref<1024x32xf32, #tpu.memory_space<vmem>>, vector<1x16xf32>,
        %parallel_loop3A_655 = arith.mulf %parallel_loop3A_647, %parallel_loop3A_647 : vector<16xf32>
        %parallel_loop3A_656 = arith.constant 15 : i32
        %parallel_loop3A_657 = arith.addi %parallel_loop3A_259, %parallel_loop3A_656 : i32
        %parallel_loop3A_658 = arith.index_cast %parallel_loop3A_657 : i32 to index
        %parallel_loop3A_659 = arith.constant 16 : index
        %parallel_loop3A_660 = tpu.vector_load %arg15[%parallel_loop3A_658, %parallel_loop3A_659] {strides = array<i32>} : memref<1024x32xf32, #tpu.memory_space<vmem>>, vector<1x16xf32>,
        %parallel_loop3A_661 = vector.shape_cast %parallel_loop3A_660 : vector<1x16xf32> to vector<16xf32>
        %parallel_loop3A_662 = vector.shape_cast %parallel_loop3A_655 : vector<16xf32> to vector<1x16xf32>
        tpu.vector_store %arg15[%parallel_loop3A_658, %parallel_loop3A_659], %parallel_loop3A_662 {strides = array<i32>} : memref<1024x32xf32, #tpu.memory_space<vmem>>, vector<1x16xf32>,
      } {sc.loop_unroll_factor = 4 : i64, sc.parallel_access}
      "tpu.region"() ({
        %run_scoped3A = tpu.sem_alloc : memref<!tpu.dma_semaphore, #tpu.memory_space<semaphore_mem>>
        %dma_start3A_257 = arith.constant 0 : i32
        %dma_start3A_258 = arith.constant 0 : i32
        %dma_start3A_259 = tpu.memref_slice %arg15[%dma_start3A_257, %dma_start3A_258] : memref<1024x32xf32, #tpu.memory_space<vmem>> -> memref<128x32xf32, #tpu.memory_space<vmem>>
        %dma_start3A_260 = arith.constant 0 : i32
        %dma_start3A_261 = tpu.memref_slice %arg11[%dma_start3A_260] : memref<1024xi32, #tpu.memory_space<vmem>> -> memref<128xi32, #tpu.memory_space<vmem>>
        %dma_start3A_262 = arith.constant 0 : i32
        %dma_start3A_263 = arith.constant 0 : i32
        %dma_start3A_264 = tpu.memref_slice %arg16[%dma_start3A_262, %dma_start3A_263] : memref<16384x32xf32, #tpu.memory_space<vmem_shared>> -> memref<16384x32xf32, #tpu.memory_space<vmem_shared>>
        tpu.enqueue_indirect_dma source(%dma_start3A_259 : memref<128x32xf32, #tpu.memory_space<vmem>>) target(%dma_start3A_264 : memref<16384x32xf32, #tpu.memory_space<vmem_shared>>) offsets(%dma_start3A_261 : memref<128xi32, #tpu.memory_space<vmem>>) semaphore(%run_scoped3A : memref<!tpu.dma_semaphore, #tpu.memory_space<semaphore_mem>>) {add = true}
        %dma_wait3A_265 = arith.constant 0 : i32
        %dma_wait3A_266 = arith.constant 0 : i32
        %dma_wait3A_267 = tpu.memref_slice %arg15[%dma_wait3A_265, %dma_wait3A_266] : memref<1024x32xf32, #tpu.memory_space<vmem>> -> memref<128x32xf32, #tpu.memory_space<vmem>>
        %dma_wait3A_268 = arith.constant 0 : i32
        %dma_wait3A_269 = tpu.memref_slice %arg11[%dma_wait3A_268] : memref<1024xi32, #tpu.memory_space<vmem>> -> memref<128xi32, #tpu.memory_space<vmem>>
        %dma_wait3A_270 = arith.constant 0 : i32
        %dma_wait3A_271 = arith.constant 0 : i32
        %dma_wait3A_272 = tpu.memref_slice %arg16[%dma_wait3A_270, %dma_wait3A_271] : memref<16384x32xf32, #tpu.memory_space<vmem_shared>> -> memref<16384x32xf32, #tpu.memory_space<vmem_shared>>
        tpu.wait_indirect_dma semaphore(%run_scoped3A : memref<!tpu.dma_semaphore, #tpu.memory_space<semaphore_mem>>) src(%dma_wait3A_267 : memref<128x32xf32, #tpu.memory_space<vmem>>) dst(%dma_wait3A_272 : memref<16384x32xf32, #tpu.memory_space<vmem_shared>>)
        tpu.yield
      }) : () -> ()
      "tpu.region"() ({
        %run_scoped3A = tpu.sem_alloc : memref<!tpu.dma_semaphore, #tpu.memory_space<semaphore_mem>>
        %dma_start3A_257 = arith.constant 128 : i32
        %dma_start3A_258 = arith.constant 0 : i32
        %dma_start3A_259 = tpu.memref_slice %arg15[%dma_start3A_257, %dma_start3A_258] : memref<1024x32xf32, #tpu.memory_space<vmem>> -> memref<128x32xf32, #tpu.memory_space<vmem>>
        %dma_start3A_260 = arith.constant 128 : i32
        %dma_start3A_261 = tpu.memref_slice %arg11[%dma_start3A_260] : memref<1024xi32, #tpu.memory_space<vmem>> -> memref<128xi32, #tpu.memory_space<vmem>>
        %dma_start3A_262 = arith.constant 0 : i32
        %dma_start3A_263 = arith.constant 0 : i32
        %dma_start3A_264 = tpu.memref_slice %arg16[%dma_start3A_262, %dma_start3A_263] : memref<16384x32xf32, #tpu.memory_space<vmem_shared>> -> memref<16384x32xf32, #tpu.memory_space<vmem_shared>>
        tpu.enqueue_indirect_dma source(%dma_start3A_259 : memref<128x32xf32, #tpu.memory_space<vmem>>) target(%dma_start3A_264 : memref<16384x32xf32, #tpu.memory_space<vmem_shared>>) offsets(%dma_start3A_261 : memref<128xi32, #tpu.memory_space<vmem>>) semaphore(%run_scoped3A : memref<!tpu.dma_semaphore, #tpu.memory_space<semaphore_mem>>) {add = true}
        %dma_wait3A_265 = arith.constant 128 : i32
        %dma_wait3A_266 = arith.constant 0 : i32
        %dma_wait3A_267 = tpu.memref_slice %arg15[%dma_wait3A_265, %dma_wait3A_266] : memref<1024x32xf32, #tpu.memory_space<vmem>> -> memref<128x32xf32, #tpu.memory_space<vmem>>
        %dma_wait3A_268 = arith.constant 128 : i32
        %dma_wait3A_269 = tpu.memref_slice %arg11[%dma_wait3A_268] : memref<1024xi32, #tpu.memory_space<vmem>> -> memref<128xi32, #tpu.memory_space<vmem>>
        %dma_wait3A_270 = arith.constant 0 : i32
        %dma_wait3A_271 = arith.constant 0 : i32
        %dma_wait3A_272 = tpu.memref_slice %arg16[%dma_wait3A_270, %dma_wait3A_271] : memref<16384x32xf32, #tpu.memory_space<vmem_shared>> -> memref<16384x32xf32, #tpu.memory_space<vmem_shared>>
        tpu.wait_indirect_dma semaphore(%run_scoped3A : memref<!tpu.dma_semaphore, #tpu.memory_space<semaphore_mem>>) src(%dma_wait3A_267 : memref<128x32xf32, #tpu.memory_space<vmem>>) dst(%dma_wait3A_272 : memref<16384x32xf32, #tpu.memory_space<vmem_shared>>)
        tpu.yield
      }) : () -> ()
      "tpu.region"() ({
        %run_scoped3A = tpu.sem_alloc : memref<!tpu.dma_semaphore, #tpu.memory_space<semaphore_mem>>
        %dma_start3A_257 = arith.constant 256 : i32
        %dma_start3A_258 = arith.constant 0 : i32
        %dma_start3A_259 = tpu.memref_slice %arg15[%dma_start3A_257, %dma_start3A_258] : memref<1024x32xf32, #tpu.memory_space<vmem>> -> memref<128x32xf32, #tpu.memory_space<vmem>>
        %dma_start3A_260 = arith.constant 256 : i32
        %dma_start3A_261 = tpu.memref_slice %arg11[%dma_start3A_260] : memref<1024xi32, #tpu.memory_space<vmem>> -> memref<128xi32, #tpu.memory_space<vmem>>
        %dma_start3A_262 = arith.constant 0 : i32
        %dma_start3A_263 = arith.constant 0 : i32
        %dma_start3A_264 = tpu.memref_slice %arg16[%dma_start3A_262, %dma_start3A_263] : memref<16384x32xf32, #tpu.memory_space<vmem_shared>> -> memref<16384x32xf32, #tpu.memory_space<vmem_shared>>
        tpu.enqueue_indirect_dma source(%dma_start3A_259 : memref<128x32xf32, #tpu.memory_space<vmem>>) target(%dma_start3A_264 : memref<16384x32xf32, #tpu.memory_space<vmem_shared>>) offsets(%dma_start3A_261 : memref<128xi32, #tpu.memory_space<vmem>>) semaphore(%run_scoped3A : memref<!tpu.dma_semaphore, #tpu.memory_space<semaphore_mem>>) {add = true}
        %dma_wait3A_265 = arith.constant 256 : i32
        %dma_wait3A_266 = arith.constant 0 : i32
        %dma_wait3A_267 = tpu.memref_slice %arg15[%dma_wait3A_265, %dma_wait3A_266] : memref<1024x32xf32, #tpu.memory_space<vmem>> -> memref<128x32xf32, #tpu.memory_space<vmem>>
        %dma_wait3A_268 = arith.constant 256 : i32
        %dma_wait3A_269 = tpu.memref_slice %arg11[%dma_wait3A_268] : memref<1024xi32, #tpu.memory_space<vmem>> -> memref<128xi32, #tpu.memory_space<vmem>>
        %dma_wait3A_270 = arith.constant 0 : i32
        %dma_wait3A_271 = arith.constant 0 : i32
        %dma_wait3A_272 = tpu.memref_slice %arg16[%dma_wait3A_270, %dma_wait3A_271] : memref<16384x32xf32, #tpu.memory_space<vmem_shared>> -> memref<16384x32xf32, #tpu.memory_space<vmem_shared>>
        tpu.wait_indirect_dma semaphore(%run_scoped3A : memref<!tpu.dma_semaphore, #tpu.memory_space<semaphore_mem>>) src(%dma_wait3A_267 : memref<128x32xf32, #tpu.memory_space<vmem>>) dst(%dma_wait3A_272 : memref<16384x32xf32, #tpu.memory_space<vmem_shared>>)
        tpu.yield
      }) : () -> ()
      "tpu.region"() ({
        %run_scoped3A = tpu.sem_alloc : memref<!tpu.dma_semaphore, #tpu.memory_space<semaphore_mem>>
        %dma_start3A_257 = arith.constant 384 : i32
        %dma_start3A_258 = arith.constant 0 : i32
        %dma_start3A_259 = tpu.memref_slice %arg15[%dma_start3A_257, %dma_start3A_258] : memref<1024x32xf32, #tpu.memory_space<vmem>> -> memref<128x32xf32, #tpu.memory_space<vmem>>
        %dma_start3A_260 = arith.constant 384 : i32
        %dma_start3A_261 = tpu.memref_slice %arg11[%dma_start3A_260] : memref<1024xi32, #tpu.memory_space<vmem>> -> memref<128xi32, #tpu.memory_space<vmem>>
        %dma_start3A_262 = arith.constant 0 : i32
        %dma_start3A_263 = arith.constant 0 : i32
        %dma_start3A_264 = tpu.memref_slice %arg16[%dma_start3A_262, %dma_start3A_263] : memref<16384x32xf32, #tpu.memory_space<vmem_shared>> -> memref<16384x32xf32, #tpu.memory_space<vmem_shared>>
        tpu.enqueue_indirect_dma source(%dma_start3A_259 : memref<128x32xf32, #tpu.memory_space<vmem>>) target(%dma_start3A_264 : memref<16384x32xf32, #tpu.memory_space<vmem_shared>>) offsets(%dma_start3A_261 : memref<128xi32, #tpu.memory_space<vmem>>) semaphore(%run_scoped3A : memref<!tpu.dma_semaphore, #tpu.memory_space<semaphore_mem>>) {add = true}
        %dma_wait3A_265 = arith.constant 384 : i32
        %dma_wait3A_266 = arith.constant 0 : i32
        %dma_wait3A_267 = tpu.memref_slice %arg15[%dma_wait3A_265, %dma_wait3A_266] : memref<1024x32xf32, #tpu.memory_space<vmem>> -> memref<128x32xf32, #tpu.memory_space<vmem>>
        %dma_wait3A_268 = arith.constant 384 : i32
        %dma_wait3A_269 = tpu.memref_slice %arg11[%dma_wait3A_268] : memref<1024xi32, #tpu.memory_space<vmem>> -> memref<128xi32, #tpu.memory_space<vmem>>
        %dma_wait3A_270 = arith.constant 0 : i32
        %dma_wait3A_271 = arith.constant 0 : i32
        %dma_wait3A_272 = tpu.memref_slice %arg16[%dma_wait3A_270, %dma_wait3A_271] : memref<16384x32xf32, #tpu.memory_space<vmem_shared>> -> memref<16384x32xf32, #tpu.memory_space<vmem_shared>>
        tpu.wait_indirect_dma semaphore(%run_scoped3A : memref<!tpu.dma_semaphore, #tpu.memory_space<semaphore_mem>>) src(%dma_wait3A_267 : memref<128x32xf32, #tpu.memory_space<vmem>>) dst(%dma_wait3A_272 : memref<16384x32xf32, #tpu.memory_space<vmem_shared>>)
        tpu.yield
      }) : () -> ()
      "tpu.region"() ({
        %run_scoped3A = tpu.sem_alloc : memref<!tpu.dma_semaphore, #tpu.memory_space<semaphore_mem>>
        %dma_start3A_257 = arith.constant 512 : i32
        %dma_start3A_258 = arith.constant 0 : i32
        %dma_start3A_259 = tpu.memref_slice %arg15[%dma_start3A_257, %dma_start3A_258] : memref<1024x32xf32, #tpu.memory_space<vmem>> -> memref<128x32xf32, #tpu.memory_space<vmem>>
        %dma_start3A_260 = arith.constant 512 : i32
        %dma_start3A_261 = tpu.memref_slice %arg11[%dma_start3A_260] : memref<1024xi32, #tpu.memory_space<vmem>> -> memref<128xi32, #tpu.memory_space<vmem>>
        %dma_start3A_262 = arith.constant 0 : i32
        %dma_start3A_263 = arith.constant 0 : i32
        %dma_start3A_264 = tpu.memref_slice %arg16[%dma_start3A_262, %dma_start3A_263] : memref<16384x32xf32, #tpu.memory_space<vmem_shared>> -> memref<16384x32xf32, #tpu.memory_space<vmem_shared>>
        tpu.enqueue_indirect_dma source(%dma_start3A_259 : memref<128x32xf32, #tpu.memory_space<vmem>>) target(%dma_start3A_264 : memref<16384x32xf32, #tpu.memory_space<vmem_shared>>) offsets(%dma_start3A_261 : memref<128xi32, #tpu.memory_space<vmem>>) semaphore(%run_scoped3A : memref<!tpu.dma_semaphore, #tpu.memory_space<semaphore_mem>>) {add = true}
        %dma_wait3A_265 = arith.constant 512 : i32
        %dma_wait3A_266 = arith.constant 0 : i32
        %dma_wait3A_267 = tpu.memref_slice %arg15[%dma_wait3A_265, %dma_wait3A_266] : memref<1024x32xf32, #tpu.memory_space<vmem>> -> memref<128x32xf32, #tpu.memory_space<vmem>>
        %dma_wait3A_268 = arith.constant 512 : i32
        %dma_wait3A_269 = tpu.memref_slice %arg11[%dma_wait3A_268] : memref<1024xi32, #tpu.memory_space<vmem>> -> memref<128xi32, #tpu.memory_space<vmem>>
        %dma_wait3A_270 = arith.constant 0 : i32
        %dma_wait3A_271 = arith.constant 0 : i32
        %dma_wait3A_272 = tpu.memref_slice %arg16[%dma_wait3A_270, %dma_wait3A_271] : memref<16384x32xf32, #tpu.memory_space<vmem_shared>> -> memref<16384x32xf32, #tpu.memory_space<vmem_shared>>
        tpu.wait_indirect_dma semaphore(%run_scoped3A : memref<!tpu.dma_semaphore, #tpu.memory_space<semaphore_mem>>) src(%dma_wait3A_267 : memref<128x32xf32, #tpu.memory_space<vmem>>) dst(%dma_wait3A_272 : memref<16384x32xf32, #tpu.memory_space<vmem_shared>>)
        tpu.yield
      }) : () -> ()
      "tpu.region"() ({
        %run_scoped3A = tpu.sem_alloc : memref<!tpu.dma_semaphore, #tpu.memory_space<semaphore_mem>>
        %dma_start3A_257 = arith.constant 640 : i32
        %dma_start3A_258 = arith.constant 0 : i32
        %dma_start3A_259 = tpu.memref_slice %arg15[%dma_start3A_257, %dma_start3A_258] : memref<1024x32xf32, #tpu.memory_space<vmem>> -> memref<128x32xf32, #tpu.memory_space<vmem>>
        %dma_start3A_260 = arith.constant 640 : i32
        %dma_start3A_261 = tpu.memref_slice %arg11[%dma_start3A_260] : memref<1024xi32, #tpu.memory_space<vmem>> -> memref<128xi32, #tpu.memory_space<vmem>>
        %dma_start3A_262 = arith.constant 0 : i32
        %dma_start3A_263 = arith.constant 0 : i32
        %dma_start3A_264 = tpu.memref_slice %arg16[%dma_start3A_262, %dma_start3A_263] : memref<16384x32xf32, #tpu.memory_space<vmem_shared>> -> memref<16384x32xf32, #tpu.memory_space<vmem_shared>>
        tpu.enqueue_indirect_dma source(%dma_start3A_259 : memref<128x32xf32, #tpu.memory_space<vmem>>) target(%dma_start3A_264 : memref<16384x32xf32, #tpu.memory_space<vmem_shared>>) offsets(%dma_start3A_261 : memref<128xi32, #tpu.memory_space<vmem>>) semaphore(%run_scoped3A : memref<!tpu.dma_semaphore, #tpu.memory_space<semaphore_mem>>) {add = true}
        %dma_wait3A_265 = arith.constant 640 : i32
        %dma_wait3A_266 = arith.constant 0 : i32
        %dma_wait3A_267 = tpu.memref_slice %arg15[%dma_wait3A_265, %dma_wait3A_266] : memref<1024x32xf32, #tpu.memory_space<vmem>> -> memref<128x32xf32, #tpu.memory_space<vmem>>
        %dma_wait3A_268 = arith.constant 640 : i32
        %dma_wait3A_269 = tpu.memref_slice %arg11[%dma_wait3A_268] : memref<1024xi32, #tpu.memory_space<vmem>> -> memref<128xi32, #tpu.memory_space<vmem>>
        %dma_wait3A_270 = arith.constant 0 : i32
        %dma_wait3A_271 = arith.constant 0 : i32
        %dma_wait3A_272 = tpu.memref_slice %arg16[%dma_wait3A_270, %dma_wait3A_271] : memref<16384x32xf32, #tpu.memory_space<vmem_shared>> -> memref<16384x32xf32, #tpu.memory_space<vmem_shared>>
        tpu.wait_indirect_dma semaphore(%run_scoped3A : memref<!tpu.dma_semaphore, #tpu.memory_space<semaphore_mem>>) src(%dma_wait3A_267 : memref<128x32xf32, #tpu.memory_space<vmem>>) dst(%dma_wait3A_272 : memref<16384x32xf32, #tpu.memory_space<vmem_shared>>)
        tpu.yield
      }) : () -> ()
      "tpu.region"() ({
        %run_scoped3A = tpu.sem_alloc : memref<!tpu.dma_semaphore, #tpu.memory_space<semaphore_mem>>
        %dma_start3A_257 = arith.constant 768 : i32
        %dma_start3A_258 = arith.constant 0 : i32
        %dma_start3A_259 = tpu.memref_slice %arg15[%dma_start3A_257, %dma_start3A_258] : memref<1024x32xf32, #tpu.memory_space<vmem>> -> memref<128x32xf32, #tpu.memory_space<vmem>>
        %dma_start3A_260 = arith.constant 768 : i32
        %dma_start3A_261 = tpu.memref_slice %arg11[%dma_start3A_260] : memref<1024xi32, #tpu.memory_space<vmem>> -> memref<128xi32, #tpu.memory_space<vmem>>
        %dma_start3A_262 = arith.constant 0 : i32
        %dma_start3A_263 = arith.constant 0 : i32
        %dma_start3A_264 = tpu.memref_slice %arg16[%dma_start3A_262, %dma_start3A_263] : memref<16384x32xf32, #tpu.memory_space<vmem_shared>> -> memref<16384x32xf32, #tpu.memory_space<vmem_shared>>
        tpu.enqueue_indirect_dma source(%dma_start3A_259 : memref<128x32xf32, #tpu.memory_space<vmem>>) target(%dma_start3A_264 : memref<16384x32xf32, #tpu.memory_space<vmem_shared>>) offsets(%dma_start3A_261 : memref<128xi32, #tpu.memory_space<vmem>>) semaphore(%run_scoped3A : memref<!tpu.dma_semaphore, #tpu.memory_space<semaphore_mem>>) {add = true}
        %dma_wait3A_265 = arith.constant 768 : i32
        %dma_wait3A_266 = arith.constant 0 : i32
        %dma_wait3A_267 = tpu.memref_slice %arg15[%dma_wait3A_265, %dma_wait3A_266] : memref<1024x32xf32, #tpu.memory_space<vmem>> -> memref<128x32xf32, #tpu.memory_space<vmem>>
        %dma_wait3A_268 = arith.constant 768 : i32
        %dma_wait3A_269 = tpu.memref_slice %arg11[%dma_wait3A_268] : memref<1024xi32, #tpu.memory_space<vmem>> -> memref<128xi32, #tpu.memory_space<vmem>>
        %dma_wait3A_270 = arith.constant 0 : i32
        %dma_wait3A_271 = arith.constant 0 : i32
        %dma_wait3A_272 = tpu.memref_slice %arg16[%dma_wait3A_270, %dma_wait3A_271] : memref<16384x32xf32, #tpu.memory_space<vmem_shared>> -> memref<16384x32xf32, #tpu.memory_space<vmem_shared>>
        tpu.wait_indirect_dma semaphore(%run_scoped3A : memref<!tpu.dma_semaphore, #tpu.memory_space<semaphore_mem>>) src(%dma_wait3A_267 : memref<128x32xf32, #tpu.memory_space<vmem>>) dst(%dma_wait3A_272 : memref<16384x32xf32, #tpu.memory_space<vmem_shared>>)
        tpu.yield
      }) : () -> ()
      "tpu.region"() ({
        %run_scoped3A = tpu.sem_alloc : memref<!tpu.dma_semaphore, #tpu.memory_space<semaphore_mem>>
        %dma_start3A_257 = arith.constant 896 : i32
        %dma_start3A_258 = arith.constant 0 : i32
        %dma_start3A_259 = tpu.memref_slice %arg15[%dma_start3A_257, %dma_start3A_258] : memref<1024x32xf32, #tpu.memory_space<vmem>> -> memref<128x32xf32, #tpu.memory_space<vmem>>
        %dma_start3A_260 = arith.constant 896 : i32
        %dma_start3A_261 = tpu.memref_slice %arg11[%dma_start3A_260] : memref<1024xi32, #tpu.memory_space<vmem>> -> memref<128xi32, #tpu.memory_space<vmem>>
        %dma_start3A_262 = arith.constant 0 : i32
        %dma_start3A_263 = arith.constant 0 : i32
        %dma_start3A_264 = tpu.memref_slice %arg16[%dma_start3A_262, %dma_start3A_263] : memref<16384x32xf32, #tpu.memory_space<vmem_shared>> -> memref<16384x32xf32, #tpu.memory_space<vmem_shared>>
        tpu.enqueue_indirect_dma source(%dma_start3A_259 : memref<128x32xf32, #tpu.memory_space<vmem>>) target(%dma_start3A_264 : memref<16384x32xf32, #tpu.memory_space<vmem_shared>>) offsets(%dma_start3A_261 : memref<128xi32, #tpu.memory_space<vmem>>) semaphore(%run_scoped3A : memref<!tpu.dma_semaphore, #tpu.memory_space<semaphore_mem>>) {add = true}
        %dma_wait3A_265 = arith.constant 896 : i32
        %dma_wait3A_266 = arith.constant 0 : i32
        %dma_wait3A_267 = tpu.memref_slice %arg15[%dma_wait3A_265, %dma_wait3A_266] : memref<1024x32xf32, #tpu.memory_space<vmem>> -> memref<128x32xf32, #tpu.memory_space<vmem>>
        %dma_wait3A_268 = arith.constant 896 : i32
        %dma_wait3A_269 = tpu.memref_slice %arg11[%dma_wait3A_268] : memref<1024xi32, #tpu.memory_space<vmem>> -> memref<128xi32, #tpu.memory_space<vmem>>
        %dma_wait3A_270 = arith.constant 0 : i32
        %dma_wait3A_271 = arith.constant 0 : i32
        %dma_wait3A_272 = tpu.memref_slice %arg16[%dma_wait3A_270, %dma_wait3A_271] : memref<16384x32xf32, #tpu.memory_space<vmem_shared>> -> memref<16384x32xf32, #tpu.memory_space<vmem_shared>>
        tpu.wait_indirect_dma semaphore(%run_scoped3A : memref<!tpu.dma_semaphore, #tpu.memory_space<semaphore_mem>>) src(%dma_wait3A_267 : memref<128x32xf32, #tpu.memory_space<vmem>>) dst(%dma_wait3A_272 : memref<16384x32xf32, #tpu.memory_space<vmem_shared>>)
        tpu.yield
      }) : () -> ()
      %add3A_176 = arith.constant 2 : i32
      %add3A_177 = arith.addi %mul3A_97, %add3A_176 : i32
      %min3A = arith.constant 49 : i32
      %min3A_178 = arith.minsi %add3A_177, %min3A : i32
      %mul3A_179 = arith.constant 1024 : i32
      %mul3A_180 = arith.muli %min3A_178, %mul3A_179 : i32
      %add3A_181 = arith.addi %mul3A_2, %mul3A_180 : i32
      %multiple_of3A_182 = tpu.assume_multiple %add3A_181, 1024 : i32
      "tpu.region"() ({
        %run_scoped3A = tpu.sem_alloc : memref<!tpu.dma_semaphore, #tpu.memory_space<semaphore_mem>>
        %dma_start3A_257 = tpu.memref_slice %arg3[%multiple_of3A_182] : memref<1638400xi32, #tpu.memory_space<hbm>> -> memref<1024xi32, #tpu.memory_space<hbm>>
        %dma_start3A_258 = tpu.memref_slice %arg3[%multiple_of3A_182] : memref<1638400xi32, #tpu.memory_space<hbm>> -> memref<1024xi32, #tpu.memory_space<hbm>>
        tpu.enqueue_dma source(%dma_start3A_258 : memref<1024xi32, #tpu.memory_space<hbm>>) target(%arg7 : memref<1024xi32, #tpu.memory_space<vmem>>) target_semaphore(%run_scoped3A : memref<!tpu.dma_semaphore, #tpu.memory_space<semaphore_mem>>)
        %dma_wait3A_259 = tpu.memref_slice %arg3[%multiple_of3A_182] : memref<1638400xi32, #tpu.memory_space<hbm>> -> memref<1024xi32, #tpu.memory_space<hbm>>
        %dma_wait3A_260 = tpu.memref_slice %arg3[%multiple_of3A_182] : memref<1638400xi32, #tpu.memory_space<hbm>> -> memref<1024xi32, #tpu.memory_space<hbm>>
        tpu.wait_dma2 semaphore(%run_scoped3A : memref<!tpu.dma_semaphore, #tpu.memory_space<semaphore_mem>>) src(%dma_wait3A_260 : memref<1024xi32, #tpu.memory_space<hbm>>) dst(%arg7 : memref<1024xi32, #tpu.memory_space<vmem>>)
        tpu.yield
      }) : () -> ()
      %dma_start3A_183 = arith.constant 0 : i32
      %dma_start3A_184 = arith.constant 0 : i32
      %dma_start3A_185 = tpu.memref_slice %arg13[%dma_start3A_183, %dma_start3A_184] : memref<1024x16xf32, #tpu.memory_space<vmem>> -> memref<128x16xf32, #tpu.memory_space<vmem>>
      %dma_start3A_186 = arith.constant 0 : i32
      %dma_start3A_187 = tpu.memref_slice %arg7[%dma_start3A_186] : memref<1024xi32, #tpu.memory_space<vmem>> -> memref<128xi32, #tpu.memory_space<vmem>>
      %dma_start3A_188 = arith.constant 0 : i32
      %dma_start3A_189 = arith.constant 0 : i32
      %dma_start3A_190 = tpu.memref_slice %arg5[%dma_start3A_188, %dma_start3A_189] : memref<1000000x16xf32, #tpu.memory_space<hbm>> -> memref<1000000x16xf32, #tpu.memory_space<hbm>>
      tpu.enqueue_indirect_dma source(%dma_start3A_190 : memref<1000000x16xf32, #tpu.memory_space<hbm>>) target(%dma_start3A_185 : memref<128x16xf32, #tpu.memory_space<vmem>>) offsets(%dma_start3A_187 : memref<128xi32, #tpu.memory_space<vmem>>) semaphore(%arg17 : memref<!tpu.dma_semaphore, #tpu.memory_space<semaphore_mem>>)
      %dma_start3A_191 = arith.constant 128 : i32
      %dma_start3A_192 = arith.constant 0 : i32
      %dma_start3A_193 = tpu.memref_slice %arg13[%dma_start3A_191, %dma_start3A_192] : memref<1024x16xf32, #tpu.memory_space<vmem>> -> memref<128x16xf32, #tpu.memory_space<vmem>>
      %dma_start3A_194 = arith.constant 128 : i32
      %dma_start3A_195 = tpu.memref_slice %arg7[%dma_start3A_194] : memref<1024xi32, #tpu.memory_space<vmem>> -> memref<128xi32, #tpu.memory_space<vmem>>
      %dma_start3A_196 = arith.constant 0 : i32
      %dma_start3A_197 = arith.constant 0 : i32
      %dma_start3A_198 = tpu.memref_slice %arg5[%dma_start3A_196, %dma_start3A_197] : memref<1000000x16xf32, #tpu.memory_space<hbm>> -> memref<1000000x16xf32, #tpu.memory_space<hbm>>
      tpu.enqueue_indirect_dma source(%dma_start3A_198 : memref<1000000x16xf32, #tpu.memory_space<hbm>>) target(%dma_start3A_193 : memref<128x16xf32, #tpu.memory_space<vmem>>) offsets(%dma_start3A_195 : memref<128xi32, #tpu.memory_space<vmem>>) semaphore(%arg17 : memref<!tpu.dma_semaphore, #tpu.memory_space<semaphore_mem>>)
      %dma_start3A_199 = arith.constant 256 : i32
      %dma_start3A_200 = arith.constant 0 : i32
      %dma_start3A_201 = tpu.memref_slice %arg13[%dma_start3A_199, %dma_start3A_200] : memref<1024x16xf32, #tpu.memory_space<vmem>> -> memref<128x16xf32, #tpu.memory_space<vmem>>
      %dma_start3A_202 = arith.constant 256 : i32
      %dma_start3A_203 = tpu.memref_slice %arg7[%dma_start3A_202] : memref<1024xi32, #tpu.memory_space<vmem>> -> memref<128xi32, #tpu.memory_space<vmem>>
      %dma_start3A_204 = arith.constant 0 : i32
      %dma_start3A_205 = arith.constant 0 : i32
      %dma_start3A_206 = tpu.memref_slice %arg5[%dma_start3A_204, %dma_start3A_205] : memref<1000000x16xf32, #tpu.memory_space<hbm>> -> memref<1000000x16xf32, #tpu.memory_space<hbm>>
      tpu.enqueue_indirect_dma source(%dma_start3A_206 : memref<1000000x16xf32, #tpu.memory_space<hbm>>) target(%dma_start3A_201 : memref<128x16xf32, #tpu.memory_space<vmem>>) offsets(%dma_start3A_203 : memref<128xi32, #tpu.memory_space<vmem>>) semaphore(%arg17 : memref<!tpu.dma_semaphore, #tpu.memory_space<semaphore_mem>>)
      %dma_start3A_207 = arith.constant 384 : i32
      %dma_start3A_208 = arith.constant 0 : i32
      %dma_start3A_209 = tpu.memref_slice %arg13[%dma_start3A_207, %dma_start3A_208] : memref<1024x16xf32, #tpu.memory_space<vmem>> -> memref<128x16xf32, #tpu.memory_space<vmem>>
      %dma_start3A_210 = arith.constant 384 : i32
      %dma_start3A_211 = tpu.memref_slice %arg7[%dma_start3A_210] : memref<1024xi32, #tpu.memory_space<vmem>> -> memref<128xi32, #tpu.memory_space<vmem>>
      %dma_start3A_212 = arith.constant 0 : i32
      %dma_start3A_213 = arith.constant 0 : i32
      %dma_start3A_214 = tpu.memref_slice %arg5[%dma_start3A_212, %dma_start3A_213] : memref<1000000x16xf32, #tpu.memory_space<hbm>> -> memref<1000000x16xf32, #tpu.memory_space<hbm>>
      tpu.enqueue_indirect_dma source(%dma_start3A_214 : memref<1000000x16xf32, #tpu.memory_space<hbm>>) target(%dma_start3A_209 : memref<128x16xf32, #tpu.memory_space<vmem>>) offsets(%dma_start3A_211 : memref<128xi32, #tpu.memory_space<vmem>>) semaphore(%arg17 : memref<!tpu.dma_semaphore, #tpu.memory_space<semaphore_mem>>)
      %dma_start3A_215 = arith.constant 512 : i32
      %dma_start3A_216 = arith.constant 0 : i32
      %dma_start3A_217 = tpu.memref_slice %arg13[%dma_start3A_215, %dma_start3A_216] : memref<1024x16xf32, #tpu.memory_space<vmem>> -> memref<128x16xf32, #tpu.memory_space<vmem>>
      %dma_start3A_218 = arith.constant 512 : i32
      %dma_start3A_219 = tpu.memref_slice %arg7[%dma_start3A_218] : memref<1024xi32, #tpu.memory_space<vmem>> -> memref<128xi32, #tpu.memory_space<vmem>>
      %dma_start3A_220 = arith.constant 0 : i32
      %dma_start3A_221 = arith.constant 0 : i32
      %dma_start3A_222 = tpu.memref_slice %arg5[%dma_start3A_220, %dma_start3A_221] : memref<1000000x16xf32, #tpu.memory_space<hbm>> -> memref<1000000x16xf32, #tpu.memory_space<hbm>>
      tpu.enqueue_indirect_dma source(%dma_start3A_222 : memref<1000000x16xf32, #tpu.memory_space<hbm>>) target(%dma_start3A_217 : memref<128x16xf32, #tpu.memory_space<vmem>>) offsets(%dma_start3A_219 : memref<128xi32, #tpu.memory_space<vmem>>) semaphore(%arg17 : memref<!tpu.dma_semaphore, #tpu.memory_space<semaphore_mem>>)
      %dma_start3A_223 = arith.constant 640 : i32
      %dma_start3A_224 = arith.constant 0 : i32
      %dma_start3A_225 = tpu.memref_slice %arg13[%dma_start3A_223, %dma_start3A_224] : memref<1024x16xf32, #tpu.memory_space<vmem>> -> memref<128x16xf32, #tpu.memory_space<vmem>>
      %dma_start3A_226 = arith.constant 640 : i32
      %dma_start3A_227 = tpu.memref_slice %arg7[%dma_start3A_226] : memref<1024xi32, #tpu.memory_space<vmem>> -> memref<128xi32, #tpu.memory_space<vmem>>
      %dma_start3A_228 = arith.constant 0 : i32
      %dma_start3A_229 = arith.constant 0 : i32
      %dma_start3A_230 = tpu.memref_slice %arg5[%dma_start3A_228, %dma_start3A_229] : memref<1000000x16xf32, #tpu.memory_space<hbm>> -> memref<1000000x16xf32, #tpu.memory_space<hbm>>
      tpu.enqueue_indirect_dma source(%dma_start3A_230 : memref<1000000x16xf32, #tpu.memory_space<hbm>>) target(%dma_start3A_225 : memref<128x16xf32, #tpu.memory_space<vmem>>) offsets(%dma_start3A_227 : memref<128xi32, #tpu.memory_space<vmem>>) semaphore(%arg17 : memref<!tpu.dma_semaphore, #tpu.memory_space<semaphore_mem>>)
      %dma_start3A_231 = arith.constant 768 : i32
      %dma_start3A_232 = arith.constant 0 : i32
      %dma_start3A_233 = tpu.memref_slice %arg13[%dma_start3A_231, %dma_start3A_232] : memref<1024x16xf32, #tpu.memory_space<vmem>> -> memref<128x16xf32, #tpu.memory_space<vmem>>
      %dma_start3A_234 = arith.constant 768 : i32
      %dma_start3A_235 = tpu.memref_slice %arg7[%dma_start3A_234] : memref<1024xi32, #tpu.memory_space<vmem>> -> memref<128xi32, #tpu.memory_space<vmem>>
      %dma_start3A_236 = arith.constant 0 : i32
      %dma_start3A_237 = arith.constant 0 : i32
      %dma_start3A_238 = tpu.memref_slice %arg5[%dma_start3A_236, %dma_start3A_237] : memref<1000000x16xf32, #tpu.memory_space<hbm>> -> memref<1000000x16xf32, #tpu.memory_space<hbm>>
      tpu.enqueue_indirect_dma source(%dma_start3A_238 : memref<1000000x16xf32, #tpu.memory_space<hbm>>) target(%dma_start3A_233 : memref<128x16xf32, #tpu.memory_space<vmem>>) offsets(%dma_start3A_235 : memref<128xi32, #tpu.memory_space<vmem>>) semaphore(%arg17 : memref<!tpu.dma_semaphore, #tpu.memory_space<semaphore_mem>>)
      %dma_start3A_239 = arith.constant 896 : i32
      %dma_start3A_240 = arith.constant 0 : i32
      %dma_start3A_241 = tpu.memref_slice %arg13[%dma_start3A_239, %dma_start3A_240] : memref<1024x16xf32, #tpu.memory_space<vmem>> -> memref<128x16xf32, #tpu.memory_space<vmem>>
      %dma_start3A_242 = arith.constant 896 : i32
      %dma_start3A_243 = tpu.memref_slice %arg7[%dma_start3A_242] : memref<1024xi32, #tpu.memory_space<vmem>> -> memref<128xi32, #tpu.memory_space<vmem>>
      %dma_start3A_244 = arith.constant 0 : i32
      %dma_start3A_245 = arith.constant 0 : i32
      %dma_start3A_246 = tpu.memref_slice %arg5[%dma_start3A_244, %dma_start3A_245] : memref<1000000x16xf32, #tpu.memory_space<hbm>> -> memref<1000000x16xf32, #tpu.memory_space<hbm>>
      tpu.enqueue_indirect_dma source(%dma_start3A_246 : memref<1000000x16xf32, #tpu.memory_space<hbm>>) target(%dma_start3A_241 : memref<128x16xf32, #tpu.memory_space<vmem>>) offsets(%dma_start3A_243 : memref<128xi32, #tpu.memory_space<vmem>>) semaphore(%arg17 : memref<!tpu.dma_semaphore, #tpu.memory_space<semaphore_mem>>)
      "tpu.region"() ({
        %run_scoped3A = tpu.sem_alloc : memref<!tpu.dma_semaphore, #tpu.memory_space<semaphore_mem>>
        %dma_start3A_257 = tpu.memref_slice %arg2[%multiple_of3A_182] : memref<1638400xf32, #tpu.memory_space<hbm>> -> memref<1024xf32, #tpu.memory_space<hbm>>
        %dma_start3A_258 = tpu.memref_slice %arg2[%multiple_of3A_182] : memref<1638400xf32, #tpu.memory_space<hbm>> -> memref<1024xf32, #tpu.memory_space<hbm>>
        tpu.enqueue_dma source(%dma_start3A_258 : memref<1024xf32, #tpu.memory_space<hbm>>) target(%arg9 : memref<1024xf32, #tpu.memory_space<vmem>>) target_semaphore(%run_scoped3A : memref<!tpu.dma_semaphore, #tpu.memory_space<semaphore_mem>>)
        %dma_wait3A_259 = tpu.memref_slice %arg2[%multiple_of3A_182] : memref<1638400xf32, #tpu.memory_space<hbm>> -> memref<1024xf32, #tpu.memory_space<hbm>>
        %dma_wait3A_260 = tpu.memref_slice %arg2[%multiple_of3A_182] : memref<1638400xf32, #tpu.memory_space<hbm>> -> memref<1024xf32, #tpu.memory_space<hbm>>
        tpu.wait_dma2 semaphore(%run_scoped3A : memref<!tpu.dma_semaphore, #tpu.memory_space<semaphore_mem>>) src(%dma_wait3A_260 : memref<1024xf32, #tpu.memory_space<hbm>>) dst(%arg9 : memref<1024xf32, #tpu.memory_space<vmem>>)
        tpu.yield
      }) : () -> ()
      "tpu.region"() ({
        %run_scoped3A = tpu.sem_alloc : memref<!tpu.dma_semaphore, #tpu.memory_space<semaphore_mem>>
        %dma_start3A_257 = tpu.memref_slice %arg4[%multiple_of3A_182] : memref<1638400xi32, #tpu.memory_space<hbm>> -> memref<1024xi32, #tpu.memory_space<hbm>>
        %dma_start3A_258 = tpu.memref_slice %arg4[%multiple_of3A_182] : memref<1638400xi32, #tpu.memory_space<hbm>> -> memref<1024xi32, #tpu.memory_space<hbm>>
        tpu.enqueue_dma source(%dma_start3A_258 : memref<1024xi32, #tpu.memory_space<hbm>>) target(%arg11 : memref<1024xi32, #tpu.memory_space<vmem>>) target_semaphore(%run_scoped3A : memref<!tpu.dma_semaphore, #tpu.memory_space<semaphore_mem>>)
        %dma_wait3A_259 = tpu.memref_slice %arg4[%multiple_of3A_182] : memref<1638400xi32, #tpu.memory_space<hbm>> -> memref<1024xi32, #tpu.memory_space<hbm>>
        %dma_wait3A_260 = tpu.memref_slice %arg4[%multiple_of3A_182] : memref<1638400xi32, #tpu.memory_space<hbm>> -> memref<1024xi32, #tpu.memory_space<hbm>>
        tpu.wait_dma2 semaphore(%run_scoped3A : memref<!tpu.dma_semaphore, #tpu.memory_space<semaphore_mem>>) src(%dma_wait3A_260 : memref<1024xi32, #tpu.memory_space<hbm>>) dst(%arg11 : memref<1024xi32, #tpu.memory_space<vmem>>)
        tpu.yield
      }) : () -> ()
      %dma_wait3A_247 = arith.constant 0 : i32
      %dma_wait3A_248 = arith.constant 0 : i32
      %dma_wait3A_249 = tpu.memref_slice %arg5[%dma_wait3A_247, %dma_wait3A_248] : memref<1000000x16xf32, #tpu.memory_space<hbm>> -> memref<1024x16xf32, #tpu.memory_space<hbm>>
      %dma_wait3A_250 = arith.constant 0 : i32
      %dma_wait3A_251 = arith.constant 0 : i32
      %dma_wait3A_252 = tpu.memref_slice %arg5[%dma_wait3A_250, %dma_wait3A_251] : memref<1000000x16xf32, #tpu.memory_space<hbm>> -> memref<1024x16xf32, #tpu.memory_space<hbm>>
      tpu.wait_dma2 semaphore(%arg18 : memref<!tpu.dma_semaphore, #tpu.memory_space<semaphore_mem>>) src(%dma_wait3A_252 : memref<1024x16xf32, #tpu.memory_space<hbm>>) dst(%arg14 : memref<1024x16xf32, #tpu.memory_space<vmem>>)
      %parallel_loop3A_253 = arith.constant 0 : i32
      %parallel_loop3A_254 = arith.constant 64 : i32
      %parallel_loop3A_255 = arith.constant 1 : i32
      scf.for %parallel_loop3A_257 = %parallel_loop3A_253 to %parallel_loop3A_254 step %parallel_loop3A_255  : i32 {
        %parallel_loop3A_258 = arith.constant 16 : i32
        %parallel_loop3A_259 = arith.muli %parallel_loop3A_257, %parallel_loop3A_258 : i32
        %parallel_loop3A_260 = arith.index_cast %parallel_loop3A_259 : i32 to index
        %parallel_loop3A_261 = tpu.vector_load %arg10[%parallel_loop3A_260] {strides = array<i32>} : memref<1024xf32, #tpu.memory_space<vmem>>, vector<16xf32>,
        %parallel_loop3A_262 = vector.shape_cast %parallel_loop3A_261 : vector<16xf32> to vector<16xf32>
        %parallel_loop3A_263 = arith.constant 0 : i32
        %parallel_loop3A_264 = arith.addi %parallel_loop3A_259, %parallel_loop3A_263 : i32
        %parallel_loop3A_265 = arith.index_cast %parallel_loop3A_264 : i32 to index
        %parallel_loop3A_266 = arith.constant 0 : index
        %parallel_loop3A_267 = tpu.vector_load %arg14[%parallel_loop3A_265, %parallel_loop3A_266] {strides = array<i32>} : memref<1024x16xf32, #tpu.memory_space<vmem>>, vector<1x16xf32>,
        %parallel_loop3A_268 = vector.shape_cast %parallel_loop3A_267 : vector<1x16xf32> to vector<16xf32>
        %parallel_loop3A_269 = vector.extract_strided_slice %parallel_loop3A_262 {offsets = [0], sizes = [1], strides = [1]} : vector<16xf32> to vector<1xf32>
        %parallel_loop3A_270 = vector.extract %parallel_loop3A_269[0] : f32 from vector<1xf32>
        %parallel_loop3A_271 = vector.broadcast %parallel_loop3A_270 : f32 to vector<16xf32>
        %parallel_loop3A_272 = arith.mulf %parallel_loop3A_268, %parallel_loop3A_271 : vector<16xf32>
        %parallel_loop3A_273 = arith.constant 0 : i32
        %parallel_loop3A_274 = arith.addi %parallel_loop3A_259, %parallel_loop3A_273 : i32
        %parallel_loop3A_275 = arith.index_cast %parallel_loop3A_274 : i32 to index
        %parallel_loop3A_276 = arith.constant 0 : index
        %parallel_loop3A_277 = tpu.vector_load %arg15[%parallel_loop3A_275, %parallel_loop3A_276] {strides = array<i32>} : memref<1024x32xf32, #tpu.memory_space<vmem>>, vector<1x16xf32>,
        %parallel_loop3A_278 = vector.shape_cast %parallel_loop3A_277 : vector<1x16xf32> to vector<16xf32>
        %parallel_loop3A_279 = vector.shape_cast %parallel_loop3A_272 : vector<16xf32> to vector<1x16xf32>
        tpu.vector_store %arg15[%parallel_loop3A_275, %parallel_loop3A_276], %parallel_loop3A_279 {strides = array<i32>} : memref<1024x32xf32, #tpu.memory_space<vmem>>, vector<1x16xf32>,
        %parallel_loop3A_280 = arith.mulf %parallel_loop3A_272, %parallel_loop3A_272 : vector<16xf32>
        %parallel_loop3A_281 = arith.constant 0 : i32
        %parallel_loop3A_282 = arith.addi %parallel_loop3A_259, %parallel_loop3A_281 : i32
        %parallel_loop3A_283 = arith.index_cast %parallel_loop3A_282 : i32 to index
        %parallel_loop3A_284 = arith.constant 16 : index
        %parallel_loop3A_285 = tpu.vector_load %arg15[%parallel_loop3A_283, %parallel_loop3A_284] {strides = array<i32>} : memref<1024x32xf32, #tpu.memory_space<vmem>>, vector<1x16xf32>,
        %parallel_loop3A_286 = vector.shape_cast %parallel_loop3A_285 : vector<1x16xf32> to vector<16xf32>
        %parallel_loop3A_287 = vector.shape_cast %parallel_loop3A_280 : vector<16xf32> to vector<1x16xf32>
        tpu.vector_store %arg15[%parallel_loop3A_283, %parallel_loop3A_284], %parallel_loop3A_287 {strides = array<i32>} : memref<1024x32xf32, #tpu.memory_space<vmem>>, vector<1x16xf32>,
        %parallel_loop3A_288 = arith.constant 1 : i32
        %parallel_loop3A_289 = arith.addi %parallel_loop3A_259, %parallel_loop3A_288 : i32
        %parallel_loop3A_290 = arith.index_cast %parallel_loop3A_289 : i32 to index
        %parallel_loop3A_291 = arith.constant 0 : index
        %parallel_loop3A_292 = tpu.vector_load %arg14[%parallel_loop3A_290, %parallel_loop3A_291] {strides = array<i32>} : memref<1024x16xf32, #tpu.memory_space<vmem>>, vector<1x16xf32>,
        %parallel_loop3A_293 = vector.shape_cast %parallel_loop3A_292 : vector<1x16xf32> to vector<16xf32>
        %parallel_loop3A_294 = vector.extract_strided_slice %parallel_loop3A_262 {offsets = [1], sizes = [1], strides = [1]} : vector<16xf32> to vector<1xf32>
        %parallel_loop3A_295 = vector.extract %parallel_loop3A_294[0] : f32 from vector<1xf32>
        %parallel_loop3A_296 = vector.broadcast %parallel_loop3A_295 : f32 to vector<16xf32>
        %parallel_loop3A_297 = arith.mulf %parallel_loop3A_293, %parallel_loop3A_296 : vector<16xf32>
        %parallel_loop3A_298 = arith.constant 1 : i32
        %parallel_loop3A_299 = arith.addi %parallel_loop3A_259, %parallel_loop3A_298 : i32
        %parallel_loop3A_300 = arith.index_cast %parallel_loop3A_299 : i32 to index
        %parallel_loop3A_301 = arith.constant 0 : index
        %parallel_loop3A_302 = tpu.vector_load %arg15[%parallel_loop3A_300, %parallel_loop3A_301] {strides = array<i32>} : memref<1024x32xf32, #tpu.memory_space<vmem>>, vector<1x16xf32>,
        %parallel_loop3A_303 = vector.shape_cast %parallel_loop3A_302 : vector<1x16xf32> to vector<16xf32>
        %parallel_loop3A_304 = vector.shape_cast %parallel_loop3A_297 : vector<16xf32> to vector<1x16xf32>
        tpu.vector_store %arg15[%parallel_loop3A_300, %parallel_loop3A_301], %parallel_loop3A_304 {strides = array<i32>} : memref<1024x32xf32, #tpu.memory_space<vmem>>, vector<1x16xf32>,
        %parallel_loop3A_305 = arith.mulf %parallel_loop3A_297, %parallel_loop3A_297 : vector<16xf32>
        %parallel_loop3A_306 = arith.constant 1 : i32
        %parallel_loop3A_307 = arith.addi %parallel_loop3A_259, %parallel_loop3A_306 : i32
        %parallel_loop3A_308 = arith.index_cast %parallel_loop3A_307 : i32 to index
        %parallel_loop3A_309 = arith.constant 16 : index
        %parallel_loop3A_310 = tpu.vector_load %arg15[%parallel_loop3A_308, %parallel_loop3A_309] {strides = array<i32>} : memref<1024x32xf32, #tpu.memory_space<vmem>>, vector<1x16xf32>,
        %parallel_loop3A_311 = vector.shape_cast %parallel_loop3A_310 : vector<1x16xf32> to vector<16xf32>
        %parallel_loop3A_312 = vector.shape_cast %parallel_loop3A_305 : vector<16xf32> to vector<1x16xf32>
        tpu.vector_store %arg15[%parallel_loop3A_308, %parallel_loop3A_309], %parallel_loop3A_312 {strides = array<i32>} : memref<1024x32xf32, #tpu.memory_space<vmem>>, vector<1x16xf32>,
        %parallel_loop3A_313 = arith.constant 2 : i32
        %parallel_loop3A_314 = arith.addi %parallel_loop3A_259, %parallel_loop3A_313 : i32
        %parallel_loop3A_315 = arith.index_cast %parallel_loop3A_314 : i32 to index
        %parallel_loop3A_316 = arith.constant 0 : index
        %parallel_loop3A_317 = tpu.vector_load %arg14[%parallel_loop3A_315, %parallel_loop3A_316] {strides = array<i32>} : memref<1024x16xf32, #tpu.memory_space<vmem>>, vector<1x16xf32>,
        %parallel_loop3A_318 = vector.shape_cast %parallel_loop3A_317 : vector<1x16xf32> to vector<16xf32>
        %parallel_loop3A_319 = vector.extract_strided_slice %parallel_loop3A_262 {offsets = [2], sizes = [1], strides = [1]} : vector<16xf32> to vector<1xf32>
        %parallel_loop3A_320 = vector.extract %parallel_loop3A_319[0] : f32 from vector<1xf32>
        %parallel_loop3A_321 = vector.broadcast %parallel_loop3A_320 : f32 to vector<16xf32>
        %parallel_loop3A_322 = arith.mulf %parallel_loop3A_318, %parallel_loop3A_321 : vector<16xf32>
        %parallel_loop3A_323 = arith.constant 2 : i32
        %parallel_loop3A_324 = arith.addi %parallel_loop3A_259, %parallel_loop3A_323 : i32
        %parallel_loop3A_325 = arith.index_cast %parallel_loop3A_324 : i32 to index
        %parallel_loop3A_326 = arith.constant 0 : index
        %parallel_loop3A_327 = tpu.vector_load %arg15[%parallel_loop3A_325, %parallel_loop3A_326] {strides = array<i32>} : memref<1024x32xf32, #tpu.memory_space<vmem>>, vector<1x16xf32>,
        %parallel_loop3A_328 = vector.shape_cast %parallel_loop3A_327 : vector<1x16xf32> to vector<16xf32>
        %parallel_loop3A_329 = vector.shape_cast %parallel_loop3A_322 : vector<16xf32> to vector<1x16xf32>
        tpu.vector_store %arg15[%parallel_loop3A_325, %parallel_loop3A_326], %parallel_loop3A_329 {strides = array<i32>} : memref<1024x32xf32, #tpu.memory_space<vmem>>, vector<1x16xf32>,
        %parallel_loop3A_330 = arith.mulf %parallel_loop3A_322, %parallel_loop3A_322 : vector<16xf32>
        %parallel_loop3A_331 = arith.constant 2 : i32
        %parallel_loop3A_332 = arith.addi %parallel_loop3A_259, %parallel_loop3A_331 : i32
        %parallel_loop3A_333 = arith.index_cast %parallel_loop3A_332 : i32 to index
        %parallel_loop3A_334 = arith.constant 16 : index
        %parallel_loop3A_335 = tpu.vector_load %arg15[%parallel_loop3A_333, %parallel_loop3A_334] {strides = array<i32>} : memref<1024x32xf32, #tpu.memory_space<vmem>>, vector<1x16xf32>,
        %parallel_loop3A_336 = vector.shape_cast %parallel_loop3A_335 : vector<1x16xf32> to vector<16xf32>
        %parallel_loop3A_337 = vector.shape_cast %parallel_loop3A_330 : vector<16xf32> to vector<1x16xf32>
        tpu.vector_store %arg15[%parallel_loop3A_333, %parallel_loop3A_334], %parallel_loop3A_337 {strides = array<i32>} : memref<1024x32xf32, #tpu.memory_space<vmem>>, vector<1x16xf32>,
        %parallel_loop3A_338 = arith.constant 3 : i32
        %parallel_loop3A_339 = arith.addi %parallel_loop3A_259, %parallel_loop3A_338 : i32
        %parallel_loop3A_340 = arith.index_cast %parallel_loop3A_339 : i32 to index
        %parallel_loop3A_341 = arith.constant 0 : index
        %parallel_loop3A_342 = tpu.vector_load %arg14[%parallel_loop3A_340, %parallel_loop3A_341] {strides = array<i32>} : memref<1024x16xf32, #tpu.memory_space<vmem>>, vector<1x16xf32>,
        %parallel_loop3A_343 = vector.shape_cast %parallel_loop3A_342 : vector<1x16xf32> to vector<16xf32>
        %parallel_loop3A_344 = vector.extract_strided_slice %parallel_loop3A_262 {offsets = [3], sizes = [1], strides = [1]} : vector<16xf32> to vector<1xf32>
        %parallel_loop3A_345 = vector.extract %parallel_loop3A_344[0] : f32 from vector<1xf32>
        %parallel_loop3A_346 = vector.broadcast %parallel_loop3A_345 : f32 to vector<16xf32>
        %parallel_loop3A_347 = arith.mulf %parallel_loop3A_343, %parallel_loop3A_346 : vector<16xf32>
        %parallel_loop3A_348 = arith.constant 3 : i32
        %parallel_loop3A_349 = arith.addi %parallel_loop3A_259, %parallel_loop3A_348 : i32
        %parallel_loop3A_350 = arith.index_cast %parallel_loop3A_349 : i32 to index
        %parallel_loop3A_351 = arith.constant 0 : index
        %parallel_loop3A_352 = tpu.vector_load %arg15[%parallel_loop3A_350, %parallel_loop3A_351] {strides = array<i32>} : memref<1024x32xf32, #tpu.memory_space<vmem>>, vector<1x16xf32>,
        %parallel_loop3A_353 = vector.shape_cast %parallel_loop3A_352 : vector<1x16xf32> to vector<16xf32>
        %parallel_loop3A_354 = vector.shape_cast %parallel_loop3A_347 : vector<16xf32> to vector<1x16xf32>
        tpu.vector_store %arg15[%parallel_loop3A_350, %parallel_loop3A_351], %parallel_loop3A_354 {strides = array<i32>} : memref<1024x32xf32, #tpu.memory_space<vmem>>, vector<1x16xf32>,
        %parallel_loop3A_355 = arith.mulf %parallel_loop3A_347, %parallel_loop3A_347 : vector<16xf32>
        %parallel_loop3A_356 = arith.constant 3 : i32
        %parallel_loop3A_357 = arith.addi %parallel_loop3A_259, %parallel_loop3A_356 : i32
        %parallel_loop3A_358 = arith.index_cast %parallel_loop3A_357 : i32 to index
        %parallel_loop3A_359 = arith.constant 16 : index
        %parallel_loop3A_360 = tpu.vector_load %arg15[%parallel_loop3A_358, %parallel_loop3A_359] {strides = array<i32>} : memref<1024x32xf32, #tpu.memory_space<vmem>>, vector<1x16xf32>,
        %parallel_loop3A_361 = vector.shape_cast %parallel_loop3A_360 : vector<1x16xf32> to vector<16xf32>
        %parallel_loop3A_362 = vector.shape_cast %parallel_loop3A_355 : vector<16xf32> to vector<1x16xf32>
        tpu.vector_store %arg15[%parallel_loop3A_358, %parallel_loop3A_359], %parallel_loop3A_362 {strides = array<i32>} : memref<1024x32xf32, #tpu.memory_space<vmem>>, vector<1x16xf32>,
        %parallel_loop3A_363 = arith.constant 4 : i32
        %parallel_loop3A_364 = arith.addi %parallel_loop3A_259, %parallel_loop3A_363 : i32
        %parallel_loop3A_365 = arith.index_cast %parallel_loop3A_364 : i32 to index
        %parallel_loop3A_366 = arith.constant 0 : index
        %parallel_loop3A_367 = tpu.vector_load %arg14[%parallel_loop3A_365, %parallel_loop3A_366] {strides = array<i32>} : memref<1024x16xf32, #tpu.memory_space<vmem>>, vector<1x16xf32>,
        %parallel_loop3A_368 = vector.shape_cast %parallel_loop3A_367 : vector<1x16xf32> to vector<16xf32>
        %parallel_loop3A_369 = vector.extract_strided_slice %parallel_loop3A_262 {offsets = [4], sizes = [1], strides = [1]} : vector<16xf32> to vector<1xf32>
        %parallel_loop3A_370 = vector.extract %parallel_loop3A_369[0] : f32 from vector<1xf32>
        %parallel_loop3A_371 = vector.broadcast %parallel_loop3A_370 : f32 to vector<16xf32>
        %parallel_loop3A_372 = arith.mulf %parallel_loop3A_368, %parallel_loop3A_371 : vector<16xf32>
        %parallel_loop3A_373 = arith.constant 4 : i32
        %parallel_loop3A_374 = arith.addi %parallel_loop3A_259, %parallel_loop3A_373 : i32
        %parallel_loop3A_375 = arith.index_cast %parallel_loop3A_374 : i32 to index
        %parallel_loop3A_376 = arith.constant 0 : index
        %parallel_loop3A_377 = tpu.vector_load %arg15[%parallel_loop3A_375, %parallel_loop3A_376] {strides = array<i32>} : memref<1024x32xf32, #tpu.memory_space<vmem>>, vector<1x16xf32>,
        %parallel_loop3A_378 = vector.shape_cast %parallel_loop3A_377 : vector<1x16xf32> to vector<16xf32>
        %parallel_loop3A_379 = vector.shape_cast %parallel_loop3A_372 : vector<16xf32> to vector<1x16xf32>
        tpu.vector_store %arg15[%parallel_loop3A_375, %parallel_loop3A_376], %parallel_loop3A_379 {strides = array<i32>} : memref<1024x32xf32, #tpu.memory_space<vmem>>, vector<1x16xf32>,
        %parallel_loop3A_380 = arith.mulf %parallel_loop3A_372, %parallel_loop3A_372 : vector<16xf32>
        %parallel_loop3A_381 = arith.constant 4 : i32
        %parallel_loop3A_382 = arith.addi %parallel_loop3A_259, %parallel_loop3A_381 : i32
        %parallel_loop3A_383 = arith.index_cast %parallel_loop3A_382 : i32 to index
        %parallel_loop3A_384 = arith.constant 16 : index
        %parallel_loop3A_385 = tpu.vector_load %arg15[%parallel_loop3A_383, %parallel_loop3A_384] {strides = array<i32>} : memref<1024x32xf32, #tpu.memory_space<vmem>>, vector<1x16xf32>,
        %parallel_loop3A_386 = vector.shape_cast %parallel_loop3A_385 : vector<1x16xf32> to vector<16xf32>
        %parallel_loop3A_387 = vector.shape_cast %parallel_loop3A_380 : vector<16xf32> to vector<1x16xf32>
        tpu.vector_store %arg15[%parallel_loop3A_383, %parallel_loop3A_384], %parallel_loop3A_387 {strides = array<i32>} : memref<1024x32xf32, #tpu.memory_space<vmem>>, vector<1x16xf32>,
        %parallel_loop3A_388 = arith.constant 5 : i32
        %parallel_loop3A_389 = arith.addi %parallel_loop3A_259, %parallel_loop3A_388 : i32
        %parallel_loop3A_390 = arith.index_cast %parallel_loop3A_389 : i32 to index
        %parallel_loop3A_391 = arith.constant 0 : index
        %parallel_loop3A_392 = tpu.vector_load %arg14[%parallel_loop3A_390, %parallel_loop3A_391] {strides = array<i32>} : memref<1024x16xf32, #tpu.memory_space<vmem>>, vector<1x16xf32>,
        %parallel_loop3A_393 = vector.shape_cast %parallel_loop3A_392 : vector<1x16xf32> to vector<16xf32>
        %parallel_loop3A_394 = vector.extract_strided_slice %parallel_loop3A_262 {offsets = [5], sizes = [1], strides = [1]} : vector<16xf32> to vector<1xf32>
        %parallel_loop3A_395 = vector.extract %parallel_loop3A_394[0] : f32 from vector<1xf32>
        %parallel_loop3A_396 = vector.broadcast %parallel_loop3A_395 : f32 to vector<16xf32>
        %parallel_loop3A_397 = arith.mulf %parallel_loop3A_393, %parallel_loop3A_396 : vector<16xf32>
        %parallel_loop3A_398 = arith.constant 5 : i32
        %parallel_loop3A_399 = arith.addi %parallel_loop3A_259, %parallel_loop3A_398 : i32
        %parallel_loop3A_400 = arith.index_cast %parallel_loop3A_399 : i32 to index
        %parallel_loop3A_401 = arith.constant 0 : index
        %parallel_loop3A_402 = tpu.vector_load %arg15[%parallel_loop3A_400, %parallel_loop3A_401] {strides = array<i32>} : memref<1024x32xf32, #tpu.memory_space<vmem>>, vector<1x16xf32>,
        %parallel_loop3A_403 = vector.shape_cast %parallel_loop3A_402 : vector<1x16xf32> to vector<16xf32>
        %parallel_loop3A_404 = vector.shape_cast %parallel_loop3A_397 : vector<16xf32> to vector<1x16xf32>
        tpu.vector_store %arg15[%parallel_loop3A_400, %parallel_loop3A_401], %parallel_loop3A_404 {strides = array<i32>} : memref<1024x32xf32, #tpu.memory_space<vmem>>, vector<1x16xf32>,
        %parallel_loop3A_405 = arith.mulf %parallel_loop3A_397, %parallel_loop3A_397 : vector<16xf32>
        %parallel_loop3A_406 = arith.constant 5 : i32
        %parallel_loop3A_407 = arith.addi %parallel_loop3A_259, %parallel_loop3A_406 : i32
        %parallel_loop3A_408 = arith.index_cast %parallel_loop3A_407 : i32 to index
        %parallel_loop3A_409 = arith.constant 16 : index
        %parallel_loop3A_410 = tpu.vector_load %arg15[%parallel_loop3A_408, %parallel_loop3A_409] {strides = array<i32>} : memref<1024x32xf32, #tpu.memory_space<vmem>>, vector<1x16xf32>,
        %parallel_loop3A_411 = vector.shape_cast %parallel_loop3A_410 : vector<1x16xf32> to vector<16xf32>
        %parallel_loop3A_412 = vector.shape_cast %parallel_loop3A_405 : vector<16xf32> to vector<1x16xf32>
        tpu.vector_store %arg15[%parallel_loop3A_408, %parallel_loop3A_409], %parallel_loop3A_412 {strides = array<i32>} : memref<1024x32xf32, #tpu.memory_space<vmem>>, vector<1x16xf32>,
        %parallel_loop3A_413 = arith.constant 6 : i32
        %parallel_loop3A_414 = arith.addi %parallel_loop3A_259, %parallel_loop3A_413 : i32
        %parallel_loop3A_415 = arith.index_cast %parallel_loop3A_414 : i32 to index
        %parallel_loop3A_416 = arith.constant 0 : index
        %parallel_loop3A_417 = tpu.vector_load %arg14[%parallel_loop3A_415, %parallel_loop3A_416] {strides = array<i32>} : memref<1024x16xf32, #tpu.memory_space<vmem>>, vector<1x16xf32>,
        %parallel_loop3A_418 = vector.shape_cast %parallel_loop3A_417 : vector<1x16xf32> to vector<16xf32>
        %parallel_loop3A_419 = vector.extract_strided_slice %parallel_loop3A_262 {offsets = [6], sizes = [1], strides = [1]} : vector<16xf32> to vector<1xf32>
        %parallel_loop3A_420 = vector.extract %parallel_loop3A_419[0] : f32 from vector<1xf32>
        %parallel_loop3A_421 = vector.broadcast %parallel_loop3A_420 : f32 to vector<16xf32>
        %parallel_loop3A_422 = arith.mulf %parallel_loop3A_418, %parallel_loop3A_421 : vector<16xf32>
        %parallel_loop3A_423 = arith.constant 6 : i32
        %parallel_loop3A_424 = arith.addi %parallel_loop3A_259, %parallel_loop3A_423 : i32
        %parallel_loop3A_425 = arith.index_cast %parallel_loop3A_424 : i32 to index
        %parallel_loop3A_426 = arith.constant 0 : index
        %parallel_loop3A_427 = tpu.vector_load %arg15[%parallel_loop3A_425, %parallel_loop3A_426] {strides = array<i32>} : memref<1024x32xf32, #tpu.memory_space<vmem>>, vector<1x16xf32>,
        %parallel_loop3A_428 = vector.shape_cast %parallel_loop3A_427 : vector<1x16xf32> to vector<16xf32>
        %parallel_loop3A_429 = vector.shape_cast %parallel_loop3A_422 : vector<16xf32> to vector<1x16xf32>
        tpu.vector_store %arg15[%parallel_loop3A_425, %parallel_loop3A_426], %parallel_loop3A_429 {strides = array<i32>} : memref<1024x32xf32, #tpu.memory_space<vmem>>, vector<1x16xf32>,
        %parallel_loop3A_430 = arith.mulf %parallel_loop3A_422, %parallel_loop3A_422 : vector<16xf32>
        %parallel_loop3A_431 = arith.constant 6 : i32
        %parallel_loop3A_432 = arith.addi %parallel_loop3A_259, %parallel_loop3A_431 : i32
        %parallel_loop3A_433 = arith.index_cast %parallel_loop3A_432 : i32 to index
        %parallel_loop3A_434 = arith.constant 16 : index
        %parallel_loop3A_435 = tpu.vector_load %arg15[%parallel_loop3A_433, %parallel_loop3A_434] {strides = array<i32>} : memref<1024x32xf32, #tpu.memory_space<vmem>>, vector<1x16xf32>,
        %parallel_loop3A_436 = vector.shape_cast %parallel_loop3A_435 : vector<1x16xf32> to vector<16xf32>
        %parallel_loop3A_437 = vector.shape_cast %parallel_loop3A_430 : vector<16xf32> to vector<1x16xf32>
        tpu.vector_store %arg15[%parallel_loop3A_433, %parallel_loop3A_434], %parallel_loop3A_437 {strides = array<i32>} : memref<1024x32xf32, #tpu.memory_space<vmem>>, vector<1x16xf32>,
        %parallel_loop3A_438 = arith.constant 7 : i32
        %parallel_loop3A_439 = arith.addi %parallel_loop3A_259, %parallel_loop3A_438 : i32
        %parallel_loop3A_440 = arith.index_cast %parallel_loop3A_439 : i32 to index
        %parallel_loop3A_441 = arith.constant 0 : index
        %parallel_loop3A_442 = tpu.vector_load %arg14[%parallel_loop3A_440, %parallel_loop3A_441] {strides = array<i32>} : memref<1024x16xf32, #tpu.memory_space<vmem>>, vector<1x16xf32>,
        %parallel_loop3A_443 = vector.shape_cast %parallel_loop3A_442 : vector<1x16xf32> to vector<16xf32>
        %parallel_loop3A_444 = vector.extract_strided_slice %parallel_loop3A_262 {offsets = [7], sizes = [1], strides = [1]} : vector<16xf32> to vector<1xf32>
        %parallel_loop3A_445 = vector.extract %parallel_loop3A_444[0] : f32 from vector<1xf32>
        %parallel_loop3A_446 = vector.broadcast %parallel_loop3A_445 : f32 to vector<16xf32>
        %parallel_loop3A_447 = arith.mulf %parallel_loop3A_443, %parallel_loop3A_446 : vector<16xf32>
        %parallel_loop3A_448 = arith.constant 7 : i32
        %parallel_loop3A_449 = arith.addi %parallel_loop3A_259, %parallel_loop3A_448 : i32
        %parallel_loop3A_450 = arith.index_cast %parallel_loop3A_449 : i32 to index
        %parallel_loop3A_451 = arith.constant 0 : index
        %parallel_loop3A_452 = tpu.vector_load %arg15[%parallel_loop3A_450, %parallel_loop3A_451] {strides = array<i32>} : memref<1024x32xf32, #tpu.memory_space<vmem>>, vector<1x16xf32>,
        %parallel_loop3A_453 = vector.shape_cast %parallel_loop3A_452 : vector<1x16xf32> to vector<16xf32>
        %parallel_loop3A_454 = vector.shape_cast %parallel_loop3A_447 : vector<16xf32> to vector<1x16xf32>
        tpu.vector_store %arg15[%parallel_loop3A_450, %parallel_loop3A_451], %parallel_loop3A_454 {strides = array<i32>} : memref<1024x32xf32, #tpu.memory_space<vmem>>, vector<1x16xf32>,
        %parallel_loop3A_455 = arith.mulf %parallel_loop3A_447, %parallel_loop3A_447 : vector<16xf32>
        %parallel_loop3A_456 = arith.constant 7 : i32
        %parallel_loop3A_457 = arith.addi %parallel_loop3A_259, %parallel_loop3A_456 : i32
        %parallel_loop3A_458 = arith.index_cast %parallel_loop3A_457 : i32 to index
        %parallel_loop3A_459 = arith.constant 16 : index
        %parallel_loop3A_460 = tpu.vector_load %arg15[%parallel_loop3A_458, %parallel_loop3A_459] {strides = array<i32>} : memref<1024x32xf32, #tpu.memory_space<vmem>>, vector<1x16xf32>,
        %parallel_loop3A_461 = vector.shape_cast %parallel_loop3A_460 : vector<1x16xf32> to vector<16xf32>
        %parallel_loop3A_462 = vector.shape_cast %parallel_loop3A_455 : vector<16xf32> to vector<1x16xf32>
        tpu.vector_store %arg15[%parallel_loop3A_458, %parallel_loop3A_459], %parallel_loop3A_462 {strides = array<i32>} : memref<1024x32xf32, #tpu.memory_space<vmem>>, vector<1x16xf32>,
        %parallel_loop3A_463 = arith.constant 8 : i32
        %parallel_loop3A_464 = arith.addi %parallel_loop3A_259, %parallel_loop3A_463 : i32
        %parallel_loop3A_465 = arith.index_cast %parallel_loop3A_464 : i32 to index
        %parallel_loop3A_466 = arith.constant 0 : index
        %parallel_loop3A_467 = tpu.vector_load %arg14[%parallel_loop3A_465, %parallel_loop3A_466] {strides = array<i32>} : memref<1024x16xf32, #tpu.memory_space<vmem>>, vector<1x16xf32>,
        %parallel_loop3A_468 = vector.shape_cast %parallel_loop3A_467 : vector<1x16xf32> to vector<16xf32>
        %parallel_loop3A_469 = vector.extract_strided_slice %parallel_loop3A_262 {offsets = [8], sizes = [1], strides = [1]} : vector<16xf32> to vector<1xf32>
        %parallel_loop3A_470 = vector.extract %parallel_loop3A_469[0] : f32 from vector<1xf32>
        %parallel_loop3A_471 = vector.broadcast %parallel_loop3A_470 : f32 to vector<16xf32>
        %parallel_loop3A_472 = arith.mulf %parallel_loop3A_468, %parallel_loop3A_471 : vector<16xf32>
        %parallel_loop3A_473 = arith.constant 8 : i32
        %parallel_loop3A_474 = arith.addi %parallel_loop3A_259, %parallel_loop3A_473 : i32
        %parallel_loop3A_475 = arith.index_cast %parallel_loop3A_474 : i32 to index
        %parallel_loop3A_476 = arith.constant 0 : index
        %parallel_loop3A_477 = tpu.vector_load %arg15[%parallel_loop3A_475, %parallel_loop3A_476] {strides = array<i32>} : memref<1024x32xf32, #tpu.memory_space<vmem>>, vector<1x16xf32>,
        %parallel_loop3A_478 = vector.shape_cast %parallel_loop3A_477 : vector<1x16xf32> to vector<16xf32>
        %parallel_loop3A_479 = vector.shape_cast %parallel_loop3A_472 : vector<16xf32> to vector<1x16xf32>
        tpu.vector_store %arg15[%parallel_loop3A_475, %parallel_loop3A_476], %parallel_loop3A_479 {strides = array<i32>} : memref<1024x32xf32, #tpu.memory_space<vmem>>, vector<1x16xf32>,
        %parallel_loop3A_480 = arith.mulf %parallel_loop3A_472, %parallel_loop3A_472 : vector<16xf32>
        %parallel_loop3A_481 = arith.constant 8 : i32
        %parallel_loop3A_482 = arith.addi %parallel_loop3A_259, %parallel_loop3A_481 : i32
        %parallel_loop3A_483 = arith.index_cast %parallel_loop3A_482 : i32 to index
        %parallel_loop3A_484 = arith.constant 16 : index
        %parallel_loop3A_485 = tpu.vector_load %arg15[%parallel_loop3A_483, %parallel_loop3A_484] {strides = array<i32>} : memref<1024x32xf32, #tpu.memory_space<vmem>>, vector<1x16xf32>,
        %parallel_loop3A_486 = vector.shape_cast %parallel_loop3A_485 : vector<1x16xf32> to vector<16xf32>
        %parallel_loop3A_487 = vector.shape_cast %parallel_loop3A_480 : vector<16xf32> to vector<1x16xf32>
        tpu.vector_store %arg15[%parallel_loop3A_483, %parallel_loop3A_484], %parallel_loop3A_487 {strides = array<i32>} : memref<1024x32xf32, #tpu.memory_space<vmem>>, vector<1x16xf32>,
        %parallel_loop3A_488 = arith.constant 9 : i32
        %parallel_loop3A_489 = arith.addi %parallel_loop3A_259, %parallel_loop3A_488 : i32
        %parallel_loop3A_490 = arith.index_cast %parallel_loop3A_489 : i32 to index
        %parallel_loop3A_491 = arith.constant 0 : index
        %parallel_loop3A_492 = tpu.vector_load %arg14[%parallel_loop3A_490, %parallel_loop3A_491] {strides = array<i32>} : memref<1024x16xf32, #tpu.memory_space<vmem>>, vector<1x16xf32>,
        %parallel_loop3A_493 = vector.shape_cast %parallel_loop3A_492 : vector<1x16xf32> to vector<16xf32>
        %parallel_loop3A_494 = vector.extract_strided_slice %parallel_loop3A_262 {offsets = [9], sizes = [1], strides = [1]} : vector<16xf32> to vector<1xf32>
        %parallel_loop3A_495 = vector.extract %parallel_loop3A_494[0] : f32 from vector<1xf32>
        %parallel_loop3A_496 = vector.broadcast %parallel_loop3A_495 : f32 to vector<16xf32>
        %parallel_loop3A_497 = arith.mulf %parallel_loop3A_493, %parallel_loop3A_496 : vector<16xf32>
        %parallel_loop3A_498 = arith.constant 9 : i32
        %parallel_loop3A_499 = arith.addi %parallel_loop3A_259, %parallel_loop3A_498 : i32
        %parallel_loop3A_500 = arith.index_cast %parallel_loop3A_499 : i32 to index
        %parallel_loop3A_501 = arith.constant 0 : index
        %parallel_loop3A_502 = tpu.vector_load %arg15[%parallel_loop3A_500, %parallel_loop3A_501] {strides = array<i32>} : memref<1024x32xf32, #tpu.memory_space<vmem>>, vector<1x16xf32>,
        %parallel_loop3A_503 = vector.shape_cast %parallel_loop3A_502 : vector<1x16xf32> to vector<16xf32>
        %parallel_loop3A_504 = vector.shape_cast %parallel_loop3A_497 : vector<16xf32> to vector<1x16xf32>
        tpu.vector_store %arg15[%parallel_loop3A_500, %parallel_loop3A_501], %parallel_loop3A_504 {strides = array<i32>} : memref<1024x32xf32, #tpu.memory_space<vmem>>, vector<1x16xf32>,
        %parallel_loop3A_505 = arith.mulf %parallel_loop3A_497, %parallel_loop3A_497 : vector<16xf32>
        %parallel_loop3A_506 = arith.constant 9 : i32
        %parallel_loop3A_507 = arith.addi %parallel_loop3A_259, %parallel_loop3A_506 : i32
        %parallel_loop3A_508 = arith.index_cast %parallel_loop3A_507 : i32 to index
        %parallel_loop3A_509 = arith.constant 16 : index
        %parallel_loop3A_510 = tpu.vector_load %arg15[%parallel_loop3A_508, %parallel_loop3A_509] {strides = array<i32>} : memref<1024x32xf32, #tpu.memory_space<vmem>>, vector<1x16xf32>,
        %parallel_loop3A_511 = vector.shape_cast %parallel_loop3A_510 : vector<1x16xf32> to vector<16xf32>
        %parallel_loop3A_512 = vector.shape_cast %parallel_loop3A_505 : vector<16xf32> to vector<1x16xf32>
        tpu.vector_store %arg15[%parallel_loop3A_508, %parallel_loop3A_509], %parallel_loop3A_512 {strides = array<i32>} : memref<1024x32xf32, #tpu.memory_space<vmem>>, vector<1x16xf32>,
        %parallel_loop3A_513 = arith.constant 10 : i32
        %parallel_loop3A_514 = arith.addi %parallel_loop3A_259, %parallel_loop3A_513 : i32
        %parallel_loop3A_515 = arith.index_cast %parallel_loop3A_514 : i32 to index
        %parallel_loop3A_516 = arith.constant 0 : index
        %parallel_loop3A_517 = tpu.vector_load %arg14[%parallel_loop3A_515, %parallel_loop3A_516] {strides = array<i32>} : memref<1024x16xf32, #tpu.memory_space<vmem>>, vector<1x16xf32>,
        %parallel_loop3A_518 = vector.shape_cast %parallel_loop3A_517 : vector<1x16xf32> to vector<16xf32>
        %parallel_loop3A_519 = vector.extract_strided_slice %parallel_loop3A_262 {offsets = [10], sizes = [1], strides = [1]} : vector<16xf32> to vector<1xf32>
        %parallel_loop3A_520 = vector.extract %parallel_loop3A_519[0] : f32 from vector<1xf32>
        %parallel_loop3A_521 = vector.broadcast %parallel_loop3A_520 : f32 to vector<16xf32>
        %parallel_loop3A_522 = arith.mulf %parallel_loop3A_518, %parallel_loop3A_521 : vector<16xf32>
        %parallel_loop3A_523 = arith.constant 10 : i32
        %parallel_loop3A_524 = arith.addi %parallel_loop3A_259, %parallel_loop3A_523 : i32
        %parallel_loop3A_525 = arith.index_cast %parallel_loop3A_524 : i32 to index
        %parallel_loop3A_526 = arith.constant 0 : index
        %parallel_loop3A_527 = tpu.vector_load %arg15[%parallel_loop3A_525, %parallel_loop3A_526] {strides = array<i32>} : memref<1024x32xf32, #tpu.memory_space<vmem>>, vector<1x16xf32>,
        %parallel_loop3A_528 = vector.shape_cast %parallel_loop3A_527 : vector<1x16xf32> to vector<16xf32>
        %parallel_loop3A_529 = vector.shape_cast %parallel_loop3A_522 : vector<16xf32> to vector<1x16xf32>
        tpu.vector_store %arg15[%parallel_loop3A_525, %parallel_loop3A_526], %parallel_loop3A_529 {strides = array<i32>} : memref<1024x32xf32, #tpu.memory_space<vmem>>, vector<1x16xf32>,
        %parallel_loop3A_530 = arith.mulf %parallel_loop3A_522, %parallel_loop3A_522 : vector<16xf32>
        %parallel_loop3A_531 = arith.constant 10 : i32
        %parallel_loop3A_532 = arith.addi %parallel_loop3A_259, %parallel_loop3A_531 : i32
        %parallel_loop3A_533 = arith.index_cast %parallel_loop3A_532 : i32 to index
        %parallel_loop3A_534 = arith.constant 16 : index
        %parallel_loop3A_535 = tpu.vector_load %arg15[%parallel_loop3A_533, %parallel_loop3A_534] {strides = array<i32>} : memref<1024x32xf32, #tpu.memory_space<vmem>>, vector<1x16xf32>,
        %parallel_loop3A_536 = vector.shape_cast %parallel_loop3A_535 : vector<1x16xf32> to vector<16xf32>
        %parallel_loop3A_537 = vector.shape_cast %parallel_loop3A_530 : vector<16xf32> to vector<1x16xf32>
        tpu.vector_store %arg15[%parallel_loop3A_533, %parallel_loop3A_534], %parallel_loop3A_537 {strides = array<i32>} : memref<1024x32xf32, #tpu.memory_space<vmem>>, vector<1x16xf32>,
        %parallel_loop3A_538 = arith.constant 11 : i32
        %parallel_loop3A_539 = arith.addi %parallel_loop3A_259, %parallel_loop3A_538 : i32
        %parallel_loop3A_540 = arith.index_cast %parallel_loop3A_539 : i32 to index
        %parallel_loop3A_541 = arith.constant 0 : index
        %parallel_loop3A_542 = tpu.vector_load %arg14[%parallel_loop3A_540, %parallel_loop3A_541] {strides = array<i32>} : memref<1024x16xf32, #tpu.memory_space<vmem>>, vector<1x16xf32>,
        %parallel_loop3A_543 = vector.shape_cast %parallel_loop3A_542 : vector<1x16xf32> to vector<16xf32>
        %parallel_loop3A_544 = vector.extract_strided_slice %parallel_loop3A_262 {offsets = [11], sizes = [1], strides = [1]} : vector<16xf32> to vector<1xf32>
        %parallel_loop3A_545 = vector.extract %parallel_loop3A_544[0] : f32 from vector<1xf32>
        %parallel_loop3A_546 = vector.broadcast %parallel_loop3A_545 : f32 to vector<16xf32>
        %parallel_loop3A_547 = arith.mulf %parallel_loop3A_543, %parallel_loop3A_546 : vector<16xf32>
        %parallel_loop3A_548 = arith.constant 11 : i32
        %parallel_loop3A_549 = arith.addi %parallel_loop3A_259, %parallel_loop3A_548 : i32
        %parallel_loop3A_550 = arith.index_cast %parallel_loop3A_549 : i32 to index
        %parallel_loop3A_551 = arith.constant 0 : index
        %parallel_loop3A_552 = tpu.vector_load %arg15[%parallel_loop3A_550, %parallel_loop3A_551] {strides = array<i32>} : memref<1024x32xf32, #tpu.memory_space<vmem>>, vector<1x16xf32>,
        %parallel_loop3A_553 = vector.shape_cast %parallel_loop3A_552 : vector<1x16xf32> to vector<16xf32>
        %parallel_loop3A_554 = vector.shape_cast %parallel_loop3A_547 : vector<16xf32> to vector<1x16xf32>
        tpu.vector_store %arg15[%parallel_loop3A_550, %parallel_loop3A_551], %parallel_loop3A_554 {strides = array<i32>} : memref<1024x32xf32, #tpu.memory_space<vmem>>, vector<1x16xf32>,
        %parallel_loop3A_555 = arith.mulf %parallel_loop3A_547, %parallel_loop3A_547 : vector<16xf32>
        %parallel_loop3A_556 = arith.constant 11 : i32
        %parallel_loop3A_557 = arith.addi %parallel_loop3A_259, %parallel_loop3A_556 : i32
        %parallel_loop3A_558 = arith.index_cast %parallel_loop3A_557 : i32 to index
        %parallel_loop3A_559 = arith.constant 16 : index
        %parallel_loop3A_560 = tpu.vector_load %arg15[%parallel_loop3A_558, %parallel_loop3A_559] {strides = array<i32>} : memref<1024x32xf32, #tpu.memory_space<vmem>>, vector<1x16xf32>,
        %parallel_loop3A_561 = vector.shape_cast %parallel_loop3A_560 : vector<1x16xf32> to vector<16xf32>
        %parallel_loop3A_562 = vector.shape_cast %parallel_loop3A_555 : vector<16xf32> to vector<1x16xf32>
        tpu.vector_store %arg15[%parallel_loop3A_558, %parallel_loop3A_559], %parallel_loop3A_562 {strides = array<i32>} : memref<1024x32xf32, #tpu.memory_space<vmem>>, vector<1x16xf32>,
        %parallel_loop3A_563 = arith.constant 12 : i32
        %parallel_loop3A_564 = arith.addi %parallel_loop3A_259, %parallel_loop3A_563 : i32
        %parallel_loop3A_565 = arith.index_cast %parallel_loop3A_564 : i32 to index
        %parallel_loop3A_566 = arith.constant 0 : index
        %parallel_loop3A_567 = tpu.vector_load %arg14[%parallel_loop3A_565, %parallel_loop3A_566] {strides = array<i32>} : memref<1024x16xf32, #tpu.memory_space<vmem>>, vector<1x16xf32>,
        %parallel_loop3A_568 = vector.shape_cast %parallel_loop3A_567 : vector<1x16xf32> to vector<16xf32>
        %parallel_loop3A_569 = vector.extract_strided_slice %parallel_loop3A_262 {offsets = [12], sizes = [1], strides = [1]} : vector<16xf32> to vector<1xf32>
        %parallel_loop3A_570 = vector.extract %parallel_loop3A_569[0] : f32 from vector<1xf32>
        %parallel_loop3A_571 = vector.broadcast %parallel_loop3A_570 : f32 to vector<16xf32>
        %parallel_loop3A_572 = arith.mulf %parallel_loop3A_568, %parallel_loop3A_571 : vector<16xf32>
        %parallel_loop3A_573 = arith.constant 12 : i32
        %parallel_loop3A_574 = arith.addi %parallel_loop3A_259, %parallel_loop3A_573 : i32
        %parallel_loop3A_575 = arith.index_cast %parallel_loop3A_574 : i32 to index
        %parallel_loop3A_576 = arith.constant 0 : index
        %parallel_loop3A_577 = tpu.vector_load %arg15[%parallel_loop3A_575, %parallel_loop3A_576] {strides = array<i32>} : memref<1024x32xf32, #tpu.memory_space<vmem>>, vector<1x16xf32>,
        %parallel_loop3A_578 = vector.shape_cast %parallel_loop3A_577 : vector<1x16xf32> to vector<16xf32>
        %parallel_loop3A_579 = vector.shape_cast %parallel_loop3A_572 : vector<16xf32> to vector<1x16xf32>
        tpu.vector_store %arg15[%parallel_loop3A_575, %parallel_loop3A_576], %parallel_loop3A_579 {strides = array<i32>} : memref<1024x32xf32, #tpu.memory_space<vmem>>, vector<1x16xf32>,
        %parallel_loop3A_580 = arith.mulf %parallel_loop3A_572, %parallel_loop3A_572 : vector<16xf32>
        %parallel_loop3A_581 = arith.constant 12 : i32
        %parallel_loop3A_582 = arith.addi %parallel_loop3A_259, %parallel_loop3A_581 : i32
        %parallel_loop3A_583 = arith.index_cast %parallel_loop3A_582 : i32 to index
        %parallel_loop3A_584 = arith.constant 16 : index
        %parallel_loop3A_585 = tpu.vector_load %arg15[%parallel_loop3A_583, %parallel_loop3A_584] {strides = array<i32>} : memref<1024x32xf32, #tpu.memory_space<vmem>>, vector<1x16xf32>,
        %parallel_loop3A_586 = vector.shape_cast %parallel_loop3A_585 : vector<1x16xf32> to vector<16xf32>
        %parallel_loop3A_587 = vector.shape_cast %parallel_loop3A_580 : vector<16xf32> to vector<1x16xf32>
        tpu.vector_store %arg15[%parallel_loop3A_583, %parallel_loop3A_584], %parallel_loop3A_587 {strides = array<i32>} : memref<1024x32xf32, #tpu.memory_space<vmem>>, vector<1x16xf32>,
        %parallel_loop3A_588 = arith.constant 13 : i32
        %parallel_loop3A_589 = arith.addi %parallel_loop3A_259, %parallel_loop3A_588 : i32
        %parallel_loop3A_590 = arith.index_cast %parallel_loop3A_589 : i32 to index
        %parallel_loop3A_591 = arith.constant 0 : index
        %parallel_loop3A_592 = tpu.vector_load %arg14[%parallel_loop3A_590, %parallel_loop3A_591] {strides = array<i32>} : memref<1024x16xf32, #tpu.memory_space<vmem>>, vector<1x16xf32>,
        %parallel_loop3A_593 = vector.shape_cast %parallel_loop3A_592 : vector<1x16xf32> to vector<16xf32>
        %parallel_loop3A_594 = vector.extract_strided_slice %parallel_loop3A_262 {offsets = [13], sizes = [1], strides = [1]} : vector<16xf32> to vector<1xf32>
        %parallel_loop3A_595 = vector.extract %parallel_loop3A_594[0] : f32 from vector<1xf32>
        %parallel_loop3A_596 = vector.broadcast %parallel_loop3A_595 : f32 to vector<16xf32>
        %parallel_loop3A_597 = arith.mulf %parallel_loop3A_593, %parallel_loop3A_596 : vector<16xf32>
        %parallel_loop3A_598 = arith.constant 13 : i32
        %parallel_loop3A_599 = arith.addi %parallel_loop3A_259, %parallel_loop3A_598 : i32
        %parallel_loop3A_600 = arith.index_cast %parallel_loop3A_599 : i32 to index
        %parallel_loop3A_601 = arith.constant 0 : index
        %parallel_loop3A_602 = tpu.vector_load %arg15[%parallel_loop3A_600, %parallel_loop3A_601] {strides = array<i32>} : memref<1024x32xf32, #tpu.memory_space<vmem>>, vector<1x16xf32>,
        %parallel_loop3A_603 = vector.shape_cast %parallel_loop3A_602 : vector<1x16xf32> to vector<16xf32>
        %parallel_loop3A_604 = vector.shape_cast %parallel_loop3A_597 : vector<16xf32> to vector<1x16xf32>
        tpu.vector_store %arg15[%parallel_loop3A_600, %parallel_loop3A_601], %parallel_loop3A_604 {strides = array<i32>} : memref<1024x32xf32, #tpu.memory_space<vmem>>, vector<1x16xf32>,
        %parallel_loop3A_605 = arith.mulf %parallel_loop3A_597, %parallel_loop3A_597 : vector<16xf32>
        %parallel_loop3A_606 = arith.constant 13 : i32
        %parallel_loop3A_607 = arith.addi %parallel_loop3A_259, %parallel_loop3A_606 : i32
        %parallel_loop3A_608 = arith.index_cast %parallel_loop3A_607 : i32 to index
        %parallel_loop3A_609 = arith.constant 16 : index
        %parallel_loop3A_610 = tpu.vector_load %arg15[%parallel_loop3A_608, %parallel_loop3A_609] {strides = array<i32>} : memref<1024x32xf32, #tpu.memory_space<vmem>>, vector<1x16xf32>,
        %parallel_loop3A_611 = vector.shape_cast %parallel_loop3A_610 : vector<1x16xf32> to vector<16xf32>
        %parallel_loop3A_612 = vector.shape_cast %parallel_loop3A_605 : vector<16xf32> to vector<1x16xf32>
        tpu.vector_store %arg15[%parallel_loop3A_608, %parallel_loop3A_609], %parallel_loop3A_612 {strides = array<i32>} : memref<1024x32xf32, #tpu.memory_space<vmem>>, vector<1x16xf32>,
        %parallel_loop3A_613 = arith.constant 14 : i32
        %parallel_loop3A_614 = arith.addi %parallel_loop3A_259, %parallel_loop3A_613 : i32
        %parallel_loop3A_615 = arith.index_cast %parallel_loop3A_614 : i32 to index
        %parallel_loop3A_616 = arith.constant 0 : index
        %parallel_loop3A_617 = tpu.vector_load %arg14[%parallel_loop3A_615, %parallel_loop3A_616] {strides = array<i32>} : memref<1024x16xf32, #tpu.memory_space<vmem>>, vector<1x16xf32>,
        %parallel_loop3A_618 = vector.shape_cast %parallel_loop3A_617 : vector<1x16xf32> to vector<16xf32>
        %parallel_loop3A_619 = vector.extract_strided_slice %parallel_loop3A_262 {offsets = [14], sizes = [1], strides = [1]} : vector<16xf32> to vector<1xf32>
        %parallel_loop3A_620 = vector.extract %parallel_loop3A_619[0] : f32 from vector<1xf32>
        %parallel_loop3A_621 = vector.broadcast %parallel_loop3A_620 : f32 to vector<16xf32>
        %parallel_loop3A_622 = arith.mulf %parallel_loop3A_618, %parallel_loop3A_621 : vector<16xf32>
        %parallel_loop3A_623 = arith.constant 14 : i32
        %parallel_loop3A_624 = arith.addi %parallel_loop3A_259, %parallel_loop3A_623 : i32
        %parallel_loop3A_625 = arith.index_cast %parallel_loop3A_624 : i32 to index
        %parallel_loop3A_626 = arith.constant 0 : index
        %parallel_loop3A_627 = tpu.vector_load %arg15[%parallel_loop3A_625, %parallel_loop3A_626] {strides = array<i32>} : memref<1024x32xf32, #tpu.memory_space<vmem>>, vector<1x16xf32>,
        %parallel_loop3A_628 = vector.shape_cast %parallel_loop3A_627 : vector<1x16xf32> to vector<16xf32>
        %parallel_loop3A_629 = vector.shape_cast %parallel_loop3A_622 : vector<16xf32> to vector<1x16xf32>
        tpu.vector_store %arg15[%parallel_loop3A_625, %parallel_loop3A_626], %parallel_loop3A_629 {strides = array<i32>} : memref<1024x32xf32, #tpu.memory_space<vmem>>, vector<1x16xf32>,
        %parallel_loop3A_630 = arith.mulf %parallel_loop3A_622, %parallel_loop3A_622 : vector<16xf32>
        %parallel_loop3A_631 = arith.constant 14 : i32
        %parallel_loop3A_632 = arith.addi %parallel_loop3A_259, %parallel_loop3A_631 : i32
        %parallel_loop3A_633 = arith.index_cast %parallel_loop3A_632 : i32 to index
        %parallel_loop3A_634 = arith.constant 16 : index
        %parallel_loop3A_635 = tpu.vector_load %arg15[%parallel_loop3A_633, %parallel_loop3A_634] {strides = array<i32>} : memref<1024x32xf32, #tpu.memory_space<vmem>>, vector<1x16xf32>,
        %parallel_loop3A_636 = vector.shape_cast %parallel_loop3A_635 : vector<1x16xf32> to vector<16xf32>
        %parallel_loop3A_637 = vector.shape_cast %parallel_loop3A_630 : vector<16xf32> to vector<1x16xf32>
        tpu.vector_store %arg15[%parallel_loop3A_633, %parallel_loop3A_634], %parallel_loop3A_637 {strides = array<i32>} : memref<1024x32xf32, #tpu.memory_space<vmem>>, vector<1x16xf32>,
        %parallel_loop3A_638 = arith.constant 15 : i32
        %parallel_loop3A_639 = arith.addi %parallel_loop3A_259, %parallel_loop3A_638 : i32
        %parallel_loop3A_640 = arith.index_cast %parallel_loop3A_639 : i32 to index
        %parallel_loop3A_641 = arith.constant 0 : index
        %parallel_loop3A_642 = tpu.vector_load %arg14[%parallel_loop3A_640, %parallel_loop3A_641] {strides = array<i32>} : memref<1024x16xf32, #tpu.memory_space<vmem>>, vector<1x16xf32>,
        %parallel_loop3A_643 = vector.shape_cast %parallel_loop3A_642 : vector<1x16xf32> to vector<16xf32>
        %parallel_loop3A_644 = vector.extract_strided_slice %parallel_loop3A_262 {offsets = [15], sizes = [1], strides = [1]} : vector<16xf32> to vector<1xf32>
        %parallel_loop3A_645 = vector.extract %parallel_loop3A_644[0] : f32 from vector<1xf32>
        %parallel_loop3A_646 = vector.broadcast %parallel_loop3A_645 : f32 to vector<16xf32>
        %parallel_loop3A_647 = arith.mulf %parallel_loop3A_643, %parallel_loop3A_646 : vector<16xf32>
        %parallel_loop3A_648 = arith.constant 15 : i32
        %parallel_loop3A_649 = arith.addi %parallel_loop3A_259, %parallel_loop3A_648 : i32
        %parallel_loop3A_650 = arith.index_cast %parallel_loop3A_649 : i32 to index
        %parallel_loop3A_651 = arith.constant 0 : index
        %parallel_loop3A_652 = tpu.vector_load %arg15[%parallel_loop3A_650, %parallel_loop3A_651] {strides = array<i32>} : memref<1024x32xf32, #tpu.memory_space<vmem>>, vector<1x16xf32>,
        %parallel_loop3A_653 = vector.shape_cast %parallel_loop3A_652 : vector<1x16xf32> to vector<16xf32>
        %parallel_loop3A_654 = vector.shape_cast %parallel_loop3A_647 : vector<16xf32> to vector<1x16xf32>
        tpu.vector_store %arg15[%parallel_loop3A_650, %parallel_loop3A_651], %parallel_loop3A_654 {strides = array<i32>} : memref<1024x32xf32, #tpu.memory_space<vmem>>, vector<1x16xf32>,
        %parallel_loop3A_655 = arith.mulf %parallel_loop3A_647, %parallel_loop3A_647 : vector<16xf32>
        %parallel_loop3A_656 = arith.constant 15 : i32
        %parallel_loop3A_657 = arith.addi %parallel_loop3A_259, %parallel_loop3A_656 : i32
        %parallel_loop3A_658 = arith.index_cast %parallel_loop3A_657 : i32 to index
        %parallel_loop3A_659 = arith.constant 16 : index
        %parallel_loop3A_660 = tpu.vector_load %arg15[%parallel_loop3A_658, %parallel_loop3A_659] {strides = array<i32>} : memref<1024x32xf32, #tpu.memory_space<vmem>>, vector<1x16xf32>,
        %parallel_loop3A_661 = vector.shape_cast %parallel_loop3A_660 : vector<1x16xf32> to vector<16xf32>
        %parallel_loop3A_662 = vector.shape_cast %parallel_loop3A_655 : vector<16xf32> to vector<1x16xf32>
        tpu.vector_store %arg15[%parallel_loop3A_658, %parallel_loop3A_659], %parallel_loop3A_662 {strides = array<i32>} : memref<1024x32xf32, #tpu.memory_space<vmem>>, vector<1x16xf32>,
      } {sc.loop_unroll_factor = 4 : i64, sc.parallel_access}
      "tpu.region"() ({
        %run_scoped3A = tpu.sem_alloc : memref<!tpu.dma_semaphore, #tpu.memory_space<semaphore_mem>>
        %dma_start3A_257 = arith.constant 0 : i32
        %dma_start3A_258 = arith.constant 0 : i32
        %dma_start3A_259 = tpu.memref_slice %arg15[%dma_start3A_257, %dma_start3A_258] : memref<1024x32xf32, #tpu.memory_space<vmem>> -> memref<128x32xf32, #tpu.memory_space<vmem>>
        %dma_start3A_260 = arith.constant 0 : i32
        %dma_start3A_261 = tpu.memref_slice %arg12[%dma_start3A_260] : memref<1024xi32, #tpu.memory_space<vmem>> -> memref<128xi32, #tpu.memory_space<vmem>>
        %dma_start3A_262 = arith.constant 0 : i32
        %dma_start3A_263 = arith.constant 0 : i32
        %dma_start3A_264 = tpu.memref_slice %arg16[%dma_start3A_262, %dma_start3A_263] : memref<16384x32xf32, #tpu.memory_space<vmem_shared>> -> memref<16384x32xf32, #tpu.memory_space<vmem_shared>>
        tpu.enqueue_indirect_dma source(%dma_start3A_259 : memref<128x32xf32, #tpu.memory_space<vmem>>) target(%dma_start3A_264 : memref<16384x32xf32, #tpu.memory_space<vmem_shared>>) offsets(%dma_start3A_261 : memref<128xi32, #tpu.memory_space<vmem>>) semaphore(%run_scoped3A : memref<!tpu.dma_semaphore, #tpu.memory_space<semaphore_mem>>) {add = true}
        %dma_wait3A_265 = arith.constant 0 : i32
        %dma_wait3A_266 = arith.constant 0 : i32
        %dma_wait3A_267 = tpu.memref_slice %arg15[%dma_wait3A_265, %dma_wait3A_266] : memref<1024x32xf32, #tpu.memory_space<vmem>> -> memref<128x32xf32, #tpu.memory_space<vmem>>
        %dma_wait3A_268 = arith.constant 0 : i32
        %dma_wait3A_269 = tpu.memref_slice %arg12[%dma_wait3A_268] : memref<1024xi32, #tpu.memory_space<vmem>> -> memref<128xi32, #tpu.memory_space<vmem>>
        %dma_wait3A_270 = arith.constant 0 : i32
        %dma_wait3A_271 = arith.constant 0 : i32
        %dma_wait3A_272 = tpu.memref_slice %arg16[%dma_wait3A_270, %dma_wait3A_271] : memref<16384x32xf32, #tpu.memory_space<vmem_shared>> -> memref<16384x32xf32, #tpu.memory_space<vmem_shared>>
        tpu.wait_indirect_dma semaphore(%run_scoped3A : memref<!tpu.dma_semaphore, #tpu.memory_space<semaphore_mem>>) src(%dma_wait3A_267 : memref<128x32xf32, #tpu.memory_space<vmem>>) dst(%dma_wait3A_272 : memref<16384x32xf32, #tpu.memory_space<vmem_shared>>)
        tpu.yield
      }) : () -> ()
      "tpu.region"() ({
        %run_scoped3A = tpu.sem_alloc : memref<!tpu.dma_semaphore, #tpu.memory_space<semaphore_mem>>
        %dma_start3A_257 = arith.constant 128 : i32
        %dma_start3A_258 = arith.constant 0 : i32
        %dma_start3A_259 = tpu.memref_slice %arg15[%dma_start3A_257, %dma_start3A_258] : memref<1024x32xf32, #tpu.memory_space<vmem>> -> memref<128x32xf32, #tpu.memory_space<vmem>>
        %dma_start3A_260 = arith.constant 128 : i32
        %dma_start3A_261 = tpu.memref_slice %arg12[%dma_start3A_260] : memref<1024xi32, #tpu.memory_space<vmem>> -> memref<128xi32, #tpu.memory_space<vmem>>
        %dma_start3A_262 = arith.constant 0 : i32
        %dma_start3A_263 = arith.constant 0 : i32
        %dma_start3A_264 = tpu.memref_slice %arg16[%dma_start3A_262, %dma_start3A_263] : memref<16384x32xf32, #tpu.memory_space<vmem_shared>> -> memref<16384x32xf32, #tpu.memory_space<vmem_shared>>
        tpu.enqueue_indirect_dma source(%dma_start3A_259 : memref<128x32xf32, #tpu.memory_space<vmem>>) target(%dma_start3A_264 : memref<16384x32xf32, #tpu.memory_space<vmem_shared>>) offsets(%dma_start3A_261 : memref<128xi32, #tpu.memory_space<vmem>>) semaphore(%run_scoped3A : memref<!tpu.dma_semaphore, #tpu.memory_space<semaphore_mem>>) {add = true}
        %dma_wait3A_265 = arith.constant 128 : i32
        %dma_wait3A_266 = arith.constant 0 : i32
        %dma_wait3A_267 = tpu.memref_slice %arg15[%dma_wait3A_265, %dma_wait3A_266] : memref<1024x32xf32, #tpu.memory_space<vmem>> -> memref<128x32xf32, #tpu.memory_space<vmem>>
        %dma_wait3A_268 = arith.constant 128 : i32
        %dma_wait3A_269 = tpu.memref_slice %arg12[%dma_wait3A_268] : memref<1024xi32, #tpu.memory_space<vmem>> -> memref<128xi32, #tpu.memory_space<vmem>>
        %dma_wait3A_270 = arith.constant 0 : i32
        %dma_wait3A_271 = arith.constant 0 : i32
        %dma_wait3A_272 = tpu.memref_slice %arg16[%dma_wait3A_270, %dma_wait3A_271] : memref<16384x32xf32, #tpu.memory_space<vmem_shared>> -> memref<16384x32xf32, #tpu.memory_space<vmem_shared>>
        tpu.wait_indirect_dma semaphore(%run_scoped3A : memref<!tpu.dma_semaphore, #tpu.memory_space<semaphore_mem>>) src(%dma_wait3A_267 : memref<128x32xf32, #tpu.memory_space<vmem>>) dst(%dma_wait3A_272 : memref<16384x32xf32, #tpu.memory_space<vmem_shared>>)
        tpu.yield
      }) : () -> ()
      "tpu.region"() ({
        %run_scoped3A = tpu.sem_alloc : memref<!tpu.dma_semaphore, #tpu.memory_space<semaphore_mem>>
        %dma_start3A_257 = arith.constant 256 : i32
        %dma_start3A_258 = arith.constant 0 : i32
        %dma_start3A_259 = tpu.memref_slice %arg15[%dma_start3A_257, %dma_start3A_258] : memref<1024x32xf32, #tpu.memory_space<vmem>> -> memref<128x32xf32, #tpu.memory_space<vmem>>
        %dma_start3A_260 = arith.constant 256 : i32
        %dma_start3A_261 = tpu.memref_slice %arg12[%dma_start3A_260] : memref<1024xi32, #tpu.memory_space<vmem>> -> memref<128xi32, #tpu.memory_space<vmem>>
        %dma_start3A_262 = arith.constant 0 : i32
        %dma_start3A_263 = arith.constant 0 : i32
        %dma_start3A_264 = tpu.memref_slice %arg16[%dma_start3A_262, %dma_start3A_263] : memref<16384x32xf32, #tpu.memory_space<vmem_shared>> -> memref<16384x32xf32, #tpu.memory_space<vmem_shared>>
        tpu.enqueue_indirect_dma source(%dma_start3A_259 : memref<128x32xf32, #tpu.memory_space<vmem>>) target(%dma_start3A_264 : memref<16384x32xf32, #tpu.memory_space<vmem_shared>>) offsets(%dma_start3A_261 : memref<128xi32, #tpu.memory_space<vmem>>) semaphore(%run_scoped3A : memref<!tpu.dma_semaphore, #tpu.memory_space<semaphore_mem>>) {add = true}
        %dma_wait3A_265 = arith.constant 256 : i32
        %dma_wait3A_266 = arith.constant 0 : i32
        %dma_wait3A_267 = tpu.memref_slice %arg15[%dma_wait3A_265, %dma_wait3A_266] : memref<1024x32xf32, #tpu.memory_space<vmem>> -> memref<128x32xf32, #tpu.memory_space<vmem>>
        %dma_wait3A_268 = arith.constant 256 : i32
        %dma_wait3A_269 = tpu.memref_slice %arg12[%dma_wait3A_268] : memref<1024xi32, #tpu.memory_space<vmem>> -> memref<128xi32, #tpu.memory_space<vmem>>
        %dma_wait3A_270 = arith.constant 0 : i32
        %dma_wait3A_271 = arith.constant 0 : i32
        %dma_wait3A_272 = tpu.memref_slice %arg16[%dma_wait3A_270, %dma_wait3A_271] : memref<16384x32xf32, #tpu.memory_space<vmem_shared>> -> memref<16384x32xf32, #tpu.memory_space<vmem_shared>>
        tpu.wait_indirect_dma semaphore(%run_scoped3A : memref<!tpu.dma_semaphore, #tpu.memory_space<semaphore_mem>>) src(%dma_wait3A_267 : memref<128x32xf32, #tpu.memory_space<vmem>>) dst(%dma_wait3A_272 : memref<16384x32xf32, #tpu.memory_space<vmem_shared>>)
        tpu.yield
      }) : () -> ()
      "tpu.region"() ({
        %run_scoped3A = tpu.sem_alloc : memref<!tpu.dma_semaphore, #tpu.memory_space<semaphore_mem>>
        %dma_start3A_257 = arith.constant 384 : i32
        %dma_start3A_258 = arith.constant 0 : i32
        %dma_start3A_259 = tpu.memref_slice %arg15[%dma_start3A_257, %dma_start3A_258] : memref<1024x32xf32, #tpu.memory_space<vmem>> -> memref<128x32xf32, #tpu.memory_space<vmem>>
        %dma_start3A_260 = arith.constant 384 : i32
        %dma_start3A_261 = tpu.memref_slice %arg12[%dma_start3A_260] : memref<1024xi32, #tpu.memory_space<vmem>> -> memref<128xi32, #tpu.memory_space<vmem>>
        %dma_start3A_262 = arith.constant 0 : i32
        %dma_start3A_263 = arith.constant 0 : i32
        %dma_start3A_264 = tpu.memref_slice %arg16[%dma_start3A_262, %dma_start3A_263] : memref<16384x32xf32, #tpu.memory_space<vmem_shared>> -> memref<16384x32xf32, #tpu.memory_space<vmem_shared>>
        tpu.enqueue_indirect_dma source(%dma_start3A_259 : memref<128x32xf32, #tpu.memory_space<vmem>>) target(%dma_start3A_264 : memref<16384x32xf32, #tpu.memory_space<vmem_shared>>) offsets(%dma_start3A_261 : memref<128xi32, #tpu.memory_space<vmem>>) semaphore(%run_scoped3A : memref<!tpu.dma_semaphore, #tpu.memory_space<semaphore_mem>>) {add = true}
        %dma_wait3A_265 = arith.constant 384 : i32
        %dma_wait3A_266 = arith.constant 0 : i32
        %dma_wait3A_267 = tpu.memref_slice %arg15[%dma_wait3A_265, %dma_wait3A_266] : memref<1024x32xf32, #tpu.memory_space<vmem>> -> memref<128x32xf32, #tpu.memory_space<vmem>>
        %dma_wait3A_268 = arith.constant 384 : i32
        %dma_wait3A_269 = tpu.memref_slice %arg12[%dma_wait3A_268] : memref<1024xi32, #tpu.memory_space<vmem>> -> memref<128xi32, #tpu.memory_space<vmem>>
        %dma_wait3A_270 = arith.constant 0 : i32
        %dma_wait3A_271 = arith.constant 0 : i32
        %dma_wait3A_272 = tpu.memref_slice %arg16[%dma_wait3A_270, %dma_wait3A_271] : memref<16384x32xf32, #tpu.memory_space<vmem_shared>> -> memref<16384x32xf32, #tpu.memory_space<vmem_shared>>
        tpu.wait_indirect_dma semaphore(%run_scoped3A : memref<!tpu.dma_semaphore, #tpu.memory_space<semaphore_mem>>) src(%dma_wait3A_267 : memref<128x32xf32, #tpu.memory_space<vmem>>) dst(%dma_wait3A_272 : memref<16384x32xf32, #tpu.memory_space<vmem_shared>>)
        tpu.yield
      }) : () -> ()
      "tpu.region"() ({
        %run_scoped3A = tpu.sem_alloc : memref<!tpu.dma_semaphore, #tpu.memory_space<semaphore_mem>>
        %dma_start3A_257 = arith.constant 512 : i32
        %dma_start3A_258 = arith.constant 0 : i32
        %dma_start3A_259 = tpu.memref_slice %arg15[%dma_start3A_257, %dma_start3A_258] : memref<1024x32xf32, #tpu.memory_space<vmem>> -> memref<128x32xf32, #tpu.memory_space<vmem>>
        %dma_start3A_260 = arith.constant 512 : i32
        %dma_start3A_261 = tpu.memref_slice %arg12[%dma_start3A_260] : memref<1024xi32, #tpu.memory_space<vmem>> -> memref<128xi32, #tpu.memory_space<vmem>>
        %dma_start3A_262 = arith.constant 0 : i32
        %dma_start3A_263 = arith.constant 0 : i32
        %dma_start3A_264 = tpu.memref_slice %arg16[%dma_start3A_262, %dma_start3A_263] : memref<16384x32xf32, #tpu.memory_space<vmem_shared>> -> memref<16384x32xf32, #tpu.memory_space<vmem_shared>>
        tpu.enqueue_indirect_dma source(%dma_start3A_259 : memref<128x32xf32, #tpu.memory_space<vmem>>) target(%dma_start3A_264 : memref<16384x32xf32, #tpu.memory_space<vmem_shared>>) offsets(%dma_start3A_261 : memref<128xi32, #tpu.memory_space<vmem>>) semaphore(%run_scoped3A : memref<!tpu.dma_semaphore, #tpu.memory_space<semaphore_mem>>) {add = true}
        %dma_wait3A_265 = arith.constant 512 : i32
        %dma_wait3A_266 = arith.constant 0 : i32
        %dma_wait3A_267 = tpu.memref_slice %arg15[%dma_wait3A_265, %dma_wait3A_266] : memref<1024x32xf32, #tpu.memory_space<vmem>> -> memref<128x32xf32, #tpu.memory_space<vmem>>
        %dma_wait3A_268 = arith.constant 512 : i32
        %dma_wait3A_269 = tpu.memref_slice %arg12[%dma_wait3A_268] : memref<1024xi32, #tpu.memory_space<vmem>> -> memref<128xi32, #tpu.memory_space<vmem>>
        %dma_wait3A_270 = arith.constant 0 : i32
        %dma_wait3A_271 = arith.constant 0 : i32
        %dma_wait3A_272 = tpu.memref_slice %arg16[%dma_wait3A_270, %dma_wait3A_271] : memref<16384x32xf32, #tpu.memory_space<vmem_shared>> -> memref<16384x32xf32, #tpu.memory_space<vmem_shared>>
        tpu.wait_indirect_dma semaphore(%run_scoped3A : memref<!tpu.dma_semaphore, #tpu.memory_space<semaphore_mem>>) src(%dma_wait3A_267 : memref<128x32xf32, #tpu.memory_space<vmem>>) dst(%dma_wait3A_272 : memref<16384x32xf32, #tpu.memory_space<vmem_shared>>)
        tpu.yield
      }) : () -> ()
      "tpu.region"() ({
        %run_scoped3A = tpu.sem_alloc : memref<!tpu.dma_semaphore, #tpu.memory_space<semaphore_mem>>
        %dma_start3A_257 = arith.constant 640 : i32
        %dma_start3A_258 = arith.constant 0 : i32
        %dma_start3A_259 = tpu.memref_slice %arg15[%dma_start3A_257, %dma_start3A_258] : memref<1024x32xf32, #tpu.memory_space<vmem>> -> memref<128x32xf32, #tpu.memory_space<vmem>>
        %dma_start3A_260 = arith.constant 640 : i32
        %dma_start3A_261 = tpu.memref_slice %arg12[%dma_start3A_260] : memref<1024xi32, #tpu.memory_space<vmem>> -> memref<128xi32, #tpu.memory_space<vmem>>
        %dma_start3A_262 = arith.constant 0 : i32
        %dma_start3A_263 = arith.constant 0 : i32
        %dma_start3A_264 = tpu.memref_slice %arg16[%dma_start3A_262, %dma_start3A_263] : memref<16384x32xf32, #tpu.memory_space<vmem_shared>> -> memref<16384x32xf32, #tpu.memory_space<vmem_shared>>
        tpu.enqueue_indirect_dma source(%dma_start3A_259 : memref<128x32xf32, #tpu.memory_space<vmem>>) target(%dma_start3A_264 : memref<16384x32xf32, #tpu.memory_space<vmem_shared>>) offsets(%dma_start3A_261 : memref<128xi32, #tpu.memory_space<vmem>>) semaphore(%run_scoped3A : memref<!tpu.dma_semaphore, #tpu.memory_space<semaphore_mem>>) {add = true}
        %dma_wait3A_265 = arith.constant 640 : i32
        %dma_wait3A_266 = arith.constant 0 : i32
        %dma_wait3A_267 = tpu.memref_slice %arg15[%dma_wait3A_265, %dma_wait3A_266] : memref<1024x32xf32, #tpu.memory_space<vmem>> -> memref<128x32xf32, #tpu.memory_space<vmem>>
        %dma_wait3A_268 = arith.constant 640 : i32
        %dma_wait3A_269 = tpu.memref_slice %arg12[%dma_wait3A_268] : memref<1024xi32, #tpu.memory_space<vmem>> -> memref<128xi32, #tpu.memory_space<vmem>>
        %dma_wait3A_270 = arith.constant 0 : i32
        %dma_wait3A_271 = arith.constant 0 : i32
        %dma_wait3A_272 = tpu.memref_slice %arg16[%dma_wait3A_270, %dma_wait3A_271] : memref<16384x32xf32, #tpu.memory_space<vmem_shared>> -> memref<16384x32xf32, #tpu.memory_space<vmem_shared>>
        tpu.wait_indirect_dma semaphore(%run_scoped3A : memref<!tpu.dma_semaphore, #tpu.memory_space<semaphore_mem>>) src(%dma_wait3A_267 : memref<128x32xf32, #tpu.memory_space<vmem>>) dst(%dma_wait3A_272 : memref<16384x32xf32, #tpu.memory_space<vmem_shared>>)
        tpu.yield
      }) : () -> ()
      "tpu.region"() ({
        %run_scoped3A = tpu.sem_alloc : memref<!tpu.dma_semaphore, #tpu.memory_space<semaphore_mem>>
        %dma_start3A_257 = arith.constant 768 : i32
        %dma_start3A_258 = arith.constant 0 : i32
        %dma_start3A_259 = tpu.memref_slice %arg15[%dma_start3A_257, %dma_start3A_258] : memref<1024x32xf32, #tpu.memory_space<vmem>> -> memref<128x32xf32, #tpu.memory_space<vmem>>
        %dma_start3A_260 = arith.constant 768 : i32
        %dma_start3A_261 = tpu.memref_slice %arg12[%dma_start3A_260] : memref<1024xi32, #tpu.memory_space<vmem>> -> memref<128xi32, #tpu.memory_space<vmem>>
        %dma_start3A_262 = arith.constant 0 : i32
        %dma_start3A_263 = arith.constant 0 : i32
        %dma_start3A_264 = tpu.memref_slice %arg16[%dma_start3A_262, %dma_start3A_263] : memref<16384x32xf32, #tpu.memory_space<vmem_shared>> -> memref<16384x32xf32, #tpu.memory_space<vmem_shared>>
        tpu.enqueue_indirect_dma source(%dma_start3A_259 : memref<128x32xf32, #tpu.memory_space<vmem>>) target(%dma_start3A_264 : memref<16384x32xf32, #tpu.memory_space<vmem_shared>>) offsets(%dma_start3A_261 : memref<128xi32, #tpu.memory_space<vmem>>) semaphore(%run_scoped3A : memref<!tpu.dma_semaphore, #tpu.memory_space<semaphore_mem>>) {add = true}
        %dma_wait3A_265 = arith.constant 768 : i32
        %dma_wait3A_266 = arith.constant 0 : i32
        %dma_wait3A_267 = tpu.memref_slice %arg15[%dma_wait3A_265, %dma_wait3A_266] : memref<1024x32xf32, #tpu.memory_space<vmem>> -> memref<128x32xf32, #tpu.memory_space<vmem>>
        %dma_wait3A_268 = arith.constant 768 : i32
        %dma_wait3A_269 = tpu.memref_slice %arg12[%dma_wait3A_268] : memref<1024xi32, #tpu.memory_space<vmem>> -> memref<128xi32, #tpu.memory_space<vmem>>
        %dma_wait3A_270 = arith.constant 0 : i32
        %dma_wait3A_271 = arith.constant 0 : i32
        %dma_wait3A_272 = tpu.memref_slice %arg16[%dma_wait3A_270, %dma_wait3A_271] : memref<16384x32xf32, #tpu.memory_space<vmem_shared>> -> memref<16384x32xf32, #tpu.memory_space<vmem_shared>>
        tpu.wait_indirect_dma semaphore(%run_scoped3A : memref<!tpu.dma_semaphore, #tpu.memory_space<semaphore_mem>>) src(%dma_wait3A_267 : memref<128x32xf32, #tpu.memory_space<vmem>>) dst(%dma_wait3A_272 : memref<16384x32xf32, #tpu.memory_space<vmem_shared>>)
        tpu.yield
      }) : () -> ()
      "tpu.region"() ({
        %run_scoped3A = tpu.sem_alloc : memref<!tpu.dma_semaphore, #tpu.memory_space<semaphore_mem>>
        %dma_start3A_257 = arith.constant 896 : i32
        %dma_start3A_258 = arith.constant 0 : i32
        %dma_start3A_259 = tpu.memref_slice %arg15[%dma_start3A_257, %dma_start3A_258] : memref<1024x32xf32, #tpu.memory_space<vmem>> -> memref<128x32xf32, #tpu.memory_space<vmem>>
        %dma_start3A_260 = arith.constant 896 : i32
        %dma_start3A_261 = tpu.memref_slice %arg12[%dma_start3A_260] : memref<1024xi32, #tpu.memory_space<vmem>> -> memref<128xi32, #tpu.memory_space<vmem>>
        %dma_start3A_262 = arith.constant 0 : i32
        %dma_start3A_263 = arith.constant 0 : i32
        %dma_start3A_264 = tpu.memref_slice %arg16[%dma_start3A_262, %dma_start3A_263] : memref<16384x32xf32, #tpu.memory_space<vmem_shared>> -> memref<16384x32xf32, #tpu.memory_space<vmem_shared>>
        tpu.enqueue_indirect_dma source(%dma_start3A_259 : memref<128x32xf32, #tpu.memory_space<vmem>>) target(%dma_start3A_264 : memref<16384x32xf32, #tpu.memory_space<vmem_shared>>) offsets(%dma_start3A_261 : memref<128xi32, #tpu.memory_space<vmem>>) semaphore(%run_scoped3A : memref<!tpu.dma_semaphore, #tpu.memory_space<semaphore_mem>>) {add = true}
        %dma_wait3A_265 = arith.constant 896 : i32
        %dma_wait3A_266 = arith.constant 0 : i32
        %dma_wait3A_267 = tpu.memref_slice %arg15[%dma_wait3A_265, %dma_wait3A_266] : memref<1024x32xf32, #tpu.memory_space<vmem>> -> memref<128x32xf32, #tpu.memory_space<vmem>>
        %dma_wait3A_268 = arith.constant 896 : i32
        %dma_wait3A_269 = tpu.memref_slice %arg12[%dma_wait3A_268] : memref<1024xi32, #tpu.memory_space<vmem>> -> memref<128xi32, #tpu.memory_space<vmem>>
        %dma_wait3A_270 = arith.constant 0 : i32
        %dma_wait3A_271 = arith.constant 0 : i32
        %dma_wait3A_272 = tpu.memref_slice %arg16[%dma_wait3A_270, %dma_wait3A_271] : memref<16384x32xf32, #tpu.memory_space<vmem_shared>> -> memref<16384x32xf32, #tpu.memory_space<vmem_shared>>
        tpu.wait_indirect_dma semaphore(%run_scoped3A : memref<!tpu.dma_semaphore, #tpu.memory_space<semaphore_mem>>) src(%dma_wait3A_267 : memref<128x32xf32, #tpu.memory_space<vmem>>) dst(%dma_wait3A_272 : memref<16384x32xf32, #tpu.memory_space<vmem_shared>>)
        tpu.yield
      }) : () -> ()
      %scan3A_256 = arith.constant 0 : i32
      scf.yield %scan3A_256 : i32
    }
    %scan3A_83 = arith.constant 25 : i32
    %dma_wait3A = arith.constant 0 : i32
    %dma_wait3A_84 = arith.constant 0 : i32
    %dma_wait3A_85 = tpu.memref_slice %arg5[%dma_wait3A, %dma_wait3A_84] : memref<1000000x16xf32, #tpu.memory_space<hbm>> -> memref<1024x16xf32, #tpu.memory_space<hbm>>
    %dma_wait3A_86 = arith.constant 0 : i32
    %dma_wait3A_87 = arith.constant 0 : i32
    %dma_wait3A_88 = tpu.memref_slice %arg5[%dma_wait3A_86, %dma_wait3A_87] : memref<1000000x16xf32, #tpu.memory_space<hbm>> -> memref<1024x16xf32, #tpu.memory_space<hbm>>
    tpu.wait_dma2 semaphore(%arg17 : memref<!tpu.dma_semaphore, #tpu.memory_space<semaphore_mem>>) src(%dma_wait3A_88 : memref<1024x16xf32, #tpu.memory_space<hbm>>) dst(%arg13 : memref<1024x16xf32, #tpu.memory_space<vmem>>)
    %barrier3A_89 = arith.constant 0 : index
    tpu.barrier barrier_id(%barrier3A_89)
    %mul3A_90 = arith.constant 1024 : i32
    %mul3A_91 = arith.muli %arg1, %mul3A_90 : i32
    %mul3A_92 = arith.constant 1024 : i32
    %mul3A_93 = arith.muli %arg1, %mul3A_92 : i32
    "tpu.region"() ({
      %run_scoped3A = tpu.sem_alloc : memref<!tpu.dma_semaphore, #tpu.memory_space<semaphore_mem>>
      %dma_start3A_94 = arith.constant 0 : i32
      %dma_start3A_95 = tpu.memref_slice %arg6[%arg0, %mul3A_93, %dma_start3A_94] : memref<2x16384x32xf32, #tpu.memory_space<hbm>> -> memref<1x1024x32xf32, #tpu.memory_space<hbm>>
      %dma_start3A_96 = tpu.memref_squeeze %dma_start3A_95 : memref<1x1024x32xf32, #tpu.memory_space<hbm>> -> memref<1024x32xf32, #tpu.memory_space<hbm>>
      %dma_start3A_97 = arith.constant 0 : i32
      %dma_start3A_98 = tpu.memref_slice %arg16[%mul3A_91, %dma_start3A_97] : memref<16384x32xf32, #tpu.memory_space<vmem_shared>> -> memref<1024x32xf32, #tpu.memory_space<vmem_shared>>
      tpu.enqueue_dma source(%dma_start3A_98 : memref<1024x32xf32, #tpu.memory_space<vmem_shared>>) target(%dma_start3A_96 : memref<1024x32xf32, #tpu.memory_space<hbm>>) target_semaphore(%run_scoped3A : memref<!tpu.dma_semaphore, #tpu.memory_space<semaphore_mem>>)
      %dma_wait3A_99 = arith.constant 0 : i32
      %dma_wait3A_100 = tpu.memref_slice %arg6[%arg0, %mul3A_93, %dma_wait3A_99] : memref<2x16384x32xf32, #tpu.memory_space<hbm>> -> memref<1x1024x32xf32, #tpu.memory_space<hbm>>
      %dma_wait3A_101 = tpu.memref_squeeze %dma_wait3A_100 : memref<1x1024x32xf32, #tpu.memory_space<hbm>> -> memref<1024x32xf32, #tpu.memory_space<hbm>>
      %dma_wait3A_102 = arith.constant 0 : i32
      %dma_wait3A_103 = tpu.memref_slice %arg16[%mul3A_91, %dma_wait3A_102] : memref<16384x32xf32, #tpu.memory_space<vmem_shared>> -> memref<1024x32xf32, #tpu.memory_space<vmem_shared>>
      tpu.wait_dma2 semaphore(%run_scoped3A : memref<!tpu.dma_semaphore, #tpu.memory_space<semaphore_mem>>) src(%dma_wait3A_103 : memref<1024x32xf32, #tpu.memory_space<vmem_shared>>) dst(%dma_wait3A_101 : memref<1024x32xf32, #tpu.memory_space<hbm>>)
      tpu.yield
    }) : () -> ()
    return
  }
}

module attributes {stable_mosaic.version = 14 : i64} {
  func.func @_combine_body(%arg0: memref<2x16384x32xf32, #tpu.memory_space<vmem>>, %arg1: memref<16384x1xf32, #tpu.memory_space<vmem>>) attributes {dimension_semantics = [], scalar_prefetch = 0 : i64, scratch_operands = 0 : i64, tpu.core_type = #tpu.core_type<tc>} {
    %get3A = arith.constant 0 : index
    %get3A_0 = arith.constant 0 : index
    %get3A_1 = arith.constant 0 : index
    %get3A_2 = vector.load %arg0[%get3A, %get3A_0, %get3A_1] : memref<2x16384x32xf32, #tpu.memory_space<vmem>>, vector<2x16384x32xf32>
    %slice3A = vector.extract_strided_slice %get3A_2 {offsets = [0, 0, 0], sizes = [1, 16384, 16], strides = [1, 1, 1]} : vector<2x16384x32xf32> to vector<1x16384x16xf32>
    %squeeze3A = vector.shape_cast %slice3A : vector<1x16384x16xf32> to vector<16384x16xf32>
    %slice3A_3 = vector.extract_strided_slice %get3A_2 {offsets = [1, 0, 0], sizes = [1, 16384, 16], strides = [1, 1, 1]} : vector<2x16384x32xf32> to vector<1x16384x16xf32>
    %squeeze3A_4 = vector.shape_cast %slice3A_3 : vector<1x16384x16xf32> to vector<16384x16xf32>
    %add3A = arith.addf %squeeze3A, %squeeze3A_4 : vector<16384x16xf32>
    %slice3A_5 = vector.extract_strided_slice %get3A_2 {offsets = [0, 0, 16], sizes = [1, 16384, 16], strides = [1, 1, 1]} : vector<2x16384x32xf32> to vector<1x16384x16xf32>
    %squeeze3A_6 = vector.shape_cast %slice3A_5 : vector<1x16384x16xf32> to vector<16384x16xf32>
    %slice3A_7 = vector.extract_strided_slice %get3A_2 {offsets = [1, 0, 16], sizes = [1, 16384, 16], strides = [1, 1, 1]} : vector<2x16384x32xf32> to vector<1x16384x16xf32>
    %squeeze3A_8 = vector.shape_cast %slice3A_7 : vector<1x16384x16xf32> to vector<16384x16xf32>
    %add3A_9 = arith.addf %squeeze3A_6, %squeeze3A_8 : vector<16384x16xf32>
    %mul3A = arith.mulf %add3A, %add3A : vector<16384x16xf32>
    %reduce_sum3A = arith.constant dense<0.000000e+00> : vector<16384xf32>
    %reduce_sum3A_10 = vector.multi_reduction <add>, %mul3A, %reduce_sum3A [1] : vector<16384x16xf32> to vector<16384xf32>
    %reduce_sum3A_11 = arith.constant dense<0.000000e+00> : vector<16384xf32>
    %reduce_sum3A_12 = vector.multi_reduction <add>, %add3A_9, %reduce_sum3A_11 [1] : vector<16384x16xf32> to vector<16384xf32>
    %sub3A = arith.subf %reduce_sum3A_10, %reduce_sum3A_12 : vector<16384xf32>
    %broadcast_in_dim3A = vector.shape_cast %sub3A : vector<16384xf32> to vector<16384x1xf32>
    %swap3A = arith.constant 0 : index
    %swap3A_13 = arith.constant 0 : index
    %swap3A_14 = vector.load %arg1[%swap3A, %swap3A_13] : memref<16384x1xf32, #tpu.memory_space<vmem>>, vector<16384x1xf32>
    tpu.vector_store %arg1[%swap3A, %swap3A_13], %broadcast_in_dim3A {strides = array<i32>} : memref<16384x1xf32, #tpu.memory_space<vmem>>, vector<16384x1xf32>,
    return
  }
}

</mosaic_0001>

<sc_bundles>
// kernel: _impl.4.cloned.1.call-start
scs
__scs_entry_jumppad:
0x0: {  	(pc) =	sbr.rel $0x88, $3  }
0x1: {  	(tag) =	ssettag $0x0;
	lr =	simm.s32 $0x1  }
0x2: {  	[smem:$0x3F9D] =	sst lr;
	_ =	strace $0xD0000000  }
0x3: {  	_ = 	snop  }
0x4: {  	_ = 	snop  }
0x5: {  	_ = 	snop  }
0x6: {  	_ = 	snop  }
0x7: {  	_ = 	snop  }
__scs_overlays_trampoline_lowered:
0x8: {  	[smem:$0x3FAC] =	sst s0  }
0x9: {  	[smem:$0x3FAD] =	sst s1  }
0xa: {  	[smem:$0x3FAE] =	sst s2  }
0xb: {  	[smem:$0x3FAF] =	sst s3  }
0xc: {  	[smem:$0x3FB0] =	sst s4  }
0xd: {  	[smem:$0x3FB1] =	sst s5  }
0xe: {  	[smem:$0x3FB2] =	sst s6  }
0xf: {  	[smem:$0x3FB3] =	sst s7  }
0x10: {  	[smem:$0x3FB4] =	sst s8  }
0x11: {  	[smem:$0x3FB5] =	sst s9;
	s0 =	simm.s32 @!p0 $0x0  }
0x12: {  	s1 =	sld [smem:$0x3F9B];
	s0 =	simm.s32 @p0 $0x1  }
0x13: {  	[smem:$0x3FB6] =	sst s0;
	s0 =	simm.s32 @!p1 $0x0  }
0x14: {  	s2 =	sld [smem:$0x3F9A];
	s0 =	simm.s32 @p1 $0x1  }
0x15: {  	[smem:$0x3FB7] =	sst s0;
	s0 =	simm.s32 @!p2 $0x0  }
0x16: {  	s3 =	sld [smem:$0x3FDB];
	s0 =	simm.s32 @p2 $0x1  }
0x17: {  	s4 =	simm.s32 $0x1BF5;
	[smem:$0x3FB9] =	sst s0  }
0x18: {  	s0 =	sld [smem:$0x3F9C];
	_ =	swait.ge [sflag:s4], $0x0  }
0x19: {  	s7 =	sld [smem:$0x3F9D]  }
0x1a: {  	s8 =	sadd.s32 $0xFFFFE003, lr  }
0x1b: {  	s9 =	sadd.s32 $0xFFFFFEF7, lr;
	s5 =	simm.s32 $0xFFFFFFFF;
	p2 =	slt.u32 s8, $0xFFFFF086  }
0x1c: {  	p1 =	slt.u32 s9, $0xF7A;
	s5 =	simm.s32 @!p2 $0x0  }
0x1d: {  	s5 =	simm.s32 @p1 $0x1;
	p0 =	seq.s32 s7, s2  }
0x1e: {  	s7 =	smul.u32 @!p0 $0xF7A, s2;
	p2 =	seq.s32 @!p0 s5, $0x0  }
0x1f: {  	s9 =	smul.u32 $0xF7A, s1;
	s8 =	simm.s32 @!p0 $0x1BF5;
	p2 =	por !p2, p0  }
0x20: {  	[sflag:s8] =	ssyncset.s32 @!p0 $0xFFFFF086;
	s6 =	sadd.s32 @!p0 s3, s7;
	s7 =	simm.s32 @!p0 $0x108  }
0x21: {  	s3 =	sadd.s32 s3, s9;
	s6 =	sadd.s32 @!p0 $0x88, s6;
	s7 =	simm.s32 @p2 $0x1082  }
0x22: {  	[simem:s7], [sflag:s8] =	dma.local @!p0 [hbm:s6], $0xF7A  }
0x23: {  	s9 =	sor.u32 $0xD0000000, s2;
	s6 =	simm.s32 $0x108;
	_ =	swait.ge @!p0 [sflag:s8], $0x0  }
0x24: {  	s3 =	sadd.s32 $0x88, s3;
	s6 =	simm.s32 @!p1 $0x1082;
	[sflag:s4] =	ssyncset.s32 $0xFFFFF086  }
0x25: {  	[simem:s6], [sflag:s4] =	dma.local [hbm:s3], $0xF7A  }
0x26: {  	[smem:$0x3F9D] =	sst s1;
	(tag) =	ssettag s2;
	_ =	strace s9  }
0x27: {  	s1 =	sld [smem:$0x3FAD]  }
0x28: {  	s2 =	sld [smem:$0x3FAE]  }
0x29: {  	s4 =	sld [smem:$0x3FB0]  }
0x2a: {  	p0 =	seq.s32 s5, $0x0;
	s5 =	sld [smem:$0x3FB1]  }
0x2b: {  	s6 =	sld [smem:$0x3FB2]  }
0x2c: {  	s7 =	sld [smem:$0x3FB3]  }
0x2d: {  	s3 =	simm.s32 $0x108;
	s8 =	sld [smem:$0x3FB4]  }
0x2e: {  	s3 =	simm.s32 @!p0 $0x1082;
	s9 =	sld [smem:$0x3FB5]  }
0x2f: {  	lr =	sadd.s32 s0, s3;
	s0 =	sld [smem:$0x3FAC]  }
0x30: {  	s3 =	sld [smem:$0x3FAF]  }
0x31: {  	[smem:$0x3FB8] =	sst s10  }
0x32: {  	s10 =	sld [smem:$0x3FB6];
	_ =	sdelay $0x3  }
0x33: {  	p0 =	seq.s32 s10, $0x1;
	s10 =	sld [smem:$0x3FB8];
	_ =	sdelay $0x3  }
0x34: {  	[smem:$0x3FB8] =	sst s10  }
0x35: {  	s10 =	sld [smem:$0x3FB7];
	_ =	sdelay $0x3  }
0x36: {  	p1 =	seq.s32 s10, $0x1;
	s10 =	sld [smem:$0x3FB8];
	_ =	sdelay $0x3  }
0x37: {  	[smem:$0x3FB8] =	sst s10  }
0x38: {  	s10 =	sld [smem:$0x3FB9]  }
0x39: {  	_ = 	snop;
	(pc) =	sbr.ind lr, $3  }
0x3a: {  	_ = 	snop  }
0x3b: {  	_ = 	snop  }
0x3c: {  	p2 =	seq.s32 s10, $0x1;
	s10 =	sld [smem:$0x3FB8]  }
0x3d: {  	_ =	shalt  }
0x3e: {  	_ =	shalt  }
0x3f: {  	_ =	shalt  }
0x40: {  	_ =	shalt  }
0x41: {  	_ =	shalt  }
0x42: {  	_ =	shalt  }
0x43: {  	_ =	shalt  }
0x44: {  	_ =	shalt  }
0x45: {  	_ =	shalt  }
0x46: {  	_ =	shalt  }
0x47: {  	_ =	shalt  }
0x48: {  	_ =	shalt  }
0x49: {  	_ =	shalt  }
0x4a: {  	_ =	shalt  }
0x4b: {  	_ =	shalt  }
0x4c: {  	_ =	shalt  }
0x4d: {  	_ =	shalt  }
0x4e: {  	_ =	shalt  }
0x4f: {  	_ =	shalt  }
0x50: {  	_ =	shalt  }
0x51: {  	_ =	shalt  }
0x52: {  	_ =	shalt  }
0x53: {  	_ =	shalt  }
0x54: {  	_ =	shalt  }
0x55: {  	_ =	shalt  }
0x56: {  	_ =	shalt  }
0x57: {  	_ =	shalt  }
0x58: {  	_ =	shalt  }
0x59: {  	_ =	shalt  }
0x5a: {  	_ =	shalt  }
0x5b: {  	_ =	shalt  }
0x5c: {  	_ =	shalt  }
0x5d: {  	_ =	shalt  }
0x5e: {  	_ =	shalt  }
0x5f: {  	_ =	shalt  }
0x60: {  	_ =	shalt  }
0x61: {  	_ =	shalt  }
0x62: {  	_ =	shalt  }
0x63: {  	_ =	shalt  }
0x64: {  	_ =	shalt  }
0x65: {  	_ =	shalt  }
0x66: {  	_ =	shalt  }
0x67: {  	_ =	shalt  }
0x68: {  	_ =	shalt  }
0x69: {  	_ =	shalt  }
0x6a: {  	_ =	shalt  }
0x6b: {  	_ =	shalt  }
0x6c: {  	_ =	shalt  }
0x6d: {  	_ =	shalt  }
0x6e: {  	_ =	shalt  }
0x6f: {  	_ =	shalt  }
0x70: {  	_ =	shalt  }
0x71: {  	_ =	shalt  }
0x72: {  	_ =	shalt  }
0x73: {  	_ =	shalt  }
0x74: {  	_ =	shalt  }
0x75: {  	_ =	shalt  }
0x76: {  	_ =	shalt  }
0x77: {  	_ =	shalt  }
0x78: {  	_ =	shalt  }
0x79: {  	_ =	shalt  }
0x7a: {  	_ =	shalt  }
0x7b: {  	_ =	shalt  }
0x7c: {  	_ =	shalt  }
0x7d: {  	_ =	shalt  }
0x7e: {  	_ =	shalt  }
0x7f: {  	_ =	shalt  }
0x80: {  	_ =	shalt  }
0x81: {  	_ =	shalt  }
0x82: {  	_ =	shalt  }
0x83: {  	_ =	shalt  }
0x84: {  	_ =	shalt  }
0x85: {  	_ =	shalt  }
0x86: {  	_ =	shalt  }
0x87: {  	_ =	shalt  }
.Lfunc_end0:
.L_simem_size_0:
called_computation_lowered:
.L_overlay_start_0:
0x88: {  	s2 =	sld [smem:$0x3FD9]  }
0x89: {  	s3 =	sld [smem:$0x3FFE];
	_ =	sdelay $0x1  }
0x8a: {  	s1 =	srdreg.scid  }
0x8b: {  	s0 =	sand.u32 $0x1, s1  }
0x8c: {  	s17 =	sshll.u32 s0, $0xA;
	s2 =	sadd.s32 s3, s2  }
0x8d: {  	s2 =	sadd.s32 s2, s17  }
0x8e: {  	[smem:$0x3FC4] =	sst s2  }
0x8f: {  	_ = 	snop  }
0x90: {  	s2 =	sld [smem:$0x3FC9]  }
0x91: {  	s18 =	sld [smem:$0x3FC8]  }
0x92: {  	s4 =	sld [smem:$0x3FC7];
	(tm) =	ssettm $0x1  }
0x93: {  	s5 =	sld [smem:$0x3FFB];
	_ =	sdelay $0x3  }
0x94: {  	_ =	strace s5  }
0x95: {  	s5 =	sld [smem:$0x3FFC];
	_ =	sdelay $0x3  }
0x96: {  	_ =	strace s5  }
0x97: {  	s5 =	sld [smem:$0x3FFD];
	_ =	sdelay $0x3  }
0x98: {  	_ =	strace s5  }
0x99: {  	_ =	strace $0x8FFFFFFF  }
0x9a: {  	s19 =	sld [smem:$0x3FDB];
	_ =	sdelay $0x1  }
0x9b: {  	s6 =	simm.s32 $_scs_section_size  }
0x9c: {  	s7 =	simm.s32 $_size__tile_overlayer_lowered;
	s8 =	simm.s32 $_tile_overlayer_lowered  }
0x9d: {  	s22 =	simm.s32 $0x1BFF;
	s21 =	sshll.u32 s8, $0x1;
	s5 =	sadd.s32 s6, s19  }
0x9e: {  	s9 =	simm.s32 $0x0;
	s20 =	sshll.u32 s7, $0x1;
	s7 =	sadd.s32 s21, s5  }
0x9f: {  	[timem:s9], [sflag:s22] =	dma.local [hbm:s7], s20  }
0xa0: {  	_ =	swait.ge [sflag:s22], s20  }
0xa1: {  	s6 =	ssub.s32 $0x0, s20;
	[sflag:s22] =	ssyncset.done $0x0  }
0xa2: {  	[sflag:s22] =	ssyncadd.s32 s6;
	_ =	sdelay $0x1  }
0xa3: {  	s23 =	simm.s32 $0x1B8B  }
0xa4: {  	_ =	swait.ge [sflag:s23], $0x1  }
0xa5: {  	[sflag:s23] =	ssyncset.done $0x0  }
0xa6: {  	s25 =	simm.s32 $0x1B8E;
	s24 =	sld [smem:$0x3FFE];
	[sflag:s23] =	ssyncadd.s32 $0xFFFFFFFF  }
0xa7: {  	s26 =	simm.s32 $execute0_lowered;
	[smem:$0x3FD2] =	sst s25  }
0xa8: {  	s7 =	sshll.u32 s26, $0x1;
	_ =	strace $0x80000046;
	[dreg:$0x1] =	wrdreg $0xFFFFFFFF  }
0xa9: {  	s28 =	simm.s32 $_size_execute0_lowered;
	s5 =	sadd.s32 s5, s7;
	[dreg:$0x0] =	wrdreg $0x0  }
0xaa: {  	s7 =	sshll.u32 s28, $0x1;
	[dreg:$0x2] =	wrdreg s5  }
0xab: {  	[dreg:$0x3] =	wrdreg s7  }
0xac: {  	[dreg:$0x4] =	wrdreg $0xC0  }
0xad: {  	_ =	task [dreg:s9], $0x5FFFF  }
0xae: {  	[dreg:$0x1] =	wrdreg $0xFFFFFFFF  }
0xaf: {  	[dreg:$0x0] =	wrdreg $0x60  }
0xb0: {  	[dreg:$0x2] =	wrdreg s2  }
0xb1: {  	[dreg:$0x3] =	wrdreg s18  }
0xb2: {  	[dreg:$0x4] =	wrdreg s4  }
0xb3: {  	[dreg:$0x5] =	wrdreg s24  }
0xb4: {  	[dreg:$0x6] =	wrdreg $0x118000  }
0xb5: {  	[dreg:$0x7] =	wrdreg $0x9  }
0xb6: {  	_ =	task.clear_ibuf [dreg:s9], $0x8FFFF;
	_ =	strace $0x90000046  }
0xb7: {  	s29 =	simm.s32 $0x9;
	_ =	strace $0x80000048  }
0xb8: {  	_ =	swait.ge [sflag:s29], $0x1  }
0xb9: {  	[sflag:s29] =	ssyncadd.s32 $0xFFFFFFFF  }
0xba: {  	_ =	strace $0x90000048  }
0xbb: {  	_ =	sfence  }
0xbc: {  	s30 =	sld [smem:$0x0];
	_ =	sdelay $0x2  }
0xbd: {  	s31 =	sshll.u32 s1, $0xD;
	s1 =	sshrl.u32 s1, $0x2  }
0xbe: {  	s3 =	sand.u32 $0x4000, s31;
	s1 =	sadd.s32 s1, s30  }
0xbf: {  	s0 =	sor.u32 s3, s0;
	s1 =	sshll.u32 s1, $0x11  }
0xc0: {  	s0 =	sor.u32 s1, s0  }
0xc1: {  	s0 =	sadd.s32 $0x8F2B, s0  }
0xc2: {  	[sflag:s0] =	ssyncadd.remote.s32 $0x1  }
0xc3: {  	_ =	sfence.sel $0xFFFF  }
0xc4: {  	[dreg:$0x0] =	wrdreg $0xFFFFFFFF;
	(pc) =	sbr.abs _section_cstart, $3  }
0xc5: {  	[dreg:$0x1] =	wrdreg $0xFFFFFFFF  }
0xc6: {  	_ =	task.clear_ibuf [dreg:s9], $0x2FFFF;
	_ =	strace $0x9FFFFFFF  }
0xc7: {  	(tm) =	ssettm $0x7FFFFFFF  }
tec
execute0_lowered:
.L_overlay_start_1:
0x0: {  	(tag) =	ssettag $0x1  }
0x1: {  	s10 =	rddreg [dreg:$0x0]  }
0x2: {  	s3 =	rddreg [dreg:$0x1]  }
0x3: {  	s11 =	rddreg [dreg:$0x2]  }
0x4: {  	s0 =	rddreg [dreg:$0x3]  }
0x5: {  	s4 =	rddreg [dreg:$0x4]  }
0x6: {  	s5 =	simm.s32 $0x0;
	s1 =	srdreg.scid;
	s8 =	stileid.u32  }
0x7: {  	s16 =	simm.s32 $0x9800;
	s17 =	simm.s32 $0x3;
	s18 =	simm.s32 $0x80  }
0x8: {  	s15 =	simm.s32 $0x1400;
	s14 =	simm.s32 $0xA800;
	s19 =	simm.s32 $0xB800  }
0x9: {  	s20 =	simm.s32 $0xC800;
	s21 =	simm.s32 $0xD800;
	s22 =	simm.s32 $0xE800  }
0xa: {  	s23 =	simm.s32 $0xF800;
	s24 =	simm.s32 $0x10800;
	s25 =	simm.s32 $0x2  }
0xb: {  	[smem:$0x7FF] =	sst s5;
	s1 =	sand.u32 $0x1, s1;
	s6 =	sshll.u32 s8, $0xF  }
0xc: {  	s12 =	smov.u32 s3;
	_ =	strace $0x80000047;
	s2 =	sshll.u32 s1, $0x4  }
0xd: {  	s7 =	sshll.u32 s1, $0x13;
	s1 =	ssub.s32 $0x2, s1;
	s2 =	sor.u32 s8, s2  }
0xe: {  	s26 =	sor.u32 s6, s7;
	s7 =	sadd.s32 $0xF42800, s0;
	s9 =	sshrl.u32 s1, $0x1  }
0xf: {  	s6 =	sadd.s32 s6, s4;
	s2 =	smul.u32 $0xC800, s2;
	s1 =	ssub.s32 s1, s9  }
0x10: {  	s8 =	sshrl.u32 s26, $0x3;
	[dreg:$0x6] =	wrdreg s6;
	s31 =	smax.u32 s1, $0x1  }
0x11: {  	s0 =	sadd.s32 s8, s0;
	s30 =	sor.u32 $0x400, s2;
	[dreg:$0xd] =	wrdreg s31  }
0x12: {  	s28 =	sshrl.u32 s2, $0x3;
	s2 =	sadd.s32 $0x800, s2;
	[dreg:$0xa] =	wrdreg s30  }
0x13: {  	s13 =	smov.u32 s11;
	s0 =	sadd.s32 $0x400, s0;
	[dreg:$0xb] =	wrdreg s2  }
0x14: {  	s1 =	simm.s32 $0x0;
	s3 =	sadd.s32 s3, s28;
	[dreg:$0xc] =	wrdreg s0  }
0x15: {  	s29 =	sadd.s32 s10, s28;
	s8 =	sadd.s32 s11, s28;
	[dreg:$0x7] =	wrdreg s3  }
0x16: {  	s11 =	simm.s32 $0x400;
	s3 =	smov.u32 s10;
	[dreg:$0x8] =	wrdreg s29  }
0x17: {  	v0 =	vimm.f32 $0.0e+00;
	[dreg:$0x9] =	wrdreg s8;
	s10 =	simm.s32 $0x1000;
	s8 =	simm.s32 $0x1  }
.LBB2_1:
0x18: {  	[dreg:$0xe] =	wrdreg s1;
	s0 =	simm.s32 $0x80;
	s1 =	simm.s32 $0x0  }
.LBB2_2:
0x19: {  	p0 =	sne.s32 s0, $0x1FF80;
	[tilespmem:s1+$0x9800] =	vst v0;
	s2 =	smov.u32 s0;
	s0 =	sadd.s32 $0x80, s0  }
.Ltmp0:
0x1a: {  	[tilespmem:s1+$0x9810] =	vst v0;
	(pc) =	sbr.rel @p0 .LBB2_2-.Ltmp0, $2  }
0x1b: {  	_ =	sdelay $0x2  }
0x1c: {  	s1 =	sshra.s32 s2, $0x2  }
0x1d: {  	[tilespmem:s1+$0x9800] =	vst v0  }
0x1e: {  	[tilespmem:s1+$0x9810] =	vst v0  }
0x1f: {  	[spmem:s6] =	stream.linear.scatter [tilespmem:s16], [sflag:$0x3], $0x8000, $0x38;
	[tilespmem:$0x19800] =	vst v63  }
0x20: {  	_ =	swait.ge [sflag:s17], $0x8000  }
0x21: {  	[sflag:s17] =	ssyncset.done $0x0  }
0x22: {  	[sflag:s17] =	ssyncadd.s32 $0xFFFF8000  }
0x23: {  	[bflag:$0x0] =	sbarrier.arrive $0xFFFF  }
0x24: {  	s26 =	simm.s32 $0x0;
	s0 =	rddreg [dreg:$0x7]  }
0x25: {  	[tilespmem:s26], [sflag:$0x3] =	stream.linear.gather [hbm4b:s0+s26], $0x400, $0x38;
	[tilespmem:$0x19800] =	vst v63  }
0x26: {  	_ =	swait.ge [sflag:s17], $0x400  }
0x27: {  	[sflag:s17] =	ssyncset.done $0x0  }
0x28: {  	s30 =	simm.s32 $0x1800;
	[sflag:s17] =	ssyncadd.s32 $0xFFFFFC00  }
0x29: {  	[tilespmem:s30], [sflag:$0x1] =	stream.indirect.gather [hbm4b:s7+s18], $0x10, s26, s18, $0xb8;
	[tilespmem:$0x19800] =	vst v63  }
0x2a: {  	s31 =	simm.s32 $0x2000  }
0x2b: {  	[tilespmem:s31], [sflag:$0x1] =	stream.indirect.gather [hbm4b:s7+s18], $0x10, s18, s18, $0xb8;
	[tilespmem:$0x19800] =	vst v63  }
0x2c: {  	s1 =	simm.s32 $0x100;
	s2 =	simm.s32 $0x2800  }
0x2d: {  	[tilespmem:s2], [sflag:$0x1] =	stream.indirect.gather [hbm4b:s7+s18], $0x10, s1, s18, $0xb8;
	[tilespmem:$0x19800] =	vst v63  }
0x2e: {  	s9 =	simm.s32 $0x3000;
	s6 =	simm.s32 $0x180  }
0x2f: {  	[tilespmem:s9], [sflag:$0x1] =	stream.indirect.gather [hbm4b:s7+s18], $0x10, s6, s18, $0xb8;
	[tilespmem:$0x19800] =	vst v63  }
0x30: {  	s28 =	simm.s32 $0x200;
	s29 =	simm.s32 $0x3800  }
0x31: {  	[tilespmem:s29], [sflag:$0x1] =	stream.indirect.gather [hbm4b:s7+s18], $0x10, s28, s18, $0xb8;
	[tilespmem:$0x19800] =	vst v63  }
0x32: {  	s30 =	simm.s32 $0x280;
	s31 =	simm.s32 $0x4000  }
0x33: {  	[tilespmem:s31], [sflag:$0x1] =	stream.indirect.gather [hbm4b:s7+s18], $0x10, s30, s18, $0xb8;
	[tilespmem:$0x19800] =	vst v63  }
0x34: {  	s2 =	simm.s32 $0x300;
	s6 =	simm.s32 $0x4800  }
0x35: {  	[tilespmem:s6], [sflag:$0x1] =	stream.indirect.gather [hbm4b:s7+s18], $0x10, s2, s18, $0xb8;
	[tilespmem:$0x19800] =	vst v63  }
0x36: {  	s9 =	simm.s32 $0x380;
	s28 =	simm.s32 $0x5000  }
0x37: {  	[tilespmem:s28], [sflag:$0x1] =	stream.indirect.gather [hbm4b:s7+s18], $0x10, s9, s18, $0xb8;
	[tilespmem:$0x19800] =	vst v63  }
0x38: {  	s29 =	rddreg [dreg:$0x8];
	s30 =	simm.s32 $0x800  }
0x39: {  	[tilespmem:s30], [sflag:$0x3] =	stream.linear.gather [hbm4b:s29+s26], $0x400, $0x38;
	[tilespmem:$0x19800] =	vst v63  }
0x3a: {  	_ =	swait.ge [sflag:s17], $0x400  }
0x3b: {  	[sflag:s17] =	ssyncset.done $0x0  }
0x3c: {  	s31 =	rddreg [dreg:$0x9];
	[sflag:s17] =	ssyncadd.s32 $0xFFFFFC00  }
0x3d: {  	[tilespmem:s10], [sflag:$0x3] =	stream.linear.gather [hbm4b:s31+s26], $0x400, $0x38;
	[tilespmem:$0x19800] =	vst v63  }
0x3e: {  	_ =	swait.ge [sflag:s17], $0x400  }
0x3f: {  	[sflag:s17] =	ssyncset.done $0x0  }
0x40: {  	[sflag:s17] =	ssyncadd.s32 $0xFFFFFC00  }
.LBB2_4:
0x41: {  	s0 =	sshll.u32 s26, $0xB;
	s1 =	rddreg [dreg:$0xa]  }
0x42: {  	s0 =	sadd.s32 s0, s1  }
0x43: {  	s0 =	sshrl.u32 s0, $0x3  }
0x44: {  	s2 =	sadd.s32 s12, s0  }
0x45: {  	[tilespmem:s11], [sflag:$0x3] =	stream.linear.gather [hbm4b:s2+s5], $0x400, $0x38;
	[tilespmem:$0x19800] =	vst v63  }
0x46: {  	_ =	swait.ge [sflag:s17], $0x400  }
0x47: {  	[sflag:s17] =	ssyncset.done $0x0  }
0x48: {  	s6 =	simm.s32 $0x5800;
	[sflag:s17] =	ssyncadd.s32 $0xFFFFFC00  }
0x49: {  	[tilespmem:s6], [sflag:$0x2] =	stream.indirect.gather [hbm4b:s7+s18], $0x10, s11, s18, $0xb8;
	[tilespmem:$0x19800] =	vst v63  }
0x4a: {  	s9 =	simm.s32 $0x480;
	s2 =	simm.s32 $0x6000  }
0x4b: {  	[tilespmem:s2], [sflag:$0x2] =	stream.indirect.gather [hbm4b:s7+s18], $0x10, s9, s18, $0xb8;
	[tilespmem:$0x19800] =	vst v63  }
0x4c: {  	s6 =	simm.s32 $0x500;
	s9 =	simm.s32 $0x6800  }
0x4d: {  	[tilespmem:s9], [sflag:$0x2] =	stream.indirect.gather [hbm4b:s7+s18], $0x10, s6, s18, $0xb8;
	[tilespmem:$0x19800] =	vst v63  }
0x4e: {  	s6 =	simm.s32 $0x580;
	s9 =	simm.s32 $0x7000  }
0x4f: {  	[tilespmem:s9], [sflag:$0x2] =	stream.indirect.gather [hbm4b:s7+s18], $0x10, s6, s18, $0xb8;
	[tilespmem:$0x19800] =	vst v63  }
0x50: {  	s6 =	simm.s32 $0x600;
	s9 =	simm.s32 $0x7800  }
0x51: {  	[tilespmem:s9], [sflag:$0x2] =	stream.indirect.gather [hbm4b:s7+s18], $0x10, s6, s18, $0xb8;
	[tilespmem:$0x19800] =	vst v63  }
0x52: {  	s6 =	simm.s32 $0x680;
	s9 =	simm.s32 $0x8000  }
0x53: {  	[tilespmem:s9], [sflag:$0x2] =	stream.indirect.gather [hbm4b:s7+s18], $0x10, s6, s18, $0xb8;
	[tilespmem:$0x19800] =	vst v63  }
0x54: {  	s6 =	simm.s32 $0x700;
	s9 =	simm.s32 $0x8800  }
0x55: {  	[tilespmem:s9], [sflag:$0x2] =	stream.indirect.gather [hbm4b:s7+s18], $0x10, s6, s18, $0xb8;
	[tilespmem:$0x19800] =	vst v63  }
0x56: {  	s6 =	simm.s32 $0x780;
	s9 =	simm.s32 $0x9000  }
0x57: {  	[tilespmem:s9], [sflag:$0x2] =	stream.indirect.gather [hbm4b:s7+s18], $0x10, s6, s18, $0xb8;
	[tilespmem:$0x19800] =	vst v63  }
0x58: {  	s6 =	sadd.s32 s3, s0;
	s9 =	simm.s32 $0xC00  }
0x59: {  	[tilespmem:s9], [sflag:$0x3] =	stream.linear.gather [hbm4b:s6+s5], $0x400, $0x38;
	[tilespmem:$0x19800] =	vst v63  }
0x5a: {  	_ =	swait.ge [sflag:s17], $0x400  }
0x5b: {  	[sflag:s17] =	ssyncset.done $0x0  }
0x5c: {  	s0 =	sadd.s32 s13, s0;
	[sflag:s17] =	ssyncadd.s32 $0xFFFFFC00  }
0x5d: {  	[tilespmem:s15], [sflag:$0x3] =	stream.linear.gather [hbm4b:s0+s5], $0x400, $0x38;
	[tilespmem:$0x19800] =	vst v63  }
0x5e: {  	_ =	swait.ge [sflag:s17], $0x400  }
0x5f: {  	[sflag:s17] =	ssyncset.done $0x0  }
0x60: {  	[sflag:s17] =	ssyncadd.s32 $0xFFFFFC00  }
0x61: {  	_ =	swait.ge [sflag:s8], $0x4000  }
0x62: {  	[sflag:s8] =	ssyncset.done $0x0  }
0x63: {  	s2 =	simm.s32 $0x820;
	[sflag:s8] =	ssyncadd.s32 $0xFFFFC000  }
0x64: {  	v1 =	vld [tilespmem:s2+$0x10]  }
0x65: {  	s31 =	simm.s32 $0x1A00  }
0x66: {  	v4 =	vld [tilespmem:s31+$0x100];
	_ =	sdelay $0x1  }
0x67: {  	v3 =	vld [tilespmem:s2+$0xFFFFFFF0]  }
0x68: {  	v6 =	vld [tilespmem:s2+$0xFFFFFFE0];
	v5 =	vbroadcast v1, $0x0  }
0x69: {  	v2 =	vld [tilespmem:s2+$0x0]  }
0x6a: {  	v7 =	vld [tilespmem:s31+$0xFFFFFE00];
	v4 =	vmul.f32 v5, v4  }
0x6b: {  	v5 =	vld [tilespmem:s31+$0xFFFFFF00]  }
0x6c: {  	s28 =	simm.s32 $0x9C00;
	v8 =	vld [tilespmem:s31+$0x0];
	v9 =	vmul.f32 v4, v4  }
0x6d: {  	v10 =	vbroadcast v6, $0x0;
	[tilespmem:s28+$0x200] =	vst v4  }
0x6e: {  	v4 =	vbroadcast v3, $0x0;
	[tilespmem:s28+$0x210] =	vst v9  }
0x6f: {  	v7 =	vmul.f32 v10, v7;
	v9 =	vbroadcast v2, $0x0;
	v10 =	vld [tilespmem:s31+$0x110]  }
0x70: {  	v4 =	vmul.f32 v4, v5  }
0x71: {  	[tilespmem:s28+$0xFFFFFC00] =	vst v7;
	v7 =	vmul.f32 v7, v7;
	v5 =	vmul.f32 v9, v8  }
0x72: {  	v8 =	vmul.f32 v4, v4;
	[tilespmem:s28+$0xFFFFFE00] =	vst v4;
	v4 =	vbroadcast v1, $0x1  }
0x73: {  	[tilespmem:s28+$0xFFFFFC10] =	vst v7  }
0x74: {  	v7 =	vld [tilespmem:s31+$0xFFFFFE10];
	v9 =	vmul.f32 v5, v5;
	[tilespmem:s28+$0x0] =	vst v5;
	v4 =	vmul.f32 v10, v4  }
0x75: {  	[tilespmem:s28+$0xFFFFFE10] =	vst v8  }
0x76: {  	v8 =	vld [tilespmem:s31+$0xFFFFFF10];
	[tilespmem:s28+$0x10] =	vst v9;
	v5 =	vmul.f32 v4, v4  }
0x77: {  	v9 =	vbroadcast v6, $0x1;
	v10 =	vld [tilespmem:s31+$0x10];
	[tilespmem:s28+$0x220] =	vst v4  }
0x78: {  	[tilespmem:s28+$0x230] =	vst v5  }
0x79: {  	v4 =	vbroadcast v3, $0x1;
	v5 =	vmul.f32 v7, v9;
	v7 =	vld [tilespmem:s31+$0x120]  }
0x7a: {  	v9 =	vbroadcast v2, $0x1  }
0x7b: {  	v4 =	vmul.f32 v8, v4;
	[tilespmem:s28+$0xFFFFFC20] =	vst v5;
	v5 =	vmul.f32 v5, v5  }
0x7c: {  	v8 =	vmul.f32 v10, v9;
	v9 =	vbroadcast v1, $0x2  }
0x7d: {  	[tilespmem:s28+$0xFFFFFE20] =	vst v4  }
0x7e: {  	v4 =	vmul.f32 v4, v4;
	[tilespmem:s28+$0xFFFFFC30] =	vst v5;
	v5 =	vmul.f32 v7, v9  }
0x7f: {  	[tilespmem:s28+$0x20] =	vst v8  }
0x80: {  	[tilespmem:s28+$0xFFFFFE30] =	vst v4;
	v7 =	vld [tilespmem:s31+$0xFFFFFE20];
	v9 =	vmul.f32 v5, v5  }
0x81: {  	v4 =	vld [tilespmem:s31+$0xFFFFFF20];
	[tilespmem:s28+$0x240] =	vst v5  }
0x82: {  	[tilespmem:s28+$0x250] =	vst v9  }
0x83: {  	v5 =	vld [tilespmem:s31+$0x130];
	_ =	sdelay $0x2  }
0x84: {  	v9 =	vbroadcast v1, $0x3;
	_ =	sdelay $0x1  }
0x85: {  	v8 =	vmul.f32 v8, v8;
	v5 =	vmul.f32 v5, v9  }
0x86: {  	v9 =	vbroadcast v6, $0x2  }
0x87: {  	[tilespmem:s28+$0x30] =	vst v8;
	v10 =	vmul.f32 v5, v5  }
0x88: {  	v11 =	vbroadcast v3, $0x2;
	v8 =	vld [tilespmem:s31+$0x20];
	v7 =	vmul.f32 v7, v9;
	[tilespmem:s28+$0x260] =	vst v5  }
0x89: {  	[tilespmem:s28+$0x270] =	vst v10  }
0x8a: {  	v4 =	vmul.f32 v4, v11;
	v9 =	vmul.f32 v7, v7;
	v10 =	vld [tilespmem:s31+$0x140]  }
0x8b: {  	v5 =	vbroadcast v2, $0x2;
	[tilespmem:s28+$0xFFFFFC40] =	vst v7  }
0x8c: {  	v7 =	vmul.f32 v4, v4;
	[tilespmem:s28+$0xFFFFFC50] =	vst v9  }
0x8d: {  	[tilespmem:s28+$0xFFFFFE40] =	vst v4;
	v5 =	vmul.f32 v8, v5;
	v4 =	vbroadcast v1, $0x4;
	v8 =	vld [tilespmem:s31+$0xFFFFFE30]  }
0x8e: {  	[tilespmem:s28+$0xFFFFFE50] =	vst v7  }
0x8f: {  	v7 =	vmul.f32 v5, v5;
	v9 =	vld [tilespmem:s31+$0xFFFFFF30];
	v4 =	vmul.f32 v10, v4  }
0x90: {  	[tilespmem:s28+$0x40] =	vst v5;
	v10 =	vbroadcast v6, $0x3  }
0x91: {  	[tilespmem:s28+$0x50] =	vst v7;
	v5 =	vmul.f32 v4, v4  }
0x92: {  	v7 =	vbroadcast v3, $0x3;
	v8 =	vmul.f32 v8, v10;
	v10 =	vld [tilespmem:s31+$0x30];
	[tilespmem:s28+$0x280] =	vst v4  }
0x93: {  	[tilespmem:s28+$0x290] =	vst v5  }
0x94: {  	v4 =	vmul.f32 v8, v8;
	v5 =	vmul.f32 v9, v7;
	v7 =	vld [tilespmem:s31+$0x150]  }
0x95: {  	v9 =	vbroadcast v2, $0x3;
	[tilespmem:s28+$0xFFFFFC60] =	vst v8  }
0x96: {  	[tilespmem:s28+$0xFFFFFC70] =	vst v4;
	v4 =	vmul.f32 v5, v5  }
0x97: {  	[tilespmem:s28+$0xFFFFFE60] =	vst v5;
	v8 =	vld [tilespmem:s31+$0xFFFFFE40];
	v5 =	vmul.f32 v10, v9;
	v9 =	vbroadcast v1, $0x5  }
0x98: {  	[tilespmem:s28+$0xFFFFFE70] =	vst v4  }
0x99: {  	v4 =	vld [tilespmem:s31+$0xFFFFFF40];
	v10 =	vmul.f32 v5, v5;
	v7 =	vmul.f32 v7, v9  }
0x9a: {  	[tilespmem:s28+$0x60] =	vst v5;
	v9 =	vbroadcast v6, $0x4  }
0x9b: {  	[tilespmem:s28+$0x70] =	vst v10;
	v5 =	vmul.f32 v7, v7  }
0x9c: {  	v10 =	vbroadcast v3, $0x4;
	v8 =	vmul.f32 v8, v9;
	v9 =	vld [tilespmem:s31+$0x40];
	[tilespmem:s28+$0x2A0] =	vst v7  }
0x9d: {  	[tilespmem:s28+$0x2B0] =	vst v5  }
0x9e: {  	v5 =	vmul.f32 v8, v8;
	v4 =	vmul.f32 v4, v10;
	v7 =	vld [tilespmem:s31+$0x160]  }
0x9f: {  	v10 =	vbroadcast v2, $0x4;
	[tilespmem:s28+$0xFFFFFC80] =	vst v8  }
0xa0: {  	[tilespmem:s28+$0xFFFFFC90] =	vst v5;
	v5 =	vmul.f32 v4, v4  }
0xa1: {  	[tilespmem:s28+$0xFFFFFE80] =	vst v4;
	v8 =	vld [tilespmem:s31+$0xFFFFFE50];
	v4 =	vmul.f32 v9, v10;
	v9 =	vbroadcast v1, $0x6  }
0xa2: {  	[tilespmem:s28+$0xFFFFFE90] =	vst v5  }
0xa3: {  	v5 =	vld [tilespmem:s31+$0xFFFFFF50];
	v10 =	vmul.f32 v4, v4;
	v7 =	vmul.f32 v7, v9  }
0xa4: {  	[tilespmem:s28+$0x80] =	vst v4;
	v9 =	vbroadcast v6, $0x5  }
0xa5: {  	[tilespmem:s28+$0x90] =	vst v10;
	v4 =	vmul.f32 v7, v7  }
0xa6: {  	v10 =	vbroadcast v3, $0x5;
	v8 =	vmul.f32 v8, v9;
	v9 =	vld [tilespmem:s31+$0x50];
	[tilespmem:s28+$0x2C0] =	vst v7  }
0xa7: {  	[tilespmem:s28+$0x2D0] =	vst v4  }
0xa8: {  	v4 =	vmul.f32 v8, v8;
	v5 =	vmul.f32 v5, v10;
	v7 =	vld [tilespmem:s31+$0x170]  }
0xa9: {  	v10 =	vbroadcast v2, $0x5;
	[tilespmem:s28+$0xFFFFFCA0] =	vst v8  }
0xaa: {  	[tilespmem:s28+$0xFFFFFCB0] =	vst v4;
	v4 =	vmul.f32 v5, v5  }
0xab: {  	[tilespmem:s28+$0xFFFFFEA0] =	vst v5;
	v8 =	vld [tilespmem:s31+$0xFFFFFE60];
	v5 =	vmul.f32 v9, v10;
	v9 =	vbroadcast v1, $0x7  }
0xac: {  	[tilespmem:s28+$0xFFFFFEB0] =	vst v4  }
0xad: {  	v4 =	vld [tilespmem:s31+$0xFFFFFF60];
	v10 =	vmul.f32 v5, v5;
	v7 =	vmul.f32 v7, v9  }
0xae: {  	[tilespmem:s28+$0xA0] =	vst v5;
	v9 =	vbroadcast v6, $0x6  }
0xaf: {  	[tilespmem:s28+$0xB0] =	vst v10;
	v5 =	vmul.f32 v7, v7  }
0xb0: {  	v10 =	vbroadcast v3, $0x6;
	v8 =	vmul.f32 v8, v9;
	v9 =	vld [tilespmem:s31+$0x60];
	[tilespmem:s28+$0x2E0] =	vst v7  }
0xb1: {  	[tilespmem:s28+$0x2F0] =	vst v5  }
0xb2: {  	v5 =	vmul.f32 v8, v8;
	v4 =	vmul.f32 v4, v10;
	v7 =	vld [tilespmem:s31+$0x180]  }
0xb3: {  	v10 =	vbroadcast v2, $0x6;
	[tilespmem:s28+$0xFFFFFCC0] =	vst v8  }
0xb4: {  	[tilespmem:s28+$0xFFFFFCD0] =	vst v5;
	v5 =	vmul.f32 v4, v4  }
0xb5: {  	[tilespmem:s28+$0xFFFFFEC0] =	vst v4;
	v8 =	vld [tilespmem:s31+$0xFFFFFE70];
	v4 =	vmul.f32 v9, v10;
	v9 =	vbroadcast v1, $0x8  }
0xb6: {  	[tilespmem:s28+$0xFFFFFED0] =	vst v5  }
0xb7: {  	v5 =	vld [tilespmem:s31+$0xFFFFFF70];
	v10 =	vmul.f32 v4, v4;
	v7 =	vmul.f32 v7, v9  }
0xb8: {  	[tilespmem:s28+$0xC0] =	vst v4;
	v9 =	vbroadcast v6, $0x7  }
0xb9: {  	[tilespmem:s28+$0xD0] =	vst v10;
	v4 =	vmul.f32 v7, v7  }
0xba: {  	v10 =	vbroadcast v3, $0x7;
	v8 =	vmul.f32 v8, v9;
	v9 =	vld [tilespmem:s31+$0x70];
	[tilespmem:s28+$0x300] =	vst v7  }
0xbb: {  	[tilespmem:s28+$0x310] =	vst v4  }
0xbc: {  	v4 =	vmul.f32 v8, v8;
	v5 =	vmul.f32 v5, v10;
	v7 =	vld [tilespmem:s31+$0x190]  }
0xbd: {  	v10 =	vbroadcast v2, $0x7;
	[tilespmem:s28+$0xFFFFFCE0] =	vst v8  }
0xbe: {  	[tilespmem:s28+$0xFFFFFCF0] =	vst v4;
	v4 =	vmul.f32 v5, v5  }
0xbf: {  	[tilespmem:s28+$0xFFFFFEE0] =	vst v5;
	v8 =	vld [tilespmem:s31+$0xFFFFFE80];
	v5 =	vmul.f32 v9, v10;
	v9 =	vbroadcast v1, $0x9  }
0xc0: {  	[tilespmem:s28+$0xFFFFFEF0] =	vst v4  }
0xc1: {  	v4 =	vld [tilespmem:s31+$0xFFFFFF80];
	v10 =	vmul.f32 v5, v5;
	v7 =	vmul.f32 v7, v9  }
0xc2: {  	[tilespmem:s28+$0xE0] =	vst v5;
	v9 =	vbroadcast v6, $0x8  }
0xc3: {  	[tilespmem:s28+$0xF0] =	vst v10;
	v5 =	vmul.f32 v7, v7  }
0xc4: {  	v10 =	vbroadcast v3, $0x8;
	v8 =	vmul.f32 v8, v9;
	v9 =	vld [tilespmem:s31+$0x80];
	[tilespmem:s28+$0x320] =	vst v7  }
0xc5: {  	[tilespmem:s28+$0x330] =	vst v5  }
0xc6: {  	v5 =	vmul.f32 v8, v8;
	v4 =	vmul.f32 v4, v10;
	v7 =	vld [tilespmem:s31+$0x1A0]  }
0xc7: {  	v10 =	vbroadcast v2, $0x8;
	[tilespmem:s28+$0xFFFFFD00] =	vst v8  }
0xc8: {  	[tilespmem:s28+$0xFFFFFD10] =	vst v5;
	v5 =	vmul.f32 v4, v4  }
0xc9: {  	v8 =	vld [tilespmem:s31+$0xFFFFFE90];
	v9 =	vmul.f32 v9, v10;
	v10 =	vbroadcast v1, $0xA  }
0xca: {  	[tilespmem:s28+$0xFFFFFF00] =	vst v4  }
0xcb: {  	[tilespmem:s28+$0xFFFFFF10] =	vst v5;
	v4 =	vmul.f32 v9, v9;
	v5 =	vmul.f32 v7, v10  }
0xcc: {  	[tilespmem:s28+$0x100] =	vst v9;
	v9 =	vld [tilespmem:s31+$0xFFFFFF90];
	v7 =	vbroadcast v6, $0x9  }
0xcd: {  	[tilespmem:s28+$0x110] =	vst v4;
	v4 =	vmul.f32 v5, v5  }
0xce: {  	v7 =	vmul.f32 v8, v7;
	[tilespmem:s28+$0x340] =	vst v5  }
0xcf: {  	v5 =	vld [tilespmem:s31+$0x90];
	[tilespmem:s28+$0x350] =	vst v4;
	v4 =	vbroadcast v3, $0x9  }
0xd0: {  	v8 =	vmul.f32 v7, v7;
	v10 =	vld [tilespmem:s31+$0x1B0]  }
0xd1: {  	[tilespmem:s28+$0xFFFFFD20] =	vst v7;
	v4 =	vmul.f32 v9, v4  }
0xd2: {  	v7 =	vbroadcast v2, $0x9;
	[tilespmem:s28+$0xFFFFFD30] =	vst v8  }
0xd3: {  	v9 =	vbroadcast v1, $0xB;
	v8 =	vld [tilespmem:s31+$0xFFFFFEA0];
	v11 =	vmul.f32 v4, v4  }
0xd4: {  	[tilespmem:s28+$0xFFFFFF20] =	vst v4;
	v4 =	vmul.f32 v5, v7  }
0xd5: {  	v5 =	vmul.f32 v10, v9;
	[tilespmem:s28+$0xFFFFFF30] =	vst v11  }
0xd6: {  	v7 =	vbroadcast v6, $0xA;
	[tilespmem:s28+$0x120] =	vst v4;
	v4 =	vmul.f32 v4, v4  }
0xd7: {  	v9 =	vmul.f32 v5, v5;
	[tilespmem:s28+$0x360] =	vst v5  }
0xd8: {  	v10 =	vld [tilespmem:s31+$0xFFFFFFA0];
	v7 =	vmul.f32 v8, v7;
	[tilespmem:s28+$0x130] =	vst v4  }
0xd9: {  	[tilespmem:s28+$0x370] =	vst v9  }
0xda: {  	v4 =	vmul.f32 v7, v7;
	[tilespmem:s28+$0xFFFFFD40] =	vst v7;
	v7 =	vld [tilespmem:s31+$0xA0]  }
0xdb: {  	v8 =	vbroadcast v3, $0xA;
	v5 =	vld [tilespmem:s31+$0x1C0]  }
0xdc: {  	s6 =	simm.s32 $0x860  }
0xdd: {  	v11 =	vbroadcast v2, $0xA;
	[tilespmem:s28+$0xFFFFFD50] =	vst v4;
	v4 =	vmul.f32 v10, v8;
	v8 =	vld [tilespmem:s6+$0x10]  }
0xde: {  	v10 =	vbroadcast v1, $0xC;
	v9 =	vld [tilespmem:s31+$0xFFFFFEB0]  }
0xdf: {  	s29 =	simm.s32 $0x1E00;
	v12 =	vmul.f32 v4, v4;
	v7 =	vmul.f32 v7, v11  }
0xe0: {  	[tilespmem:s28+$0xFFFFFF40] =	vst v4;
	v5 =	vmul.f32 v5, v10;
	v10 =	vld [tilespmem:s29+$0x100]  }
0xe1: {  	v4 =	vbroadcast v6, $0xB;
	[tilespmem:s28+$0xFFFFFF50] =	vst v12;
	v13 =	vmul.f32 v7, v7  }
0xe2: {  	v12 =	vld [tilespmem:s31+$0xFFFFFFB0];
	v11 =	vmul.f32 v5, v5;
	[tilespmem:s28+$0x380] =	vst v5  }
0xe3: {  	v5 =	vmul.f32 v9, v4;
	v4 =	vld [tilespmem:s6+$0xFFFFFFE0];
	v9 =	vbroadcast v8, $0x0;
	[tilespmem:s28+$0x150] =	vst v13  }
0xe4: {  	v13 =	vld [tilespmem:s29+$0xFFFFFE00];
	[tilespmem:s28+$0x390] =	vst v11;
	v11 =	vbroadcast v3, $0xB  }
0xe5: {  	[tilespmem:s28+$0x140] =	vst v7;
	v7 =	vmul.f32 v5, v5;
	v14 =	vld [tilespmem:s31+$0x1D0];
	v9 =	vmul.f32 v9, v10  }
0xe6: {  	[tilespmem:s28+$0xFFFFFD60] =	vst v5;
	v5 =	vld [tilespmem:s6+$0xFFFFFFF0]  }
0xe7: {  	s30 =	simm.s32 $0xA400;
	v10 =	vmul.f32 v12, v11;
	[tilespmem:s28+$0xFFFFFD70] =	vst v7;
	v11 =	vmul.f32 v9, v9  }
0xe8: {  	v15 =	vbroadcast v1, $0xD;
	v12 =	vld [tilespmem:s29+$0xFFFFFF00];
	v16 =	vbroadcast v4, $0x0;
	[tilespmem:s30+$0x200] =	vst v9  }
0xe9: {  	v7 =	vld [tilespmem:s6+$0x0];
	v9 =	vmul.f32 v10, v10;
	[tilespmem:s30+$0x210] =	vst v11  }
0xea: {  	[tilespmem:s28+$0xFFFFFF60] =	vst v10;
	v11 =	vmul.f32 v16, v13;
	v10 =	vmul.f32 v14, v15;
	v13 =	vld [tilespmem:s29+$0x110]  }
0xeb: {  	[tilespmem:s28+$0xFFFFFF70] =	vst v9;
	v9 =	vbroadcast v5, $0x0  }
0xec: {  	v14 =	vld [tilespmem:s29+$0x0];
	v15 =	vmul.f32 v10, v10;
	[tilespmem:s28+$0x3A0] =	vst v10;
	v10 =	vmul.f32 v11, v11  }
0xed: {  	[tilespmem:s30+$0xFFFFFC00] =	vst v11;
	v9 =	vmul.f32 v9, v12;
	v11 =	vbroadcast v8, $0x1  }
0xee: {  	v16 =	vbroadcast v7, $0x0;
	v12 =	vld [tilespmem:s31+$0xB0];
	[tilespmem:s30+$0xFFFFFC10] =	vst v10  }
0xef: {  	[tilespmem:s28+$0x3B0] =	vst v15;
	v10 =	vmul.f32 v9, v9;
	v15 =	vld [tilespmem:s29+$0xFFFFFE10];
	v11 =	vmul.f32 v13, v11  }
0xf0: {  	[tilespmem:s30+$0xFFFFFE00] =	vst v9;
	v9 =	vbroadcast v2, $0xB  }
0xf1: {  	v13 =	vmul.f32 v16, v14;
	v14 =	vld [tilespmem:s31+$0x1E0];
	[tilespmem:s30+$0xFFFFFE10] =	vst v10;
	v10 =	vmul.f32 v11, v11  }
0xf2: {  	v16 =	vbroadcast v4, $0x1;
	v18 =	vld [tilespmem:s29+$0xFFFFFF10];
	[tilespmem:s30+$0x220] =	vst v11  }
0xf3: {  	v17 =	vmul.f32 v13, v13;
	v9 =	vmul.f32 v12, v9;
	[tilespmem:s30+$0x230] =	vst v10  }
0xf4: {  	[tilespmem:s30+$0x0] =	vst v13;
	v10 =	vbroadcast v1, $0xE;
	v11 =	vmul.f32 v15, v16;
	v12 =	vld [tilespmem:s29+$0x120]  }
0xf5: {  	[tilespmem:s30+$0x10] =	vst v17;
	v15 =	vbroadcast v5, $0x1  }
0xf6: {  	[tilespmem:s28+$0x160] =	vst v9;
	v13 =	vld [tilespmem:s29+$0x10];
	v10 =	vmul.f32 v14, v10;
	v14 =	vmul.f32 v11, v11  }
0xf7: {  	v15 =	vmul.f32 v18, v15;
	[tilespmem:s30+$0xFFFFFC20] =	vst v11;
	v11 =	vbroadcast v8, $0x2  }
0xf8: {  	v16 =	vbroadcast v7, $0x1;
	[tilespmem:s30+$0xFFFFFC30] =	vst v14  }
0xf9: {  	[tilespmem:s28+$0x3C0] =	vst v10;
	v14 =	vmul.f32 v15, v15;
	v17 =	vld [tilespmem:s29+$0xFFFFFE20];
	v11 =	vmul.f32 v12, v11  }
0xfa: {  	[tilespmem:s30+$0xFFFFFE20] =	vst v15  }
0xfb: {  	v12 =	vmul.f32 v13, v16;
	[tilespmem:s30+$0xFFFFFE30] =	vst v14;
	v13 =	vmul.f32 v11, v11  }
0xfc: {  	v14 =	vbroadcast v4, $0x2;
	v15 =	vld [tilespmem:s29+$0xFFFFFF20];
	[tilespmem:s30+$0x240] =	vst v11  }
0xfd: {  	v11 =	vmul.f32 v12, v12;
	[tilespmem:s30+$0x250] =	vst v13  }
0xfe: {  	v10 =	vmul.f32 v10, v10;
	[tilespmem:s30+$0x20] =	vst v12;
	v12 =	vmul.f32 v17, v14;
	v13 =	vld [tilespmem:s29+$0x130]  }
0xff: {  	v16 =	vbroadcast v5, $0x2;
	[tilespmem:s30+$0x30] =	vst v11  }
0x100: {  	v9 =	vmul.f32 v9, v9;
	[tilespmem:s28+$0x3D0] =	vst v10;
	v10 =	vld [tilespmem:s29+$0x20];
	v11 =	vmul.f32 v12, v12  }
0x101: {  	v18 =	vld [tilespmem:s31+$0x1F0];
	[tilespmem:s30+$0xFFFFFC40] =	vst v12;
	v12 =	vmul.f32 v15, v16;
	v15 =	vbroadcast v8, $0x3  }
0x102: {  	v17 =	vbroadcast v7, $0x2;
	[tilespmem:s30+$0xFFFFFC50] =	vst v11  }
0x103: {  	[tilespmem:s28+$0x170] =	vst v9;
	v9 =	vmul.f32 v12, v12;
	v11 =	vld [tilespmem:s29+$0xFFFFFE30];
	v13 =	vmul.f32 v13, v15  }
0x104: {  	v1 =	vbroadcast v1, $0xF;
	[tilespmem:s30+$0xFFFFFE40] =	vst v12  }
0x105: {  	[tilespmem:s30+$0xFFFFFE50] =	vst v9;
	v9 =	vmul.f32 v10, v17;
	v10 =	vmul.f32 v13, v13  }
0x106: {  	v1 =	vmul.f32 v18, v1;
	v12 =	vbroadcast v4, $0x3;
	v15 =	vld [tilespmem:s29+$0xFFFFFF30];
	[tilespmem:s30+$0x260] =	vst v13  }
0x107: {  	[tilespmem:s30+$0x270] =	vst v10  }
0x108: {  	[tilespmem:s28+$0x3E0] =	vst v1;
	v13 =	vmul.f32 v9, v9;
	v10 =	vmul.f32 v11, v12;
	v11 =	vld [tilespmem:s29+$0x140]  }
0x109: {  	[tilespmem:s30+$0x40] =	vst v9;
	v12 =	vbroadcast v5, $0x3  }
0x10a: {  	v14 =	vld [tilespmem:s31+$0xFFFFFEC0];
	[tilespmem:s30+$0x50] =	vst v13;
	v13 =	vmul.f32 v1, v1;
	v9 =	vmul.f32 v10, v10  }
0x10b: {  	[tilespmem:s30+$0xFFFFFC60] =	vst v10;
	v10 =	vmul.f32 v15, v12;
	v12 =	vld [tilespmem:s29+$0x30];
	v15 =	vbroadcast v8, $0x4  }
0x10c: {  	v16 =	vbroadcast v6, $0xC;
	[tilespmem:s30+$0xFFFFFC70] =	vst v9  }
0x10d: {  	[tilespmem:s28+$0x3F0] =	vst v13;
	v9 =	vmul.f32 v10, v10;
	v13 =	vld [tilespmem:s29+$0xFFFFFE40];
	v11 =	vmul.f32 v11, v15  }
0x10e: {  	[tilespmem:s30+$0xFFFFFE60] =	vst v10;
	v15 =	vbroadcast v7, $0x3  }
0x10f: {  	v14 =	vmul.f32 v14, v16;
	v10 =	vld [tilespmem:s31+$0xFFFFFFC0];
	[tilespmem:s30+$0xFFFFFE70] =	vst v9;
	v9 =	vmul.f32 v11, v11  }
0x110: {  	v16 =	vbroadcast v4, $0x4;
	v17 =	vld [tilespmem:s29+$0xFFFFFF40];
	v12 =	vmul.f32 v12, v15;
	[tilespmem:s30+$0x280] =	vst v11  }
0x111: {  	v11 =	vbroadcast v3, $0xC;
	[tilespmem:s30+$0x290] =	vst v9  }
0x112: {  	[tilespmem:s28+$0xFFFFFD80] =	vst v14;
	v1 =	vmul.f32 v12, v12;
	v9 =	vmul.f32 v13, v16;
	v13 =	vld [tilespmem:s29+$0x150]  }
0x113: {  	v14 =	vmul.f32 v14, v14;
	v15 =	vbroadcast v5, $0x4;
	[tilespmem:s30+$0x60] =	vst v12  }
0x114: {  	v10 =	vmul.f32 v10, v11;
	[tilespmem:s30+$0x70] =	vst v1;
	v1 =	vmul.f32 v9, v9  }
0x115: {  	v12 =	vbroadcast v8, $0x5;
	[tilespmem:s30+$0xFFFFFC80] =	vst v9;
	v9 =	vmul.f32 v17, v15;
	v11 =	vld [tilespmem:s29+$0x40]  }
0x116: {  	[tilespmem:s30+$0xFFFFFC90] =	vst v1  }
0x117: {  	[tilespmem:s28+$0xFFFFFD90] =	vst v14;
	v1 =	vmul.f32 v9, v9;
	v15 =	vld [tilespmem:s29+$0xFFFFFE50];
	v12 =	vmul.f32 v13, v12  }
0x118: {  	[tilespmem:s30+$0xFFFFFE80] =	vst v9;
	v13 =	vbroadcast v7, $0x4  }
0x119: {  	[tilespmem:s30+$0xFFFFFE90] =	vst v1;
	v1 =	vmul.f32 v12, v12  }
0x11a: {  	v9 =	vbroadcast v4, $0x5;
	v16 =	vld [tilespmem:s29+$0xFFFFFF50];
	v11 =	vmul.f32 v11, v13;
	[tilespmem:s30+$0x2A0] =	vst v12  }
0x11b: {  	[tilespmem:s30+$0x2B0] =	vst v1  }
0x11c: {  	[tilespmem:s28+$0xFFFFFF80] =	vst v10;
	v1 =	vmul.f32 v11, v11;
	v9 =	vmul.f32 v15, v9;
	v12 =	vld [tilespmem:s29+$0x160]  }
0x11d: {  	v14 =	vbroadcast v5, $0x5;
	v13 =	vld [tilespmem:s31+$0xC0];
	[tilespmem:s30+$0x80] =	vst v11  }
0x11e: {  	v10 =	vmul.f32 v10, v10;
	[tilespmem:s30+$0x90] =	vst v1;
	v1 =	vmul.f32 v9, v9  }
0x11f: {  	[tilespmem:s30+$0xFFFFFCA0] =	vst v9;
	v9 =	vmul.f32 v16, v14;
	v11 =	vld [tilespmem:s29+$0x50];
	v14 =	vbroadcast v8, $0x6  }
0x120: {  	v15 =	vbroadcast v2, $0xC;
	[tilespmem:s30+$0xFFFFFCB0] =	vst v1  }
0x121: {  	[tilespmem:s28+$0xFFFFFF90] =	vst v10;
	v1 =	vmul.f32 v9, v9;
	v10 =	vld [tilespmem:s29+$0xFFFFFE60];
	v12 =	vmul.f32 v12, v14  }
0x122: {  	v13 =	vmul.f32 v13, v15;
	[tilespmem:s30+$0xFFFFFEA0] =	vst v9;
	v14 =	vbroadcast v7, $0x5  }
0x123: {  	v9 =	vbroadcast v4, $0x6;
	[tilespmem:s30+$0xFFFFFEB0] =	vst v1;
	v1 =	vmul.f32 v12, v12  }
0x124: {  	v15 =	vmul.f32 v13, v13;
	v16 =	vld [tilespmem:s29+$0xFFFFFF60];
	v11 =	vmul.f32 v11, v14;
	[tilespmem:s30+$0x2C0] =	vst v12  }
0x125: {  	[tilespmem:s30+$0x2D0] =	vst v1  }
0x126: {  	[tilespmem:s28+$0x190] =	vst v15;
	v1 =	vmul.f32 v11, v11;
	v9 =	vmul.f32 v10, v9;
	v10 =	vld [tilespmem:s29+$0x170]  }
0x127: {  	v12 =	vbroadcast v5, $0x6;
	v14 =	vld [tilespmem:s31+$0xFFFFFED0];
	[tilespmem:s30+$0xA0] =	vst v11  }
0x128: {  	[tilespmem:s30+$0xB0] =	vst v1;
	v1 =	vmul.f32 v9, v9  }
0x129: {  	[tilespmem:s30+$0xFFFFFCC0] =	vst v9;
	v9 =	vmul.f32 v16, v12;
	v11 =	vld [tilespmem:s29+$0x60];
	v12 =	vbroadcast v8, $0x7  }
0x12a: {  	v15 =	vbroadcast v6, $0xD;
	[tilespmem:s30+$0xFFFFFCD0] =	vst v1  }
0x12b: {  	[tilespmem:s28+$0x180] =	vst v13;
	v1 =	vmul.f32 v9, v9;
	v13 =	vld [tilespmem:s29+$0xFFFFFE70];
	v10 =	vmul.f32 v10, v12  }
0x12c: {  	v17 =	vld [tilespmem:s31+$0xFFFFFFD0];
	v14 =	vmul.f32 v14, v15;
	[tilespmem:s30+$0xFFFFFEC0] =	vst v9;
	v12 =	vbroadcast v7, $0x6  }
0x12d: {  	v9 =	vbroadcast v4, $0x7;
	[tilespmem:s30+$0xFFFFFED0] =	vst v1;
	v1 =	vmul.f32 v10, v10  }
0x12e: {  	v15 =	vmul.f32 v14, v14;
	v18 =	vld [tilespmem:s29+$0xFFFFFF70];
	v11 =	vmul.f32 v11, v12;
	[tilespmem:s30+$0x2E0] =	vst v10  }
0x12f: {  	v16 =	vbroadcast v3, $0xD;
	[tilespmem:s30+$0x2F0] =	vst v1  }
0x130: {  	[tilespmem:s28+$0xFFFFFDB0] =	vst v15;
	v1 =	vmul.f32 v11, v11;
	v9 =	vmul.f32 v13, v9;
	v12 =	vld [tilespmem:s29+$0x180]  }
0x131: {  	v10 =	vmul.f32 v17, v16;
	[tilespmem:s30+$0xC0] =	vst v11;
	v13 =	vbroadcast v5, $0x7  }
0x132: {  	v16 =	vbroadcast v8, $0x8;
	[tilespmem:s30+$0xD0] =	vst v1;
	v1 =	vmul.f32 v9, v9  }
0x133: {  	v11 =	vmul.f32 v10, v10;
	[tilespmem:s30+$0xFFFFFCE0] =	vst v9;
	v9 =	vmul.f32 v18, v13;
	v13 =	vld [tilespmem:s29+$0x70]  }
0x134: {  	[tilespmem:s30+$0xFFFFFCF0] =	vst v1  }
0x135: {  	[tilespmem:s28+$0xFFFFFFB0] =	vst v11;
	v1 =	vmul.f32 v9, v9;
	v11 =	vld [tilespmem:s29+$0xFFFFFE80];
	v12 =	vmul.f32 v12, v16  }
0x136: {  	[tilespmem:s30+$0xFFFFFEE0] =	vst v9;
	v16 =	vbroadcast v7, $0x7  }
0x137: {  	[tilespmem:s30+$0xFFFFFEF0] =	vst v1;
	v1 =	vmul.f32 v12, v12  }
0x138: {  	v9 =	vbroadcast v4, $0x8;
	v18 =	vld [tilespmem:s29+$0xFFFFFF80];
	v13 =	vmul.f32 v13, v16;
	[tilespmem:s30+$0x300] =	vst v12  }
0x139: {  	v15 =	vld [tilespmem:s31+$0xD0];
	[tilespmem:s30+$0x310] =	vst v1  }
0x13a: {  	[tilespmem:s28+$0xFFFFFDA0] =	vst v14;
	v1 =	vmul.f32 v13, v13;
	v9 =	vmul.f32 v11, v9;
	v11 =	vld [tilespmem:s29+$0x190]  }
0x13b: {  	v12 =	vbroadcast v5, $0x8;
	[tilespmem:s30+$0xE0] =	vst v13  }
0x13c: {  	v17 =	vbroadcast v2, $0xD;
	[tilespmem:s30+$0xF0] =	vst v1;
	v1 =	vmul.f32 v9, v9  }
0x13d: {  	v13 =	vbroadcast v8, $0x9;
	[tilespmem:s30+$0xFFFFFD00] =	vst v9;
	v9 =	vmul.f32 v18, v12;
	v12 =	vld [tilespmem:s29+$0x80]  }
0x13e: {  	v15 =	vmul.f32 v15, v17;
	[tilespmem:s30+$0xFFFFFD10] =	vst v1  }
0x13f: {  	[tilespmem:s28+$0xFFFFFFA0] =	vst v10;
	v1 =	vmul.f32 v9, v9;
	v14 =	vld [tilespmem:s29+$0xFFFFFE90];
	v11 =	vmul.f32 v11, v13  }
0x140: {  	[tilespmem:s30+$0xFFFFFF00] =	vst v9;
	v13 =	vbroadcast v7, $0x8  }
0x141: {  	v17 =	vmul.f32 v15, v15;
	[tilespmem:s30+$0xFFFFFF10] =	vst v1;
	v1 =	vmul.f32 v11, v11  }
0x142: {  	v9 =	vbroadcast v4, $0x9;
	v16 =	vld [tilespmem:s29+$0xFFFFFF90];
	v12 =	vmul.f32 v12, v13;
	[tilespmem:s30+$0x320] =	vst v11  }
0x143: {  	v13 =	vld [tilespmem:s31+$0xFFFFFEE0];
	[tilespmem:s30+$0x330] =	vst v1  }
0x144: {  	[tilespmem:s28+$0x1B0] =	vst v17;
	v1 =	vmul.f32 v12, v12;
	v9 =	vmul.f32 v14, v9;
	v10 =	vld [tilespmem:s29+$0x1A0]  }
0x145: {  	v11 =	vbroadcast v5, $0x9;
	[tilespmem:s30+$0x100] =	vst v12;
	v12 =	vld [tilespmem:s31+$0xFFFFFFE0]  }
0x146: {  	[tilespmem:s30+$0x110] =	vst v1;
	v1 =	vmul.f32 v9, v9  }
0x147: {  	[tilespmem:s30+$0xFFFFFD20] =	vst v9;
	v9 =	vmul.f32 v16, v11;
	v11 =	vbroadcast v8, $0xA  }
0x148: {  	v14 =	vbroadcast v6, $0xE;
	v16 =	vbroadcast v3, $0xE;
	v17 =	vld [tilespmem:s29+$0x90];
	[tilespmem:s30+$0xFFFFFD30] =	vst v1  }
0x149: {  	[tilespmem:s28+$0x1A0] =	vst v15;
	v1 =	vmul.f32 v9, v9;
	v15 =	vld [tilespmem:s29+$0xFFFFFEA0];
	v10 =	vmul.f32 v10, v11  }
0x14a: {  	v13 =	vmul.f32 v13, v14;
	[tilespmem:s30+$0xFFFFFF20] =	vst v9;
	v9 =	vmul.f32 v12, v16  }
0x14b: {  	v11 =	vbroadcast v7, $0x9;
	[tilespmem:s30+$0xFFFFFF30] =	vst v1;
	v1 =	vmul.f32 v10, v10  }
0x14c: {  	v12 =	vbroadcast v4, $0xA;
	v14 =	vmul.f32 v13, v13;
	v16 =	vld [tilespmem:s29+$0xFFFFFFA0];
	[tilespmem:s30+$0x340] =	vst v10  }
0x14d: {  	v10 =	vmul.f32 v9, v9;
	v11 =	vmul.f32 v17, v11;
	[tilespmem:s30+$0x350] =	vst v1  }
0x14e: {  	[tilespmem:s28+$0xFFFFFDD0] =	vst v14;
	v1 =	vmul.f32 v15, v12;
	v12 =	vld [tilespmem:s29+$0x1B0]  }
0x14f: {  	v14 =	vbroadcast v5, $0xA;
	[tilespmem:s28+$0xFFFFFFD0] =	vst v10;
	v10 =	vmul.f32 v11, v11  }
0x150: {  	[tilespmem:s30+$0x120] =	vst v11;
	v15 =	vld [tilespmem:s31+$0xE0];
	v11 =	vmul.f32 v1, v1  }
0x151: {  	[tilespmem:s30+$0x130] =	vst v10;
	v10 =	vmul.f32 v16, v14;
	v14 =	vbroadcast v8, $0xB  }
0x152: {  	v16 =	vbroadcast v2, $0xE;
	[tilespmem:s30+$0xFFFFFD40] =	vst v1;
	v1 =	vld [tilespmem:s29+$0xA0]  }
0x153: {  	[tilespmem:s30+$0xFFFFFD50] =	vst v11;
	v11 =	vmul.f32 v10, v10;
	v12 =	vmul.f32 v12, v14  }
0x154: {  	[tilespmem:s30+$0xFFFFFF40] =	vst v10;
	v10 =	vbroadcast v7, $0xA  }
0x155: {  	v15 =	vmul.f32 v15, v16;
	v14 =	vld [tilespmem:s29+$0xFFFFFEB0];
	[tilespmem:s30+$0xFFFFFF50] =	vst v11;
	v11 =	vmul.f32 v12, v12  }
0x156: {  	[tilespmem:s30+$0x360] =	vst v12  }
0x157: {  	v16 =	vmul.f32 v15, v15;
	v12 =	vld [tilespmem:s29+$0xFFFFFFB0];
	v1 =	vmul.f32 v1, v10;
	[tilespmem:s30+$0x370] =	vst v11  }
0x158: {  	[tilespmem:s28+$0xFFFFFDC0] =	vst v13;
	v10 =	vbroadcast v4, $0xB;
	v11 =	vld [tilespmem:s29+$0x1C0]  }
0x159: {  	[tilespmem:s28+$0x1D0] =	vst v16;
	v13 =	vmul.f32 v1, v1  }
0x15a: {  	[tilespmem:s30+$0x140] =	vst v1;
	v10 =	vmul.f32 v14, v10  }
0x15b: {  	v1 =	vbroadcast v5, $0xB;
	[tilespmem:s30+$0x150] =	vst v13;
	v13 =	vbroadcast v8, $0xC  }
0x15c: {  	s9 =	simm.s32 $0x8A0;
	[tilespmem:s30+$0xFFFFFD60] =	vst v10;
	v10 =	vmul.f32 v10, v10;
	v16 =	vld [tilespmem:s29+$0xB0]  }
0x15d: {  	[tilespmem:s28+$0xFFFFFFC0] =	vst v9;
	v12 =	vmul.f32 v12, v1;
	v1 =	vld [tilespmem:s9+$0x10];
	v9 =	vmul.f32 v11, v13  }
0x15e: {  	v17 =	vld [tilespmem:s31+$0xFFFFFEF0];
	[tilespmem:s30+$0xFFFFFD70] =	vst v10  }
0x15f: {  	s0 =	simm.s32 $0x2200;
	v10 =	vbroadcast v7, $0xB;
	[tilespmem:s30+$0xFFFFFF60] =	vst v12;
	v11 =	vld [tilespmem:s29+$0xFFFFFEC0];
	v13 =	vmul.f32 v9, v9  }
0x160: {  	v19 =	vld [tilespmem:s0+$0x100];
	v12 =	vmul.f32 v12, v12;
	[tilespmem:s30+$0x380] =	vst v9  }
0x161: {  	v18 =	vld [tilespmem:s9+$0x0];
	v6 =	vbroadcast v6, $0xF;
	v9 =	vmul.f32 v16, v10;
	[tilespmem:s30+$0x390] =	vst v13  }
0x162: {  	[tilespmem:s30+$0xFFFFFF70] =	vst v12;
	v10 =	vbroadcast v4, $0xC;
	v16 =	vbroadcast v1, $0x0;
	v12 =	vld [tilespmem:s29+$0x1D0]  }
0x163: {  	[tilespmem:s28+$0x1C0] =	vst v15;
	v13 =	vmul.f32 v17, v6;
	v15 =	vmul.f32 v9, v9;
	v17 =	vld [tilespmem:s9+$0xFFFFFFE0]  }
0x164: {  	v14 =	vld [tilespmem:s9+$0xFFFFFFF0];
	[tilespmem:s30+$0x160] =	vst v9;
	v6 =	vmul.f32 v11, v10  }
0x165: {  	v9 =	vld [tilespmem:s0+$0xFFFFFE00];
	v10 =	vmul.f32 v16, v19;
	v11 =	vbroadcast v8, $0xD;
	[tilespmem:s30+$0x170] =	vst v15  }
0x166: {  	s6 =	simm.s32 $0xAC00;
	v20 =	vmul.f32 v13, v13;
	v15 =	vld [tilespmem:s0+$0xFFFFFF00];
	[tilespmem:s28+$0xFFFFFDE0] =	vst v13  }
0x167: {  	v16 =	vld [tilespmem:s0+$0x0];
	v19 =	vmul.f32 v10, v10;
	[tilespmem:s6+$0x200] =	vst v10;
	v11 =	vmul.f32 v12, v11  }
0x168: {  	[tilespmem:s28+$0xFFFFFDF0] =	vst v20;
	v12 =	vbroadcast v17, $0x0  }
0x169: {  	v10 =	vld [tilespmem:s31+$0xFFFFFFF0];
	v20 =	vbroadcast v14, $0x0;
	[tilespmem:s6+$0x210] =	vst v19;
	v19 =	vmul.f32 v11, v11  }
0x16a: {  	v21 =	vbroadcast v18, $0x0;
	v9 =	vmul.f32 v12, v9;
	v12 =	vld [tilespmem:s0+$0x110];
	[tilespmem:s30+$0x3A0] =	vst v11  }
0x16b: {  	v3 =	vbroadcast v3, $0xF;
	v11 =	vmul.f32 v20, v15;
	[tilespmem:s30+$0x3B0] =	vst v19  }
0x16c: {  	v15 =	vmul.f32 v21, v16;
	[tilespmem:s6+$0xFFFFFC00] =	vst v9;
	v9 =	vmul.f32 v9, v9  }
0x16d: {  	v16 =	vmul.f32 v11, v11;
	[tilespmem:s6+$0xFFFFFE00] =	vst v11;
	v11 =	vbroadcast v1, $0x1;
	v19 =	vld [tilespmem:s29+$0x1E0]  }
0x16e: {  	v3 =	vmul.f32 v10, v3;
	[tilespmem:s6+$0xFFFFFC10] =	vst v9  }
0x16f: {  	v20 =	vmul.f32 v15, v15;
	[tilespmem:s6+$0x0] =	vst v15;
	v9 =	vld [tilespmem:s0+$0xFFFFFE10];
	v10 =	vmul.f32 v12, v11  }
0x170: {  	[tilespmem:s6+$0xFFFFFE10] =	vst v16;
	v11 =	vbroadcast v8, $0xE  }
0x171: {  	[tilespmem:s6+$0x10] =	vst v20;
	v20 =	vbroadcast v17, $0x1;
	v16 =	vld [tilespmem:s0+$0xFFFFFF10];
	v15 =	vmul.f32 v10, v10  }
0x172: {  	v12 =	vmul.f32 v3, v3;
	[tilespmem:s6+$0x220] =	vst v10;
	v11 =	vmul.f32 v19, v11  }
0x173: {  	v10 =	vbroadcast v14, $0x1;
	v19 =	vld [tilespmem:s0+$0x10];
	[tilespmem:s6+$0x230] =	vst v15  }
0x174: {  	[tilespmem:s28+$0xFFFFFFF0] =	vst v12;
	v12 =	vmul.f32 v11, v11;
	v9 =	vmul.f32 v9, v20;
	v15 =	vld [tilespmem:s0+$0x120]  }
0x175: {  	[tilespmem:s30+$0x3C0] =	vst v11  }
0x176: {  	v10 =	vmul.f32 v16, v10;
	[tilespmem:s30+$0x3D0] =	vst v12;
	v11 =	vmul.f32 v9, v9  }
0x177: {  	v16 =	vbroadcast v1, $0x2;
	v12 =	vbroadcast v18, $0x1;
	[tilespmem:s6+$0xFFFFFC20] =	vst v9;
	v9 =	vld [tilespmem:s29+$0x1F0]  }
0x178: {  	[tilespmem:s6+$0xFFFFFC30] =	vst v11;
	v11 =	vmul.f32 v10, v10  }
0x179: {  	[tilespmem:s6+$0xFFFFFE20] =	vst v10;
	v10 =	vmul.f32 v19, v12;
	v12 =	vld [tilespmem:s0+$0xFFFFFE20];
	v15 =	vmul.f32 v15, v16  }
0x17a: {  	v8 =	vbroadcast v8, $0xF;
	[tilespmem:s6+$0xFFFFFE30] =	vst v11  }
0x17b: {  	v11 =	vbroadcast v17, $0x2;
	[tilespmem:s6+$0x20] =	vst v10;
	v16 =	vld [tilespmem:s0+$0xFFFFFF20];
	v19 =	vmul.f32 v15, v15  }
0x17c: {  	v10 =	vmul.f32 v10, v10;
	[tilespmem:s6+$0x240] =	vst v15;
	v8 =	vmul.f32 v9, v8  }
0x17d: {  	v9 =	vbroadcast v14, $0x2;
	[tilespmem:s6+$0x250] =	vst v19  }
0x17e: {  	[tilespmem:s6+$0x30] =	vst v10;
	v15 =	vmul.f32 v8, v8;
	v11 =	vmul.f32 v12, v11;
	v10 =	vld [tilespmem:s0+$0x130]  }
0x17f: {  	[tilespmem:s30+$0xFFFFFD80] =	vst v6;
	v12 =	vld [tilespmem:s0+$0x20]  }
0x180: {  	[tilespmem:s30+$0x3F0] =	vst v15;
	v13 =	vmul.f32 v11, v11;
	v9 =	vmul.f32 v16, v9  }
0x181: {  	[tilespmem:s6+$0xFFFFFC40] =	vst v11;
	v11 =	vbroadcast v1, $0x3  }
0x182: {  	v15 =	vbroadcast v18, $0x2;
	[tilespmem:s6+$0xFFFFFC50] =	vst v13;
	v13 =	vmul.f32 v9, v9  }
0x183: {  	[tilespmem:s6+$0xFFFFFE40] =	vst v9;
	v16 =	vld [tilespmem:s0+$0xFFFFFE30];
	v9 =	vmul.f32 v10, v11  }
0x184: {  	v10 =	vmul.f32 v12, v15;
	[tilespmem:s6+$0xFFFFFE50] =	vst v13  }
0x185: {  	[tilespmem:s28+$0xFFFFFFE0] =	vst v3;
	v3 =	vld [tilespmem:s0+$0xFFFFFF30];
	v11 =	vmul.f32 v9, v9  }
0x186: {  	v12 =	vbroadcast v17, $0x3;
	v13 =	vmul.f32 v10, v10;
	[tilespmem:s6+$0x260] =	vst v9  }
0x187: {  	[tilespmem:s6+$0x270] =	vst v11  }
0x188: {  	v11 =	vbroadcast v14, $0x3;
	[tilespmem:s6+$0x50] =	vst v13;
	v12 =	vmul.f32 v16, v12;
	v13 =	vld [tilespmem:s0+$0x140]  }
0x189: {  	[tilespmem:s6+$0x40] =	vst v10  }
0x18a: {  	[tilespmem:s30+$0x3E0] =	vst v8;
	v10 =	vmul.f32 v12, v12;
	v3 =	vmul.f32 v3, v11;
	v11 =	vld [tilespmem:s0+$0x30]  }
0x18b: {  	v15 =	vbroadcast v1, $0x4;
	v9 =	vld [tilespmem:s29+$0xFFFFFFC0];
	[tilespmem:s6+$0xFFFFFC60] =	vst v12  }
0x18c: {  	v6 =	vmul.f32 v6, v6;
	[tilespmem:s6+$0xFFFFFC70] =	vst v10;
	v10 =	vmul.f32 v3, v3  }
0x18d: {  	v8 =	vbroadcast v18, $0x3;
	[tilespmem:s6+$0xFFFFFE60] =	vst v3;
	v16 =	vld [tilespmem:s0+$0xFFFFFE40];
	v3 =	vmul.f32 v13, v15  }
0x18e: {  	v12 =	vbroadcast v5, $0xC;
	[tilespmem:s6+$0xFFFFFE70] =	vst v10  }
0x18f: {  	[tilespmem:s30+$0xFFFFFD90] =	vst v6;
	v10 =	vld [tilespmem:s0+$0xFFFFFF40];
	v8 =	vmul.f32 v11, v8;
	v11 =	vmul.f32 v3, v3  }
0x190: {  	v9 =	vmul.f32 v9, v12;
	v12 =	vbroadcast v17, $0x4;
	[tilespmem:s6+$0x280] =	vst v3  }
0x191: {  	v3 =	vmul.f32 v8, v8;
	[tilespmem:s6+$0x290] =	vst v11  }
0x192: {  	v11 =	vbroadcast v14, $0x4;
	[tilespmem:s6+$0x60] =	vst v8;
	v12 =	vmul.f32 v16, v12;
	v8 =	vld [tilespmem:s0+$0x150]  }
0x193: {  	[tilespmem:s6+$0x70] =	vst v3  }
0x194: {  	[tilespmem:s30+$0xFFFFFF80] =	vst v9;
	v3 =	vmul.f32 v12, v12;
	v10 =	vmul.f32 v10, v11;
	v11 =	vld [tilespmem:s0+$0x40]  }
0x195: {  	v6 =	vld [tilespmem:s29+$0xC0];
	v9 =	vmul.f32 v9, v9;
	[tilespmem:s6+$0xFFFFFC80] =	vst v12;
	v12 =	vbroadcast v1, $0x5  }
0x196: {  	v13 =	vbroadcast v18, $0x4;
	[tilespmem:s6+$0xFFFFFC90] =	vst v3  }
0x197: {  	[tilespmem:s30+$0xFFFFFF90] =	vst v9;
	v3 =	vmul.f32 v10, v10;
	v15 =	vld [tilespmem:s0+$0xFFFFFE50];
	v8 =	vmul.f32 v8, v12  }
0x198: {  	[tilespmem:s6+$0xFFFFFE80] =	vst v10;
	v10 =	vbroadcast v7, $0xC  }
0x199: {  	[tilespmem:s6+$0xFFFFFE90] =	vst v3;
	v11 =	vmul.f32 v11, v13;
	v12 =	vmul.f32 v8, v8  }
0x19a: {  	v9 =	vbroadcast v17, $0x5;
	v6 =	vmul.f32 v6, v10;
	v3 =	vld [tilespmem:s0+$0xFFFFFF50];
	[tilespmem:s6+$0x2A0] =	vst v8  }
0x19b: {  	v8 =	vmul.f32 v11, v11;
	[tilespmem:s6+$0x2B0] =	vst v12  }
0x19c: {  	[tilespmem:s6+$0x80] =	vst v11;
	v12 =	vmul.f32 v6, v6;
	v9 =	vmul.f32 v15, v9;
	v11 =	vld [tilespmem:s0+$0x160]  }
0x19d: {  	v10 =	vbroadcast v14, $0x5;
	[tilespmem:s6+$0x90] =	vst v8  }
0x19e: {  	[tilespmem:s30+$0x190] =	vst v12;
	v8 =	vmul.f32 v9, v9  }
0x19f: {  	[tilespmem:s6+$0xFFFFFCA0] =	vst v9;
	v3 =	vmul.f32 v3, v10;
	v9 =	vld [tilespmem:s0+$0x50];
	v10 =	vbroadcast v1, $0x6  }
0x1a0: {  	v12 =	vld [tilespmem:s29+$0xFFFFFED0];
	[tilespmem:s6+$0xFFFFFCB0] =	vst v8  }
0x1a1: {  	v8 =	vmul.f32 v3, v3;
	[tilespmem:s6+$0xFFFFFEA0] =	vst v3;
	v3 =	vmul.f32 v11, v10  }
0x1a2: {  	v13 =	vbroadcast v18, $0x5;
	[tilespmem:s30+$0x180] =	vst v6;
	v15 =	vld [tilespmem:s0+$0xFFFFFE60]  }
0x1a3: {  	v10 =	vbroadcast v4, $0xD;
	[tilespmem:s6+$0xFFFFFEB0] =	vst v8;
	v11 =	vmul.f32 v3, v3  }
0x1a4: {  	v8 =	vld [tilespmem:s0+$0xFFFFFF60];
	v9 =	vmul.f32 v9, v13;
	[tilespmem:s6+$0x2C0] =	vst v3  }
0x1a5: {  	v6 =	vbroadcast v17, $0x6;
	v13 =	vld [tilespmem:s29+$0xFFFFFFD0];
	v3 =	vmul.f32 v12, v10;
	[tilespmem:s6+$0x2D0] =	vst v11  }
0x1a6: {  	v10 =	vmul.f32 v9, v9;
	[tilespmem:s6+$0xA0] =	vst v9  }
0x1a7: {  	v11 =	vbroadcast v14, $0x6;
	[tilespmem:s30+$0xFFFFFDA0] =	vst v3;
	v6 =	vmul.f32 v15, v6;
	v9 =	vld [tilespmem:s0+$0x170]  }
0x1a8: {  	v12 =	vbroadcast v5, $0xD;
	v15 =	vmul.f32 v3, v3;
	[tilespmem:s6+$0xB0] =	vst v10  }
0x1a9: {  	[tilespmem:s6+$0xFFFFFCC0] =	vst v6;
	v6 =	vmul.f32 v6, v6;
	v8 =	vmul.f32 v8, v11;
	v10 =	vld [tilespmem:s0+$0x60]  }
0x1aa: {  	v11 =	vmul.f32 v13, v12;
	v12 =	vbroadcast v1, $0x7;
	[tilespmem:s30+$0xFFFFFDB0] =	vst v15;
	v15 =	vld [tilespmem:s29+$0xD0]  }
0x1ab: {  	v13 =	vbroadcast v18, $0x6;
	[tilespmem:s6+$0xFFFFFCD0] =	vst v6;
	v6 =	vmul.f32 v8, v8  }
0x1ac: {  	v16 =	vmul.f32 v11, v11;
	[tilespmem:s6+$0xFFFFFEC0] =	vst v8;
	v19 =	vld [tilespmem:s0+$0xFFFFFE70];
	v8 =	vmul.f32 v9, v12  }
0x1ad: {  	v9 =	vbroadcast v7, $0xD;
	[tilespmem:s6+$0xFFFFFED0] =	vst v6  }
0x1ae: {  	[tilespmem:s30+$0xFFFFFFB0] =	vst v16;
	v6 =	vld [tilespmem:s0+$0xFFFFFF70];
	v10 =	vmul.f32 v10, v13;
	v12 =	vmul.f32 v8, v8  }
0x1af: {  	v13 =	vbroadcast v17, $0x7;
	[tilespmem:s6+$0x2E0] =	vst v8;
	v8 =	vmul.f32 v15, v9  }
0x1b0: {  	v9 =	vmul.f32 v10, v10;
	[tilespmem:s6+$0x2F0] =	vst v12;
	v12 =	vbroadcast v14, $0x7  }
0x1b1: {  	[tilespmem:s6+$0xC0] =	vst v10;
	v15 =	vmul.f32 v8, v8;
	v13 =	vmul.f32 v19, v13;
	v10 =	vld [tilespmem:s0+$0x180]  }
0x1b2: {  	[tilespmem:s6+$0xD0] =	vst v9  }
0x1b3: {  	[tilespmem:s30+$0x1B0] =	vst v15;
	v9 =	vmul.f32 v13, v13;
	v6 =	vmul.f32 v6, v12;
	v12 =	vld [tilespmem:s0+$0x70]  }
0x1b4: {  	[tilespmem:s6+$0xFFFFFCE0] =	vst v13;
	v13 =	vbroadcast v1, $0x8  }
0x1b5: {  	[tilespmem:s6+$0xFFFFFCF0] =	vst v9;
	v9 =	vmul.f32 v6, v6  }
0x1b6: {  	v15 =	vbroadcast v18, $0x7;
	[tilespmem:s6+$0xFFFFFEE0] =	vst v6;
	v16 =	vld [tilespmem:s0+$0xFFFFFE80];
	v6 =	vmul.f32 v10, v13  }
0x1b7: {  	v20 =	vbroadcast v4, $0xF;
	[tilespmem:s6+$0xFFFFFEF0] =	vst v9  }
0x1b8: {  	[tilespmem:s30+$0xFFFFFFA0] =	vst v11;
	v9 =	vld [tilespmem:s0+$0xFFFFFF80];
	v10 =	vmul.f32 v12, v15;
	v12 =	vmul.f32 v6, v6  }
0x1b9: {  	v3 =	vbroadcast v17, $0x8;
	v19 =	vbroadcast v2, $0xF;
	[tilespmem:s6+$0x300] =	vst v6  }
0x1ba: {  	v2 =	vmul.f32 v10, v10;
	[tilespmem:s6+$0x310] =	vst v12;
	v12 =	vbroadcast v4, $0xE;
	v4 =	vld [tilespmem:s29+$0xFFFFFEE0]  }
0x1bb: {  	v6 =	vbroadcast v14, $0x8;
	[tilespmem:s6+$0xE0] =	vst v10;
	v3 =	vmul.f32 v16, v3;
	v10 =	vld [tilespmem:s0+$0x190]  }
0x1bc: {  	v13 =	vbroadcast v5, $0xE;
	[tilespmem:s6+$0xF0] =	vst v2  }
0x1bd: {  	[tilespmem:s6+$0xFFFFFD00] =	vst v3;
	v2 =	vmul.f32 v3, v3;
	v3 =	vmul.f32 v9, v6;
	v6 =	vld [tilespmem:s0+$0x80]  }
0x1be: {  	[tilespmem:s30+$0x1A0] =	vst v8;
	v15 =	vbroadcast v1, $0x9;
	v16 =	vbroadcast v18, $0x8  }
0x1bf: {  	v9 =	vbroadcast v7, $0xE;
	[tilespmem:s6+$0xFFFFFD10] =	vst v2;
	v11 =	vmul.f32 v3, v3  }
0x1c0: {  	[tilespmem:s6+$0xFFFFFF00] =	vst v3;
	v4 =	vmul.f32 v4, v12;
	v21 =	vld [tilespmem:s0+$0xFFFFFE90];
	v10 =	vmul.f32 v10, v15  }
0x1c1: {  	v3 =	vbroadcast v5, $0xF;
	v2 =	vbroadcast v7, $0xF;
	[tilespmem:s6+$0xFFFFFF10] =	vst v11  }
0x1c2: {  	[tilespmem:s30+$0xFFFFFDC0] =	vst v4;
	v5 =	vld [tilespmem:s0+$0xFFFFFF90];
	v6 =	vmul.f32 v6, v16;
	v7 =	vmul.f32 v10, v10  }
0x1c3: {  	v8 =	vbroadcast v17, $0x9;
	v15 =	vld [tilespmem:s29+$0xFFFFFFE0];
	[tilespmem:s6+$0x320] =	vst v10  }
0x1c4: {  	v22 =	vbroadcast v14, $0xA;
	v10 =	vmul.f32 v6, v6;
	[tilespmem:s6+$0x330] =	vst v7  }
0x1c5: {  	v11 =	vbroadcast v14, $0x9;
	[tilespmem:s6+$0x100] =	vst v6;
	v8 =	vmul.f32 v21, v8;
	v6 =	vld [tilespmem:s0+$0x1A0]  }
0x1c6: {  	v26 =	vbroadcast v14, $0xB;
	v16 =	vmul.f32 v4, v4;
	[tilespmem:s6+$0x110] =	vst v10  }
0x1c7: {  	[tilespmem:s6+$0xFFFFFD20] =	vst v8;
	v8 =	vmul.f32 v8, v8;
	v5 =	vmul.f32 v5, v11;
	v10 =	vld [tilespmem:s0+$0x90]  }
0x1c8: {  	[tilespmem:s30+$0xFFFFFDD0] =	vst v16;
	v21 =	vmul.f32 v15, v13;
	v13 =	vld [tilespmem:s29+$0xE0];
	v11 =	vbroadcast v1, $0xA  }
0x1c9: {  	v7 =	vbroadcast v18, $0x9;
	[tilespmem:s6+$0xFFFFFD30] =	vst v8;
	v8 =	vmul.f32 v5, v5  }
0x1ca: {  	v15 =	vmul.f32 v21, v21;
	[tilespmem:s6+$0xFFFFFF20] =	vst v5;
	v23 =	vld [tilespmem:s0+$0xFFFFFEA0];
	v5 =	vmul.f32 v6, v11  }
0x1cb: {  	v24 =	vbroadcast v17, $0xB;
	v12 =	vbroadcast v17, $0xA;
	[tilespmem:s6+$0xFFFFFF30] =	vst v8  }
0x1cc: {  	[tilespmem:s30+$0xFFFFFFD0] =	vst v15;
	v8 =	vld [tilespmem:s0+$0xFFFFFFA0];
	v7 =	vmul.f32 v10, v7;
	v10 =	vmul.f32 v5, v5  }
0x1cd: {  	v4 =	vbroadcast v18, $0xF;
	v25 =	vmul.f32 v13, v9;
	[tilespmem:s6+$0x340] =	vst v5  }
0x1ce: {  	v16 =	vbroadcast v18, $0xB;
	v5 =	vmul.f32 v7, v7;
	[tilespmem:s6+$0x350] =	vst v10  }
0x1cf: {  	[tilespmem:s6+$0x120] =	vst v7;
	v10 =	vmul.f32 v25, v25;
	v9 =	vmul.f32 v23, v12;
	v7 =	vld [tilespmem:s0+$0x1B0]  }
0x1d0: {  	v15 =	vbroadcast v17, $0xC;
	v6 =	vbroadcast v18, $0xA;
	[tilespmem:s6+$0x130] =	vst v5  }
0x1d1: {  	[tilespmem:s30+$0x1D0] =	vst v10;
	v5 =	vmul.f32 v9, v9;
	v8 =	vmul.f32 v8, v22;
	v22 =	vld [tilespmem:s0+$0xA0]  }
0x1d2: {  	v13 =	vbroadcast v14, $0xC;
	[tilespmem:s6+$0xFFFFFD40] =	vst v9;
	v9 =	vbroadcast v1, $0xB  }
0x1d3: {  	v11 =	vbroadcast v18, $0xC;
	[tilespmem:s6+$0xFFFFFD50] =	vst v5;
	v5 =	vmul.f32 v8, v8  }
0x1d4: {  	v12 =	vbroadcast v14, $0xD;
	[tilespmem:s6+$0xFFFFFF40] =	vst v8;
	v23 =	vld [tilespmem:s0+$0xFFFFFEB0];
	v27 =	vmul.f32 v7, v9  }
0x1d5: {  	v28 =	vld [tilespmem:s31+$0xF0];
	v10 =	vbroadcast v17, $0xD;
	v8 =	vbroadcast v14, $0xE;
	[tilespmem:s6+$0xFFFFFF50] =	vst v5  }
0x1d6: {  	v29 =	vld [tilespmem:s0+$0xFFFFFFB0];
	v22 =	vmul.f32 v22, v6;
	v30 =	vmul.f32 v27, v27  }
0x1d7: {  	v7 =	vbroadcast v17, $0xE;
	v9 =	vbroadcast v18, $0xD;
	[tilespmem:s6+$0x360] =	vst v27;
	v27 =	vld [tilespmem:s29+$0xFFFFFEF0]  }
0x1d8: {  	v5 =	vbroadcast v17, $0xF;
	v31 =	vmul.f32 v22, v22;
	[tilespmem:s6+$0x370] =	vst v30  }
0x1d9: {  	v17 =	vbroadcast v14, $0xF;
	[tilespmem:s6+$0x140] =	vst v22;
	v23 =	vmul.f32 v23, v24;
	v30 =	vld [tilespmem:s0+$0x1C0]  }
0x1da: {  	v14 =	vmul.f32 v28, v19;
	v28 =	vbroadcast v1, $0xC;
	[tilespmem:s6+$0x150] =	vst v31  }
0x1db: {  	[tilespmem:s6+$0xFFFFFD60] =	vst v23;
	v22 =	vmul.f32 v23, v23;
	v26 =	vmul.f32 v29, v26;
	v23 =	vld [tilespmem:s0+$0xB0]  }
0x1dc: {  	[tilespmem:s30+$0xFFFFFFC0] =	vst v21;
	v6 =	vbroadcast v18, $0xE;
	v19 =	vmul.f32 v27, v20  }
0x1dd: {  	s1 =	simm.s32 $0x8;
	v18 =	vmul.f32 v14, v14;
	[tilespmem:s6+$0xFFFFFD70] =	vst v22;
	v27 =	vmul.f32 v26, v26;
	v22 =	vld [tilespmem:s29+$0xFFFFFFF0]  }
0x1de: {  	s2 =	simm.s32 $0x8E0;
	s9 =	simm.s32 $0x2200;
	s31 =	simm.s32 $0xAC00;
	[tilespmem:s6+$0xFFFFFF60] =	vst v26;
	v21 =	vmul.f32 v19, v19;
	v24 =	vld [tilespmem:s0+$0xFFFFFEC0];
	v26 =	vmul.f32 v30, v28  }
.LBB2_5:
0x1df: {  	v20 =	vld [tilespmem:s2+$0x10];
	s1 =	sadd.s32 $0x4, s1;
	[tilespmem:s6+$0xFFFFFF70] =	vst v27  }
0x1e0: {  	s0 =	sadd.s32 $0x400, s0;
	v27 =	vld [tilespmem:s2+$0xFFFFFFF0];
	p0 =	slt.u32 s1, $0x3C;
	v23 =	vmul.f32 v23, v16;
	v16 =	vmul.f32 v26, v26;
	[tilespmem:s30+$0x1C0] =	vst v25  }
0x1e1: {  	v25 =	vld [tilespmem:s0+$0x100];
	[tilespmem:s6+$0x380] =	vst v26  }
0x1e2: {  	v29 =	vld [tilespmem:s2+$0x0];
	v26 =	vmul.f32 v23, v23;
	[tilespmem:s6+$0x390] =	vst v16;
	v16 =	vmul.f32 v22, v3;
	v3 =	vmov v17  }
0x1e3: {  	v30 =	vmul.f32 v24, v15;
	[tilespmem:s6+$0x160] =	vst v23;
	v15 =	vld [tilespmem:s9+$0x1D0]  }
0x1e4: {  	v17 =	vld [tilespmem:s2+$0xFFFFFFE0];
	v22 =	vbroadcast v20, $0x0;
	[tilespmem:s6+$0x170] =	vst v26;
	v23 =	vmul.f32 v16, v16  }
0x1e5: {  	v24 =	vld [tilespmem:s0+$0xFFFFFE00];
	v26 =	vbroadcast v27, $0x0;
	v28 =	vbroadcast v27, $0x1;
	[tilespmem:s6+$0xFFFFFD80] =	vst v30  }
0x1e6: {  	v31 =	vld [tilespmem:s0+$0xFFFFFF00];
	v22 =	vmul.f32 v22, v25;
	v25 =	vbroadcast v1, $0xD;
	[tilespmem:s30+$0xFFFFFDF0] =	vst v21  }
0x1e7: {  	v21 =	vld [tilespmem:s0+$0x0];
	v32 =	vbroadcast v29, $0x0;
	v33 =	vbroadcast v29, $0x1;
	[tilespmem:s30+$0xFFFFFFF0] =	vst v23  }
0x1e8: {  	s6 =	sadd.s32 $0x800, s6;
	v23 =	vmul.f32 v22, v22;
	v40 =	vld [tilespmem:s9+$0xFFFFFFC0];
	v15 =	vmul.f32 v15, v25;
	[tilespmem:s28+$0x1F0] =	vst v18  }
0x1e9: {  	v25 =	vbroadcast v17, $0x0;
	v34 =	vbroadcast v17, $0x1;
	[tilespmem:s6+$0x200] =	vst v22;
	v43 =	vld [tilespmem:s9+$0xC0]  }
0x1ea: {  	v22 =	vbroadcast v17, $0x2;
	[tilespmem:s6+$0x210] =	vst v23;
	v23 =	vmul.f32 v15, v15;
	v18 =	vld [tilespmem:s29+$0xF0];
	s29 =	smov.u32 s9;
	s9 =	smov.u32 s0  }
0x1eb: {  	v24 =	vmul.f32 v25, v24;
	v25 =	vmul.f32 v26, v31;
	v26 =	vld [tilespmem:s0+$0x110];
	[tilespmem:s31+$0x3A0] =	vst v15  }
0x1ec: {  	v15 =	vbroadcast v27, $0x2;
	v21 =	vmul.f32 v32, v21;
	[tilespmem:s31+$0x3B0] =	vst v23  }
0x1ed: {  	[tilespmem:s6+$0xFFFFFC00] =	vst v24;
	v23 =	vmul.f32 v24, v24;
	v24 =	vmul.f32 v25, v25;
	v31 =	vld [tilespmem:s29+$0x1E0]  }
0x1ee: {  	v32 =	vbroadcast v20, $0x1;
	[tilespmem:s6+$0xFFFFFE00] =	vst v25;
	v25 =	vmul.f32 v21, v21  }
0x1ef: {  	v48 =	vbroadcast v17, $0x3;
	[tilespmem:s6+$0xFFFFFC10] =	vst v23;
	v23 =	vbroadcast v29, $0x2  }
0x1f0: {  	v35 =	vld [tilespmem:s0+$0xFFFFFE10];
	[tilespmem:s6+$0xFFFFFE10] =	vst v24;
	v24 =	vmul.f32 v26, v32;
	v26 =	vbroadcast v1, $0xE  }
0x1f1: {  	v49 =	vbroadcast v27, $0x3;
	v47 =	vbroadcast v29, $0x3;
	v32 =	vld [tilespmem:s0+$0xFFFFFF10];
	[tilespmem:s6+$0x10] =	vst v25  }
0x1f2: {  	[tilespmem:s6+$0x0] =	vst v21;
	v21 =	vmul.f32 v24, v24;
	v25 =	vmul.f32 v31, v26  }
0x1f3: {  	v46 =	vbroadcast v27, $0x4;
	v45 =	vbroadcast v17, $0x4;
	v26 =	vld [tilespmem:s0+$0x10];
	[tilespmem:s6+$0x220] =	vst v24  }
0x1f4: {  	v44 =	vbroadcast v29, $0x4;
	[tilespmem:s6+$0x230] =	vst v21;
	v21 =	vmul.f32 v25, v25  }
0x1f5: {  	v42 =	vbroadcast v17, $0x5;
	v24 =	vmul.f32 v35, v34;
	v31 =	vld [tilespmem:s0+$0x120];
	[tilespmem:s31+$0x3C0] =	vst v25  }
0x1f6: {  	v41 =	vbroadcast v27, $0x5;
	v25 =	vmul.f32 v32, v28;
	[tilespmem:s31+$0x3D0] =	vst v21  }
0x1f7: {  	v39 =	vbroadcast v29, $0x5;
	[tilespmem:s6+$0xFFFFFC20] =	vst v24;
	v21 =	vmul.f32 v24, v24;
	v24 =	vld [tilespmem:s29+$0x1F0]  }
0x1f8: {  	v28 =	vbroadcast v20, $0x2;
	[tilespmem:s6+$0xFFFFFE20] =	vst v25;
	v26 =	vmul.f32 v26, v33  }
0x1f9: {  	v37 =	vbroadcast v17, $0x6;
	[tilespmem:s6+$0xFFFFFC30] =	vst v21;
	v21 =	vmul.f32 v25, v25  }
0x1fa: {  	v25 =	vld [tilespmem:s0+$0xFFFFFE20];
	[tilespmem:s6+$0x20] =	vst v26;
	v28 =	vmul.f32 v31, v28;
	v31 =	vbroadcast v1, $0xF;
	v1 =	vmov v20  }
0x1fb: {  	v38 =	vbroadcast v27, $0x6;
	v20 =	vmul.f32 v26, v26;
	[tilespmem:s6+$0xFFFFFE30] =	vst v21  }
0x1fc: {  	v21 =	vld [tilespmem:s0+$0xFFFFFF20];
	v26 =	vmul.f32 v28, v28;
	v50 =	vmul.f32 v24, v31;
	[tilespmem:s30+$0xFFFFFDE0] =	vst v19  }
0x1fd: {  	v36 =	vbroadcast v29, $0x6;
	v35 =	vbroadcast v17, $0x7;
	[tilespmem:s6+$0x240] =	vst v28  }
0x1fe: {  	v34 =	vbroadcast v27, $0x7;
	[tilespmem:s6+$0x250] =	vst v26;
	v19 =	vmul.f32 v50, v50  }
0x1ff: {  	v33 =	vbroadcast v29, $0x7;
	v22 =	vmul.f32 v25, v22;
	[tilespmem:s6+$0x30] =	vst v20;
	v20 =	vld [tilespmem:s0+$0x130]  }
0x200: {  	v32 =	vbroadcast v17, $0x8;
	v31 =	vbroadcast v27, $0x8;
	v24 =	vld [tilespmem:s0+$0x20];
	[tilespmem:s31+$0x3F0] =	vst v19  }
0x201: {  	[tilespmem:s6+$0xFFFFFC40] =	vst v22;
	v19 =	vmul.f32 v22, v22;
	v15 =	vmul.f32 v21, v15  }
0x202: {  	v28 =	vbroadcast v29, $0x8;
	v21 =	vbroadcast v1, $0x3;
	[tilespmem:s30+$0xFFFFFFE0] =	vst v16  }
0x203: {  	v26 =	vbroadcast v17, $0x9;
	[tilespmem:s6+$0xFFFFFC50] =	vst v19;
	v16 =	vmul.f32 v15, v15  }
0x204: {  	v25 =	vbroadcast v27, $0x9;
	v19 =	vld [tilespmem:s0+$0xFFFFFE30];
	[tilespmem:s6+$0xFFFFFE40] =	vst v15;
	v15 =	vmul.f32 v20, v21  }
0x205: {  	[tilespmem:s6+$0xFFFFFE50] =	vst v16;
	v16 =	vmul.f32 v24, v23;
	v24 =	vbroadcast v29, $0x9  }
0x206: {  	v22 =	vbroadcast v17, $0xA;
	v51 =	vld [tilespmem:s0+$0xFFFFFF30];
	v52 =	vmul.f32 v15, v15;
	[tilespmem:s28+$0x1E0] =	vst v14;
	s28 =	smov.u32 s30;
	s30 =	smov.u32 s31;
	s31 =	smov.u32 s6  }
0x207: {  	v23 =	vbroadcast v27, $0xA;
	v14 =	vmul.f32 v16, v16;
	[tilespmem:s6+$0x260] =	vst v15  }
0x208: {  	v20 =	vbroadcast v17, $0xB;
	v21 =	vbroadcast v29, $0xA;
	[tilespmem:s6+$0x270] =	vst v52  }
0x209: {  	v48 =	vmul.f32 v19, v48;
	v19 =	vbroadcast v27, $0xB;
	[tilespmem:s6+$0x50] =	vst v14;
	v14 =	vld [tilespmem:s0+$0x140]  }
0x20a: {  	v15 =	vbroadcast v17, $0xC;
	[tilespmem:s6+$0x40] =	vst v16;
	v16 =	vbroadcast v29, $0xB  }
0x20b: {  	[tilespmem:s6+$0xFFFFFC60] =	vst v48;
	v48 =	vmul.f32 v48, v48;
	v49 =	vmul.f32 v51, v49;
	v51 =	vld [tilespmem:s0+$0x30]  }
0x20c: {  	v53 =	vbroadcast v1, $0x4;
	v52 =	vbroadcast v27, $0xC;
	[tilespmem:s30+$0x3E0] =	vst v50  }
0x20d: {  	v50 =	vbroadcast v29, $0xC;
	[tilespmem:s6+$0xFFFFFC70] =	vst v48;
	v48 =	vmul.f32 v49, v49  }
0x20e: {  	v40 =	vmul.f32 v40, v13;
	v13 =	vmov v52;
	v54 =	vld [tilespmem:s0+$0xFFFFFE40];
	[tilespmem:s6+$0xFFFFFE60] =	vst v49;
	v14 =	vmul.f32 v14, v53  }
0x20f: {  	v30 =	vmul.f32 v30, v30;
	[tilespmem:s6+$0xFFFFFE70] =	vst v48;
	v48 =	vmul.f32 v43, v11;
	v11 =	vmov v50  }
0x210: {  	v43 =	vld [tilespmem:s0+$0xFFFFFF40];
	v47 =	vmul.f32 v51, v47;
	v49 =	vmul.f32 v14, v14;
	[tilespmem:s30+$0xFFFFFF80] =	vst v40  }
0x211: {  	[tilespmem:s6+$0x280] =	vst v14;
	v14 =	vmul.f32 v40, v40;
	v50 =	vmul.f32 v48, v48  }
0x212: {  	v51 =	vbroadcast v17, $0xD;
	v40 =	vmul.f32 v47, v47;
	[tilespmem:s6+$0x290] =	vst v49  }
0x213: {  	v52 =	vbroadcast v27, $0xD;
	v49 =	vmul.f32 v54, v45;
	[tilespmem:s6+$0x60] =	vst v47;
	v47 =	vld [tilespmem:s0+$0x150]  }
0x214: {  	v53 =	vbroadcast v29, $0xD;
	v45 =	vbroadcast v17, $0xE;
	[tilespmem:s6+$0x70] =	vst v40  }
0x215: {  	[tilespmem:s6+$0xFFFFFC80] =	vst v49;
	v40 =	vmul.f32 v49, v49;
	v46 =	vmul.f32 v43, v46;
	v49 =	vld [tilespmem:s0+$0x40]  }
0x216: {  	v54 =	vbroadcast v1, $0x5;
	v43 =	vbroadcast v27, $0xE;
	[tilespmem:s30+$0xFFFFFD90] =	vst v30  }
0x217: {  	[tilespmem:s6+$0xFFFFFC90] =	vst v40;
	v55 =	vmul.f32 v46, v46;
	v40 =	vbroadcast v29, $0xE;
	v56 =	vld [tilespmem:s29+$0xFFFFFED0]  }
0x218: {  	v30 =	vbroadcast v17, $0xF;
	v57 =	vld [tilespmem:s0+$0xFFFFFE50];
	[tilespmem:s6+$0xFFFFFE80] =	vst v46;
	v46 =	vmul.f32 v47, v54  }
0x219: {  	v17 =	vbroadcast v27, $0xF;
	v27 =	vbroadcast v29, $0xF;
	[tilespmem:s6+$0xFFFFFE90] =	vst v55  }
0x21a: {  	v29 =	vld [tilespmem:s0+$0xFFFFFF50];
	v44 =	vmul.f32 v49, v44;
	v47 =	vmul.f32 v46, v46;
	[tilespmem:s30+$0xFFFFFF90] =	vst v14  }
0x21b: {  	v14 =	vmul.f32 v18, v2;
	v2 =	vmov v4;
	v4 =	vmov v27;
	[tilespmem:s6+$0x2A0] =	vst v46;
	v46 =	vld [tilespmem:s29+$0xFFFFFFD0]  }
0x21c: {  	v27 =	vmul.f32 v44, v44;
	[tilespmem:s6+$0x2B0] =	vst v47;
	v47 =	vmul.f32 v56, v10;
	v10 =	vmov v51  }
0x21d: {  	v18 =	vmul.f32 v14, v14;
	v42 =	vmul.f32 v57, v42;
	[tilespmem:s6+$0x80] =	vst v44;
	v44 =	vld [tilespmem:s0+$0x160]  }
0x21e: {  	[tilespmem:s6+$0x90] =	vst v27;
	v27 =	vmul.f32 v47, v47  }
0x21f: {  	[tilespmem:s6+$0xFFFFFCA0] =	vst v42;
	v42 =	vmul.f32 v42, v42;
	v29 =	vmul.f32 v29, v41;
	v41 =	vld [tilespmem:s0+$0x50]  }
0x220: {  	v49 =	vbroadcast v1, $0x6;
	v46 =	vmul.f32 v46, v12;
	[tilespmem:s30+$0x190] =	vst v50;
	v12 =	vmov v52  }
0x221: {  	[tilespmem:s6+$0xFFFFFCB0] =	vst v42;
	v42 =	vmul.f32 v29, v29  }
0x222: {  	v50 =	vld [tilespmem:s0+$0xFFFFFE60];
	[tilespmem:s6+$0xFFFFFEA0] =	vst v29;
	v29 =	vmul.f32 v44, v49;
	v44 =	vmul.f32 v46, v46  }
0x223: {  	[tilespmem:s6+$0xFFFFFEB0] =	vst v42  }
0x224: {  	v42 =	vld [tilespmem:s0+$0xFFFFFF60];
	v39 =	vmul.f32 v41, v39;
	v41 =	vmul.f32 v29, v29;
	[tilespmem:s30+$0x180] =	vst v48  }
0x225: {  	[tilespmem:s6+$0x2C0] =	vst v29;
	v29 =	vld [tilespmem:s29+$0xD0]  }
0x226: {  	v48 =	vmul.f32 v39, v39;
	[tilespmem:s6+$0x2D0] =	vst v41  }
0x227: {  	v37 =	vmul.f32 v50, v37;
	[tilespmem:s6+$0xA0] =	vst v39;
	v39 =	vld [tilespmem:s0+$0x170]  }
0x228: {  	[tilespmem:s6+$0xB0] =	vst v48  }
0x229: {  	[tilespmem:s6+$0xFFFFFCC0] =	vst v37;
	v37 =	vmul.f32 v37, v37;
	v38 =	vmul.f32 v42, v38;
	v41 =	vld [tilespmem:s0+$0x60]  }
0x22a: {  	v42 =	vbroadcast v1, $0x7;
	[tilespmem:s30+$0xFFFFFDB0] =	vst v27;
	v27 =	vmul.f32 v29, v9;
	v9 =	vmov v53  }
0x22b: {  	[tilespmem:s6+$0xFFFFFCD0] =	vst v37;
	v29 =	vmul.f32 v38, v38  }
0x22c: {  	v37 =	vld [tilespmem:s0+$0xFFFFFE70];
	[tilespmem:s6+$0xFFFFFEC0] =	vst v38;
	v38 =	vmul.f32 v39, v42;
	v39 =	vmul.f32 v27, v27  }
0x22d: {  	[tilespmem:s6+$0xFFFFFED0] =	vst v29  }
0x22e: {  	v29 =	vld [tilespmem:s0+$0xFFFFFF70];
	v36 =	vmul.f32 v41, v36;
	v41 =	vmul.f32 v38, v38;
	[tilespmem:s30+$0xFFFFFFB0] =	vst v44  }
0x22f: {  	[tilespmem:s6+$0x2E0] =	vst v38  }
0x230: {  	v38 =	vmul.f32 v36, v36;
	[tilespmem:s6+$0x2F0] =	vst v41  }
0x231: {  	v35 =	vmul.f32 v37, v35;
	[tilespmem:s6+$0xC0] =	vst v36;
	v36 =	vld [tilespmem:s0+$0x180]  }
0x232: {  	[tilespmem:s6+$0xD0] =	vst v38  }
0x233: {  	[tilespmem:s6+$0xFFFFFCE0] =	vst v35;
	v35 =	vmul.f32 v35, v35;
	v29 =	vmul.f32 v29, v34;
	v34 =	vld [tilespmem:s0+$0x70]  }
0x234: {  	v37 =	vbroadcast v1, $0x8;
	[tilespmem:s30+$0x1B0] =	vst v39  }
0x235: {  	[tilespmem:s6+$0xFFFFFCF0] =	vst v35;
	v35 =	vmul.f32 v29, v29  }
0x236: {  	v38 =	vld [tilespmem:s0+$0xFFFFFE80];
	[tilespmem:s6+$0xFFFFFEE0] =	vst v29;
	v29 =	vmul.f32 v36, v37  }
0x237: {  	[tilespmem:s6+$0xFFFFFEF0] =	vst v35  }
0x238: {  	v35 =	vld [tilespmem:s0+$0xFFFFFF80];
	v33 =	vmul.f32 v34, v33;
	v34 =	vmul.f32 v29, v29;
	[tilespmem:s30+$0xFFFFFDA0] =	vst v47  }
0x239: {  	[tilespmem:s6+$0x300] =	vst v29;
	v29 =	vld [tilespmem:s29+$0xFFFFFEE0]  }
0x23a: {  	v36 =	vmul.f32 v33, v33;
	[tilespmem:s6+$0x310] =	vst v34  }
0x23b: {  	v32 =	vmul.f32 v38, v32;
	[tilespmem:s6+$0xE0] =	vst v33;
	v33 =	vld [tilespmem:s0+$0x190]  }
0x23c: {  	[tilespmem:s6+$0xF0] =	vst v36  }
0x23d: {  	[tilespmem:s6+$0xFFFFFD00] =	vst v32;
	v32 =	vmul.f32 v32, v32;
	v31 =	vmul.f32 v35, v31;
	v34 =	vld [tilespmem:s0+$0x80]  }
0x23e: {  	v35 =	vbroadcast v1, $0x9;
	v29 =	vmul.f32 v29, v7;
	[tilespmem:s30+$0xFFFFFFA0] =	vst v46;
	v7 =	vmov v45  }
0x23f: {  	[tilespmem:s6+$0xFFFFFD10] =	vst v32;
	v32 =	vmul.f32 v31, v31;
	v36 =	vld [tilespmem:s29+$0xFFFFFFE0]  }
0x240: {  	v37 =	vld [tilespmem:s0+$0xFFFFFE90];
	[tilespmem:s6+$0xFFFFFF00] =	vst v31;
	v31 =	vmul.f32 v33, v35;
	v33 =	vmul.f32 v29, v29  }
0x241: {  	[tilespmem:s6+$0xFFFFFF10] =	vst v32  }
0x242: {  	v32 =	vld [tilespmem:s0+$0xFFFFFF90];
	v28 =	vmul.f32 v34, v28;
	v34 =	vmul.f32 v31, v31;
	[tilespmem:s30+$0x1A0] =	vst v27  }
0x243: {  	[tilespmem:s6+$0x320] =	vst v31;
	v27 =	vld [tilespmem:s29+$0xE0]  }
0x244: {  	v31 =	vmul.f32 v28, v28;
	[tilespmem:s6+$0x330] =	vst v34;
	v34 =	vmul.f32 v36, v8;
	v8 =	vmov v43  }
0x245: {  	v26 =	vmul.f32 v37, v26;
	[tilespmem:s6+$0x100] =	vst v28;
	v28 =	vld [tilespmem:s0+$0x1A0]  }
0x246: {  	[tilespmem:s6+$0x110] =	vst v31;
	v31 =	vmul.f32 v34, v34  }
0x247: {  	[tilespmem:s6+$0xFFFFFD20] =	vst v26;
	v26 =	vmul.f32 v26, v26;
	v32 =	vmul.f32 v32, v25;
	v35 =	vld [tilespmem:s0+$0x90]  }
0x248: {  	v36 =	vbroadcast v1, $0xA;
	[tilespmem:s30+$0xFFFFFDD0] =	vst v33;
	v25 =	vmul.f32 v27, v6;
	v6 =	vmov v40  }
0x249: {  	[tilespmem:s6+$0xFFFFFD30] =	vst v26;
	v26 =	vmul.f32 v32, v32  }
0x24a: {  	v27 =	vld [tilespmem:s0+$0xFFFFFEA0];
	[tilespmem:s6+$0xFFFFFF20] =	vst v32;
	v28 =	vmul.f32 v28, v36;
	v32 =	vmul.f32 v25, v25  }
0x24b: {  	[tilespmem:s6+$0xFFFFFF30] =	vst v26  }
0x24c: {  	v26 =	vld [tilespmem:s0+$0xFFFFFFA0];
	v24 =	vmul.f32 v35, v24;
	v33 =	vmul.f32 v28, v28;
	[tilespmem:s30+$0xFFFFFFD0] =	vst v31  }
0x24d: {  	[tilespmem:s6+$0x340] =	vst v28  }
0x24e: {  	v28 =	vmul.f32 v24, v24;
	[tilespmem:s6+$0x350] =	vst v33  }
0x24f: {  	v22 =	vmul.f32 v27, v22;
	[tilespmem:s6+$0x120] =	vst v24;
	v24 =	vld [tilespmem:s0+$0x1B0]  }
0x250: {  	[tilespmem:s6+$0x130] =	vst v28  }
0x251: {  	[tilespmem:s6+$0xFFFFFD40] =	vst v22;
	v22 =	vmul.f32 v22, v22;
	v23 =	vmul.f32 v26, v23;
	v26 =	vld [tilespmem:s0+$0xA0]  }
0x252: {  	v27 =	vbroadcast v1, $0xB;
	[tilespmem:s30+$0x1D0] =	vst v32  }
0x253: {  	[tilespmem:s6+$0xFFFFFD50] =	vst v22;
	v22 =	vmul.f32 v23, v23  }
0x254: {  	v28 =	vld [tilespmem:s0+$0xFFFFFEB0];
	[tilespmem:s6+$0xFFFFFF40] =	vst v23;
	v23 =	vmul.f32 v24, v27  }
0x255: {  	[tilespmem:s6+$0xFFFFFF50] =	vst v22  }
0x256: {  	v22 =	vld [tilespmem:s0+$0xFFFFFFB0];
	v21 =	vmul.f32 v26, v21;
	v24 =	vmul.f32 v23, v23;
	[tilespmem:s30+$0xFFFFFDC0] =	vst v29  }
0x257: {  	[tilespmem:s6+$0x360] =	vst v23;
	v26 =	vld [tilespmem:s29+$0xFFFFFEF0]  }
0x258: {  	v23 =	vmul.f32 v21, v21;
	[tilespmem:s6+$0x370] =	vst v24  }
0x259: {  	v20 =	vmul.f32 v28, v20;
	[tilespmem:s6+$0x140] =	vst v21;
	v21 =	vld [tilespmem:s0+$0x1C0]  }
.Ltmp1:
0x25a: {  	[tilespmem:s6+$0x150] =	vst v23;
	(pc) =	sbr.rel @p0 .LBB2_5-.Ltmp1, $4  }
0x25b: {  	[tilespmem:s6+$0xFFFFFD60] =	vst v20;
	v20 =	vmul.f32 v20, v20;
	v28 =	vmul.f32 v22, v19;
	v23 =	vld [tilespmem:s0+$0xB0]  }
0x25c: {  	v29 =	vbroadcast v1, $0xC;
	v19 =	vmul.f32 v26, v5;
	[tilespmem:s30+$0xFFFFFFC0] =	vst v34;
	v5 =	vmov v30  }
0x25d: {  	[tilespmem:s6+$0xFFFFFD70] =	vst v20;
	v27 =	vmul.f32 v28, v28;
	v22 =	vld [tilespmem:s29+$0xFFFFFFF0]  }
0x25e: {  	s2 =	sadd.s32 $0x40, s2;
	v24 =	vld [tilespmem:s0+$0xFFFFFEC0];
	[tilespmem:s6+$0xFFFFFF60] =	vst v28;
	v26 =	vmul.f32 v21, v29;
	v21 =	vmul.f32 v19, v19  }
0x25f: {  	[tilespmem:s6+$0xFFFFFF70] =	vst v27  }
0x260: {  	v20 =	vld [tilespmem:s9+$0xFFFFFFC0]  }
0x261: {  	v16 =	vmul.f32 v23, v16;
	v23 =	vmul.f32 v26, v26  }
0x262: {  	[tilespmem:s6+$0x380] =	vst v26  }
0x263: {  	v26 =	vmul.f32 v16, v16;
	[tilespmem:s6+$0x390] =	vst v23  }
0x264: {  	[tilespmem:s6+$0x160] =	vst v16;
	v15 =	vmul.f32 v24, v15  }
0x265: {  	v16 =	vld [tilespmem:s9+$0x1D0];
	[tilespmem:s6+$0x170] =	vst v26;
	v13 =	vmul.f32 v20, v13  }
0x266: {  	[tilespmem:s6+$0xFFFFFD80] =	vst v15;
	v20 =	vld [tilespmem:s9+$0xC0];
	v15 =	vmul.f32 v15, v15  }
0x267: {  	[tilespmem:s31+$0xFFFFFF80] =	vst v13  }
0x268: {  	v23 =	vbroadcast v1, $0xD;
	v13 =	vmul.f32 v13, v13;
	[tilespmem:s31+$0xFFFFFD90] =	vst v15  }
0x269: {  	v15 =	vld [tilespmem:s9+$0xFFFFFED0]  }
0x26a: {  	[tilespmem:s31+$0xFFFFFF90] =	vst v13;
	v13 =	vmul.f32 v16, v23  }
0x26b: {  	[tilespmem:s30+$0x1C0] =	vst v25;
	v16 =	vld [tilespmem:s9+$0xFFFFFFD0];
	v11 =	vmul.f32 v20, v11  }
0x26c: {  	v20 =	vmul.f32 v13, v13;
	[tilespmem:s31+$0x3A0] =	vst v13  }
0x26d: {  	v13 =	vmul.f32 v11, v11;
	[tilespmem:s31+$0x180] =	vst v11  }
0x26e: {  	[tilespmem:s31+$0x3B0] =	vst v20;
	v10 =	vmul.f32 v15, v10  }
0x26f: {  	[tilespmem:s31+$0x190] =	vst v13;
	v13 =	vld [tilespmem:s9+$0x1E0]  }
0x270: {  	[tilespmem:s28+$0x1F0] =	vst v18;
	v12 =	vmul.f32 v16, v12;
	v15 =	vmul.f32 v10, v10;
	v16 =	vld [tilespmem:s9+$0xD0]  }
0x271: {  	[tilespmem:s31+$0xFFFFFDA0] =	vst v10  }
0x272: {  	v11 =	vmul.f32 v12, v12;
	[tilespmem:s31+$0xFFFFFDB0] =	vst v15  }
0x273: {  	v15 =	vbroadcast v1, $0xE;
	[tilespmem:s31+$0xFFFFFFA0] =	vst v12  }
0x274: {  	[tilespmem:s31+$0xFFFFFFB0] =	vst v11;
	v11 =	vld [tilespmem:s9+$0xFFFFFEE0]  }
0x275: {  	[tilespmem:s30+$0xFFFFFDE0] =	vst v19;
	v10 =	vmul.f32 v13, v15;
	v9 =	vmul.f32 v16, v9;
	v12 =	vld [tilespmem:s9+$0xFFFFFFE0]  }
0x276: {  	[tilespmem:s28+$0x1E0] =	vst v14;
	v3 =	vmul.f32 v22, v3  }
0x277: {  	v13 =	vmul.f32 v10, v10;
	[tilespmem:s31+$0x3C0] =	vst v10;
	v10 =	vmul.f32 v9, v9  }
0x278: {  	[tilespmem:s31+$0x1A0] =	vst v9  }
0x279: {  	[tilespmem:s31+$0x1B0] =	vst v10;
	v7 =	vmul.f32 v11, v7;
	v10 =	vmul.f32 v3, v3  }
0x27a: {  	[tilespmem:s31+$0x3D0] =	vst v13;
	v8 =	vmul.f32 v12, v8;
	v12 =	vld [tilespmem:s9+$0xE0]  }
0x27b: {  	v9 =	vmul.f32 v7, v7;
	[tilespmem:s30+$0xFFFFFFF0] =	vst v10  }
0x27c: {  	v11 =	vld [tilespmem:s9+$0x1F0];
	[tilespmem:s31+$0xFFFFFDC0] =	vst v7  }
0x27d: {  	v10 =	vmul.f32 v8, v8;
	[tilespmem:s31+$0xFFFFFDD0] =	vst v9  }
0x27e: {  	[tilespmem:s31+$0xFFFFFFC0] =	vst v8;
	v7 =	vld [tilespmem:s9+$0xFFFFFEF0]  }
0x27f: {  	v1 =	vbroadcast v1, $0xF;
	[tilespmem:s31+$0xFFFFFFD0] =	vst v10;
	v10 =	vld [tilespmem:s29+$0xF0];
	v6 =	vmul.f32 v12, v6  }
0x280: {  	[tilespmem:s30+$0xFFFFFDF0] =	vst v21;
	v9 =	vld [tilespmem:s9+$0xFFFFFFF0]  }
0x281: {  	[tilespmem:s30+$0xFFFFFFE0] =	vst v3;
	v1 =	vmul.f32 v11, v1;
	v11 =	vmul.f32 v6, v6  }
0x282: {  	[tilespmem:s31+$0x1C0] =	vst v6  }
0x283: {  	v8 =	vmul.f32 v1, v1;
	[tilespmem:s31+$0x1D0] =	vst v11  }
0x284: {  	[tilespmem:s31+$0x3E0] =	vst v1;
	v5 =	vmul.f32 v7, v5;
	v6 =	vld [tilespmem:s9+$0xF0]  }
0x285: {  	[tilespmem:s31+$0x3F0] =	vst v8;
	v2 =	vmul.f32 v10, v2;
	v3 =	vmul.f32 v9, v17  }
0x286: {  	[tilespmem:s31+$0xFFFFFDE0] =	vst v5  }
0x287: {  	[tilespmem:s30+$0x1E0] =	vst v2;
	v1 =	vmul.f32 v3, v3  }
0x288: {  	v7 =	vmul.f32 v5, v5;
	[tilespmem:s31+$0xFFFFFFE0] =	vst v3  }
0x289: {  	v8 =	vmul.f32 v2, v2;
	[tilespmem:s31+$0xFFFFFFF0] =	vst v1;
	v1 =	vmul.f32 v6, v4  }
0x28a: {  	[tilespmem:s31+$0xFFFFFDF0] =	vst v7  }
0x28b: {  	[tilespmem:s30+$0x1F0] =	vst v8;
	v3 =	vmul.f32 v1, v1  }
0x28c: {  	[tilespmem:s31+$0x1E0] =	vst v1  }
0x28d: {  	[tilespmem:s31+$0x1F0] =	vst v3  }
0x28e: {  	[spmem:s4] =	stream.indirect.scatter.add.f32 [tilespmem:s16], [sflag:$0x3], $0x20, s10, s18, $0xb8;
	[tilespmem:$0x19800] =	vst v63  }
0x28f: {  	_ =	swait.ge [sflag:s17], $0x1000  }
0x290: {  	[sflag:s17] =	ssyncset.done $0x0  }
0x291: {  	s0 =	simm.s32 $0x1080;
	[sflag:s17] =	ssyncadd.s32 $0xFFFFF000  }
0x292: {  	[spmem:s4] =	stream.indirect.scatter.add.f32 [tilespmem:s14], [sflag:$0x3], $0x20, s0, s18, $0xb8;
	[tilespmem:$0x19800] =	vst v63  }
0x293: {  	_ =	swait.ge [sflag:s17], $0x1000  }
0x294: {  	[sflag:s17] =	ssyncset.done $0x0  }
0x295: {  	s1 =	simm.s32 $0x1100;
	[sflag:s17] =	ssyncadd.s32 $0xFFFFF000  }
0x296: {  	[spmem:s4] =	stream.indirect.scatter.add.f32 [tilespmem:s19], [sflag:$0x3], $0x20, s1, s18, $0xb8;
	[tilespmem:$0x19800] =	vst v63  }
0x297: {  	_ =	swait.ge [sflag:s17], $0x1000  }
0x298: {  	[sflag:s17] =	ssyncset.done $0x0  }
0x299: {  	s2 =	simm.s32 $0x1180;
	[sflag:s17] =	ssyncadd.s32 $0xFFFFF000  }
0x29a: {  	[spmem:s4] =	stream.indirect.scatter.add.f32 [tilespmem:s20], [sflag:$0x3], $0x20, s2, s18, $0xb8;
	[tilespmem:$0x19800] =	vst v63  }
0x29b: {  	_ =	swait.ge [sflag:s17], $0x1000  }
0x29c: {  	[sflag:s17] =	ssyncset.done $0x0  }
0x29d: {  	s6 =	simm.s32 $0x1200;
	[sflag:s17] =	ssyncadd.s32 $0xFFFFF000  }
0x29e: {  	[spmem:s4] =	stream.indirect.scatter.add.f32 [tilespmem:s21], [sflag:$0x3], $0x20, s6, s18, $0xb8;
	[tilespmem:$0x19800] =	vst v63  }
0x29f: {  	_ =	swait.ge [sflag:s17], $0x1000  }
0x2a0: {  	[sflag:s17] =	ssyncset.done $0x0  }
0x2a1: {  	s9 =	simm.s32 $0x1280;
	[sflag:s17] =	ssyncadd.s32 $0xFFFFF000  }
0x2a2: {  	[spmem:s4] =	stream.indirect.scatter.add.f32 [tilespmem:s22], [sflag:$0x3], $0x20, s9, s18, $0xb8;
	[tilespmem:$0x19800] =	vst v63  }
0x2a3: {  	_ =	swait.ge [sflag:s17], $0x1000  }
0x2a4: {  	[sflag:s17] =	ssyncset.done $0x0  }
0x2a5: {  	s1 =	simm.s32 $0x1300;
	[sflag:s17] =	ssyncadd.s32 $0xFFFFF000  }
0x2a6: {  	[spmem:s4] =	stream.indirect.scatter.add.f32 [tilespmem:s23], [sflag:$0x3], $0x20, s1, s18, $0xb8;
	[tilespmem:$0x19800] =	vst v63  }
0x2a7: {  	_ =	swait.ge [sflag:s17], $0x1000  }
0x2a8: {  	[sflag:s17] =	ssyncset.done $0x0  }
0x2a9: {  	s2 =	sshll.u32 s26, $0x1;
	s1 =	simm.s32 $0x1380;
	[sflag:s17] =	ssyncadd.s32 $0xFFFFF000  }
0x2aa: {  	[spmem:s4] =	stream.indirect.scatter.add.f32 [tilespmem:s24], [sflag:$0x3], $0x20, s1, s18, $0xb8;
	[tilespmem:$0x19800] =	vst v63  }
0x2ab: {  	s0 =	smin.u32 s2, $0x2F;
	_ =	swait.ge [sflag:s17], $0x1000  }
0x2ac: {  	s0 =	sshll.u32 s0, $0xA;
	s6 =	rddreg [dreg:$0xb]  }
0x2ad: {  	s0 =	sadd.s32 s0, s6  }
0x2ae: {  	[sflag:s17] =	ssyncset.done $0x0;
	s0 =	sshrl.u32 s0, $0x3  }
0x2af: {  	[sflag:s17] =	ssyncadd.s32 $0xFFFFF000;
	s9 =	sadd.s32 s12, s0  }
0x2b0: {  	[tilespmem:s5], [sflag:$0x3] =	stream.linear.gather [hbm4b:s9+s5], $0x400, $0x38;
	[tilespmem:$0x19800] =	vst v63  }
0x2b1: {  	_ =	swait.ge [sflag:s17], $0x400  }
0x2b2: {  	[sflag:s17] =	ssyncset.done $0x0  }
0x2b3: {  	s2 =	simm.s32 $0x1800;
	[sflag:s17] =	ssyncadd.s32 $0xFFFFFC00  }
0x2b4: {  	[tilespmem:s2], [sflag:$0x1] =	stream.indirect.gather [hbm4b:s7+s18], $0x10, s5, s18, $0xb8;
	[tilespmem:$0x19800] =	vst v63  }
0x2b5: {  	s6 =	simm.s32 $0x2000  }
0x2b6: {  	[tilespmem:s6], [sflag:$0x1] =	stream.indirect.gather [hbm4b:s7+s18], $0x10, s18, s18, $0xb8;
	[tilespmem:$0x19800] =	vst v63  }
0x2b7: {  	s9 =	simm.s32 $0x100;
	s2 =	simm.s32 $0x2800  }
0x2b8: {  	[tilespmem:s2], [sflag:$0x1] =	stream.indirect.gather [hbm4b:s7+s18], $0x10, s9, s18, $0xb8;
	[tilespmem:$0x19800] =	vst v63  }
0x2b9: {  	s6 =	simm.s32 $0x180;
	s9 =	simm.s32 $0x3000  }
0x2ba: {  	[tilespmem:s9], [sflag:$0x1] =	stream.indirect.gather [hbm4b:s7+s18], $0x10, s6, s18, $0xb8;
	[tilespmem:$0x19800] =	vst v63  }
0x2bb: {  	s6 =	simm.s32 $0x200;
	s9 =	simm.s32 $0x3800  }
0x2bc: {  	[tilespmem:s9], [sflag:$0x1] =	stream.indirect.gather [hbm4b:s7+s18], $0x10, s6, s18, $0xb8;
	[tilespmem:$0x19800] =	vst v63  }
0x2bd: {  	s6 =	simm.s32 $0x280;
	s9 =	simm.s32 $0x4000  }
0x2be: {  	[tilespmem:s9], [sflag:$0x1] =	stream.indirect.gather [hbm4b:s7+s18], $0x10, s6, s18, $0xb8;
	[tilespmem:$0x19800] =	vst v63  }
0x2bf: {  	s6 =	simm.s32 $0x300;
	s9 =	simm.s32 $0x4800  }
0x2c0: {  	[tilespmem:s9], [sflag:$0x1] =	stream.indirect.gather [hbm4b:s7+s18], $0x10, s6, s18, $0xb8;
	[tilespmem:$0x19800] =	vst v63  }
0x2c1: {  	s6 =	simm.s32 $0x380;
	s9 =	simm.s32 $0x5000  }
0x2c2: {  	[tilespmem:s9], [sflag:$0x1] =	stream.indirect.gather [hbm4b:s7+s18], $0x10, s6, s18, $0xb8;
	[tilespmem:$0x19800] =	vst v63  }
0x2c3: {  	s6 =	sadd.s32 s3, s0;
	s9 =	simm.s32 $0x800  }
0x2c4: {  	[tilespmem:s9], [sflag:$0x3] =	stream.linear.gather [hbm4b:s6+s5], $0x400, $0x38;
	[tilespmem:$0x19800] =	vst v63  }
0x2c5: {  	_ =	swait.ge [sflag:s17], $0x400  }
0x2c6: {  	[sflag:s17] =	ssyncset.done $0x0  }
0x2c7: {  	s0 =	sadd.s32 s13, s0;
	[sflag:s17] =	ssyncadd.s32 $0xFFFFFC00  }
0x2c8: {  	[tilespmem:s10], [sflag:$0x3] =	stream.linear.gather [hbm4b:s0+s5], $0x400, $0x38;
	[tilespmem:$0x19800] =	vst v63  }
0x2c9: {  	_ =	swait.ge [sflag:s17], $0x400  }
0x2ca: {  	[sflag:s17] =	ssyncset.done $0x0  }
0x2cb: {  	[sflag:s17] =	ssyncadd.s32 $0xFFFFFC00  }
0x2cc: {  	_ =	swait.ge [sflag:s25], $0x4000  }
0x2cd: {  	[sflag:s25] =	ssyncset.done $0x0  }
0x2ce: {  	s2 =	simm.s32 $0xC20;
	[sflag:s25] =	ssyncadd.s32 $0xFFFFC000  }
0x2cf: {  	v1 =	vld [tilespmem:s2+$0x10]  }
0x2d0: {  	s31 =	simm.s32 $0x5A00  }
0x2d1: {  	v4 =	vld [tilespmem:s31+$0x100];
	_ =	sdelay $0x1  }
0x2d2: {  	v3 =	vld [tilespmem:s2+$0xFFFFFFF0]  }
0x2d3: {  	v6 =	vld [tilespmem:s2+$0xFFFFFFE0];
	v5 =	vbroadcast v1, $0x0  }
0x2d4: {  	v2 =	vld [tilespmem:s2+$0x0]  }
0x2d5: {  	v7 =	vld [tilespmem:s31+$0xFFFFFE00];
	v4 =	vmul.f32 v5, v4  }
0x2d6: {  	v5 =	vld [tilespmem:s31+$0xFFFFFF00]  }
0x2d7: {  	s28 =	simm.s32 $0x9C00;
	v8 =	vld [tilespmem:s31+$0x0];
	v9 =	vmul.f32 v4, v4  }
0x2d8: {  	v10 =	vbroadcast v6, $0x0;
	[tilespmem:s28+$0x200] =	vst v4  }
0x2d9: {  	v4 =	vbroadcast v3, $0x0;
	[tilespmem:s28+$0x210] =	vst v9  }
0x2da: {  	v7 =	vmul.f32 v10, v7;
	v9 =	vbroadcast v2, $0x0;
	v10 =	vld [tilespmem:s31+$0x110]  }
0x2db: {  	v4 =	vmul.f32 v4, v5  }
0x2dc: {  	[tilespmem:s28+$0xFFFFFC00] =	vst v7;
	v7 =	vmul.f32 v7, v7;
	v5 =	vmul.f32 v9, v8  }
0x2dd: {  	v8 =	vmul.f32 v4, v4;
	[tilespmem:s28+$0xFFFFFE00] =	vst v4;
	v4 =	vbroadcast v1, $0x1  }
0x2de: {  	[tilespmem:s28+$0xFFFFFC10] =	vst v7  }
0x2df: {  	v7 =	vld [tilespmem:s31+$0xFFFFFE10];
	v9 =	vmul.f32 v5, v5;
	[tilespmem:s28+$0x0] =	vst v5;
	v4 =	vmul.f32 v10, v4  }
0x2e0: {  	[tilespmem:s28+$0xFFFFFE10] =	vst v8  }
0x2e1: {  	v8 =	vld [tilespmem:s31+$0xFFFFFF10];
	[tilespmem:s28+$0x10] =	vst v9;
	v5 =	vmul.f32 v4, v4  }
0x2e2: {  	v9 =	vbroadcast v6, $0x1;
	v10 =	vld [tilespmem:s31+$0x10];
	[tilespmem:s28+$0x220] =	vst v4  }
0x2e3: {  	[tilespmem:s28+$0x230] =	vst v5  }
0x2e4: {  	v4 =	vbroadcast v3, $0x1;
	v5 =	vmul.f32 v7, v9;
	v7 =	vld [tilespmem:s31+$0x120]  }
0x2e5: {  	v9 =	vbroadcast v2, $0x1  }
0x2e6: {  	v4 =	vmul.f32 v8, v4;
	[tilespmem:s28+$0xFFFFFC20] =	vst v5;
	v5 =	vmul.f32 v5, v5  }
0x2e7: {  	v8 =	vmul.f32 v10, v9;
	v9 =	vbroadcast v1, $0x2  }
0x2e8: {  	[tilespmem:s28+$0xFFFFFE20] =	vst v4  }
0x2e9: {  	v4 =	vmul.f32 v4, v4;
	[tilespmem:s28+$0xFFFFFC30] =	vst v5;
	v5 =	vmul.f32 v7, v9  }
0x2ea: {  	[tilespmem:s28+$0x20] =	vst v8  }
0x2eb: {  	[tilespmem:s28+$0xFFFFFE30] =	vst v4;
	v7 =	vld [tilespmem:s31+$0xFFFFFE20];
	v9 =	vmul.f32 v5, v5  }
0x2ec: {  	v4 =	vld [tilespmem:s31+$0xFFFFFF20];
	[tilespmem:s28+$0x240] =	vst v5  }
0x2ed: {  	[tilespmem:s28+$0x250] =	vst v9  }
0x2ee: {  	v5 =	vld [tilespmem:s31+$0x130];
	_ =	sdelay $0x2  }
0x2ef: {  	v9 =	vbroadcast v1, $0x3;
	_ =	sdelay $0x1  }
0x2f0: {  	v8 =	vmul.f32 v8, v8;
	v5 =	vmul.f32 v5, v9  }
0x2f1: {  	v9 =	vbroadcast v6, $0x2  }
0x2f2: {  	[tilespmem:s28+$0x30] =	vst v8;
	v10 =	vmul.f32 v5, v5  }
0x2f3: {  	v11 =	vbroadcast v3, $0x2;
	v8 =	vld [tilespmem:s31+$0x20];
	v7 =	vmul.f32 v7, v9;
	[tilespmem:s28+$0x260] =	vst v5  }
0x2f4: {  	[tilespmem:s28+$0x270] =	vst v10  }
0x2f5: {  	v4 =	vmul.f32 v4, v11;
	v9 =	vmul.f32 v7, v7;
	v10 =	vld [tilespmem:s31+$0x140]  }
0x2f6: {  	v5 =	vbroadcast v2, $0x2;
	[tilespmem:s28+$0xFFFFFC40] =	vst v7  }
0x2f7: {  	v7 =	vmul.f32 v4, v4;
	[tilespmem:s28+$0xFFFFFC50] =	vst v9  }
0x2f8: {  	[tilespmem:s28+$0xFFFFFE40] =	vst v4;
	v5 =	vmul.f32 v8, v5;
	v4 =	vbroadcast v1, $0x4;
	v8 =	vld [tilespmem:s31+$0xFFFFFE30]  }
0x2f9: {  	[tilespmem:s28+$0xFFFFFE50] =	vst v7  }
0x2fa: {  	v7 =	vmul.f32 v5, v5;
	v9 =	vld [tilespmem:s31+$0xFFFFFF30];
	v4 =	vmul.f32 v10, v4  }
0x2fb: {  	[tilespmem:s28+$0x40] =	vst v5;
	v10 =	vbroadcast v6, $0x3  }
0x2fc: {  	[tilespmem:s28+$0x50] =	vst v7;
	v5 =	vmul.f32 v4, v4  }
0x2fd: {  	v7 =	vbroadcast v3, $0x3;
	v8 =	vmul.f32 v8, v10;
	v10 =	vld [tilespmem:s31+$0x30];
	[tilespmem:s28+$0x280] =	vst v4  }
0x2fe: {  	[tilespmem:s28+$0x290] =	vst v5  }
0x2ff: {  	v4 =	vmul.f32 v8, v8;
	v5 =	vmul.f32 v9, v7;
	v7 =	vld [tilespmem:s31+$0x150]  }
0x300: {  	v9 =	vbroadcast v2, $0x3;
	[tilespmem:s28+$0xFFFFFC60] =	vst v8  }
0x301: {  	[tilespmem:s28+$0xFFFFFC70] =	vst v4;
	v4 =	vmul.f32 v5, v5  }
0x302: {  	[tilespmem:s28+$0xFFFFFE60] =	vst v5;
	v8 =	vld [tilespmem:s31+$0xFFFFFE40];
	v5 =	vmul.f32 v10, v9;
	v9 =	vbroadcast v1, $0x5  }
0x303: {  	[tilespmem:s28+$0xFFFFFE70] =	vst v4  }
0x304: {  	v4 =	vld [tilespmem:s31+$0xFFFFFF40];
	v10 =	vmul.f32 v5, v5;
	v7 =	vmul.f32 v7, v9  }
0x305: {  	[tilespmem:s28+$0x60] =	vst v5;
	v9 =	vbroadcast v6, $0x4  }
0x306: {  	[tilespmem:s28+$0x70] =	vst v10;
	v5 =	vmul.f32 v7, v7  }
0x307: {  	v10 =	vbroadcast v3, $0x4;
	v8 =	vmul.f32 v8, v9;
	v9 =	vld [tilespmem:s31+$0x40];
	[tilespmem:s28+$0x2A0] =	vst v7  }
0x308: {  	[tilespmem:s28+$0x2B0] =	vst v5  }
0x309: {  	v5 =	vmul.f32 v8, v8;
	v4 =	vmul.f32 v4, v10;
	v7 =	vld [tilespmem:s31+$0x160]  }
0x30a: {  	v10 =	vbroadcast v2, $0x4;
	[tilespmem:s28+$0xFFFFFC80] =	vst v8  }
0x30b: {  	[tilespmem:s28+$0xFFFFFC90] =	vst v5;
	v5 =	vmul.f32 v4, v4  }
0x30c: {  	[tilespmem:s28+$0xFFFFFE80] =	vst v4;
	v8 =	vld [tilespmem:s31+$0xFFFFFE50];
	v4 =	vmul.f32 v9, v10;
	v9 =	vbroadcast v1, $0x6  }
0x30d: {  	[tilespmem:s28+$0xFFFFFE90] =	vst v5  }
0x30e: {  	v5 =	vld [tilespmem:s31+$0xFFFFFF50];
	v10 =	vmul.f32 v4, v4;
	v7 =	vmul.f32 v7, v9  }
0x30f: {  	[tilespmem:s28+$0x80] =	vst v4;
	v9 =	vbroadcast v6, $0x5  }
0x310: {  	[tilespmem:s28+$0x90] =	vst v10;
	v4 =	vmul.f32 v7, v7  }
0x311: {  	v10 =	vbroadcast v3, $0x5;
	v8 =	vmul.f32 v8, v9;
	v9 =	vld [tilespmem:s31+$0x50];
	[tilespmem:s28+$0x2C0] =	vst v7  }
0x312: {  	[tilespmem:s28+$0x2D0] =	vst v4  }
0x313: {  	v4 =	vmul.f32 v8, v8;
	v5 =	vmul.f32 v5, v10;
	v7 =	vld [tilespmem:s31+$0x170]  }
0x314: {  	v10 =	vbroadcast v2, $0x5;
	[tilespmem:s28+$0xFFFFFCA0] =	vst v8  }
0x315: {  	[tilespmem:s28+$0xFFFFFCB0] =	vst v4;
	v4 =	vmul.f32 v5, v5  }
0x316: {  	[tilespmem:s28+$0xFFFFFEA0] =	vst v5;
	v8 =	vld [tilespmem:s31+$0xFFFFFE60];
	v5 =	vmul.f32 v9, v10;
	v9 =	vbroadcast v1, $0x7  }
0x317: {  	[tilespmem:s28+$0xFFFFFEB0] =	vst v4  }
0x318: {  	v4 =	vld [tilespmem:s31+$0xFFFFFF60];
	v10 =	vmul.f32 v5, v5;
	v7 =	vmul.f32 v7, v9  }
0x319: {  	[tilespmem:s28+$0xA0] =	vst v5;
	v9 =	vbroadcast v6, $0x6  }
0x31a: {  	[tilespmem:s28+$0xB0] =	vst v10;
	v5 =	vmul.f32 v7, v7  }
0x31b: {  	v10 =	vbroadcast v3, $0x6;
	v8 =	vmul.f32 v8, v9;
	v9 =	vld [tilespmem:s31+$0x60];
	[tilespmem:s28+$0x2E0] =	vst v7  }
0x31c: {  	[tilespmem:s28+$0x2F0] =	vst v5  }
0x31d: {  	v5 =	vmul.f32 v8, v8;
	v4 =	vmul.f32 v4, v10;
	v7 =	vld [tilespmem:s31+$0x180]  }
0x31e: {  	v10 =	vbroadcast v2, $0x6;
	[tilespmem:s28+$0xFFFFFCC0] =	vst v8  }
0x31f: {  	[tilespmem:s28+$0xFFFFFCD0] =	vst v5;
	v5 =	vmul.f32 v4, v4  }
0x320: {  	[tilespmem:s28+$0xFFFFFEC0] =	vst v4;
	v8 =	vld [tilespmem:s31+$0xFFFFFE70];
	v4 =	vmul.f32 v9, v10;
	v9 =	vbroadcast v1, $0x8  }
0x321: {  	[tilespmem:s28+$0xFFFFFED0] =	vst v5  }
0x322: {  	v5 =	vld [tilespmem:s31+$0xFFFFFF70];
	v10 =	vmul.f32 v4, v4;
	v7 =	vmul.f32 v7, v9  }
0x323: {  	[tilespmem:s28+$0xC0] =	vst v4;
	v9 =	vbroadcast v6, $0x7  }
0x324: {  	[tilespmem:s28+$0xD0] =	vst v10;
	v4 =	vmul.f32 v7, v7  }
0x325: {  	v10 =	vbroadcast v3, $0x7;
	v8 =	vmul.f32 v8, v9;
	v9 =	vld [tilespmem:s31+$0x70];
	[tilespmem:s28+$0x300] =	vst v7  }
0x326: {  	[tilespmem:s28+$0x310] =	vst v4  }
0x327: {  	v4 =	vmul.f32 v8, v8;
	v5 =	vmul.f32 v5, v10;
	v7 =	vld [tilespmem:s31+$0x190]  }
0x328: {  	v10 =	vbroadcast v2, $0x7;
	[tilespmem:s28+$0xFFFFFCE0] =	vst v8  }
0x329: {  	[tilespmem:s28+$0xFFFFFCF0] =	vst v4;
	v4 =	vmul.f32 v5, v5  }
0x32a: {  	[tilespmem:s28+$0xFFFFFEE0] =	vst v5;
	v8 =	vld [tilespmem:s31+$0xFFFFFE80];
	v5 =	vmul.f32 v9, v10;
	v9 =	vbroadcast v1, $0x9  }
0x32b: {  	[tilespmem:s28+$0xFFFFFEF0] =	vst v4  }
0x32c: {  	v4 =	vld [tilespmem:s31+$0xFFFFFF80];
	v10 =	vmul.f32 v5, v5;
	v7 =	vmul.f32 v7, v9  }
0x32d: {  	[tilespmem:s28+$0xE0] =	vst v5;
	v9 =	vbroadcast v6, $0x8  }
0x32e: {  	[tilespmem:s28+$0xF0] =	vst v10;
	v5 =	vmul.f32 v7, v7  }
0x32f: {  	v10 =	vbroadcast v3, $0x8;
	v8 =	vmul.f32 v8, v9;
	v9 =	vld [tilespmem:s31+$0x80];
	[tilespmem:s28+$0x320] =	vst v7  }
0x330: {  	[tilespmem:s28+$0x330] =	vst v5  }
0x331: {  	v5 =	vmul.f32 v8, v8;
	v4 =	vmul.f32 v4, v10;
	v7 =	vld [tilespmem:s31+$0x1A0]  }
0x332: {  	v10 =	vbroadcast v2, $0x8;
	[tilespmem:s28+$0xFFFFFD00] =	vst v8  }
0x333: {  	[tilespmem:s28+$0xFFFFFD10] =	vst v5;
	v5 =	vmul.f32 v4, v4  }
0x334: {  	v8 =	vld [tilespmem:s31+$0xFFFFFE90];
	v9 =	vmul.f32 v9, v10;
	v10 =	vbroadcast v1, $0xA  }
0x335: {  	[tilespmem:s28+$0xFFFFFF00] =	vst v4  }
0x336: {  	[tilespmem:s28+$0xFFFFFF10] =	vst v5;
	v4 =	vmul.f32 v9, v9;
	v5 =	vmul.f32 v7, v10  }
0x337: {  	[tilespmem:s28+$0x100] =	vst v9;
	v9 =	vld [tilespmem:s31+$0xFFFFFF90];
	v7 =	vbroadcast v6, $0x9  }
0x338: {  	[tilespmem:s28+$0x110] =	vst v4;
	v4 =	vmul.f32 v5, v5  }
0x339: {  	v7 =	vmul.f32 v8, v7;
	[tilespmem:s28+$0x340] =	vst v5  }
0x33a: {  	v5 =	vld [tilespmem:s31+$0x90];
	[tilespmem:s28+$0x350] =	vst v4;
	v4 =	vbroadcast v3, $0x9  }
0x33b: {  	v8 =	vmul.f32 v7, v7;
	v10 =	vld [tilespmem:s31+$0x1B0]  }
0x33c: {  	[tilespmem:s28+$0xFFFFFD20] =	vst v7;
	v4 =	vmul.f32 v9, v4  }
0x33d: {  	v7 =	vbroadcast v2, $0x9;
	[tilespmem:s28+$0xFFFFFD30] =	vst v8  }
0x33e: {  	v9 =	vbroadcast v1, $0xB;
	v8 =	vld [tilespmem:s31+$0xFFFFFEA0];
	v11 =	vmul.f32 v4, v4  }
0x33f: {  	[tilespmem:s28+$0xFFFFFF20] =	vst v4;
	v4 =	vmul.f32 v5, v7  }
0x340: {  	v5 =	vmul.f32 v10, v9;
	[tilespmem:s28+$0xFFFFFF30] =	vst v11  }
0x341: {  	v7 =	vbroadcast v6, $0xA;
	[tilespmem:s28+$0x120] =	vst v4;
	v4 =	vmul.f32 v4, v4  }
0x342: {  	v9 =	vmul.f32 v5, v5;
	[tilespmem:s28+$0x360] =	vst v5  }
0x343: {  	v10 =	vld [tilespmem:s31+$0xFFFFFFA0];
	v7 =	vmul.f32 v8, v7;
	[tilespmem:s28+$0x130] =	vst v4  }
0x344: {  	[tilespmem:s28+$0x370] =	vst v9  }
0x345: {  	v4 =	vmul.f32 v7, v7;
	[tilespmem:s28+$0xFFFFFD40] =	vst v7;
	v7 =	vld [tilespmem:s31+$0xA0]  }
0x346: {  	v8 =	vbroadcast v3, $0xA;
	v5 =	vld [tilespmem:s31+$0x1C0]  }
0x347: {  	s6 =	simm.s32 $0xC60  }
0x348: {  	v11 =	vbroadcast v2, $0xA;
	[tilespmem:s28+$0xFFFFFD50] =	vst v4;
	v4 =	vmul.f32 v10, v8;
	v8 =	vld [tilespmem:s6+$0x10]  }
0x349: {  	v10 =	vbroadcast v1, $0xC;
	v9 =	vld [tilespmem:s31+$0xFFFFFEB0]  }
0x34a: {  	s29 =	simm.s32 $0x5E00;
	v12 =	vmul.f32 v4, v4;
	v7 =	vmul.f32 v7, v11  }
0x34b: {  	[tilespmem:s28+$0xFFFFFF40] =	vst v4;
	v5 =	vmul.f32 v5, v10;
	v10 =	vld [tilespmem:s29+$0x100]  }
0x34c: {  	v4 =	vbroadcast v6, $0xB;
	[tilespmem:s28+$0xFFFFFF50] =	vst v12;
	v13 =	vmul.f32 v7, v7  }
0x34d: {  	v12 =	vld [tilespmem:s31+$0xFFFFFFB0];
	v11 =	vmul.f32 v5, v5;
	[tilespmem:s28+$0x380] =	vst v5  }
0x34e: {  	v5 =	vmul.f32 v9, v4;
	v4 =	vld [tilespmem:s6+$0xFFFFFFE0];
	v9 =	vbroadcast v8, $0x0;
	[tilespmem:s28+$0x150] =	vst v13  }
0x34f: {  	v13 =	vld [tilespmem:s29+$0xFFFFFE00];
	[tilespmem:s28+$0x390] =	vst v11;
	v11 =	vbroadcast v3, $0xB  }
0x350: {  	[tilespmem:s28+$0x140] =	vst v7;
	v7 =	vmul.f32 v5, v5;
	v14 =	vld [tilespmem:s31+$0x1D0];
	v9 =	vmul.f32 v9, v10  }
0x351: {  	[tilespmem:s28+$0xFFFFFD60] =	vst v5;
	v5 =	vld [tilespmem:s6+$0xFFFFFFF0]  }
0x352: {  	s30 =	simm.s32 $0xA400;
	v10 =	vmul.f32 v12, v11;
	[tilespmem:s28+$0xFFFFFD70] =	vst v7;
	v11 =	vmul.f32 v9, v9  }
0x353: {  	v15 =	vbroadcast v1, $0xD;
	v12 =	vld [tilespmem:s29+$0xFFFFFF00];
	v16 =	vbroadcast v4, $0x0;
	[tilespmem:s30+$0x200] =	vst v9  }
0x354: {  	v7 =	vld [tilespmem:s6+$0x0];
	v9 =	vmul.f32 v10, v10;
	[tilespmem:s30+$0x210] =	vst v11  }
0x355: {  	[tilespmem:s28+$0xFFFFFF60] =	vst v10;
	v11 =	vmul.f32 v16, v13;
	v10 =	vmul.f32 v14, v15;
	v13 =	vld [tilespmem:s29+$0x110]  }
0x356: {  	[tilespmem:s28+$0xFFFFFF70] =	vst v9;
	v9 =	vbroadcast v5, $0x0  }
0x357: {  	v14 =	vld [tilespmem:s29+$0x0];
	v15 =	vmul.f32 v10, v10;
	[tilespmem:s28+$0x3A0] =	vst v10;
	v10 =	vmul.f32 v11, v11  }
0x358: {  	[tilespmem:s30+$0xFFFFFC00] =	vst v11;
	v9 =	vmul.f32 v9, v12;
	v11 =	vbroadcast v8, $0x1  }
0x359: {  	v16 =	vbroadcast v7, $0x0;
	v12 =	vld [tilespmem:s31+$0xB0];
	[tilespmem:s30+$0xFFFFFC10] =	vst v10  }
0x35a: {  	[tilespmem:s28+$0x3B0] =	vst v15;
	v10 =	vmul.f32 v9, v9;
	v15 =	vld [tilespmem:s29+$0xFFFFFE10];
	v11 =	vmul.f32 v13, v11  }
0x35b: {  	[tilespmem:s30+$0xFFFFFE00] =	vst v9;
	v9 =	vbroadcast v2, $0xB  }
0x35c: {  	v13 =	vmul.f32 v16, v14;
	v14 =	vld [tilespmem:s31+$0x1E0];
	[tilespmem:s30+$0xFFFFFE10] =	vst v10;
	v10 =	vmul.f32 v11, v11  }
0x35d: {  	v16 =	vbroadcast v4, $0x1;
	v18 =	vld [tilespmem:s29+$0xFFFFFF10];
	[tilespmem:s30+$0x220] =	vst v11  }
0x35e: {  	v17 =	vmul.f32 v13, v13;
	v9 =	vmul.f32 v12, v9;
	[tilespmem:s30+$0x230] =	vst v10  }
0x35f: {  	[tilespmem:s30+$0x0] =	vst v13;
	v10 =	vbroadcast v1, $0xE;
	v11 =	vmul.f32 v15, v16;
	v12 =	vld [tilespmem:s29+$0x120]  }
0x360: {  	[tilespmem:s30+$0x10] =	vst v17;
	v15 =	vbroadcast v5, $0x1  }
0x361: {  	[tilespmem:s28+$0x160] =	vst v9;
	v13 =	vld [tilespmem:s29+$0x10];
	v10 =	vmul.f32 v14, v10;
	v14 =	vmul.f32 v11, v11  }
0x362: {  	v15 =	vmul.f32 v18, v15;
	[tilespmem:s30+$0xFFFFFC20] =	vst v11;
	v11 =	vbroadcast v8, $0x2  }
0x363: {  	v16 =	vbroadcast v7, $0x1;
	[tilespmem:s30+$0xFFFFFC30] =	vst v14  }
0x364: {  	[tilespmem:s28+$0x3C0] =	vst v10;
	v14 =	vmul.f32 v15, v15;
	v17 =	vld [tilespmem:s29+$0xFFFFFE20];
	v11 =	vmul.f32 v12, v11  }
0x365: {  	[tilespmem:s30+$0xFFFFFE20] =	vst v15  }
0x366: {  	v12 =	vmul.f32 v13, v16;
	[tilespmem:s30+$0xFFFFFE30] =	vst v14;
	v13 =	vmul.f32 v11, v11  }
0x367: {  	v14 =	vbroadcast v4, $0x2;
	v15 =	vld [tilespmem:s29+$0xFFFFFF20];
	[tilespmem:s30+$0x240] =	vst v11  }
0x368: {  	v11 =	vmul.f32 v12, v12;
	[tilespmem:s30+$0x250] =	vst v13  }
0x369: {  	v10 =	vmul.f32 v10, v10;
	[tilespmem:s30+$0x20] =	vst v12;
	v12 =	vmul.f32 v17, v14;
	v13 =	vld [tilespmem:s29+$0x130]  }
0x36a: {  	v16 =	vbroadcast v5, $0x2;
	[tilespmem:s30+$0x30] =	vst v11  }
0x36b: {  	v9 =	vmul.f32 v9, v9;
	[tilespmem:s28+$0x3D0] =	vst v10;
	v10 =	vld [tilespmem:s29+$0x20];
	v11 =	vmul.f32 v12, v12  }
0x36c: {  	v18 =	vld [tilespmem:s31+$0x1F0];
	[tilespmem:s30+$0xFFFFFC40] =	vst v12;
	v12 =	vmul.f32 v15, v16;
	v15 =	vbroadcast v8, $0x3  }
0x36d: {  	v17 =	vbroadcast v7, $0x2;
	[tilespmem:s30+$0xFFFFFC50] =	vst v11  }
0x36e: {  	[tilespmem:s28+$0x170] =	vst v9;
	v9 =	vmul.f32 v12, v12;
	v11 =	vld [tilespmem:s29+$0xFFFFFE30];
	v13 =	vmul.f32 v13, v15  }
0x36f: {  	v1 =	vbroadcast v1, $0xF;
	[tilespmem:s30+$0xFFFFFE40] =	vst v12  }
0x370: {  	[tilespmem:s30+$0xFFFFFE50] =	vst v9;
	v9 =	vmul.f32 v10, v17;
	v10 =	vmul.f32 v13, v13  }
0x371: {  	v1 =	vmul.f32 v18, v1;
	v12 =	vbroadcast v4, $0x3;
	v15 =	vld [tilespmem:s29+$0xFFFFFF30];
	[tilespmem:s30+$0x260] =	vst v13  }
0x372: {  	[tilespmem:s30+$0x270] =	vst v10  }
0x373: {  	[tilespmem:s28+$0x3E0] =	vst v1;
	v13 =	vmul.f32 v9, v9;
	v10 =	vmul.f32 v11, v12;
	v11 =	vld [tilespmem:s29+$0x140]  }
0x374: {  	[tilespmem:s30+$0x40] =	vst v9;
	v12 =	vbroadcast v5, $0x3  }
0x375: {  	v14 =	vld [tilespmem:s31+$0xFFFFFEC0];
	[tilespmem:s30+$0x50] =	vst v13;
	v13 =	vmul.f32 v1, v1;
	v9 =	vmul.f32 v10, v10  }
0x376: {  	[tilespmem:s30+$0xFFFFFC60] =	vst v10;
	v10 =	vmul.f32 v15, v12;
	v12 =	vld [tilespmem:s29+$0x30];
	v15 =	vbroadcast v8, $0x4  }
0x377: {  	v16 =	vbroadcast v6, $0xC;
	[tilespmem:s30+$0xFFFFFC70] =	vst v9  }
0x378: {  	[tilespmem:s28+$0x3F0] =	vst v13;
	v9 =	vmul.f32 v10, v10;
	v13 =	vld [tilespmem:s29+$0xFFFFFE40];
	v11 =	vmul.f32 v11, v15  }
0x379: {  	[tilespmem:s30+$0xFFFFFE60] =	vst v10;
	v15 =	vbroadcast v7, $0x3  }
0x37a: {  	v14 =	vmul.f32 v14, v16;
	v10 =	vld [tilespmem:s31+$0xFFFFFFC0];
	[tilespmem:s30+$0xFFFFFE70] =	vst v9;
	v9 =	vmul.f32 v11, v11  }
0x37b: {  	v16 =	vbroadcast v4, $0x4;
	v17 =	vld [tilespmem:s29+$0xFFFFFF40];
	v12 =	vmul.f32 v12, v15;
	[tilespmem:s30+$0x280] =	vst v11  }
0x37c: {  	v11 =	vbroadcast v3, $0xC;
	[tilespmem:s30+$0x290] =	vst v9  }
0x37d: {  	[tilespmem:s28+$0xFFFFFD80] =	vst v14;
	v1 =	vmul.f32 v12, v12;
	v9 =	vmul.f32 v13, v16;
	v13 =	vld [tilespmem:s29+$0x150]  }
0x37e: {  	v14 =	vmul.f32 v14, v14;
	v15 =	vbroadcast v5, $0x4;
	[tilespmem:s30+$0x60] =	vst v12  }
0x37f: {  	v10 =	vmul.f32 v10, v11;
	[tilespmem:s30+$0x70] =	vst v1;
	v1 =	vmul.f32 v9, v9  }
0x380: {  	v12 =	vbroadcast v8, $0x5;
	[tilespmem:s30+$0xFFFFFC80] =	vst v9;
	v9 =	vmul.f32 v17, v15;
	v11 =	vld [tilespmem:s29+$0x40]  }
0x381: {  	[tilespmem:s30+$0xFFFFFC90] =	vst v1  }
0x382: {  	[tilespmem:s28+$0xFFFFFD90] =	vst v14;
	v1 =	vmul.f32 v9, v9;
	v15 =	vld [tilespmem:s29+$0xFFFFFE50];
	v12 =	vmul.f32 v13, v12  }
0x383: {  	[tilespmem:s30+$0xFFFFFE80] =	vst v9;
	v13 =	vbroadcast v7, $0x4  }
0x384: {  	[tilespmem:s30+$0xFFFFFE90] =	vst v1;
	v1 =	vmul.f32 v12, v12  }
0x385: {  	v9 =	vbroadcast v4, $0x5;
	v16 =	vld [tilespmem:s29+$0xFFFFFF50];
	v11 =	vmul.f32 v11, v13;
	[tilespmem:s30+$0x2A0] =	vst v12  }
0x386: {  	[tilespmem:s30+$0x2B0] =	vst v1  }
0x387: {  	[tilespmem:s28+$0xFFFFFF80] =	vst v10;
	v1 =	vmul.f32 v11, v11;
	v9 =	vmul.f32 v15, v9;
	v12 =	vld [tilespmem:s29+$0x160]  }
0x388: {  	v14 =	vbroadcast v5, $0x5;
	v13 =	vld [tilespmem:s31+$0xC0];
	[tilespmem:s30+$0x80] =	vst v11  }
0x389: {  	v10 =	vmul.f32 v10, v10;
	[tilespmem:s30+$0x90] =	vst v1;
	v1 =	vmul.f32 v9, v9  }
0x38a: {  	[tilespmem:s30+$0xFFFFFCA0] =	vst v9;
	v9 =	vmul.f32 v16, v14;
	v11 =	vld [tilespmem:s29+$0x50];
	v14 =	vbroadcast v8, $0x6  }
0x38b: {  	v15 =	vbroadcast v2, $0xC;
	[tilespmem:s30+$0xFFFFFCB0] =	vst v1  }
0x38c: {  	[tilespmem:s28+$0xFFFFFF90] =	vst v10;
	v1 =	vmul.f32 v9, v9;
	v10 =	vld [tilespmem:s29+$0xFFFFFE60];
	v12 =	vmul.f32 v12, v14  }
0x38d: {  	v13 =	vmul.f32 v13, v15;
	[tilespmem:s30+$0xFFFFFEA0] =	vst v9;
	v14 =	vbroadcast v7, $0x5  }
0x38e: {  	v9 =	vbroadcast v4, $0x6;
	[tilespmem:s30+$0xFFFFFEB0] =	vst v1;
	v1 =	vmul.f32 v12, v12  }
0x38f: {  	v15 =	vmul.f32 v13, v13;
	v16 =	vld [tilespmem:s29+$0xFFFFFF60];
	v11 =	vmul.f32 v11, v14;
	[tilespmem:s30+$0x2C0] =	vst v12  }
0x390: {  	[tilespmem:s30+$0x2D0] =	vst v1  }
0x391: {  	[tilespmem:s28+$0x190] =	vst v15;
	v1 =	vmul.f32 v11, v11;
	v9 =	vmul.f32 v10, v9;
	v10 =	vld [tilespmem:s29+$0x170]  }
0x392: {  	v12 =	vbroadcast v5, $0x6;
	v14 =	vld [tilespmem:s31+$0xFFFFFED0];
	[tilespmem:s30+$0xA0] =	vst v11  }
0x393: {  	[tilespmem:s30+$0xB0] =	vst v1;
	v1 =	vmul.f32 v9, v9  }
0x394: {  	[tilespmem:s30+$0xFFFFFCC0] =	vst v9;
	v9 =	vmul.f32 v16, v12;
	v11 =	vld [tilespmem:s29+$0x60];
	v12 =	vbroadcast v8, $0x7  }
0x395: {  	v15 =	vbroadcast v6, $0xD;
	[tilespmem:s30+$0xFFFFFCD0] =	vst v1  }
0x396: {  	[tilespmem:s28+$0x180] =	vst v13;
	v1 =	vmul.f32 v9, v9;
	v13 =	vld [tilespmem:s29+$0xFFFFFE70];
	v10 =	vmul.f32 v10, v12  }
0x397: {  	v17 =	vld [tilespmem:s31+$0xFFFFFFD0];
	v14 =	vmul.f32 v14, v15;
	[tilespmem:s30+$0xFFFFFEC0] =	vst v9;
	v12 =	vbroadcast v7, $0x6  }
0x398: {  	v9 =	vbroadcast v4, $0x7;
	[tilespmem:s30+$0xFFFFFED0] =	vst v1;
	v1 =	vmul.f32 v10, v10  }
0x399: {  	v15 =	vmul.f32 v14, v14;
	v18 =	vld [tilespmem:s29+$0xFFFFFF70];
	v11 =	vmul.f32 v11, v12;
	[tilespmem:s30+$0x2E0] =	vst v10  }
0x39a: {  	v16 =	vbroadcast v3, $0xD;
	[tilespmem:s30+$0x2F0] =	vst v1  }
0x39b: {  	[tilespmem:s28+$0xFFFFFDB0] =	vst v15;
	v1 =	vmul.f32 v11, v11;
	v9 =	vmul.f32 v13, v9;
	v12 =	vld [tilespmem:s29+$0x180]  }
0x39c: {  	v10 =	vmul.f32 v17, v16;
	[tilespmem:s30+$0xC0] =	vst v11;
	v13 =	vbroadcast v5, $0x7  }
0x39d: {  	v16 =	vbroadcast v8, $0x8;
	[tilespmem:s30+$0xD0] =	vst v1;
	v1 =	vmul.f32 v9, v9  }
0x39e: {  	v11 =	vmul.f32 v10, v10;
	[tilespmem:s30+$0xFFFFFCE0] =	vst v9;
	v9 =	vmul.f32 v18, v13;
	v13 =	vld [tilespmem:s29+$0x70]  }
0x39f: {  	[tilespmem:s30+$0xFFFFFCF0] =	vst v1  }
0x3a0: {  	[tilespmem:s28+$0xFFFFFFB0] =	vst v11;
	v1 =	vmul.f32 v9, v9;
	v11 =	vld [tilespmem:s29+$0xFFFFFE80];
	v12 =	vmul.f32 v12, v16  }
0x3a1: {  	[tilespmem:s30+$0xFFFFFEE0] =	vst v9;
	v16 =	vbroadcast v7, $0x7  }
0x3a2: {  	[tilespmem:s30+$0xFFFFFEF0] =	vst v1;
	v1 =	vmul.f32 v12, v12  }
0x3a3: {  	v9 =	vbroadcast v4, $0x8;
	v18 =	vld [tilespmem:s29+$0xFFFFFF80];
	v13 =	vmul.f32 v13, v16;
	[tilespmem:s30+$0x300] =	vst v12  }
0x3a4: {  	v15 =	vld [tilespmem:s31+$0xD0];
	[tilespmem:s30+$0x310] =	vst v1  }
0x3a5: {  	[tilespmem:s28+$0xFFFFFDA0] =	vst v14;
	v1 =	vmul.f32 v13, v13;
	v9 =	vmul.f32 v11, v9;
	v11 =	vld [tilespmem:s29+$0x190]  }
0x3a6: {  	v12 =	vbroadcast v5, $0x8;
	[tilespmem:s30+$0xE0] =	vst v13  }
0x3a7: {  	v17 =	vbroadcast v2, $0xD;
	[tilespmem:s30+$0xF0] =	vst v1;
	v1 =	vmul.f32 v9, v9  }
0x3a8: {  	v13 =	vbroadcast v8, $0x9;
	[tilespmem:s30+$0xFFFFFD00] =	vst v9;
	v9 =	vmul.f32 v18, v12;
	v12 =	vld [tilespmem:s29+$0x80]  }
0x3a9: {  	v15 =	vmul.f32 v15, v17;
	[tilespmem:s30+$0xFFFFFD10] =	vst v1  }
0x3aa: {  	[tilespmem:s28+$0xFFFFFFA0] =	vst v10;
	v1 =	vmul.f32 v9, v9;
	v14 =	vld [tilespmem:s29+$0xFFFFFE90];
	v11 =	vmul.f32 v11, v13  }
0x3ab: {  	[tilespmem:s30+$0xFFFFFF00] =	vst v9;
	v13 =	vbroadcast v7, $0x8  }
0x3ac: {  	v17 =	vmul.f32 v15, v15;
	[tilespmem:s30+$0xFFFFFF10] =	vst v1;
	v1 =	vmul.f32 v11, v11  }
0x3ad: {  	v9 =	vbroadcast v4, $0x9;
	v16 =	vld [tilespmem:s29+$0xFFFFFF90];
	v12 =	vmul.f32 v12, v13;
	[tilespmem:s30+$0x320] =	vst v11  }
0x3ae: {  	v13 =	vld [tilespmem:s31+$0xFFFFFEE0];
	[tilespmem:s30+$0x330] =	vst v1  }
0x3af: {  	[tilespmem:s28+$0x1B0] =	vst v17;
	v1 =	vmul.f32 v12, v12;
	v9 =	vmul.f32 v14, v9;
	v10 =	vld [tilespmem:s29+$0x1A0]  }
0x3b0: {  	v11 =	vbroadcast v5, $0x9;
	[tilespmem:s30+$0x100] =	vst v12;
	v12 =	vld [tilespmem:s31+$0xFFFFFFE0]  }
0x3b1: {  	[tilespmem:s30+$0x110] =	vst v1;
	v1 =	vmul.f32 v9, v9  }
0x3b2: {  	[tilespmem:s30+$0xFFFFFD20] =	vst v9;
	v9 =	vmul.f32 v16, v11;
	v11 =	vbroadcast v8, $0xA  }
0x3b3: {  	v14 =	vbroadcast v6, $0xE;
	v16 =	vbroadcast v3, $0xE;
	v17 =	vld [tilespmem:s29+$0x90];
	[tilespmem:s30+$0xFFFFFD30] =	vst v1  }
0x3b4: {  	[tilespmem:s28+$0x1A0] =	vst v15;
	v1 =	vmul.f32 v9, v9;
	v15 =	vld [tilespmem:s29+$0xFFFFFEA0];
	v10 =	vmul.f32 v10, v11  }
0x3b5: {  	v13 =	vmul.f32 v13, v14;
	[tilespmem:s30+$0xFFFFFF20] =	vst v9;
	v9 =	vmul.f32 v12, v16  }
0x3b6: {  	v11 =	vbroadcast v7, $0x9;
	[tilespmem:s30+$0xFFFFFF30] =	vst v1;
	v1 =	vmul.f32 v10, v10  }
0x3b7: {  	v12 =	vbroadcast v4, $0xA;
	v14 =	vmul.f32 v13, v13;
	v16 =	vld [tilespmem:s29+$0xFFFFFFA0];
	[tilespmem:s30+$0x340] =	vst v10  }
0x3b8: {  	v10 =	vmul.f32 v9, v9;
	v11 =	vmul.f32 v17, v11;
	[tilespmem:s30+$0x350] =	vst v1  }
0x3b9: {  	[tilespmem:s28+$0xFFFFFDD0] =	vst v14;
	v1 =	vmul.f32 v15, v12;
	v12 =	vld [tilespmem:s29+$0x1B0]  }
0x3ba: {  	v14 =	vbroadcast v5, $0xA;
	[tilespmem:s28+$0xFFFFFFD0] =	vst v10;
	v10 =	vmul.f32 v11, v11  }
0x3bb: {  	[tilespmem:s30+$0x120] =	vst v11;
	v15 =	vld [tilespmem:s31+$0xE0];
	v11 =	vmul.f32 v1, v1  }
0x3bc: {  	[tilespmem:s30+$0x130] =	vst v10;
	v10 =	vmul.f32 v16, v14;
	v14 =	vbroadcast v8, $0xB  }
0x3bd: {  	v16 =	vbroadcast v2, $0xE;
	[tilespmem:s30+$0xFFFFFD40] =	vst v1;
	v1 =	vld [tilespmem:s29+$0xA0]  }
0x3be: {  	[tilespmem:s30+$0xFFFFFD50] =	vst v11;
	v11 =	vmul.f32 v10, v10;
	v12 =	vmul.f32 v12, v14  }
0x3bf: {  	[tilespmem:s30+$0xFFFFFF40] =	vst v10;
	v10 =	vbroadcast v7, $0xA  }
0x3c0: {  	v15 =	vmul.f32 v15, v16;
	v14 =	vld [tilespmem:s29+$0xFFFFFEB0];
	[tilespmem:s30+$0xFFFFFF50] =	vst v11;
	v11 =	vmul.f32 v12, v12  }
0x3c1: {  	[tilespmem:s30+$0x360] =	vst v12  }
0x3c2: {  	v16 =	vmul.f32 v15, v15;
	v12 =	vld [tilespmem:s29+$0xFFFFFFB0];
	v1 =	vmul.f32 v1, v10;
	[tilespmem:s30+$0x370] =	vst v11  }
0x3c3: {  	[tilespmem:s28+$0xFFFFFDC0] =	vst v13;
	v10 =	vbroadcast v4, $0xB;
	v11 =	vld [tilespmem:s29+$0x1C0]  }
0x3c4: {  	[tilespmem:s28+$0x1D0] =	vst v16;
	v13 =	vmul.f32 v1, v1  }
0x3c5: {  	[tilespmem:s30+$0x140] =	vst v1;
	v10 =	vmul.f32 v14, v10  }
0x3c6: {  	v1 =	vbroadcast v5, $0xB;
	[tilespmem:s30+$0x150] =	vst v13;
	v13 =	vbroadcast v8, $0xC  }
0x3c7: {  	s9 =	simm.s32 $0xCA0;
	[tilespmem:s30+$0xFFFFFD60] =	vst v10;
	v10 =	vmul.f32 v10, v10;
	v16 =	vld [tilespmem:s29+$0xB0]  }
0x3c8: {  	[tilespmem:s28+$0xFFFFFFC0] =	vst v9;
	v12 =	vmul.f32 v12, v1;
	v1 =	vld [tilespmem:s9+$0x10];
	v9 =	vmul.f32 v11, v13  }
0x3c9: {  	v17 =	vld [tilespmem:s31+$0xFFFFFEF0];
	[tilespmem:s30+$0xFFFFFD70] =	vst v10  }
0x3ca: {  	s0 =	simm.s32 $0x6200;
	v10 =	vbroadcast v7, $0xB;
	[tilespmem:s30+$0xFFFFFF60] =	vst v12;
	v11 =	vld [tilespmem:s29+$0xFFFFFEC0];
	v13 =	vmul.f32 v9, v9  }
0x3cb: {  	v19 =	vld [tilespmem:s0+$0x100];
	v12 =	vmul.f32 v12, v12;
	[tilespmem:s30+$0x380] =	vst v9  }
0x3cc: {  	v18 =	vld [tilespmem:s9+$0x0];
	v6 =	vbroadcast v6, $0xF;
	v9 =	vmul.f32 v16, v10;
	[tilespmem:s30+$0x390] =	vst v13  }
0x3cd: {  	[tilespmem:s30+$0xFFFFFF70] =	vst v12;
	v10 =	vbroadcast v4, $0xC;
	v16 =	vbroadcast v1, $0x0;
	v12 =	vld [tilespmem:s29+$0x1D0]  }
0x3ce: {  	[tilespmem:s28+$0x1C0] =	vst v15;
	v13 =	vmul.f32 v17, v6;
	v15 =	vmul.f32 v9, v9;
	v17 =	vld [tilespmem:s9+$0xFFFFFFE0]  }
0x3cf: {  	v14 =	vld [tilespmem:s9+$0xFFFFFFF0];
	[tilespmem:s30+$0x160] =	vst v9;
	v6 =	vmul.f32 v11, v10  }
0x3d0: {  	v9 =	vld [tilespmem:s0+$0xFFFFFE00];
	v10 =	vmul.f32 v16, v19;
	v11 =	vbroadcast v8, $0xD;
	[tilespmem:s30+$0x170] =	vst v15  }
0x3d1: {  	s6 =	simm.s32 $0xAC00;
	v20 =	vmul.f32 v13, v13;
	v15 =	vld [tilespmem:s0+$0xFFFFFF00];
	[tilespmem:s28+$0xFFFFFDE0] =	vst v13  }
0x3d2: {  	v16 =	vld [tilespmem:s0+$0x0];
	v19 =	vmul.f32 v10, v10;
	[tilespmem:s6+$0x200] =	vst v10;
	v11 =	vmul.f32 v12, v11  }
0x3d3: {  	[tilespmem:s28+$0xFFFFFDF0] =	vst v20;
	v12 =	vbroadcast v17, $0x0  }
0x3d4: {  	v10 =	vld [tilespmem:s31+$0xFFFFFFF0];
	v20 =	vbroadcast v14, $0x0;
	[tilespmem:s6+$0x210] =	vst v19;
	v19 =	vmul.f32 v11, v11  }
0x3d5: {  	v21 =	vbroadcast v18, $0x0;
	v9 =	vmul.f32 v12, v9;
	v12 =	vld [tilespmem:s0+$0x110];
	[tilespmem:s30+$0x3A0] =	vst v11  }
0x3d6: {  	v3 =	vbroadcast v3, $0xF;
	v11 =	vmul.f32 v20, v15;
	[tilespmem:s30+$0x3B0] =	vst v19  }
0x3d7: {  	v15 =	vmul.f32 v21, v16;
	[tilespmem:s6+$0xFFFFFC00] =	vst v9;
	v9 =	vmul.f32 v9, v9  }
0x3d8: {  	v16 =	vmul.f32 v11, v11;
	[tilespmem:s6+$0xFFFFFE00] =	vst v11;
	v11 =	vbroadcast v1, $0x1;
	v19 =	vld [tilespmem:s29+$0x1E0]  }
0x3d9: {  	v3 =	vmul.f32 v10, v3;
	[tilespmem:s6+$0xFFFFFC10] =	vst v9  }
0x3da: {  	v20 =	vmul.f32 v15, v15;
	[tilespmem:s6+$0x0] =	vst v15;
	v9 =	vld [tilespmem:s0+$0xFFFFFE10];
	v10 =	vmul.f32 v12, v11  }
0x3db: {  	[tilespmem:s6+$0xFFFFFE10] =	vst v16;
	v11 =	vbroadcast v8, $0xE  }
0x3dc: {  	[tilespmem:s6+$0x10] =	vst v20;
	v20 =	vbroadcast v17, $0x1;
	v16 =	vld [tilespmem:s0+$0xFFFFFF10];
	v15 =	vmul.f32 v10, v10  }
0x3dd: {  	v12 =	vmul.f32 v3, v3;
	[tilespmem:s6+$0x220] =	vst v10;
	v11 =	vmul.f32 v19, v11  }
0x3de: {  	v10 =	vbroadcast v14, $0x1;
	v19 =	vld [tilespmem:s0+$0x10];
	[tilespmem:s6+$0x230] =	vst v15  }
0x3df: {  	[tilespmem:s28+$0xFFFFFFF0] =	vst v12;
	v12 =	vmul.f32 v11, v11;
	v9 =	vmul.f32 v9, v20;
	v15 =	vld [tilespmem:s0+$0x120]  }
0x3e0: {  	[tilespmem:s30+$0x3C0] =	vst v11  }
0x3e1: {  	v10 =	vmul.f32 v16, v10;
	[tilespmem:s30+$0x3D0] =	vst v12;
	v11 =	vmul.f32 v9, v9  }
0x3e2: {  	v16 =	vbroadcast v1, $0x2;
	v12 =	vbroadcast v18, $0x1;
	[tilespmem:s6+$0xFFFFFC20] =	vst v9;
	v9 =	vld [tilespmem:s29+$0x1F0]  }
0x3e3: {  	[tilespmem:s6+$0xFFFFFC30] =	vst v11;
	v11 =	vmul.f32 v10, v10  }
0x3e4: {  	[tilespmem:s6+$0xFFFFFE20] =	vst v10;
	v10 =	vmul.f32 v19, v12;
	v12 =	vld [tilespmem:s0+$0xFFFFFE20];
	v15 =	vmul.f32 v15, v16  }
0x3e5: {  	v8 =	vbroadcast v8, $0xF;
	[tilespmem:s6+$0xFFFFFE30] =	vst v11  }
0x3e6: {  	v11 =	vbroadcast v17, $0x2;
	[tilespmem:s6+$0x20] =	vst v10;
	v16 =	vld [tilespmem:s0+$0xFFFFFF20];
	v19 =	vmul.f32 v15, v15  }
0x3e7: {  	v10 =	vmul.f32 v10, v10;
	[tilespmem:s6+$0x240] =	vst v15;
	v8 =	vmul.f32 v9, v8  }
0x3e8: {  	v9 =	vbroadcast v14, $0x2;
	[tilespmem:s6+$0x250] =	vst v19  }
0x3e9: {  	[tilespmem:s6+$0x30] =	vst v10;
	v15 =	vmul.f32 v8, v8;
	v11 =	vmul.f32 v12, v11;
	v10 =	vld [tilespmem:s0+$0x130]  }
0x3ea: {  	[tilespmem:s30+$0xFFFFFD80] =	vst v6;
	v12 =	vld [tilespmem:s0+$0x20]  }
0x3eb: {  	[tilespmem:s30+$0x3F0] =	vst v15;
	v13 =	vmul.f32 v11, v11;
	v9 =	vmul.f32 v16, v9  }
0x3ec: {  	[tilespmem:s6+$0xFFFFFC40] =	vst v11;
	v11 =	vbroadcast v1, $0x3  }
0x3ed: {  	v15 =	vbroadcast v18, $0x2;
	[tilespmem:s6+$0xFFFFFC50] =	vst v13;
	v13 =	vmul.f32 v9, v9  }
0x3ee: {  	[tilespmem:s6+$0xFFFFFE40] =	vst v9;
	v16 =	vld [tilespmem:s0+$0xFFFFFE30];
	v9 =	vmul.f32 v10, v11  }
0x3ef: {  	v10 =	vmul.f32 v12, v15;
	[tilespmem:s6+$0xFFFFFE50] =	vst v13  }
0x3f0: {  	[tilespmem:s28+$0xFFFFFFE0] =	vst v3;
	v3 =	vld [tilespmem:s0+$0xFFFFFF30];
	v11 =	vmul.f32 v9, v9  }
0x3f1: {  	v12 =	vbroadcast v17, $0x3;
	v13 =	vmul.f32 v10, v10;
	[tilespmem:s6+$0x260] =	vst v9  }
0x3f2: {  	[tilespmem:s6+$0x270] =	vst v11  }
0x3f3: {  	v11 =	vbroadcast v14, $0x3;
	[tilespmem:s6+$0x50] =	vst v13;
	v12 =	vmul.f32 v16, v12;
	v13 =	vld [tilespmem:s0+$0x140]  }
0x3f4: {  	[tilespmem:s6+$0x40] =	vst v10  }
0x3f5: {  	[tilespmem:s30+$0x3E0] =	vst v8;
	v10 =	vmul.f32 v12, v12;
	v3 =	vmul.f32 v3, v11;
	v11 =	vld [tilespmem:s0+$0x30]  }
0x3f6: {  	v15 =	vbroadcast v1, $0x4;
	v9 =	vld [tilespmem:s29+$0xFFFFFFC0];
	[tilespmem:s6+$0xFFFFFC60] =	vst v12  }
0x3f7: {  	v6 =	vmul.f32 v6, v6;
	[tilespmem:s6+$0xFFFFFC70] =	vst v10;
	v10 =	vmul.f32 v3, v3  }
0x3f8: {  	v8 =	vbroadcast v18, $0x3;
	[tilespmem:s6+$0xFFFFFE60] =	vst v3;
	v16 =	vld [tilespmem:s0+$0xFFFFFE40];
	v3 =	vmul.f32 v13, v15  }
0x3f9: {  	v12 =	vbroadcast v5, $0xC;
	[tilespmem:s6+$0xFFFFFE70] =	vst v10  }
0x3fa: {  	[tilespmem:s30+$0xFFFFFD90] =	vst v6;
	v10 =	vld [tilespmem:s0+$0xFFFFFF40];
	v8 =	vmul.f32 v11, v8;
	v11 =	vmul.f32 v3, v3  }
0x3fb: {  	v9 =	vmul.f32 v9, v12;
	v12 =	vbroadcast v17, $0x4;
	[tilespmem:s6+$0x280] =	vst v3  }
0x3fc: {  	v3 =	vmul.f32 v8, v8;
	[tilespmem:s6+$0x290] =	vst v11  }
0x3fd: {  	v11 =	vbroadcast v14, $0x4;
	[tilespmem:s6+$0x60] =	vst v8;
	v12 =	vmul.f32 v16, v12;
	v8 =	vld [tilespmem:s0+$0x150]  }
0x3fe: {  	[tilespmem:s6+$0x70] =	vst v3  }
0x3ff: {  	[tilespmem:s30+$0xFFFFFF80] =	vst v9;
	v3 =	vmul.f32 v12, v12;
	v10 =	vmul.f32 v10, v11;
	v11 =	vld [tilespmem:s0+$0x40]  }
0x400: {  	v6 =	vld [tilespmem:s29+$0xC0];
	v9 =	vmul.f32 v9, v9;
	[tilespmem:s6+$0xFFFFFC80] =	vst v12;
	v12 =	vbroadcast v1, $0x5  }
0x401: {  	v13 =	vbroadcast v18, $0x4;
	[tilespmem:s6+$0xFFFFFC90] =	vst v3  }
0x402: {  	[tilespmem:s30+$0xFFFFFF90] =	vst v9;
	v3 =	vmul.f32 v10, v10;
	v15 =	vld [tilespmem:s0+$0xFFFFFE50];
	v8 =	vmul.f32 v8, v12  }
0x403: {  	[tilespmem:s6+$0xFFFFFE80] =	vst v10;
	v10 =	vbroadcast v7, $0xC  }
0x404: {  	[tilespmem:s6+$0xFFFFFE90] =	vst v3;
	v11 =	vmul.f32 v11, v13;
	v12 =	vmul.f32 v8, v8  }
0x405: {  	v9 =	vbroadcast v17, $0x5;
	v6 =	vmul.f32 v6, v10;
	v3 =	vld [tilespmem:s0+$0xFFFFFF50];
	[tilespmem:s6+$0x2A0] =	vst v8  }
0x406: {  	v8 =	vmul.f32 v11, v11;
	[tilespmem:s6+$0x2B0] =	vst v12  }
0x407: {  	[tilespmem:s6+$0x80] =	vst v11;
	v12 =	vmul.f32 v6, v6;
	v9 =	vmul.f32 v15, v9;
	v11 =	vld [tilespmem:s0+$0x160]  }
0x408: {  	v10 =	vbroadcast v14, $0x5;
	[tilespmem:s6+$0x90] =	vst v8  }
0x409: {  	[tilespmem:s30+$0x190] =	vst v12;
	v8 =	vmul.f32 v9, v9  }
0x40a: {  	[tilespmem:s6+$0xFFFFFCA0] =	vst v9;
	v3 =	vmul.f32 v3, v10;
	v9 =	vld [tilespmem:s0+$0x50];
	v10 =	vbroadcast v1, $0x6  }
0x40b: {  	v12 =	vld [tilespmem:s29+$0xFFFFFED0];
	[tilespmem:s6+$0xFFFFFCB0] =	vst v8  }
0x40c: {  	v8 =	vmul.f32 v3, v3;
	[tilespmem:s6+$0xFFFFFEA0] =	vst v3;
	v3 =	vmul.f32 v11, v10  }
0x40d: {  	v13 =	vbroadcast v18, $0x5;
	[tilespmem:s30+$0x180] =	vst v6;
	v15 =	vld [tilespmem:s0+$0xFFFFFE60]  }
0x40e: {  	v10 =	vbroadcast v4, $0xD;
	[tilespmem:s6+$0xFFFFFEB0] =	vst v8;
	v11 =	vmul.f32 v3, v3  }
0x40f: {  	v8 =	vld [tilespmem:s0+$0xFFFFFF60];
	v9 =	vmul.f32 v9, v13;
	[tilespmem:s6+$0x2C0] =	vst v3  }
0x410: {  	v6 =	vbroadcast v17, $0x6;
	v13 =	vld [tilespmem:s29+$0xFFFFFFD0];
	v3 =	vmul.f32 v12, v10;
	[tilespmem:s6+$0x2D0] =	vst v11  }
0x411: {  	v10 =	vmul.f32 v9, v9;
	[tilespmem:s6+$0xA0] =	vst v9  }
0x412: {  	v11 =	vbroadcast v14, $0x6;
	[tilespmem:s30+$0xFFFFFDA0] =	vst v3;
	v6 =	vmul.f32 v15, v6;
	v9 =	vld [tilespmem:s0+$0x170]  }
0x413: {  	v12 =	vbroadcast v5, $0xD;
	v15 =	vmul.f32 v3, v3;
	[tilespmem:s6+$0xB0] =	vst v10  }
0x414: {  	[tilespmem:s6+$0xFFFFFCC0] =	vst v6;
	v6 =	vmul.f32 v6, v6;
	v8 =	vmul.f32 v8, v11;
	v10 =	vld [tilespmem:s0+$0x60]  }
0x415: {  	v11 =	vmul.f32 v13, v12;
	v12 =	vbroadcast v1, $0x7;
	[tilespmem:s30+$0xFFFFFDB0] =	vst v15;
	v15 =	vld [tilespmem:s29+$0xD0]  }
0x416: {  	v13 =	vbroadcast v18, $0x6;
	[tilespmem:s6+$0xFFFFFCD0] =	vst v6;
	v6 =	vmul.f32 v8, v8  }
0x417: {  	v16 =	vmul.f32 v11, v11;
	[tilespmem:s6+$0xFFFFFEC0] =	vst v8;
	v19 =	vld [tilespmem:s0+$0xFFFFFE70];
	v8 =	vmul.f32 v9, v12  }
0x418: {  	v9 =	vbroadcast v7, $0xD;
	[tilespmem:s6+$0xFFFFFED0] =	vst v6  }
0x419: {  	[tilespmem:s30+$0xFFFFFFB0] =	vst v16;
	v6 =	vld [tilespmem:s0+$0xFFFFFF70];
	v10 =	vmul.f32 v10, v13;
	v12 =	vmul.f32 v8, v8  }
0x41a: {  	v13 =	vbroadcast v17, $0x7;
	[tilespmem:s6+$0x2E0] =	vst v8;
	v8 =	vmul.f32 v15, v9  }
0x41b: {  	v9 =	vmul.f32 v10, v10;
	[tilespmem:s6+$0x2F0] =	vst v12;
	v12 =	vbroadcast v14, $0x7  }
0x41c: {  	[tilespmem:s6+$0xC0] =	vst v10;
	v15 =	vmul.f32 v8, v8;
	v13 =	vmul.f32 v19, v13;
	v10 =	vld [tilespmem:s0+$0x180]  }
0x41d: {  	[tilespmem:s6+$0xD0] =	vst v9  }
0x41e: {  	[tilespmem:s30+$0x1B0] =	vst v15;
	v9 =	vmul.f32 v13, v13;
	v6 =	vmul.f32 v6, v12;
	v12 =	vld [tilespmem:s0+$0x70]  }
0x41f: {  	[tilespmem:s6+$0xFFFFFCE0] =	vst v13;
	v13 =	vbroadcast v1, $0x8  }
0x420: {  	[tilespmem:s6+$0xFFFFFCF0] =	vst v9;
	v9 =	vmul.f32 v6, v6  }
0x421: {  	v15 =	vbroadcast v18, $0x7;
	[tilespmem:s6+$0xFFFFFEE0] =	vst v6;
	v16 =	vld [tilespmem:s0+$0xFFFFFE80];
	v6 =	vmul.f32 v10, v13  }
0x422: {  	v20 =	vbroadcast v4, $0xF;
	[tilespmem:s6+$0xFFFFFEF0] =	vst v9  }
0x423: {  	[tilespmem:s30+$0xFFFFFFA0] =	vst v11;
	v9 =	vld [tilespmem:s0+$0xFFFFFF80];
	v10 =	vmul.f32 v12, v15;
	v12 =	vmul.f32 v6, v6  }
0x424: {  	v3 =	vbroadcast v17, $0x8;
	v19 =	vbroadcast v2, $0xF;
	[tilespmem:s6+$0x300] =	vst v6  }
0x425: {  	v2 =	vmul.f32 v10, v10;
	[tilespmem:s6+$0x310] =	vst v12;
	v12 =	vbroadcast v4, $0xE;
	v4 =	vld [tilespmem:s29+$0xFFFFFEE0]  }
0x426: {  	v6 =	vbroadcast v14, $0x8;
	[tilespmem:s6+$0xE0] =	vst v10;
	v3 =	vmul.f32 v16, v3;
	v10 =	vld [tilespmem:s0+$0x190]  }
0x427: {  	v13 =	vbroadcast v5, $0xE;
	[tilespmem:s6+$0xF0] =	vst v2  }
0x428: {  	[tilespmem:s6+$0xFFFFFD00] =	vst v3;
	v2 =	vmul.f32 v3, v3;
	v3 =	vmul.f32 v9, v6;
	v6 =	vld [tilespmem:s0+$0x80]  }
0x429: {  	[tilespmem:s30+$0x1A0] =	vst v8;
	v15 =	vbroadcast v1, $0x9;
	v16 =	vbroadcast v18, $0x8  }
0x42a: {  	v9 =	vbroadcast v7, $0xE;
	[tilespmem:s6+$0xFFFFFD10] =	vst v2;
	v11 =	vmul.f32 v3, v3  }
0x42b: {  	[tilespmem:s6+$0xFFFFFF00] =	vst v3;
	v4 =	vmul.f32 v4, v12;
	v21 =	vld [tilespmem:s0+$0xFFFFFE90];
	v10 =	vmul.f32 v10, v15  }
0x42c: {  	v3 =	vbroadcast v5, $0xF;
	v2 =	vbroadcast v7, $0xF;
	[tilespmem:s6+$0xFFFFFF10] =	vst v11  }
0x42d: {  	[tilespmem:s30+$0xFFFFFDC0] =	vst v4;
	v5 =	vld [tilespmem:s0+$0xFFFFFF90];
	v6 =	vmul.f32 v6, v16;
	v7 =	vmul.f32 v10, v10  }
0x42e: {  	v8 =	vbroadcast v17, $0x9;
	v15 =	vld [tilespmem:s29+$0xFFFFFFE0];
	[tilespmem:s6+$0x320] =	vst v10  }
0x42f: {  	v22 =	vbroadcast v14, $0xA;
	v10 =	vmul.f32 v6, v6;
	[tilespmem:s6+$0x330] =	vst v7  }
0x430: {  	v11 =	vbroadcast v14, $0x9;
	[tilespmem:s6+$0x100] =	vst v6;
	v8 =	vmul.f32 v21, v8;
	v6 =	vld [tilespmem:s0+$0x1A0]  }
0x431: {  	v26 =	vbroadcast v14, $0xB;
	v16 =	vmul.f32 v4, v4;
	[tilespmem:s6+$0x110] =	vst v10  }
0x432: {  	[tilespmem:s6+$0xFFFFFD20] =	vst v8;
	v8 =	vmul.f32 v8, v8;
	v5 =	vmul.f32 v5, v11;
	v10 =	vld [tilespmem:s0+$0x90]  }
0x433: {  	[tilespmem:s30+$0xFFFFFDD0] =	vst v16;
	v21 =	vmul.f32 v15, v13;
	v13 =	vld [tilespmem:s29+$0xE0];
	v11 =	vbroadcast v1, $0xA  }
0x434: {  	v7 =	vbroadcast v18, $0x9;
	[tilespmem:s6+$0xFFFFFD30] =	vst v8;
	v8 =	vmul.f32 v5, v5  }
0x435: {  	v15 =	vmul.f32 v21, v21;
	[tilespmem:s6+$0xFFFFFF20] =	vst v5;
	v23 =	vld [tilespmem:s0+$0xFFFFFEA0];
	v5 =	vmul.f32 v6, v11  }
0x436: {  	v24 =	vbroadcast v17, $0xB;
	v12 =	vbroadcast v17, $0xA;
	[tilespmem:s6+$0xFFFFFF30] =	vst v8  }
0x437: {  	[tilespmem:s30+$0xFFFFFFD0] =	vst v15;
	v8 =	vld [tilespmem:s0+$0xFFFFFFA0];
	v7 =	vmul.f32 v10, v7;
	v10 =	vmul.f32 v5, v5  }
0x438: {  	v4 =	vbroadcast v18, $0xF;
	v25 =	vmul.f32 v13, v9;
	[tilespmem:s6+$0x340] =	vst v5  }
0x439: {  	v16 =	vbroadcast v18, $0xB;
	v5 =	vmul.f32 v7, v7;
	[tilespmem:s6+$0x350] =	vst v10  }
0x43a: {  	[tilespmem:s6+$0x120] =	vst v7;
	v10 =	vmul.f32 v25, v25;
	v9 =	vmul.f32 v23, v12;
	v7 =	vld [tilespmem:s0+$0x1B0]  }
0x43b: {  	v15 =	vbroadcast v17, $0xC;
	v6 =	vbroadcast v18, $0xA;
	[tilespmem:s6+$0x130] =	vst v5  }
0x43c: {  	[tilespmem:s30+$0x1D0] =	vst v10;
	v5 =	vmul.f32 v9, v9;
	v8 =	vmul.f32 v8, v22;
	v22 =	vld [tilespmem:s0+$0xA0]  }
0x43d: {  	v13 =	vbroadcast v14, $0xC;
	[tilespmem:s6+$0xFFFFFD40] =	vst v9;
	v9 =	vbroadcast v1, $0xB  }
0x43e: {  	v11 =	vbroadcast v18, $0xC;
	[tilespmem:s6+$0xFFFFFD50] =	vst v5;
	v5 =	vmul.f32 v8, v8  }
0x43f: {  	v12 =	vbroadcast v14, $0xD;
	[tilespmem:s6+$0xFFFFFF40] =	vst v8;
	v23 =	vld [tilespmem:s0+$0xFFFFFEB0];
	v27 =	vmul.f32 v7, v9  }
0x440: {  	v28 =	vld [tilespmem:s31+$0xF0];
	v10 =	vbroadcast v17, $0xD;
	v8 =	vbroadcast v14, $0xE;
	[tilespmem:s6+$0xFFFFFF50] =	vst v5  }
0x441: {  	v29 =	vld [tilespmem:s0+$0xFFFFFFB0];
	v22 =	vmul.f32 v22, v6;
	v30 =	vmul.f32 v27, v27  }
0x442: {  	v7 =	vbroadcast v17, $0xE;
	v9 =	vbroadcast v18, $0xD;
	[tilespmem:s6+$0x360] =	vst v27;
	v27 =	vld [tilespmem:s29+$0xFFFFFEF0]  }
0x443: {  	v5 =	vbroadcast v17, $0xF;
	v31 =	vmul.f32 v22, v22;
	[tilespmem:s6+$0x370] =	vst v30  }
0x444: {  	v17 =	vbroadcast v14, $0xF;
	[tilespmem:s6+$0x140] =	vst v22;
	v23 =	vmul.f32 v23, v24;
	v30 =	vld [tilespmem:s0+$0x1C0]  }
0x445: {  	v14 =	vmul.f32 v28, v19;
	v28 =	vbroadcast v1, $0xC;
	[tilespmem:s6+$0x150] =	vst v31  }
0x446: {  	[tilespmem:s6+$0xFFFFFD60] =	vst v23;
	v22 =	vmul.f32 v23, v23;
	v26 =	vmul.f32 v29, v26;
	v23 =	vld [tilespmem:s0+$0xB0]  }
0x447: {  	[tilespmem:s30+$0xFFFFFFC0] =	vst v21;
	v6 =	vbroadcast v18, $0xE;
	v19 =	vmul.f32 v27, v20  }
0x448: {  	s1 =	simm.s32 $0x8;
	v18 =	vmul.f32 v14, v14;
	[tilespmem:s6+$0xFFFFFD70] =	vst v22;
	v27 =	vmul.f32 v26, v26;
	v22 =	vld [tilespmem:s29+$0xFFFFFFF0]  }
0x449: {  	s2 =	simm.s32 $0xCE0;
	s9 =	simm.s32 $0x6200;
	s31 =	simm.s32 $0xAC00;
	[tilespmem:s6+$0xFFFFFF60] =	vst v26;
	v21 =	vmul.f32 v19, v19;
	v24 =	vld [tilespmem:s0+$0xFFFFFEC0];
	v26 =	vmul.f32 v30, v28  }
.LBB2_7:
0x44a: {  	v20 =	vld [tilespmem:s2+$0x10];
	s1 =	sadd.s32 $0x4, s1;
	[tilespmem:s6+$0xFFFFFF70] =	vst v27  }
0x44b: {  	s0 =	sadd.s32 $0x400, s0;
	v27 =	vld [tilespmem:s2+$0xFFFFFFF0];
	p0 =	slt.u32 s1, $0x3C;
	v23 =	vmul.f32 v23, v16;
	v16 =	vmul.f32 v26, v26;
	[tilespmem:s30+$0x1C0] =	vst v25  }
0x44c: {  	v25 =	vld [tilespmem:s0+$0x100];
	[tilespmem:s6+$0x380] =	vst v26  }
0x44d: {  	v29 =	vld [tilespmem:s2+$0x0];
	v26 =	vmul.f32 v23, v23;
	[tilespmem:s6+$0x390] =	vst v16;
	v16 =	vmul.f32 v22, v3;
	v3 =	vmov v17  }
0x44e: {  	v30 =	vmul.f32 v24, v15;
	[tilespmem:s6+$0x160] =	vst v23;
	v15 =	vld [tilespmem:s9+$0x1D0]  }
0x44f: {  	v17 =	vld [tilespmem:s2+$0xFFFFFFE0];
	v22 =	vbroadcast v20, $0x0;
	[tilespmem:s6+$0x170] =	vst v26;
	v23 =	vmul.f32 v16, v16  }
0x450: {  	v24 =	vld [tilespmem:s0+$0xFFFFFE00];
	v26 =	vbroadcast v27, $0x0;
	v28 =	vbroadcast v27, $0x1;
	[tilespmem:s6+$0xFFFFFD80] =	vst v30  }
0x451: {  	v31 =	vld [tilespmem:s0+$0xFFFFFF00];
	v22 =	vmul.f32 v22, v25;
	v25 =	vbroadcast v1, $0xD;
	[tilespmem:s30+$0xFFFFFDF0] =	vst v21  }
0x452: {  	v21 =	vld [tilespmem:s0+$0x0];
	v32 =	vbroadcast v29, $0x0;
	v33 =	vbroadcast v29, $0x1;
	[tilespmem:s30+$0xFFFFFFF0] =	vst v23  }
0x453: {  	s6 =	sadd.s32 $0x800, s6;
	v23 =	vmul.f32 v22, v22;
	v40 =	vld [tilespmem:s9+$0xFFFFFFC0];
	v15 =	vmul.f32 v15, v25;
	[tilespmem:s28+$0x1F0] =	vst v18  }
0x454: {  	v25 =	vbroadcast v17, $0x0;
	v34 =	vbroadcast v17, $0x1;
	[tilespmem:s6+$0x200] =	vst v22;
	v43 =	vld [tilespmem:s9+$0xC0]  }
0x455: {  	v22 =	vbroadcast v17, $0x2;
	[tilespmem:s6+$0x210] =	vst v23;
	v23 =	vmul.f32 v15, v15;
	v18 =	vld [tilespmem:s29+$0xF0];
	s29 =	smov.u32 s9;
	s9 =	smov.u32 s0  }
0x456: {  	v24 =	vmul.f32 v25, v24;
	v25 =	vmul.f32 v26, v31;
	v26 =	vld [tilespmem:s0+$0x110];
	[tilespmem:s31+$0x3A0] =	vst v15  }
0x457: {  	v15 =	vbroadcast v27, $0x2;
	v21 =	vmul.f32 v32, v21;
	[tilespmem:s31+$0x3B0] =	vst v23  }
0x458: {  	[tilespmem:s6+$0xFFFFFC00] =	vst v24;
	v23 =	vmul.f32 v24, v24;
	v24 =	vmul.f32 v25, v25;
	v31 =	vld [tilespmem:s29+$0x1E0]  }
0x459: {  	v32 =	vbroadcast v20, $0x1;
	[tilespmem:s6+$0xFFFFFE00] =	vst v25;
	v25 =	vmul.f32 v21, v21  }
0x45a: {  	v48 =	vbroadcast v17, $0x3;
	[tilespmem:s6+$0xFFFFFC10] =	vst v23;
	v23 =	vbroadcast v29, $0x2  }
0x45b: {  	v35 =	vld [tilespmem:s0+$0xFFFFFE10];
	[tilespmem:s6+$0xFFFFFE10] =	vst v24;
	v24 =	vmul.f32 v26, v32;
	v26 =	vbroadcast v1, $0xE  }
0x45c: {  	v49 =	vbroadcast v27, $0x3;
	v47 =	vbroadcast v29, $0x3;
	v32 =	vld [tilespmem:s0+$0xFFFFFF10];
	[tilespmem:s6+$0x10] =	vst v25  }
0x45d: {  	[tilespmem:s6+$0x0] =	vst v21;
	v21 =	vmul.f32 v24, v24;
	v25 =	vmul.f32 v31, v26  }
0x45e: {  	v46 =	vbroadcast v27, $0x4;
	v45 =	vbroadcast v17, $0x4;
	v26 =	vld [tilespmem:s0+$0x10];
	[tilespmem:s6+$0x220] =	vst v24  }
0x45f: {  	v44 =	vbroadcast v29, $0x4;
	[tilespmem:s6+$0x230] =	vst v21;
	v21 =	vmul.f32 v25, v25  }
0x460: {  	v42 =	vbroadcast v17, $0x5;
	v24 =	vmul.f32 v35, v34;
	v31 =	vld [tilespmem:s0+$0x120];
	[tilespmem:s31+$0x3C0] =	vst v25  }
0x461: {  	v41 =	vbroadcast v27, $0x5;
	v25 =	vmul.f32 v32, v28;
	[tilespmem:s31+$0x3D0] =	vst v21  }
0x462: {  	v39 =	vbroadcast v29, $0x5;
	[tilespmem:s6+$0xFFFFFC20] =	vst v24;
	v21 =	vmul.f32 v24, v24;
	v24 =	vld [tilespmem:s29+$0x1F0]  }
0x463: {  	v28 =	vbroadcast v20, $0x2;
	[tilespmem:s6+$0xFFFFFE20] =	vst v25;
	v26 =	vmul.f32 v26, v33  }
0x464: {  	v37 =	vbroadcast v17, $0x6;
	[tilespmem:s6+$0xFFFFFC30] =	vst v21;
	v21 =	vmul.f32 v25, v25  }
0x465: {  	v25 =	vld [tilespmem:s0+$0xFFFFFE20];
	[tilespmem:s6+$0x20] =	vst v26;
	v28 =	vmul.f32 v31, v28;
	v31 =	vbroadcast v1, $0xF;
	v1 =	vmov v20  }
0x466: {  	v38 =	vbroadcast v27, $0x6;
	v20 =	vmul.f32 v26, v26;
	[tilespmem:s6+$0xFFFFFE30] =	vst v21  }
0x467: {  	v21 =	vld [tilespmem:s0+$0xFFFFFF20];
	v26 =	vmul.f32 v28, v28;
	v50 =	vmul.f32 v24, v31;
	[tilespmem:s30+$0xFFFFFDE0] =	vst v19  }
0x468: {  	v36 =	vbroadcast v29, $0x6;
	v35 =	vbroadcast v17, $0x7;
	[tilespmem:s6+$0x240] =	vst v28  }
0x469: {  	v34 =	vbroadcast v27, $0x7;
	[tilespmem:s6+$0x250] =	vst v26;
	v19 =	vmul.f32 v50, v50  }
0x46a: {  	v33 =	vbroadcast v29, $0x7;
	v22 =	vmul.f32 v25, v22;
	[tilespmem:s6+$0x30] =	vst v20;
	v20 =	vld [tilespmem:s0+$0x130]  }
0x46b: {  	v32 =	vbroadcast v17, $0x8;
	v31 =	vbroadcast v27, $0x8;
	v24 =	vld [tilespmem:s0+$0x20];
	[tilespmem:s31+$0x3F0] =	vst v19  }
0x46c: {  	[tilespmem:s6+$0xFFFFFC40] =	vst v22;
	v19 =	vmul.f32 v22, v22;
	v15 =	vmul.f32 v21, v15  }
0x46d: {  	v28 =	vbroadcast v29, $0x8;
	v21 =	vbroadcast v1, $0x3;
	[tilespmem:s30+$0xFFFFFFE0] =	vst v16  }
0x46e: {  	v26 =	vbroadcast v17, $0x9;
	[tilespmem:s6+$0xFFFFFC50] =	vst v19;
	v16 =	vmul.f32 v15, v15  }
0x46f: {  	v25 =	vbroadcast v27, $0x9;
	v19 =	vld [tilespmem:s0+$0xFFFFFE30];
	[tilespmem:s6+$0xFFFFFE40] =	vst v15;
	v15 =	vmul.f32 v20, v21  }
0x470: {  	[tilespmem:s6+$0xFFFFFE50] =	vst v16;
	v16 =	vmul.f32 v24, v23;
	v24 =	vbroadcast v29, $0x9  }
0x471: {  	v22 =	vbroadcast v17, $0xA;
	v51 =	vld [tilespmem:s0+$0xFFFFFF30];
	v52 =	vmul.f32 v15, v15;
	[tilespmem:s28+$0x1E0] =	vst v14;
	s28 =	smov.u32 s30;
	s30 =	smov.u32 s31;
	s31 =	smov.u32 s6  }
0x472: {  	v23 =	vbroadcast v27, $0xA;
	v14 =	vmul.f32 v16, v16;
	[tilespmem:s6+$0x260] =	vst v15  }
0x473: {  	v20 =	vbroadcast v17, $0xB;
	v21 =	vbroadcast v29, $0xA;
	[tilespmem:s6+$0x270] =	vst v52  }
0x474: {  	v48 =	vmul.f32 v19, v48;
	v19 =	vbroadcast v27, $0xB;
	[tilespmem:s6+$0x50] =	vst v14;
	v14 =	vld [tilespmem:s0+$0x140]  }
0x475: {  	v15 =	vbroadcast v17, $0xC;
	[tilespmem:s6+$0x40] =	vst v16;
	v16 =	vbroadcast v29, $0xB  }
0x476: {  	[tilespmem:s6+$0xFFFFFC60] =	vst v48;
	v48 =	vmul.f32 v48, v48;
	v49 =	vmul.f32 v51, v49;
	v51 =	vld [tilespmem:s0+$0x30]  }
0x477: {  	v53 =	vbroadcast v1, $0x4;
	v52 =	vbroadcast v27, $0xC;
	[tilespmem:s30+$0x3E0] =	vst v50  }
0x478: {  	v50 =	vbroadcast v29, $0xC;
	[tilespmem:s6+$0xFFFFFC70] =	vst v48;
	v48 =	vmul.f32 v49, v49  }
0x479: {  	v40 =	vmul.f32 v40, v13;
	v13 =	vmov v52;
	v54 =	vld [tilespmem:s0+$0xFFFFFE40];
	[tilespmem:s6+$0xFFFFFE60] =	vst v49;
	v14 =	vmul.f32 v14, v53  }
0x47a: {  	v30 =	vmul.f32 v30, v30;
	[tilespmem:s6+$0xFFFFFE70] =	vst v48;
	v48 =	vmul.f32 v43, v11;
	v11 =	vmov v50  }
0x47b: {  	v43 =	vld [tilespmem:s0+$0xFFFFFF40];
	v47 =	vmul.f32 v51, v47;
	v49 =	vmul.f32 v14, v14;
	[tilespmem:s30+$0xFFFFFF80] =	vst v40  }
0x47c: {  	[tilespmem:s6+$0x280] =	vst v14;
	v14 =	vmul.f32 v40, v40;
	v50 =	vmul.f32 v48, v48  }
0x47d: {  	v51 =	vbroadcast v17, $0xD;
	v40 =	vmul.f32 v47, v47;
	[tilespmem:s6+$0x290] =	vst v49  }
0x47e: {  	v52 =	vbroadcast v27, $0xD;
	v49 =	vmul.f32 v54, v45;
	[tilespmem:s6+$0x60] =	vst v47;
	v47 =	vld [tilespmem:s0+$0x150]  }
0x47f: {  	v53 =	vbroadcast v29, $0xD;
	v45 =	vbroadcast v17, $0xE;
	[tilespmem:s6+$0x70] =	vst v40  }
0x480: {  	[tilespmem:s6+$0xFFFFFC80] =	vst v49;
	v40 =	vmul.f32 v49, v49;
	v46 =	vmul.f32 v43, v46;
	v49 =	vld [tilespmem:s0+$0x40]  }
0x481: {  	v54 =	vbroadcast v1, $0x5;
	v43 =	vbroadcast v27, $0xE;
	[tilespmem:s30+$0xFFFFFD90] =	vst v30  }
0x482: {  	[tilespmem:s6+$0xFFFFFC90] =	vst v40;
	v55 =	vmul.f32 v46, v46;
	v40 =	vbroadcast v29, $0xE;
	v56 =	vld [tilespmem:s29+$0xFFFFFED0]  }
0x483: {  	v30 =	vbroadcast v17, $0xF;
	v57 =	vld [tilespmem:s0+$0xFFFFFE50];
	[tilespmem:s6+$0xFFFFFE80] =	vst v46;
	v46 =	vmul.f32 v47, v54  }
0x484: {  	v17 =	vbroadcast v27, $0xF;
	v27 =	vbroadcast v29, $0xF;
	[tilespmem:s6+$0xFFFFFE90] =	vst v55  }
0x485: {  	v29 =	vld [tilespmem:s0+$0xFFFFFF50];
	v44 =	vmul.f32 v49, v44;
	v47 =	vmul.f32 v46, v46;
	[tilespmem:s30+$0xFFFFFF90] =	vst v14  }
0x486: {  	v14 =	vmul.f32 v18, v2;
	v2 =	vmov v4;
	v4 =	vmov v27;
	[tilespmem:s6+$0x2A0] =	vst v46;
	v46 =	vld [tilespmem:s29+$0xFFFFFFD0]  }
0x487: {  	v27 =	vmul.f32 v44, v44;
	[tilespmem:s6+$0x2B0] =	vst v47;
	v47 =	vmul.f32 v56, v10;
	v10 =	vmov v51  }
0x488: {  	v18 =	vmul.f32 v14, v14;
	v42 =	vmul.f32 v57, v42;
	[tilespmem:s6+$0x80] =	vst v44;
	v44 =	vld [tilespmem:s0+$0x160]  }
0x489: {  	[tilespmem:s6+$0x90] =	vst v27;
	v27 =	vmul.f32 v47, v47  }
0x48a: {  	[tilespmem:s6+$0xFFFFFCA0] =	vst v42;
	v42 =	vmul.f32 v42, v42;
	v29 =	vmul.f32 v29, v41;
	v41 =	vld [tilespmem:s0+$0x50]  }
0x48b: {  	v49 =	vbroadcast v1, $0x6;
	v46 =	vmul.f32 v46, v12;
	[tilespmem:s30+$0x190] =	vst v50;
	v12 =	vmov v52  }
0x48c: {  	[tilespmem:s6+$0xFFFFFCB0] =	vst v42;
	v42 =	vmul.f32 v29, v29  }
0x48d: {  	v50 =	vld [tilespmem:s0+$0xFFFFFE60];
	[tilespmem:s6+$0xFFFFFEA0] =	vst v29;
	v29 =	vmul.f32 v44, v49;
	v44 =	vmul.f32 v46, v46  }
0x48e: {  	[tilespmem:s6+$0xFFFFFEB0] =	vst v42  }
0x48f: {  	v42 =	vld [tilespmem:s0+$0xFFFFFF60];
	v39 =	vmul.f32 v41, v39;
	v41 =	vmul.f32 v29, v29;
	[tilespmem:s30+$0x180] =	vst v48  }
0x490: {  	[tilespmem:s6+$0x2C0] =	vst v29;
	v29 =	vld [tilespmem:s29+$0xD0]  }
0x491: {  	v48 =	vmul.f32 v39, v39;
	[tilespmem:s6+$0x2D0] =	vst v41  }
0x492: {  	v37 =	vmul.f32 v50, v37;
	[tilespmem:s6+$0xA0] =	vst v39;
	v39 =	vld [tilespmem:s0+$0x170]  }
0x493: {  	[tilespmem:s6+$0xB0] =	vst v48  }
0x494: {  	[tilespmem:s6+$0xFFFFFCC0] =	vst v37;
	v37 =	vmul.f32 v37, v37;
	v38 =	vmul.f32 v42, v38;
	v41 =	vld [tilespmem:s0+$0x60]  }
0x495: {  	v42 =	vbroadcast v1, $0x7;
	[tilespmem:s30+$0xFFFFFDB0] =	vst v27;
	v27 =	vmul.f32 v29, v9;
	v9 =	vmov v53  }
0x496: {  	[tilespmem:s6+$0xFFFFFCD0] =	vst v37;
	v29 =	vmul.f32 v38, v38  }
0x497: {  	v37 =	vld [tilespmem:s0+$0xFFFFFE70];
	[tilespmem:s6+$0xFFFFFEC0] =	vst v38;
	v38 =	vmul.f32 v39, v42;
	v39 =	vmul.f32 v27, v27  }
0x498: {  	[tilespmem:s6+$0xFFFFFED0] =	vst v29  }
0x499: {  	v29 =	vld [tilespmem:s0+$0xFFFFFF70];
	v36 =	vmul.f32 v41, v36;
	v41 =	vmul.f32 v38, v38;
	[tilespmem:s30+$0xFFFFFFB0] =	vst v44  }
0x49a: {  	[tilespmem:s6+$0x2E0] =	vst v38  }
0x49b: {  	v38 =	vmul.f32 v36, v36;
	[tilespmem:s6+$0x2F0] =	vst v41  }
0x49c: {  	v35 =	vmul.f32 v37, v35;
	[tilespmem:s6+$0xC0] =	vst v36;
	v36 =	vld [tilespmem:s0+$0x180]  }
0x49d: {  	[tilespmem:s6+$0xD0] =	vst v38  }
0x49e: {  	[tilespmem:s6+$0xFFFFFCE0] =	vst v35;
	v35 =	vmul.f32 v35, v35;
	v29 =	vmul.f32 v29, v34;
	v34 =	vld [tilespmem:s0+$0x70]  }
0x49f: {  	v37 =	vbroadcast v1, $0x8;
	[tilespmem:s30+$0x1B0] =	vst v39  }
0x4a0: {  	[tilespmem:s6+$0xFFFFFCF0] =	vst v35;
	v35 =	vmul.f32 v29, v29  }
0x4a1: {  	v38 =	vld [tilespmem:s0+$0xFFFFFE80];
	[tilespmem:s6+$0xFFFFFEE0] =	vst v29;
	v29 =	vmul.f32 v36, v37  }
0x4a2: {  	[tilespmem:s6+$0xFFFFFEF0] =	vst v35  }
0x4a3: {  	v35 =	vld [tilespmem:s0+$0xFFFFFF80];
	v33 =	vmul.f32 v34, v33;
	v34 =	vmul.f32 v29, v29;
	[tilespmem:s30+$0xFFFFFDA0] =	vst v47  }
0x4a4: {  	[tilespmem:s6+$0x300] =	vst v29;
	v29 =	vld [tilespmem:s29+$0xFFFFFEE0]  }
0x4a5: {  	v36 =	vmul.f32 v33, v33;
	[tilespmem:s6+$0x310] =	vst v34  }
0x4a6: {  	v32 =	vmul.f32 v38, v32;
	[tilespmem:s6+$0xE0] =	vst v33;
	v33 =	vld [tilespmem:s0+$0x190]  }
0x4a7: {  	[tilespmem:s6+$0xF0] =	vst v36  }
0x4a8: {  	[tilespmem:s6+$0xFFFFFD00] =	vst v32;
	v32 =	vmul.f32 v32, v32;
	v31 =	vmul.f32 v35, v31;
	v34 =	vld [tilespmem:s0+$0x80]  }
0x4a9: {  	v35 =	vbroadcast v1, $0x9;
	v29 =	vmul.f32 v29, v7;
	[tilespmem:s30+$0xFFFFFFA0] =	vst v46;
	v7 =	vmov v45  }
0x4aa: {  	[tilespmem:s6+$0xFFFFFD10] =	vst v32;
	v32 =	vmul.f32 v31, v31;
	v36 =	vld [tilespmem:s29+$0xFFFFFFE0]  }
0x4ab: {  	v37 =	vld [tilespmem:s0+$0xFFFFFE90];
	[tilespmem:s6+$0xFFFFFF00] =	vst v31;
	v31 =	vmul.f32 v33, v35;
	v33 =	vmul.f32 v29, v29  }
0x4ac: {  	[tilespmem:s6+$0xFFFFFF10] =	vst v32  }
0x4ad: {  	v32 =	vld [tilespmem:s0+$0xFFFFFF90];
	v28 =	vmul.f32 v34, v28;
	v34 =	vmul.f32 v31, v31;
	[tilespmem:s30+$0x1A0] =	vst v27  }
0x4ae: {  	[tilespmem:s6+$0x320] =	vst v31;
	v27 =	vld [tilespmem:s29+$0xE0]  }
0x4af: {  	v31 =	vmul.f32 v28, v28;
	[tilespmem:s6+$0x330] =	vst v34;
	v34 =	vmul.f32 v36, v8;
	v8 =	vmov v43  }
0x4b0: {  	v26 =	vmul.f32 v37, v26;
	[tilespmem:s6+$0x100] =	vst v28;
	v28 =	vld [tilespmem:s0+$0x1A0]  }
0x4b1: {  	[tilespmem:s6+$0x110] =	vst v31;
	v31 =	vmul.f32 v34, v34  }
0x4b2: {  	[tilespmem:s6+$0xFFFFFD20] =	vst v26;
	v26 =	vmul.f32 v26, v26;
	v32 =	vmul.f32 v32, v25;
	v35 =	vld [tilespmem:s0+$0x90]  }
0x4b3: {  	v36 =	vbroadcast v1, $0xA;
	[tilespmem:s30+$0xFFFFFDD0] =	vst v33;
	v25 =	vmul.f32 v27, v6;
	v6 =	vmov v40  }
0x4b4: {  	[tilespmem:s6+$0xFFFFFD30] =	vst v26;
	v26 =	vmul.f32 v32, v32  }
0x4b5: {  	v27 =	vld [tilespmem:s0+$0xFFFFFEA0];
	[tilespmem:s6+$0xFFFFFF20] =	vst v32;
	v28 =	vmul.f32 v28, v36;
	v32 =	vmul.f32 v25, v25  }
0x4b6: {  	[tilespmem:s6+$0xFFFFFF30] =	vst v26  }
0x4b7: {  	v26 =	vld [tilespmem:s0+$0xFFFFFFA0];
	v24 =	vmul.f32 v35, v24;
	v33 =	vmul.f32 v28, v28;
	[tilespmem:s30+$0xFFFFFFD0] =	vst v31  }
0x4b8: {  	[tilespmem:s6+$0x340] =	vst v28  }
0x4b9: {  	v28 =	vmul.f32 v24, v24;
	[tilespmem:s6+$0x350] =	vst v33  }
0x4ba: {  	v22 =	vmul.f32 v27, v22;
	[tilespmem:s6+$0x120] =	vst v24;
	v24 =	vld [tilespmem:s0+$0x1B0]  }
0x4bb: {  	[tilespmem:s6+$0x130] =	vst v28  }
0x4bc: {  	[tilespmem:s6+$0xFFFFFD40] =	vst v22;
	v22 =	vmul.f32 v22, v22;
	v23 =	vmul.f32 v26, v23;
	v26 =	vld [tilespmem:s0+$0xA0]  }
0x4bd: {  	v27 =	vbroadcast v1, $0xB;
	[tilespmem:s30+$0x1D0] =	vst v32  }
0x4be: {  	[tilespmem:s6+$0xFFFFFD50] =	vst v22;
	v22 =	vmul.f32 v23, v23  }
0x4bf: {  	v28 =	vld [tilespmem:s0+$0xFFFFFEB0];
	[tilespmem:s6+$0xFFFFFF40] =	vst v23;
	v23 =	vmul.f32 v24, v27  }
0x4c0: {  	[tilespmem:s6+$0xFFFFFF50] =	vst v22  }
0x4c1: {  	v22 =	vld [tilespmem:s0+$0xFFFFFFB0];
	v21 =	vmul.f32 v26, v21;
	v24 =	vmul.f32 v23, v23;
	[tilespmem:s30+$0xFFFFFDC0] =	vst v29  }
0x4c2: {  	[tilespmem:s6+$0x360] =	vst v23;
	v26 =	vld [tilespmem:s29+$0xFFFFFEF0]  }
0x4c3: {  	v23 =	vmul.f32 v21, v21;
	[tilespmem:s6+$0x370] =	vst v24  }
0x4c4: {  	v20 =	vmul.f32 v28, v20;
	[tilespmem:s6+$0x140] =	vst v21;
	v21 =	vld [tilespmem:s0+$0x1C0]  }
.Ltmp2:
0x4c5: {  	[tilespmem:s6+$0x150] =	vst v23;
	(pc) =	sbr.rel @p0 .LBB2_7-.Ltmp2, $4  }
0x4c6: {  	[tilespmem:s6+$0xFFFFFD60] =	vst v20;
	v20 =	vmul.f32 v20, v20;
	v28 =	vmul.f32 v22, v19;
	v23 =	vld [tilespmem:s0+$0xB0]  }
0x4c7: {  	v29 =	vbroadcast v1, $0xC;
	v19 =	vmul.f32 v26, v5;
	[tilespmem:s30+$0xFFFFFFC0] =	vst v34;
	v5 =	vmov v30  }
0x4c8: {  	[tilespmem:s6+$0xFFFFFD70] =	vst v20;
	v27 =	vmul.f32 v28, v28;
	v22 =	vld [tilespmem:s29+$0xFFFFFFF0]  }
0x4c9: {  	s2 =	sadd.s32 $0x40, s2;
	v24 =	vld [tilespmem:s0+$0xFFFFFEC0];
	[tilespmem:s6+$0xFFFFFF60] =	vst v28;
	v26 =	vmul.f32 v21, v29;
	v21 =	vmul.f32 v19, v19  }
0x4ca: {  	[tilespmem:s6+$0xFFFFFF70] =	vst v27  }
0x4cb: {  	v20 =	vld [tilespmem:s9+$0xFFFFFFC0];
	v16 =	vmul.f32 v23, v16;
	_ =	sdelay $0x1  }
0x4cc: {  	[tilespmem:s6+$0x380] =	vst v26;
	v39 =	vmul.f32 v16, v16  }
0x4cd: {  	v38 =	vmul.f32 v26, v26;
	[tilespmem:s6+$0x160] =	vst v16  }
0x4ce: {  	v15 =	vmul.f32 v24, v15;
	[tilespmem:s6+$0x170] =	vst v39  }
0x4cf: {  	[tilespmem:s6+$0x390] =	vst v38;
	v13 =	vmul.f32 v20, v13;
	v41 =	vld [tilespmem:s9+$0xC0]  }
0x4d0: {  	[tilespmem:s6+$0xFFFFFD80] =	vst v15;
	v15 =	vmul.f32 v15, v15  }
0x4d1: {  	v40 =	vld [tilespmem:s9+$0x1D0];
	[tilespmem:s31+$0xFFFFFF80] =	vst v13  }
0x4d2: {  	v13 =	vmul.f32 v13, v13;
	[tilespmem:s31+$0xFFFFFD90] =	vst v15  }
0x4d3: {  	[tilespmem:s30+$0x1C0] =	vst v25;
	v15 =	vld [tilespmem:s9+$0xFFFFFED0]  }
0x4d4: {  	v42 =	vbroadcast v1, $0xD;
	[tilespmem:s31+$0xFFFFFF90] =	vst v13;
	v11 =	vmul.f32 v41, v11  }
0x4d5: {  	[tilespmem:s28+$0x1F0] =	vst v18;
	v44 =	vld [tilespmem:s9+$0xFFFFFFD0]  }
0x4d6: {  	[tilespmem:s30+$0xFFFFFDE0] =	vst v19;
	v43 =	vmul.f32 v40, v42;
	v46 =	vmul.f32 v11, v11  }
0x4d7: {  	[tilespmem:s31+$0x180] =	vst v11  }
0x4d8: {  	v45 =	vmul.f32 v43, v43;
	v10 =	vmul.f32 v15, v10;
	[tilespmem:s31+$0x190] =	vst v46  }
0x4d9: {  	[tilespmem:s31+$0x3A0] =	vst v43;
	v49 =	vld [tilespmem:s9+$0xD0]  }
0x4da: {  	[tilespmem:s31+$0x3B0] =	vst v45;
	v12 =	vmul.f32 v44, v12;
	v15 =	vmul.f32 v10, v10  }
0x4db: {  	[tilespmem:s31+$0xFFFFFDA0] =	vst v10  }
0x4dc: {  	v47 =	vld [tilespmem:s9+$0x1E0];
	v48 =	vmul.f32 v12, v12;
	[tilespmem:s31+$0xFFFFFDB0] =	vst v15  }
0x4dd: {  	[tilespmem:s31+$0xFFFFFFA0] =	vst v12  }
0x4de: {  	v52 =	vld [tilespmem:s9+$0xFFFFFEE0];
	[tilespmem:s31+$0xFFFFFFB0] =	vst v48;
	v9 =	vmul.f32 v49, v9  }
0x4df: {  	v50 =	vbroadcast v1, $0xE;
	[tilespmem:s28+$0x1E0] =	vst v14;
	v12 =	vld [tilespmem:s9+$0xFFFFFFE0]  }
0x4e0: {  	[tilespmem:s30+$0xFFFFFDF0] =	vst v21;
	v53 =	vmul.f32 v9, v9  }
0x4e1: {  	v3 =	vmul.f32 v22, v3;
	v51 =	vmul.f32 v47, v50;
	[tilespmem:s31+$0x1A0] =	vst v9  }
0x4e2: {  	[tilespmem:s31+$0x1B0] =	vst v53  }
0x4e3: {  	[tilespmem:s30+$0xFFFFFFE0] =	vst v3;
	v13 =	vmul.f32 v51, v51;
	v57 =	vld [tilespmem:s9+$0xE0]  }
0x4e4: {  	[tilespmem:s31+$0x3C0] =	vst v51;
	v7 =	vmul.f32 v52, v7;
	v8 =	vmul.f32 v12, v8  }
0x4e5: {  	v61 =	vld [tilespmem:s29+$0xF0];
	[tilespmem:s31+$0x3D0] =	vst v13  }
0x4e6: {  	[tilespmem:s31+$0xFFFFFDC0] =	vst v7;
	v58 =	vmul.f32 v8, v8  }
0x4e7: {  	v55 =	vld [tilespmem:s9+$0x1F0];
	v56 =	vmul.f32 v7, v7;
	[tilespmem:s31+$0xFFFFFFC0] =	vst v8  }
0x4e8: {  	v54 =	vmul.f32 v3, v3;
	[tilespmem:s31+$0xFFFFFFD0] =	vst v58;
	v6 =	vmul.f32 v57, v6  }
0x4e9: {  	v1 =	vbroadcast v1, $0xF;
	[tilespmem:s31+$0xFFFFFDD0] =	vst v56;
	v60 =	vld [tilespmem:s9+$0xFFFFFFF0]  }
0x4ea: {  	v2 =	vmul.f32 v61, v2;
	[tilespmem:s30+$0xFFFFFFF0] =	vst v54;
	v7 =	vld [tilespmem:s9+$0xFFFFFEF0];
	v62 =	vmul.f32 v6, v6  }
0x4eb: {  	[tilespmem:s31+$0x1C0] =	vst v6  }
0x4ec: {  	v63 =	vmul.f32 v2, v2;
	v1 =	vmul.f32 v55, v1;
	[tilespmem:s31+$0x1D0] =	vst v62  }
0x4ed: {  	[tilespmem:s30+$0x1E0] =	vst v2;
	v6 =	vld [tilespmem:s9+$0xF0]  }
0x4ee: {  	[tilespmem:s30+$0x1F0] =	vst v63;
	v59 =	vmul.f32 v1, v1;
	v3 =	vmul.f32 v60, v17  }
0x4ef: {  	[tilespmem:s31+$0x3E0] =	vst v1;
	v5 =	vmul.f32 v7, v5  }
0x4f0: {  	[tilespmem:s31+$0x3F0] =	vst v59;
	v1 =	vmul.f32 v3, v3  }
0x4f1: {  	v7 =	vmul.f32 v5, v5;
	[tilespmem:s31+$0xFFFFFDE0] =	vst v5  }
0x4f2: {  	[tilespmem:s31+$0xFFFFFFF0] =	vst v1;
	v1 =	vmul.f32 v6, v4  }
0x4f3: {  	[tilespmem:s31+$0xFFFFFDF0] =	vst v7  }
0x4f4: {  	[tilespmem:s31+$0xFFFFFFE0] =	vst v3;
	v3 =	vmul.f32 v1, v1  }
0x4f5: {  	[tilespmem:s31+$0x1E0] =	vst v1  }
0x4f6: {  	[tilespmem:s31+$0x1F0] =	vst v3  }
0x4f7: {  	[spmem:s4] =	stream.indirect.scatter.add.f32 [tilespmem:s16], [sflag:$0x3], $0x20, s15, s18, $0xb8;
	[tilespmem:$0x19800] =	vst v63  }
0x4f8: {  	_ =	swait.ge [sflag:s17], $0x1000  }
0x4f9: {  	[sflag:s17] =	ssyncset.done $0x0  }
0x4fa: {  	s0 =	simm.s32 $0x1480;
	[sflag:s17] =	ssyncadd.s32 $0xFFFFF000  }
0x4fb: {  	[spmem:s4] =	stream.indirect.scatter.add.f32 [tilespmem:s14], [sflag:$0x3], $0x20, s0, s18, $0xb8;
	[tilespmem:$0x19800] =	vst v63  }
0x4fc: {  	_ =	swait.ge [sflag:s17], $0x1000  }
0x4fd: {  	[sflag:s17] =	ssyncset.done $0x0  }
0x4fe: {  	s6 =	simm.s32 $0x1500;
	[sflag:s17] =	ssyncadd.s32 $0xFFFFF000  }
0x4ff: {  	[spmem:s4] =	stream.indirect.scatter.add.f32 [tilespmem:s19], [sflag:$0x3], $0x20, s6, s18, $0xb8;
	[tilespmem:$0x19800] =	vst v63  }
0x500: {  	_ =	swait.ge [sflag:s17], $0x1000  }
0x501: {  	[sflag:s17] =	ssyncset.done $0x0  }
0x502: {  	s9 =	simm.s32 $0x1580;
	[sflag:s17] =	ssyncadd.s32 $0xFFFFF000  }
0x503: {  	[spmem:s4] =	stream.indirect.scatter.add.f32 [tilespmem:s20], [sflag:$0x3], $0x20, s9, s18, $0xb8;
	[tilespmem:$0x19800] =	vst v63  }
0x504: {  	_ =	swait.ge [sflag:s17], $0x1000  }
0x505: {  	[sflag:s17] =	ssyncset.done $0x0  }
0x506: {  	s28 =	simm.s32 $0x1600;
	[sflag:s17] =	ssyncadd.s32 $0xFFFFF000  }
0x507: {  	[spmem:s4] =	stream.indirect.scatter.add.f32 [tilespmem:s21], [sflag:$0x3], $0x20, s28, s18, $0xb8;
	[tilespmem:$0x19800] =	vst v63  }
0x508: {  	_ =	swait.ge [sflag:s17], $0x1000  }
0x509: {  	[sflag:s17] =	ssyncset.done $0x0  }
0x50a: {  	s29 =	simm.s32 $0x1680;
	[sflag:s17] =	ssyncadd.s32 $0xFFFFF000  }
0x50b: {  	[spmem:s4] =	stream.indirect.scatter.add.f32 [tilespmem:s22], [sflag:$0x3], $0x20, s29, s18, $0xb8;
	[tilespmem:$0x19800] =	vst v63  }
0x50c: {  	_ =	swait.ge [sflag:s17], $0x1000  }
0x50d: {  	[sflag:s17] =	ssyncset.done $0x0  }
0x50e: {  	s30 =	simm.s32 $0x1700;
	[sflag:s17] =	ssyncadd.s32 $0xFFFFF000  }
0x50f: {  	[spmem:s4] =	stream.indirect.scatter.add.f32 [tilespmem:s23], [sflag:$0x3], $0x20, s30, s18, $0xb8;
	[tilespmem:$0x19800] =	vst v63  }
0x510: {  	s26 =	sadd.s32 $0x1, s26;
	_ =	swait.ge [sflag:s17], $0x1000  }
0x511: {  	p0 =	sne.s32 s26, $0x19;
	[sflag:s17] =	ssyncset.done $0x0  }
.Ltmp3:
0x512: {  	s31 =	simm.s32 $0x1780;
	[sflag:s17] =	ssyncadd.s32 $0xFFFFF000;
	(pc) =	sbr.rel @p0 .LBB2_4-.Ltmp3, $4  }
0x513: {  	[spmem:s4] =	stream.indirect.scatter.add.f32 [tilespmem:s24], [sflag:$0x3], $0x20, s31, s18, $0xb8;
	[tilespmem:$0x19800] =	vst v63  }
0x514: {  	_ =	swait.ge [sflag:s17], $0x1000  }
0x515: {  	[sflag:s17] =	ssyncset.done $0x0  }
0x516: {  	[sflag:s17] =	ssyncadd.s32 $0xFFFFF000  }
0x517: {  	_ =	swait.ge [sflag:s8], $0x4000  }
0x518: {  	[sflag:s8] =	ssyncset.done $0x0  }
0x519: {  	[sflag:s8] =	ssyncadd.s32 $0xFFFFC000  }
0x51a: {  	s0 =	stileid.u32;
	[bflag:$0x0] =	sbarrier.arrive $0xFFFF  }
0x51b: {  	s0 =	sshll.u32 s0, $0x6;
	s6 =	rddreg [dreg:$0x6]  }
0x51c: {  	s0 =	sor.u32 $0x1C03, s0;
	s2 =	rddreg [dreg:$0xc];
	s1 =	sshrl.u32 s6, $0x3  }
0x51d: {  	[hbm:s2], [sflag:s0] =	dma.local [spmem:s1], $0x1000  }
0x51e: {  	_ =	swait.ge [sflag:s17], $0x1000  }
0x51f: {  	s30 =	rddreg [dreg:$0xe]  }
0x520: {  	s31 =	rddreg [dreg:$0xd];
	s1 =	sadd.s32 $0x1, s30  }
0x521: {  	p0 =	sne.s32 s1, s31  }
.Ltmp4:
0x522: {  	_ = 	snop;
	(pc) =	sbr.rel @p0 .LBB2_1-.Ltmp4, $3  }
0x523: {  	_ =	sdelay $0x1  }
0x524: {  	[sflag:s17] =	ssyncset.done $0x0  }
0x525: {  	[sflag:s17] =	ssyncadd.s32 $0xFFFFF000  }
0x526: {  	_ =	sfence.sel $0x180000  }
0x527: {  	[bflag:$0x0] =	sbarrier.arrive $0xFFFF  }
0x528: {  	_ =	strace $0x90000047  }
0x529: {  	s0 =	stileid.u32;
	[bflag:$0x2] =	sbarrier.arrive $0xFFFF  }
0x52a: {  	p0 =	sne.s32 s0, $0x0;
	s0 =	rddreg [dreg:$0x5]  }
0x52b: {  	s0 =	sadd.s32 @!p0 $0x100000, s0  }
0x52c: {  	[sflag:s0] =	ssyncadd.tile.s32 @!p0 $0x1;
	_ =	shalt  }
.Lfunc_end2:
_tile_overlayer_lowered:
.L_overlay_start_2:
0x52d: {  	(tag) =	ssettag $0x2  }
0x52e: {  	s0 =	rddreg [dreg:$0x0];
	s2 =	stileid.u32  }
0x52f: {  	s1 =	rddreg [dreg:$0x1];
	p0 =	sne.s32 s2, $0x0  }
0x530: {  	s3 =	rddreg [dreg:$0x2];
	[bflag:$0x3] =	sbarrier.arrive $0xFFFF;
	s2 =	simm.s32 @!p0 $0x1C03  }
0x531: {  	[timem:s3], [sflag:s2] =	dma.local @!p0 [hbm:s0], s1  }
0x532: {  	s0 =	simm.s32 @!p0 $0x3  }
0x533: {  	_ =	swait.ge @!p0 [sflag:s0], s1  }
0x534: {  	s1 =	ssub.s32 @!p0 $0x0, s1;
	[sflag:s0] =	ssyncset.done @!p0 $0x0  }
0x535: {  	[sflag:s0] =	ssyncadd.s32 @!p0 s1  }
0x536: {  	[bflag:$0x3] =	sbarrier.arrive $0xFFFF  }
0x537: {  	_ =	shalt  }

</sc_bundles>
